<compile_context>
chip_gen: v7x
topology: tpu7x:2x2x1
jax: 0.10.2.dev20260603
libtpu: 0.0.44.dev20260713+nightly
codegen_flags: <defaults>
</compile_context>

<pallas_src>
import jax
import jax.numpy as jnp
from jax import lax
from jax.experimental import pallas as pl
from jax.experimental.pallas import tpu as pltpu
from jax.experimental.pallas import tpu_sc as plsc

VOCAB = 256
L = 2097152

_NC = 2
_NS = 16
_NW = _NC * _NS
_CH = L // _NW
_GB = 128
_NG = 16
_SB = _GB * _NG
_NSB = _CH // _SB
_NSL = 4
_HALO = 16


def _body(tbl_hbm, x_hbm, out_hbm, xv, *bufs):
    idx_v = bufs[0:4]
    gout = bufs[4:8]
    gsem = bufs[8:12]
    osem = bufs[12:16]
    wid = lax.axis_index("s") * _NC + lax.axis_index("c")
    base = wid * _CH

    pltpu.sync_copy(x_hbm.at[pl.ds(base, _CH)], xv.at[pl.ds(_HALO, _CH)])

    @pl.when(wid > 0)
    def _():
        pltpu.sync_copy(x_hbm.at[pl.ds(base - _HALO, _HALO)],
                        xv.at[pl.ds(0, _HALO)])

    @pl.when(wid == 0)
    def _():
        v0 = xv[pl.ds(_HALO, 16)]
        xv[pl.ds(0, 16)] = jnp.full((16,), 0, jnp.int32) + v0[0]

    def compute_idx(sb, slot):
        def grpfn(q, _):
            for u in range(4):
                g = q * 4 + u
                o = sb * _SB + g * 16
                a = xv[pl.ds(_HALO - 2 + o, 16)]
                b = xv[pl.ds(_HALO - 1 + o, 16)]
                c = xv[pl.ds(_HALO + o, 16)]
                idx_v[slot][g // 8, pl.ds((g % 8) * 16, 16)] = (
                    (a << 16) | ((b >> 3) << 11) | ((c >> 7) << 10)
                    | ((b & 7) << 7) | (c & 127))
            return 0
        lax.fori_loop(0, _SB // 64, grpfn, 0)

    def gather(j, slot):
        return pltpu.make_async_copy(tbl_hbm.at[idx_v[slot].at[j]],
                                     gout[slot].at[pl.ds(j * _GB, _GB)],
                                     gsem[slot])

    def store(sb, slot):
        return pltpu.make_async_copy(gout[slot],
                                     out_hbm.at[pl.ds(base + sb * _SB, _SB)],
                                     osem[slot])

    def step(sb, slot):
        pslot = (slot - 2) % _NSL

        @pl.when(sb >= 2)
        def _():
            for j in range(_NG):
                gather(j, pslot).wait()
            store(sb - 2, pslot).start()

        @pl.when(sb >= _NSL)
        def _():
            store(sb - _NSL, slot).wait()

        for j in range(_NG):
            gather(j, slot).start()

        @pl.when(sb < _NSB - 1)
        def _():
            compute_idx(sb + 1, (slot + 1) % _NSL)

    compute_idx(0, 0)

    def quad(p, _):
        for u in range(_NSL):
            step(_NSL * p + u, u)
        return 0

    lax.fori_loop(0, _NSB // _NSL, quad, 0)

    for sb in (_NSB - 2, _NSB - 1):
        slot = sb % _NSL
        for j in range(_NG):
            gather(j, slot).wait()
        store(sb, slot).start()
    for sb in range(_NSB - _NSL, _NSB):
        store(sb, sb % _NSL).wait()


@jax.jit
def _ngram_lookup(tbl, x):
    mesh = plsc.VectorSubcoreMesh(core_axis_name="c", subcore_axis_name="s")
    return pl.kernel(
        _body,
        out_type=jax.ShapeDtypeStruct((L,), jnp.float32),
        mesh=mesh,
        scratch_types=[pltpu.VMEM((_HALO + _CH,), jnp.int32)]
        + [pltpu.VMEM((_NG, _GB), jnp.int32) for _ in range(_NSL)]
        + [pltpu.VMEM((_SB,), jnp.float32) for _ in range(_NSL)]
        + [pltpu.SemaphoreType.DMA for _ in range(2 * _NSL)],
    )(tbl, x)


def kernel(probs, x):
    tbl = probs.reshape(VOCAB, 32, 8, 2, 128).transpose(0, 1, 3, 2, 4)
    return _ngram_lookup(tbl.reshape(-1), x)

# --- scband reference (transcript-rebuilt; emitter-appended) ---
"""Pipeline reference for scband-ngram-model-81011673137193 (READ-ONLY COPY).

The authoritative reference and input builder live on the scoring server;
editing this copy changes nothing except your own understanding.
"""

import jax, jax.numpy as jnp
import numpy as np

VOCAB = 256
N = 3
L = 2097152

def setup_inputs(seed: int = 0) -> dict:
    key = jax.random.key(seed)
    k1, _ = jax.random.split(key)
    x = jax.random.randint(k1, (L,), 0, VOCAB, dtype=jnp.int32)
    probs = jnp.ones((VOCAB,) * N, dtype=jnp.float32) / (VOCAB ** (N - 1))
    return {"probs": probs, "x": x}

def reference(probs, x):
    # prev_tokens[0] = x shifted right by one (first element duplicated)
    prev_tokens = [jnp.concatenate([x[:1], x[:-1]])]
    for i in range(1, N - 1):
        prev_tokens.append(jnp.concatenate([prev_tokens[-1][:1], prev_tokens[-1][:-1]]))
    ngram_tokens = tuple(prev_tokens + [x])
    # fancy integer indexing -> gather from the n-gram probability cube
    return probs[ngram_tokens]

if __name__ == "__main__":
    import jax
    _d = setup_inputs()
    print(jax.jit(kernel)(*tuple(_d.values())))

</pallas_src>

<mosaic_0001>
#map = affine_map<(d0, d1) -> (0)>
module attributes {stable_mosaic.version = 14 : i64} {
  func.func @_body(%arg0: i32, %arg1: i32, %arg2: memref<16777216xf32, #tpu.memory_space<hbm>>, %arg3: memref<2097152xi32, #tpu.memory_space<hbm>>, %arg4: memref<2097152xf32, #tpu.memory_space<hbm>>, %arg5: memref<65552xi32, #tpu.memory_space<vmem>>, %arg6: memref<16x128xi32, #tpu.memory_space<vmem>>, %arg7: memref<16x128xi32, #tpu.memory_space<vmem>>, %arg8: memref<16x128xi32, #tpu.memory_space<vmem>>, %arg9: memref<16x128xi32, #tpu.memory_space<vmem>>, %arg10: memref<2048xf32, #tpu.memory_space<vmem>>, %arg11: memref<2048xf32, #tpu.memory_space<vmem>>, %arg12: memref<2048xf32, #tpu.memory_space<vmem>>, %arg13: memref<2048xf32, #tpu.memory_space<vmem>>, %arg14: memref<!tpu.dma_semaphore, #tpu.memory_space<semaphore_mem>>, %arg15: memref<!tpu.dma_semaphore, #tpu.memory_space<semaphore_mem>>, %arg16: memref<!tpu.dma_semaphore, #tpu.memory_space<semaphore_mem>>, %arg17: memref<!tpu.dma_semaphore, #tpu.memory_space<semaphore_mem>>, %arg18: memref<!tpu.dma_semaphore, #tpu.memory_space<semaphore_mem>>, %arg19: memref<!tpu.dma_semaphore, #tpu.memory_space<semaphore_mem>>, %arg20: memref<!tpu.dma_semaphore, #tpu.memory_space<semaphore_mem>>, %arg21: memref<!tpu.dma_semaphore, #tpu.memory_space<semaphore_mem>>) attributes {dimension_semantics = [#tpu.dimension_semantics<core_parallel>, #tpu.dimension_semantics<subcore_parallel>], iteration_bounds = array<i64: 2, 16>, scalar_prefetch = 0 : i64, scratch_operands = 17 : i64, tpu.core_type = #tpu.core_type<sc_vector_subcore>, window_params = [{transform_indices = #map}, {transform_indices = #map}, {transform_indices = #map}]} {
    %mul3A = arith.constant 2 : i32
    %mul3A_0 = arith.muli %arg1, %mul3A : i32
    %add3A = arith.addi %mul3A_0, %arg0 : i32
    %mul3A_1 = arith.constant 65536 : i32
    %mul3A_2 = arith.muli %add3A, %mul3A_1 : i32
    "tpu.region"() ({
      %run_scoped3A = tpu.sem_alloc : memref<!tpu.dma_semaphore, #tpu.memory_space<semaphore_mem>>
      %dma_start3A_300 = arith.constant 16 : i32
      %dma_start3A_301 = tpu.memref_slice %arg5[%dma_start3A_300] : memref<65552xi32, #tpu.memory_space<vmem>> -> memref<65536xi32, #tpu.memory_space<vmem>>
      %dma_start3A_302 = tpu.memref_slice %arg3[%mul3A_2] : memref<2097152xi32, #tpu.memory_space<hbm>> -> memref<65536xi32, #tpu.memory_space<hbm>>
      %dma_start3A_303 = arith.constant 16 : i32
      %dma_start3A_304 = tpu.memref_slice %arg5[%dma_start3A_303] : memref<65552xi32, #tpu.memory_space<vmem>> -> memref<65536xi32, #tpu.memory_space<vmem>>
      %dma_start3A_305 = tpu.memref_slice %arg3[%mul3A_2] : memref<2097152xi32, #tpu.memory_space<hbm>> -> memref<65536xi32, #tpu.memory_space<hbm>>
      tpu.enqueue_dma source(%dma_start3A_305 : memref<65536xi32, #tpu.memory_space<hbm>>) target(%dma_start3A_304 : memref<65536xi32, #tpu.memory_space<vmem>>) target_semaphore(%run_scoped3A : memref<!tpu.dma_semaphore, #tpu.memory_space<semaphore_mem>>)
      %dma_wait3A_306 = arith.constant 16 : i32
      %dma_wait3A_307 = tpu.memref_slice %arg5[%dma_wait3A_306] : memref<65552xi32, #tpu.memory_space<vmem>> -> memref<65536xi32, #tpu.memory_space<vmem>>
      %dma_wait3A_308 = tpu.memref_slice %arg3[%mul3A_2] : memref<2097152xi32, #tpu.memory_space<hbm>> -> memref<65536xi32, #tpu.memory_space<hbm>>
      %dma_wait3A_309 = arith.constant 16 : i32
      %dma_wait3A_310 = tpu.memref_slice %arg5[%dma_wait3A_309] : memref<65552xi32, #tpu.memory_space<vmem>> -> memref<65536xi32, #tpu.memory_space<vmem>>
      %dma_wait3A_311 = tpu.memref_slice %arg3[%mul3A_2] : memref<2097152xi32, #tpu.memory_space<hbm>> -> memref<65536xi32, #tpu.memory_space<hbm>>
      tpu.wait_dma2 semaphore(%run_scoped3A : memref<!tpu.dma_semaphore, #tpu.memory_space<semaphore_mem>>) src(%dma_wait3A_311 : memref<65536xi32, #tpu.memory_space<hbm>>) dst(%dma_wait3A_310 : memref<65536xi32, #tpu.memory_space<vmem>>)
      tpu.yield
    }) : () -> ()
    %gt3A = arith.constant 0 : i32
    %gt3A_3 = arith.cmpi sgt, %add3A, %gt3A : i32
    %convert_element_type3A = arith.extui %gt3A_3 : i1 to i32
    %cond3A = arith.constant 0 : i32
    %cond3A_4 = arith.cmpi ne, %convert_element_type3A, %cond3A : i32
    scf.if %cond3A_4 {
      %sub3A = arith.constant 16 : i32
      %sub3A_300 = arith.subi %mul3A_2, %sub3A : i32
      "tpu.region"() ({
        %run_scoped3A = tpu.sem_alloc : memref<!tpu.dma_semaphore, #tpu.memory_space<semaphore_mem>>
        %dma_start3A_301 = arith.constant 0 : i32
        %dma_start3A_302 = tpu.memref_slice %arg5[%dma_start3A_301] : memref<65552xi32, #tpu.memory_space<vmem>> -> memref<16xi32, #tpu.memory_space<vmem>>
        %dma_start3A_303 = tpu.memref_slice %arg3[%sub3A_300] : memref<2097152xi32, #tpu.memory_space<hbm>> -> memref<16xi32, #tpu.memory_space<hbm>>
        %dma_start3A_304 = arith.constant 0 : i32
        %dma_start3A_305 = tpu.memref_slice %arg5[%dma_start3A_304] : memref<65552xi32, #tpu.memory_space<vmem>> -> memref<16xi32, #tpu.memory_space<vmem>>
        %dma_start3A_306 = tpu.memref_slice %arg3[%sub3A_300] : memref<2097152xi32, #tpu.memory_space<hbm>> -> memref<16xi32, #tpu.memory_space<hbm>>
        tpu.enqueue_dma source(%dma_start3A_306 : memref<16xi32, #tpu.memory_space<hbm>>) target(%dma_start3A_305 : memref<16xi32, #tpu.memory_space<vmem>>) target_semaphore(%run_scoped3A : memref<!tpu.dma_semaphore, #tpu.memory_space<semaphore_mem>>)
        %dma_wait3A_307 = arith.constant 0 : i32
        %dma_wait3A_308 = tpu.memref_slice %arg5[%dma_wait3A_307] : memref<65552xi32, #tpu.memory_space<vmem>> -> memref<16xi32, #tpu.memory_space<vmem>>
        %dma_wait3A_309 = tpu.memref_slice %arg3[%sub3A_300] : memref<2097152xi32, #tpu.memory_space<hbm>> -> memref<16xi32, #tpu.memory_space<hbm>>
        %dma_wait3A_310 = arith.constant 0 : i32
        %dma_wait3A_311 = tpu.memref_slice %arg5[%dma_wait3A_310] : memref<65552xi32, #tpu.memory_space<vmem>> -> memref<16xi32, #tpu.memory_space<vmem>>
        %dma_wait3A_312 = tpu.memref_slice %arg3[%sub3A_300] : memref<2097152xi32, #tpu.memory_space<hbm>> -> memref<16xi32, #tpu.memory_space<hbm>>
        tpu.wait_dma2 semaphore(%run_scoped3A : memref<!tpu.dma_semaphore, #tpu.memory_space<semaphore_mem>>) src(%dma_wait3A_312 : memref<16xi32, #tpu.memory_space<hbm>>) dst(%dma_wait3A_311 : memref<16xi32, #tpu.memory_space<vmem>>)
        tpu.yield
      }) : () -> ()
    } else {
    }
    %eq3A = arith.constant 0 : i32
    %eq3A_5 = arith.cmpi eq, %add3A, %eq3A : i32
    %convert_element_type3A_6 = arith.extui %eq3A_5 : i1 to i32
    %cond3A_7 = arith.constant 0 : i32
    %cond3A_8 = arith.cmpi ne, %convert_element_type3A_6, %cond3A_7 : i32
    scf.if %cond3A_8 {
      %get3A = arith.constant 16 : index
      %get3A_300 = tpu.vector_load %arg5[%get3A] {strides = array<i32>} : memref<65552xi32, #tpu.memory_space<vmem>>, vector<16xi32>,
      %get3A_301 = vector.shape_cast %get3A_300 : vector<16xi32> to vector<16xi32>
      %broadcast_in_dim3A = arith.constant 0 : i32
      %broadcast_in_dim3A_302 = vector.broadcast %broadcast_in_dim3A : i32 to vector<16xi32>
      %slice3A = vector.extract_strided_slice %get3A_301 {offsets = [0], sizes = [1], strides = [1]} : vector<16xi32> to vector<1xi32>
      %squeeze3A = vector.extract %slice3A[0] : i32 from vector<1xi32>
      %add3A_303 = vector.broadcast %squeeze3A : i32 to vector<16xi32>
      %add3A_304 = arith.addi %broadcast_in_dim3A_302, %add3A_303 : vector<16xi32>
      %swap3A = arith.constant 0 : index
      %swap3A_305 = tpu.vector_load %arg5[%swap3A] {strides = array<i32>} : memref<65552xi32, #tpu.memory_space<vmem>>, vector<16xi32>,
      %swap3A_306 = vector.shape_cast %swap3A_305 : vector<16xi32> to vector<16xi32>
      %swap3A_307 = vector.shape_cast %add3A_304 : vector<16xi32> to vector<16xi32>
      tpu.vector_store %arg5[%swap3A], %swap3A_307 {strides = array<i32>} : memref<65552xi32, #tpu.memory_space<vmem>>, vector<16xi32>,
    } else {
    }
    %scan3A = arith.constant 0 : i32
    %scan3A_9 = arith.constant 0 : i32
    %scan3A_10 = arith.constant 32 : i32
    %scan3A_11 = arith.addi %scan3A_9, %scan3A_10 : i32
    %scan3A_12 = arith.constant 1 : i32
    %scan3A_13 = scf.for %scan3A_300 = %scan3A_9 to %scan3A_11 step %scan3A_12 iter_args(%scan3A_301 = %scan3A) -> (i32)  : i32 {
      %mul3A_302 = arith.constant 4 : i32
      %mul3A_303 = arith.muli %scan3A_300, %mul3A_302 : i32
      %add3A_304 = arith.constant 0 : i32
      %add3A_305 = arith.addi %mul3A_303, %add3A_304 : i32
      %mul3A_306 = arith.constant 16 : i32
      %mul3A_307 = arith.muli %add3A_305, %mul3A_306 : i32
      %add3A_308 = arith.constant 0 : i32
      %add3A_309 = arith.addi %add3A_308, %mul3A_307 : i32
      %add3A_310 = arith.constant 14 : i32
      %add3A_311 = arith.addi %add3A_310, %add3A_309 : i32
      %get3A = arith.index_cast %add3A_311 : i32 to index
      %get3A_312 = tpu.vector_load %arg5[%get3A] {strides = array<i32>} : memref<65552xi32, #tpu.memory_space<vmem>>, vector<16xi32>,
      %get3A_313 = vector.shape_cast %get3A_312 : vector<16xi32> to vector<16xi32>
      %add3A_314 = arith.constant 15 : i32
      %add3A_315 = arith.addi %add3A_314, %add3A_309 : i32
      %get3A_316 = arith.index_cast %add3A_315 : i32 to index
      %get3A_317 = tpu.vector_load %arg5[%get3A_316] {strides = array<i32>} : memref<65552xi32, #tpu.memory_space<vmem>>, vector<16xi32>,
      %get3A_318 = vector.shape_cast %get3A_317 : vector<16xi32> to vector<16xi32>
      %add3A_319 = arith.constant 16 : i32
      %add3A_320 = arith.addi %add3A_319, %add3A_309 : i32
      %get3A_321 = arith.index_cast %add3A_320 : i32 to index
      %get3A_322 = tpu.vector_load %arg5[%get3A_321] {strides = array<i32>} : memref<65552xi32, #tpu.memory_space<vmem>>, vector<16xi32>,
      %get3A_323 = vector.shape_cast %get3A_322 : vector<16xi32> to vector<16xi32>
      %shift_left3A = arith.constant 16 : i32
      %shift_left3A_324 = vector.broadcast %shift_left3A : i32 to vector<16xi32>
      %shift_left3A_325 = arith.shli %get3A_313, %shift_left3A_324 : vector<16xi32>
      %shift_right_arithmetic3A = arith.constant 3 : i32
      %shift_right_arithmetic3A_326 = vector.broadcast %shift_right_arithmetic3A : i32 to vector<16xi32>
      %shift_right_arithmetic3A_327 = arith.shrsi %get3A_318, %shift_right_arithmetic3A_326 : vector<16xi32>
      %shift_left3A_328 = arith.constant 11 : i32
      %shift_left3A_329 = vector.broadcast %shift_left3A_328 : i32 to vector<16xi32>
      %shift_left3A_330 = arith.shli %shift_right_arithmetic3A_327, %shift_left3A_329 : vector<16xi32>
      %or3A = arith.ori %shift_left3A_325, %shift_left3A_330 : vector<16xi32>
      %shift_right_arithmetic3A_331 = arith.constant 7 : i32
      %shift_right_arithmetic3A_332 = vector.broadcast %shift_right_arithmetic3A_331 : i32 to vector<16xi32>
      %shift_right_arithmetic3A_333 = arith.shrsi %get3A_323, %shift_right_arithmetic3A_332 : vector<16xi32>
      %shift_left3A_334 = arith.constant 10 : i32
      %shift_left3A_335 = vector.broadcast %shift_left3A_334 : i32 to vector<16xi32>
      %shift_left3A_336 = arith.shli %shift_right_arithmetic3A_333, %shift_left3A_335 : vector<16xi32>
      %or3A_337 = arith.ori %or3A, %shift_left3A_336 : vector<16xi32>
      %and3A = arith.constant 7 : i32
      %and3A_338 = vector.broadcast %and3A : i32 to vector<16xi32>
      %and3A_339 = arith.andi %get3A_318, %and3A_338 : vector<16xi32>
      %shift_left3A_340 = arith.constant 7 : i32
      %shift_left3A_341 = vector.broadcast %shift_left3A_340 : i32 to vector<16xi32>
      %shift_left3A_342 = arith.shli %and3A_339, %shift_left3A_341 : vector<16xi32>
      %or3A_343 = arith.ori %or3A_337, %shift_left3A_342 : vector<16xi32>
      %and3A_344 = arith.constant 127 : i32
      %and3A_345 = vector.broadcast %and3A_344 : i32 to vector<16xi32>
      %and3A_346 = arith.andi %get3A_323, %and3A_345 : vector<16xi32>
      %or3A_347 = arith.ori %or3A_343, %and3A_346 : vector<16xi32>
      %jit3A = arith.constant 8 : i32
      %div3A = arith.divsi %add3A_305, %jit3A : i32
      %sign3A = arith.constant 0 : i32
      %sign3A_348 = arith.cmpi sgt, %add3A_305, %sign3A : i32
      %sign3A_349 = arith.extui %sign3A_348 : i1 to i32
      %sign3A_350 = arith.constant 0 : i32
      %sign3A_351 = arith.cmpi slt, %add3A_305, %sign3A_350 : i32
      %sign3A_352 = arith.extui %sign3A_351 : i1 to i32
      %sign3A_353 = arith.subi %sign3A_349, %sign3A_352 : i32
      %sign3A_354 = arith.constant 0 : i32
      %sign3A_355 = arith.cmpi sgt, %jit3A, %sign3A_354 : i32
      %sign3A_356 = arith.extui %sign3A_355 : i1 to i32
      %sign3A_357 = arith.constant 0 : i32
      %sign3A_358 = arith.cmpi slt, %jit3A, %sign3A_357 : i32
      %sign3A_359 = arith.extui %sign3A_358 : i1 to i32
      %sign3A_360 = arith.subi %sign3A_356, %sign3A_359 : i32
      %ne3A = arith.cmpi ne, %sign3A_353, %sign3A_360 : i32
      %rem3A = arith.remsi %add3A_305, %jit3A : i32
      %ne3A_361 = arith.constant 0 : i32
      %ne3A_362 = arith.cmpi ne, %rem3A, %ne3A_361 : i32
      %and3A_363 = arith.andi %ne3A, %ne3A_362 : i1
      %sub3A = arith.constant 1 : i32
      %sub3A_364 = arith.subi %div3A, %sub3A : i32
      %select_n3A = arith.select %and3A_363, %sub3A_364, %div3A : i32
      %jit3A_365 = arith.constant 8 : i32
      %eq3A_366 = arith.constant 0 : i32
      %eq3A_367 = arith.cmpi eq, %jit3A_365, %eq3A_366 : i32
      %jit3A_368 = arith.constant 1 : i32
      %select_n3A_369 = arith.select %eq3A_367, %jit3A_368, %jit3A_365 : i32
      %rem3A_370 = arith.remsi %add3A_305, %select_n3A_369 : i32
      %ne3A_371 = arith.constant 0 : i32
      %ne3A_372 = arith.cmpi ne, %rem3A_370, %ne3A_371 : i32
      %lt3A = arith.constant 0 : i32
      %lt3A_373 = arith.cmpi slt, %rem3A_370, %lt3A : i32
      %lt3A_374 = arith.constant 0 : i32
      %lt3A_375 = arith.cmpi slt, %select_n3A_369, %lt3A_374 : i32
      %ne3A_376 = arith.xori %lt3A_373, %lt3A_375 : i1
      %and3A_377 = arith.andi %ne3A_376, %ne3A_372 : i1
      %add3A_378 = arith.addi %rem3A_370, %select_n3A_369 : i32
      %select_n3A_379 = arith.select %and3A_377, %add3A_378, %rem3A_370 : i32
      %mul3A_380 = arith.constant 16 : i32
      %mul3A_381 = arith.muli %select_n3A_379, %mul3A_380 : i32
      %swap3A = arith.index_cast %select_n3A : i32 to index
      %swap3A_382 = arith.index_cast %mul3A_381 : i32 to index
      %swap3A_383 = tpu.vector_load %arg6[%swap3A, %swap3A_382] {strides = array<i32>} : memref<16x128xi32, #tpu.memory_space<vmem>>, vector<1x16xi32>,
      %swap3A_384 = vector.shape_cast %swap3A_383 : vector<1x16xi32> to vector<16xi32>
      %swap3A_385 = vector.shape_cast %or3A_347 : vector<16xi32> to vector<1x16xi32>
      tpu.vector_store %arg6[%swap3A, %swap3A_382], %swap3A_385 {strides = array<i32>} : memref<16x128xi32, #tpu.memory_space<vmem>>, vector<1x16xi32>,
      %mul3A_386 = arith.constant 4 : i32
      %mul3A_387 = arith.muli %scan3A_300, %mul3A_386 : i32
      %add3A_388 = arith.constant 1 : i32
      %add3A_389 = arith.addi %mul3A_387, %add3A_388 : i32
      %mul3A_390 = arith.constant 16 : i32
      %mul3A_391 = arith.muli %add3A_389, %mul3A_390 : i32
      %add3A_392 = arith.constant 0 : i32
      %add3A_393 = arith.addi %add3A_392, %mul3A_391 : i32
      %add3A_394 = arith.constant 14 : i32
      %add3A_395 = arith.addi %add3A_394, %add3A_393 : i32
      %get3A_396 = arith.index_cast %add3A_395 : i32 to index
      %get3A_397 = tpu.vector_load %arg5[%get3A_396] {strides = array<i32>} : memref<65552xi32, #tpu.memory_space<vmem>>, vector<16xi32>,
      %get3A_398 = vector.shape_cast %get3A_397 : vector<16xi32> to vector<16xi32>
      %add3A_399 = arith.constant 15 : i32
      %add3A_400 = arith.addi %add3A_399, %add3A_393 : i32
      %get3A_401 = arith.index_cast %add3A_400 : i32 to index
      %get3A_402 = tpu.vector_load %arg5[%get3A_401] {strides = array<i32>} : memref<65552xi32, #tpu.memory_space<vmem>>, vector<16xi32>,
      %get3A_403 = vector.shape_cast %get3A_402 : vector<16xi32> to vector<16xi32>
      %add3A_404 = arith.constant 16 : i32
      %add3A_405 = arith.addi %add3A_404, %add3A_393 : i32
      %get3A_406 = arith.index_cast %add3A_405 : i32 to index
      %get3A_407 = tpu.vector_load %arg5[%get3A_406] {strides = array<i32>} : memref<65552xi32, #tpu.memory_space<vmem>>, vector<16xi32>,
      %get3A_408 = vector.shape_cast %get3A_407 : vector<16xi32> to vector<16xi32>
      %shift_left3A_409 = arith.constant 16 : i32
      %shift_left3A_410 = vector.broadcast %shift_left3A_409 : i32 to vector<16xi32>
      %shift_left3A_411 = arith.shli %get3A_398, %shift_left3A_410 : vector<16xi32>
      %shift_right_arithmetic3A_412 = arith.constant 3 : i32
      %shift_right_arithmetic3A_413 = vector.broadcast %shift_right_arithmetic3A_412 : i32 to vector<16xi32>
      %shift_right_arithmetic3A_414 = arith.shrsi %get3A_403, %shift_right_arithmetic3A_413 : vector<16xi32>
      %shift_left3A_415 = arith.constant 11 : i32
      %shift_left3A_416 = vector.broadcast %shift_left3A_415 : i32 to vector<16xi32>
      %shift_left3A_417 = arith.shli %shift_right_arithmetic3A_414, %shift_left3A_416 : vector<16xi32>
      %or3A_418 = arith.ori %shift_left3A_411, %shift_left3A_417 : vector<16xi32>
      %shift_right_arithmetic3A_419 = arith.constant 7 : i32
      %shift_right_arithmetic3A_420 = vector.broadcast %shift_right_arithmetic3A_419 : i32 to vector<16xi32>
      %shift_right_arithmetic3A_421 = arith.shrsi %get3A_408, %shift_right_arithmetic3A_420 : vector<16xi32>
      %shift_left3A_422 = arith.constant 10 : i32
      %shift_left3A_423 = vector.broadcast %shift_left3A_422 : i32 to vector<16xi32>
      %shift_left3A_424 = arith.shli %shift_right_arithmetic3A_421, %shift_left3A_423 : vector<16xi32>
      %or3A_425 = arith.ori %or3A_418, %shift_left3A_424 : vector<16xi32>
      %and3A_426 = arith.constant 7 : i32
      %and3A_427 = vector.broadcast %and3A_426 : i32 to vector<16xi32>
      %and3A_428 = arith.andi %get3A_403, %and3A_427 : vector<16xi32>
      %shift_left3A_429 = arith.constant 7 : i32
      %shift_left3A_430 = vector.broadcast %shift_left3A_429 : i32 to vector<16xi32>
      %shift_left3A_431 = arith.shli %and3A_428, %shift_left3A_430 : vector<16xi32>
      %or3A_432 = arith.ori %or3A_425, %shift_left3A_431 : vector<16xi32>
      %and3A_433 = arith.constant 127 : i32
      %and3A_434 = vector.broadcast %and3A_433 : i32 to vector<16xi32>
      %and3A_435 = arith.andi %get3A_408, %and3A_434 : vector<16xi32>
      %or3A_436 = arith.ori %or3A_432, %and3A_435 : vector<16xi32>
      %jit3A_437 = arith.constant 8 : i32
      %div3A_438 = arith.divsi %add3A_389, %jit3A_437 : i32
      %sign3A_439 = arith.constant 0 : i32
      %sign3A_440 = arith.cmpi sgt, %add3A_389, %sign3A_439 : i32
      %sign3A_441 = arith.extui %sign3A_440 : i1 to i32
      %sign3A_442 = arith.constant 0 : i32
      %sign3A_443 = arith.cmpi slt, %add3A_389, %sign3A_442 : i32
      %sign3A_444 = arith.extui %sign3A_443 : i1 to i32
      %sign3A_445 = arith.subi %sign3A_441, %sign3A_444 : i32
      %sign3A_446 = arith.constant 0 : i32
      %sign3A_447 = arith.cmpi sgt, %jit3A_437, %sign3A_446 : i32
      %sign3A_448 = arith.extui %sign3A_447 : i1 to i32
      %sign3A_449 = arith.constant 0 : i32
      %sign3A_450 = arith.cmpi slt, %jit3A_437, %sign3A_449 : i32
      %sign3A_451 = arith.extui %sign3A_450 : i1 to i32
      %sign3A_452 = arith.subi %sign3A_448, %sign3A_451 : i32
      %ne3A_453 = arith.cmpi ne, %sign3A_445, %sign3A_452 : i32
      %rem3A_454 = arith.remsi %add3A_389, %jit3A_437 : i32
      %ne3A_455 = arith.constant 0 : i32
      %ne3A_456 = arith.cmpi ne, %rem3A_454, %ne3A_455 : i32
      %and3A_457 = arith.andi %ne3A_453, %ne3A_456 : i1
      %sub3A_458 = arith.constant 1 : i32
      %sub3A_459 = arith.subi %div3A_438, %sub3A_458 : i32
      %select_n3A_460 = arith.select %and3A_457, %sub3A_459, %div3A_438 : i32
      %jit3A_461 = arith.constant 8 : i32
      %eq3A_462 = arith.constant 0 : i32
      %eq3A_463 = arith.cmpi eq, %jit3A_461, %eq3A_462 : i32
      %jit3A_464 = arith.constant 1 : i32
      %select_n3A_465 = arith.select %eq3A_463, %jit3A_464, %jit3A_461 : i32
      %rem3A_466 = arith.remsi %add3A_389, %select_n3A_465 : i32
      %ne3A_467 = arith.constant 0 : i32
      %ne3A_468 = arith.cmpi ne, %rem3A_466, %ne3A_467 : i32
      %lt3A_469 = arith.constant 0 : i32
      %lt3A_470 = arith.cmpi slt, %rem3A_466, %lt3A_469 : i32
      %lt3A_471 = arith.constant 0 : i32
      %lt3A_472 = arith.cmpi slt, %select_n3A_465, %lt3A_471 : i32
      %ne3A_473 = arith.xori %lt3A_470, %lt3A_472 : i1
      %and3A_474 = arith.andi %ne3A_473, %ne3A_468 : i1
      %add3A_475 = arith.addi %rem3A_466, %select_n3A_465 : i32
      %select_n3A_476 = arith.select %and3A_474, %add3A_475, %rem3A_466 : i32
      %mul3A_477 = arith.constant 16 : i32
      %mul3A_478 = arith.muli %select_n3A_476, %mul3A_477 : i32
      %swap3A_479 = arith.index_cast %select_n3A_460 : i32 to index
      %swap3A_480 = arith.index_cast %mul3A_478 : i32 to index
      %swap3A_481 = tpu.vector_load %arg6[%swap3A_479, %swap3A_480] {strides = array<i32>} : memref<16x128xi32, #tpu.memory_space<vmem>>, vector<1x16xi32>,
      %swap3A_482 = vector.shape_cast %swap3A_481 : vector<1x16xi32> to vector<16xi32>
      %swap3A_483 = vector.shape_cast %or3A_436 : vector<16xi32> to vector<1x16xi32>
      tpu.vector_store %arg6[%swap3A_479, %swap3A_480], %swap3A_483 {strides = array<i32>} : memref<16x128xi32, #tpu.memory_space<vmem>>, vector<1x16xi32>,
      %mul3A_484 = arith.constant 4 : i32
      %mul3A_485 = arith.muli %scan3A_300, %mul3A_484 : i32
      %add3A_486 = arith.constant 2 : i32
      %add3A_487 = arith.addi %mul3A_485, %add3A_486 : i32
      %mul3A_488 = arith.constant 16 : i32
      %mul3A_489 = arith.muli %add3A_487, %mul3A_488 : i32
      %add3A_490 = arith.constant 0 : i32
      %add3A_491 = arith.addi %add3A_490, %mul3A_489 : i32
      %add3A_492 = arith.constant 14 : i32
      %add3A_493 = arith.addi %add3A_492, %add3A_491 : i32
      %get3A_494 = arith.index_cast %add3A_493 : i32 to index
      %get3A_495 = tpu.vector_load %arg5[%get3A_494] {strides = array<i32>} : memref<65552xi32, #tpu.memory_space<vmem>>, vector<16xi32>,
      %get3A_496 = vector.shape_cast %get3A_495 : vector<16xi32> to vector<16xi32>
      %add3A_497 = arith.constant 15 : i32
      %add3A_498 = arith.addi %add3A_497, %add3A_491 : i32
      %get3A_499 = arith.index_cast %add3A_498 : i32 to index
      %get3A_500 = tpu.vector_load %arg5[%get3A_499] {strides = array<i32>} : memref<65552xi32, #tpu.memory_space<vmem>>, vector<16xi32>,
      %get3A_501 = vector.shape_cast %get3A_500 : vector<16xi32> to vector<16xi32>
      %add3A_502 = arith.constant 16 : i32
      %add3A_503 = arith.addi %add3A_502, %add3A_491 : i32
      %get3A_504 = arith.index_cast %add3A_503 : i32 to index
      %get3A_505 = tpu.vector_load %arg5[%get3A_504] {strides = array<i32>} : memref<65552xi32, #tpu.memory_space<vmem>>, vector<16xi32>,
      %get3A_506 = vector.shape_cast %get3A_505 : vector<16xi32> to vector<16xi32>
      %shift_left3A_507 = arith.constant 16 : i32
      %shift_left3A_508 = vector.broadcast %shift_left3A_507 : i32 to vector<16xi32>
      %shift_left3A_509 = arith.shli %get3A_496, %shift_left3A_508 : vector<16xi32>
      %shift_right_arithmetic3A_510 = arith.constant 3 : i32
      %shift_right_arithmetic3A_511 = vector.broadcast %shift_right_arithmetic3A_510 : i32 to vector<16xi32>
      %shift_right_arithmetic3A_512 = arith.shrsi %get3A_501, %shift_right_arithmetic3A_511 : vector<16xi32>
      %shift_left3A_513 = arith.constant 11 : i32
      %shift_left3A_514 = vector.broadcast %shift_left3A_513 : i32 to vector<16xi32>
      %shift_left3A_515 = arith.shli %shift_right_arithmetic3A_512, %shift_left3A_514 : vector<16xi32>
      %or3A_516 = arith.ori %shift_left3A_509, %shift_left3A_515 : vector<16xi32>
      %shift_right_arithmetic3A_517 = arith.constant 7 : i32
      %shift_right_arithmetic3A_518 = vector.broadcast %shift_right_arithmetic3A_517 : i32 to vector<16xi32>
      %shift_right_arithmetic3A_519 = arith.shrsi %get3A_506, %shift_right_arithmetic3A_518 : vector<16xi32>
      %shift_left3A_520 = arith.constant 10 : i32
      %shift_left3A_521 = vector.broadcast %shift_left3A_520 : i32 to vector<16xi32>
      %shift_left3A_522 = arith.shli %shift_right_arithmetic3A_519, %shift_left3A_521 : vector<16xi32>
      %or3A_523 = arith.ori %or3A_516, %shift_left3A_522 : vector<16xi32>
      %and3A_524 = arith.constant 7 : i32
      %and3A_525 = vector.broadcast %and3A_524 : i32 to vector<16xi32>
      %and3A_526 = arith.andi %get3A_501, %and3A_525 : vector<16xi32>
      %shift_left3A_527 = arith.constant 7 : i32
      %shift_left3A_528 = vector.broadcast %shift_left3A_527 : i32 to vector<16xi32>
      %shift_left3A_529 = arith.shli %and3A_526, %shift_left3A_528 : vector<16xi32>
      %or3A_530 = arith.ori %or3A_523, %shift_left3A_529 : vector<16xi32>
      %and3A_531 = arith.constant 127 : i32
      %and3A_532 = vector.broadcast %and3A_531 : i32 to vector<16xi32>
      %and3A_533 = arith.andi %get3A_506, %and3A_532 : vector<16xi32>
      %or3A_534 = arith.ori %or3A_530, %and3A_533 : vector<16xi32>
      %jit3A_535 = arith.constant 8 : i32
      %div3A_536 = arith.divsi %add3A_487, %jit3A_535 : i32
      %sign3A_537 = arith.constant 0 : i32
      %sign3A_538 = arith.cmpi sgt, %add3A_487, %sign3A_537 : i32
      %sign3A_539 = arith.extui %sign3A_538 : i1 to i32
      %sign3A_540 = arith.constant 0 : i32
      %sign3A_541 = arith.cmpi slt, %add3A_487, %sign3A_540 : i32
      %sign3A_542 = arith.extui %sign3A_541 : i1 to i32
      %sign3A_543 = arith.subi %sign3A_539, %sign3A_542 : i32
      %sign3A_544 = arith.constant 0 : i32
      %sign3A_545 = arith.cmpi sgt, %jit3A_535, %sign3A_544 : i32
      %sign3A_546 = arith.extui %sign3A_545 : i1 to i32
      %sign3A_547 = arith.constant 0 : i32
      %sign3A_548 = arith.cmpi slt, %jit3A_535, %sign3A_547 : i32
      %sign3A_549 = arith.extui %sign3A_548 : i1 to i32
      %sign3A_550 = arith.subi %sign3A_546, %sign3A_549 : i32
      %ne3A_551 = arith.cmpi ne, %sign3A_543, %sign3A_550 : i32
      %rem3A_552 = arith.remsi %add3A_487, %jit3A_535 : i32
      %ne3A_553 = arith.constant 0 : i32
      %ne3A_554 = arith.cmpi ne, %rem3A_552, %ne3A_553 : i32
      %and3A_555 = arith.andi %ne3A_551, %ne3A_554 : i1
      %sub3A_556 = arith.constant 1 : i32
      %sub3A_557 = arith.subi %div3A_536, %sub3A_556 : i32
      %select_n3A_558 = arith.select %and3A_555, %sub3A_557, %div3A_536 : i32
      %jit3A_559 = arith.constant 8 : i32
      %eq3A_560 = arith.constant 0 : i32
      %eq3A_561 = arith.cmpi eq, %jit3A_559, %eq3A_560 : i32
      %jit3A_562 = arith.constant 1 : i32
      %select_n3A_563 = arith.select %eq3A_561, %jit3A_562, %jit3A_559 : i32
      %rem3A_564 = arith.remsi %add3A_487, %select_n3A_563 : i32
      %ne3A_565 = arith.constant 0 : i32
      %ne3A_566 = arith.cmpi ne, %rem3A_564, %ne3A_565 : i32
      %lt3A_567 = arith.constant 0 : i32
      %lt3A_568 = arith.cmpi slt, %rem3A_564, %lt3A_567 : i32
      %lt3A_569 = arith.constant 0 : i32
      %lt3A_570 = arith.cmpi slt, %select_n3A_563, %lt3A_569 : i32
      %ne3A_571 = arith.xori %lt3A_568, %lt3A_570 : i1
      %and3A_572 = arith.andi %ne3A_571, %ne3A_566 : i1
      %add3A_573 = arith.addi %rem3A_564, %select_n3A_563 : i32
      %select_n3A_574 = arith.select %and3A_572, %add3A_573, %rem3A_564 : i32
      %mul3A_575 = arith.constant 16 : i32
      %mul3A_576 = arith.muli %select_n3A_574, %mul3A_575 : i32
      %swap3A_577 = arith.index_cast %select_n3A_558 : i32 to index
      %swap3A_578 = arith.index_cast %mul3A_576 : i32 to index
      %swap3A_579 = tpu.vector_load %arg6[%swap3A_577, %swap3A_578] {strides = array<i32>} : memref<16x128xi32, #tpu.memory_space<vmem>>, vector<1x16xi32>,
      %swap3A_580 = vector.shape_cast %swap3A_579 : vector<1x16xi32> to vector<16xi32>
      %swap3A_581 = vector.shape_cast %or3A_534 : vector<16xi32> to vector<1x16xi32>
      tpu.vector_store %arg6[%swap3A_577, %swap3A_578], %swap3A_581 {strides = array<i32>} : memref<16x128xi32, #tpu.memory_space<vmem>>, vector<1x16xi32>,
      %mul3A_582 = arith.constant 4 : i32
      %mul3A_583 = arith.muli %scan3A_300, %mul3A_582 : i32
      %add3A_584 = arith.constant 3 : i32
      %add3A_585 = arith.addi %mul3A_583, %add3A_584 : i32
      %mul3A_586 = arith.constant 16 : i32
      %mul3A_587 = arith.muli %add3A_585, %mul3A_586 : i32
      %add3A_588 = arith.constant 0 : i32
      %add3A_589 = arith.addi %add3A_588, %mul3A_587 : i32
      %add3A_590 = arith.constant 14 : i32
      %add3A_591 = arith.addi %add3A_590, %add3A_589 : i32
      %get3A_592 = arith.index_cast %add3A_591 : i32 to index
      %get3A_593 = tpu.vector_load %arg5[%get3A_592] {strides = array<i32>} : memref<65552xi32, #tpu.memory_space<vmem>>, vector<16xi32>,
      %get3A_594 = vector.shape_cast %get3A_593 : vector<16xi32> to vector<16xi32>
      %add3A_595 = arith.constant 15 : i32
      %add3A_596 = arith.addi %add3A_595, %add3A_589 : i32
      %get3A_597 = arith.index_cast %add3A_596 : i32 to index
      %get3A_598 = tpu.vector_load %arg5[%get3A_597] {strides = array<i32>} : memref<65552xi32, #tpu.memory_space<vmem>>, vector<16xi32>,
      %get3A_599 = vector.shape_cast %get3A_598 : vector<16xi32> to vector<16xi32>
      %add3A_600 = arith.constant 16 : i32
      %add3A_601 = arith.addi %add3A_600, %add3A_589 : i32
      %get3A_602 = arith.index_cast %add3A_601 : i32 to index
      %get3A_603 = tpu.vector_load %arg5[%get3A_602] {strides = array<i32>} : memref<65552xi32, #tpu.memory_space<vmem>>, vector<16xi32>,
      %get3A_604 = vector.shape_cast %get3A_603 : vector<16xi32> to vector<16xi32>
      %shift_left3A_605 = arith.constant 16 : i32
      %shift_left3A_606 = vector.broadcast %shift_left3A_605 : i32 to vector<16xi32>
      %shift_left3A_607 = arith.shli %get3A_594, %shift_left3A_606 : vector<16xi32>
      %shift_right_arithmetic3A_608 = arith.constant 3 : i32
      %shift_right_arithmetic3A_609 = vector.broadcast %shift_right_arithmetic3A_608 : i32 to vector<16xi32>
      %shift_right_arithmetic3A_610 = arith.shrsi %get3A_599, %shift_right_arithmetic3A_609 : vector<16xi32>
      %shift_left3A_611 = arith.constant 11 : i32
      %shift_left3A_612 = vector.broadcast %shift_left3A_611 : i32 to vector<16xi32>
      %shift_left3A_613 = arith.shli %shift_right_arithmetic3A_610, %shift_left3A_612 : vector<16xi32>
      %or3A_614 = arith.ori %shift_left3A_607, %shift_left3A_613 : vector<16xi32>
      %shift_right_arithmetic3A_615 = arith.constant 7 : i32
      %shift_right_arithmetic3A_616 = vector.broadcast %shift_right_arithmetic3A_615 : i32 to vector<16xi32>
      %shift_right_arithmetic3A_617 = arith.shrsi %get3A_604, %shift_right_arithmetic3A_616 : vector<16xi32>
      %shift_left3A_618 = arith.constant 10 : i32
      %shift_left3A_619 = vector.broadcast %shift_left3A_618 : i32 to vector<16xi32>
      %shift_left3A_620 = arith.shli %shift_right_arithmetic3A_617, %shift_left3A_619 : vector<16xi32>
      %or3A_621 = arith.ori %or3A_614, %shift_left3A_620 : vector<16xi32>
      %and3A_622 = arith.constant 7 : i32
      %and3A_623 = vector.broadcast %and3A_622 : i32 to vector<16xi32>
      %and3A_624 = arith.andi %get3A_599, %and3A_623 : vector<16xi32>
      %shift_left3A_625 = arith.constant 7 : i32
      %shift_left3A_626 = vector.broadcast %shift_left3A_625 : i32 to vector<16xi32>
      %shift_left3A_627 = arith.shli %and3A_624, %shift_left3A_626 : vector<16xi32>
      %or3A_628 = arith.ori %or3A_621, %shift_left3A_627 : vector<16xi32>
      %and3A_629 = arith.constant 127 : i32
      %and3A_630 = vector.broadcast %and3A_629 : i32 to vector<16xi32>
      %and3A_631 = arith.andi %get3A_604, %and3A_630 : vector<16xi32>
      %or3A_632 = arith.ori %or3A_628, %and3A_631 : vector<16xi32>
      %jit3A_633 = arith.constant 8 : i32
      %div3A_634 = arith.divsi %add3A_585, %jit3A_633 : i32
      %sign3A_635 = arith.constant 0 : i32
      %sign3A_636 = arith.cmpi sgt, %add3A_585, %sign3A_635 : i32
      %sign3A_637 = arith.extui %sign3A_636 : i1 to i32
      %sign3A_638 = arith.constant 0 : i32
      %sign3A_639 = arith.cmpi slt, %add3A_585, %sign3A_638 : i32
      %sign3A_640 = arith.extui %sign3A_639 : i1 to i32
      %sign3A_641 = arith.subi %sign3A_637, %sign3A_640 : i32
      %sign3A_642 = arith.constant 0 : i32
      %sign3A_643 = arith.cmpi sgt, %jit3A_633, %sign3A_642 : i32
      %sign3A_644 = arith.extui %sign3A_643 : i1 to i32
      %sign3A_645 = arith.constant 0 : i32
      %sign3A_646 = arith.cmpi slt, %jit3A_633, %sign3A_645 : i32
      %sign3A_647 = arith.extui %sign3A_646 : i1 to i32
      %sign3A_648 = arith.subi %sign3A_644, %sign3A_647 : i32
      %ne3A_649 = arith.cmpi ne, %sign3A_641, %sign3A_648 : i32
      %rem3A_650 = arith.remsi %add3A_585, %jit3A_633 : i32
      %ne3A_651 = arith.constant 0 : i32
      %ne3A_652 = arith.cmpi ne, %rem3A_650, %ne3A_651 : i32
      %and3A_653 = arith.andi %ne3A_649, %ne3A_652 : i1
      %sub3A_654 = arith.constant 1 : i32
      %sub3A_655 = arith.subi %div3A_634, %sub3A_654 : i32
      %select_n3A_656 = arith.select %and3A_653, %sub3A_655, %div3A_634 : i32
      %jit3A_657 = arith.constant 8 : i32
      %eq3A_658 = arith.constant 0 : i32
      %eq3A_659 = arith.cmpi eq, %jit3A_657, %eq3A_658 : i32
      %jit3A_660 = arith.constant 1 : i32
      %select_n3A_661 = arith.select %eq3A_659, %jit3A_660, %jit3A_657 : i32
      %rem3A_662 = arith.remsi %add3A_585, %select_n3A_661 : i32
      %ne3A_663 = arith.constant 0 : i32
      %ne3A_664 = arith.cmpi ne, %rem3A_662, %ne3A_663 : i32
      %lt3A_665 = arith.constant 0 : i32
      %lt3A_666 = arith.cmpi slt, %rem3A_662, %lt3A_665 : i32
      %lt3A_667 = arith.constant 0 : i32
      %lt3A_668 = arith.cmpi slt, %select_n3A_661, %lt3A_667 : i32
      %ne3A_669 = arith.xori %lt3A_666, %lt3A_668 : i1
      %and3A_670 = arith.andi %ne3A_669, %ne3A_664 : i1
      %add3A_671 = arith.addi %rem3A_662, %select_n3A_661 : i32
      %select_n3A_672 = arith.select %and3A_670, %add3A_671, %rem3A_662 : i32
      %mul3A_673 = arith.constant 16 : i32
      %mul3A_674 = arith.muli %select_n3A_672, %mul3A_673 : i32
      %swap3A_675 = arith.index_cast %select_n3A_656 : i32 to index
      %swap3A_676 = arith.index_cast %mul3A_674 : i32 to index
      %swap3A_677 = tpu.vector_load %arg6[%swap3A_675, %swap3A_676] {strides = array<i32>} : memref<16x128xi32, #tpu.memory_space<vmem>>, vector<1x16xi32>,
      %swap3A_678 = vector.shape_cast %swap3A_677 : vector<1x16xi32> to vector<16xi32>
      %swap3A_679 = vector.shape_cast %or3A_632 : vector<16xi32> to vector<1x16xi32>
      tpu.vector_store %arg6[%swap3A_675, %swap3A_676], %swap3A_679 {strides = array<i32>} : memref<16x128xi32, #tpu.memory_space<vmem>>, vector<1x16xi32>,
      %scan3A_680 = arith.constant 0 : i32
      scf.yield %scan3A_680 : i32
    }
    %scan3A_14 = arith.constant 32 : i32
    %scan3A_15 = arith.constant 0 : i32
    %scan3A_16 = arith.constant 0 : i32
    %scan3A_17 = arith.constant 8 : i32
    %scan3A_18 = arith.addi %scan3A_16, %scan3A_17 : i32
    %scan3A_19 = arith.constant 1 : i32
    %scan3A_20 = scf.for %scan3A_300 = %scan3A_16 to %scan3A_18 step %scan3A_19 iter_args(%scan3A_301 = %scan3A_15) -> (i32)  : i32 {
      %mul3A_302 = arith.constant 4 : i32
      %mul3A_303 = arith.muli %mul3A_302, %scan3A_300 : i32
      %add3A_304 = arith.constant 0 : i32
      %add3A_305 = arith.addi %mul3A_303, %add3A_304 : i32
      %ge3A = arith.constant 2 : i32
      %ge3A_306 = arith.cmpi sge, %add3A_305, %ge3A : i32
      %convert_element_type3A_307 = arith.extui %ge3A_306 : i1 to i32
      %cond3A_308 = arith.constant 0 : i32
      %cond3A_309 = arith.cmpi ne, %convert_element_type3A_307, %cond3A_308 : i32
      scf.if %cond3A_309 {
        %dma_wait3A_889 = arith.constant 0 : i32
        %dma_wait3A_890 = arith.constant 0 : i32
        %dma_wait3A_891 = tpu.memref_slice %arg12[%dma_wait3A_890] : memref<2048xf32, #tpu.memory_space<vmem>> -> memref<128xf32, #tpu.memory_space<vmem>>
        %dma_wait3A_892 = arith.constant 0 : i32
        %dma_wait3A_893 = tpu.memref_slice %arg8[%dma_wait3A_889, %dma_wait3A_892] : memref<16x128xi32, #tpu.memory_space<vmem>> -> memref<1x128xi32, #tpu.memory_space<vmem>>
        %dma_wait3A_894 = tpu.memref_squeeze %dma_wait3A_893 : memref<1x128xi32, #tpu.memory_space<vmem>> -> memref<128xi32, #tpu.memory_space<vmem>>
        %dma_wait3A_895 = arith.constant 0 : i32
        %dma_wait3A_896 = tpu.memref_slice %arg2[%dma_wait3A_895] : memref<16777216xf32, #tpu.memory_space<hbm>> -> memref<16777216xf32, #tpu.memory_space<hbm>>
        tpu.wait_indirect_dma semaphore(%arg16 : memref<!tpu.dma_semaphore, #tpu.memory_space<semaphore_mem>>) src(%dma_wait3A_896 : memref<16777216xf32, #tpu.memory_space<hbm>>) dst(%dma_wait3A_891 : memref<128xf32, #tpu.memory_space<vmem>>)
        %dma_wait3A_897 = arith.constant 1 : i32
        %dma_wait3A_898 = arith.constant 128 : i32
        %dma_wait3A_899 = tpu.memref_slice %arg12[%dma_wait3A_898] : memref<2048xf32, #tpu.memory_space<vmem>> -> memref<128xf32, #tpu.memory_space<vmem>>
        %dma_wait3A_900 = arith.constant 0 : i32
        %dma_wait3A_901 = tpu.memref_slice %arg8[%dma_wait3A_897, %dma_wait3A_900] : memref<16x128xi32, #tpu.memory_space<vmem>> -> memref<1x128xi32, #tpu.memory_space<vmem>>
        %dma_wait3A_902 = tpu.memref_squeeze %dma_wait3A_901 : memref<1x128xi32, #tpu.memory_space<vmem>> -> memref<128xi32, #tpu.memory_space<vmem>>
        %dma_wait3A_903 = arith.constant 0 : i32
        %dma_wait3A_904 = tpu.memref_slice %arg2[%dma_wait3A_903] : memref<16777216xf32, #tpu.memory_space<hbm>> -> memref<16777216xf32, #tpu.memory_space<hbm>>
        tpu.wait_indirect_dma semaphore(%arg16 : memref<!tpu.dma_semaphore, #tpu.memory_space<semaphore_mem>>) src(%dma_wait3A_904 : memref<16777216xf32, #tpu.memory_space<hbm>>) dst(%dma_wait3A_899 : memref<128xf32, #tpu.memory_space<vmem>>)
        %dma_wait3A_905 = arith.constant 2 : i32
        %dma_wait3A_906 = arith.constant 256 : i32
        %dma_wait3A_907 = tpu.memref_slice %arg12[%dma_wait3A_906] : memref<2048xf32, #tpu.memory_space<vmem>> -> memref<128xf32, #tpu.memory_space<vmem>>
        %dma_wait3A_908 = arith.constant 0 : i32
        %dma_wait3A_909 = tpu.memref_slice %arg8[%dma_wait3A_905, %dma_wait3A_908] : memref<16x128xi32, #tpu.memory_space<vmem>> -> memref<1x128xi32, #tpu.memory_space<vmem>>
        %dma_wait3A_910 = tpu.memref_squeeze %dma_wait3A_909 : memref<1x128xi32, #tpu.memory_space<vmem>> -> memref<128xi32, #tpu.memory_space<vmem>>
        %dma_wait3A_911 = arith.constant 0 : i32
        %dma_wait3A_912 = tpu.memref_slice %arg2[%dma_wait3A_911] : memref<16777216xf32, #tpu.memory_space<hbm>> -> memref<16777216xf32, #tpu.memory_space<hbm>>
        tpu.wait_indirect_dma semaphore(%arg16 : memref<!tpu.dma_semaphore, #tpu.memory_space<semaphore_mem>>) src(%dma_wait3A_912 : memref<16777216xf32, #tpu.memory_space<hbm>>) dst(%dma_wait3A_907 : memref<128xf32, #tpu.memory_space<vmem>>)
        %dma_wait3A_913 = arith.constant 3 : i32
        %dma_wait3A_914 = arith.constant 384 : i32
        %dma_wait3A_915 = tpu.memref_slice %arg12[%dma_wait3A_914] : memref<2048xf32, #tpu.memory_space<vmem>> -> memref<128xf32, #tpu.memory_space<vmem>>
        %dma_wait3A_916 = arith.constant 0 : i32
        %dma_wait3A_917 = tpu.memref_slice %arg8[%dma_wait3A_913, %dma_wait3A_916] : memref<16x128xi32, #tpu.memory_space<vmem>> -> memref<1x128xi32, #tpu.memory_space<vmem>>
        %dma_wait3A_918 = tpu.memref_squeeze %dma_wait3A_917 : memref<1x128xi32, #tpu.memory_space<vmem>> -> memref<128xi32, #tpu.memory_space<vmem>>
        %dma_wait3A_919 = arith.constant 0 : i32
        %dma_wait3A_920 = tpu.memref_slice %arg2[%dma_wait3A_919] : memref<16777216xf32, #tpu.memory_space<hbm>> -> memref<16777216xf32, #tpu.memory_space<hbm>>
        tpu.wait_indirect_dma semaphore(%arg16 : memref<!tpu.dma_semaphore, #tpu.memory_space<semaphore_mem>>) src(%dma_wait3A_920 : memref<16777216xf32, #tpu.memory_space<hbm>>) dst(%dma_wait3A_915 : memref<128xf32, #tpu.memory_space<vmem>>)
        %dma_wait3A_921 = arith.constant 4 : i32
        %dma_wait3A_922 = arith.constant 512 : i32
        %dma_wait3A_923 = tpu.memref_slice %arg12[%dma_wait3A_922] : memref<2048xf32, #tpu.memory_space<vmem>> -> memref<128xf32, #tpu.memory_space<vmem>>
        %dma_wait3A_924 = arith.constant 0 : i32
        %dma_wait3A_925 = tpu.memref_slice %arg8[%dma_wait3A_921, %dma_wait3A_924] : memref<16x128xi32, #tpu.memory_space<vmem>> -> memref<1x128xi32, #tpu.memory_space<vmem>>
        %dma_wait3A_926 = tpu.memref_squeeze %dma_wait3A_925 : memref<1x128xi32, #tpu.memory_space<vmem>> -> memref<128xi32, #tpu.memory_space<vmem>>
        %dma_wait3A_927 = arith.constant 0 : i32
        %dma_wait3A_928 = tpu.memref_slice %arg2[%dma_wait3A_927] : memref<16777216xf32, #tpu.memory_space<hbm>> -> memref<16777216xf32, #tpu.memory_space<hbm>>
        tpu.wait_indirect_dma semaphore(%arg16 : memref<!tpu.dma_semaphore, #tpu.memory_space<semaphore_mem>>) src(%dma_wait3A_928 : memref<16777216xf32, #tpu.memory_space<hbm>>) dst(%dma_wait3A_923 : memref<128xf32, #tpu.memory_space<vmem>>)
        %dma_wait3A_929 = arith.constant 5 : i32
        %dma_wait3A_930 = arith.constant 640 : i32
        %dma_wait3A_931 = tpu.memref_slice %arg12[%dma_wait3A_930] : memref<2048xf32, #tpu.memory_space<vmem>> -> memref<128xf32, #tpu.memory_space<vmem>>
        %dma_wait3A_932 = arith.constant 0 : i32
        %dma_wait3A_933 = tpu.memref_slice %arg8[%dma_wait3A_929, %dma_wait3A_932] : memref<16x128xi32, #tpu.memory_space<vmem>> -> memref<1x128xi32, #tpu.memory_space<vmem>>
        %dma_wait3A_934 = tpu.memref_squeeze %dma_wait3A_933 : memref<1x128xi32, #tpu.memory_space<vmem>> -> memref<128xi32, #tpu.memory_space<vmem>>
        %dma_wait3A_935 = arith.constant 0 : i32
        %dma_wait3A_936 = tpu.memref_slice %arg2[%dma_wait3A_935] : memref<16777216xf32, #tpu.memory_space<hbm>> -> memref<16777216xf32, #tpu.memory_space<hbm>>
        tpu.wait_indirect_dma semaphore(%arg16 : memref<!tpu.dma_semaphore, #tpu.memory_space<semaphore_mem>>) src(%dma_wait3A_936 : memref<16777216xf32, #tpu.memory_space<hbm>>) dst(%dma_wait3A_931 : memref<128xf32, #tpu.memory_space<vmem>>)
        %dma_wait3A_937 = arith.constant 6 : i32
        %dma_wait3A_938 = arith.constant 768 : i32
        %dma_wait3A_939 = tpu.memref_slice %arg12[%dma_wait3A_938] : memref<2048xf32, #tpu.memory_space<vmem>> -> memref<128xf32, #tpu.memory_space<vmem>>
        %dma_wait3A_940 = arith.constant 0 : i32
        %dma_wait3A_941 = tpu.memref_slice %arg8[%dma_wait3A_937, %dma_wait3A_940] : memref<16x128xi32, #tpu.memory_space<vmem>> -> memref<1x128xi32, #tpu.memory_space<vmem>>
        %dma_wait3A_942 = tpu.memref_squeeze %dma_wait3A_941 : memref<1x128xi32, #tpu.memory_space<vmem>> -> memref<128xi32, #tpu.memory_space<vmem>>
        %dma_wait3A_943 = arith.constant 0 : i32
        %dma_wait3A_944 = tpu.memref_slice %arg2[%dma_wait3A_943] : memref<16777216xf32, #tpu.memory_space<hbm>> -> memref<16777216xf32, #tpu.memory_space<hbm>>
        tpu.wait_indirect_dma semaphore(%arg16 : memref<!tpu.dma_semaphore, #tpu.memory_space<semaphore_mem>>) src(%dma_wait3A_944 : memref<16777216xf32, #tpu.memory_space<hbm>>) dst(%dma_wait3A_939 : memref<128xf32, #tpu.memory_space<vmem>>)
        %dma_wait3A_945 = arith.constant 7 : i32
        %dma_wait3A_946 = arith.constant 896 : i32
        %dma_wait3A_947 = tpu.memref_slice %arg12[%dma_wait3A_946] : memref<2048xf32, #tpu.memory_space<vmem>> -> memref<128xf32, #tpu.memory_space<vmem>>
        %dma_wait3A_948 = arith.constant 0 : i32
        %dma_wait3A_949 = tpu.memref_slice %arg8[%dma_wait3A_945, %dma_wait3A_948] : memref<16x128xi32, #tpu.memory_space<vmem>> -> memref<1x128xi32, #tpu.memory_space<vmem>>
        %dma_wait3A_950 = tpu.memref_squeeze %dma_wait3A_949 : memref<1x128xi32, #tpu.memory_space<vmem>> -> memref<128xi32, #tpu.memory_space<vmem>>
        %dma_wait3A_951 = arith.constant 0 : i32
        %dma_wait3A_952 = tpu.memref_slice %arg2[%dma_wait3A_951] : memref<16777216xf32, #tpu.memory_space<hbm>> -> memref<16777216xf32, #tpu.memory_space<hbm>>
        tpu.wait_indirect_dma semaphore(%arg16 : memref<!tpu.dma_semaphore, #tpu.memory_space<semaphore_mem>>) src(%dma_wait3A_952 : memref<16777216xf32, #tpu.memory_space<hbm>>) dst(%dma_wait3A_947 : memref<128xf32, #tpu.memory_space<vmem>>)
        %dma_wait3A_953 = arith.constant 8 : i32
        %dma_wait3A_954 = arith.constant 1024 : i32
        %dma_wait3A_955 = tpu.memref_slice %arg12[%dma_wait3A_954] : memref<2048xf32, #tpu.memory_space<vmem>> -> memref<128xf32, #tpu.memory_space<vmem>>
        %dma_wait3A_956 = arith.constant 0 : i32
        %dma_wait3A_957 = tpu.memref_slice %arg8[%dma_wait3A_953, %dma_wait3A_956] : memref<16x128xi32, #tpu.memory_space<vmem>> -> memref<1x128xi32, #tpu.memory_space<vmem>>
        %dma_wait3A_958 = tpu.memref_squeeze %dma_wait3A_957 : memref<1x128xi32, #tpu.memory_space<vmem>> -> memref<128xi32, #tpu.memory_space<vmem>>
        %dma_wait3A_959 = arith.constant 0 : i32
        %dma_wait3A_960 = tpu.memref_slice %arg2[%dma_wait3A_959] : memref<16777216xf32, #tpu.memory_space<hbm>> -> memref<16777216xf32, #tpu.memory_space<hbm>>
        tpu.wait_indirect_dma semaphore(%arg16 : memref<!tpu.dma_semaphore, #tpu.memory_space<semaphore_mem>>) src(%dma_wait3A_960 : memref<16777216xf32, #tpu.memory_space<hbm>>) dst(%dma_wait3A_955 : memref<128xf32, #tpu.memory_space<vmem>>)
        %dma_wait3A_961 = arith.constant 9 : i32
        %dma_wait3A_962 = arith.constant 1152 : i32
        %dma_wait3A_963 = tpu.memref_slice %arg12[%dma_wait3A_962] : memref<2048xf32, #tpu.memory_space<vmem>> -> memref<128xf32, #tpu.memory_space<vmem>>
        %dma_wait3A_964 = arith.constant 0 : i32
        %dma_wait3A_965 = tpu.memref_slice %arg8[%dma_wait3A_961, %dma_wait3A_964] : memref<16x128xi32, #tpu.memory_space<vmem>> -> memref<1x128xi32, #tpu.memory_space<vmem>>
        %dma_wait3A_966 = tpu.memref_squeeze %dma_wait3A_965 : memref<1x128xi32, #tpu.memory_space<vmem>> -> memref<128xi32, #tpu.memory_space<vmem>>
        %dma_wait3A_967 = arith.constant 0 : i32
        %dma_wait3A_968 = tpu.memref_slice %arg2[%dma_wait3A_967] : memref<16777216xf32, #tpu.memory_space<hbm>> -> memref<16777216xf32, #tpu.memory_space<hbm>>
        tpu.wait_indirect_dma semaphore(%arg16 : memref<!tpu.dma_semaphore, #tpu.memory_space<semaphore_mem>>) src(%dma_wait3A_968 : memref<16777216xf32, #tpu.memory_space<hbm>>) dst(%dma_wait3A_963 : memref<128xf32, #tpu.memory_space<vmem>>)
        %dma_wait3A_969 = arith.constant 10 : i32
        %dma_wait3A_970 = arith.constant 1280 : i32
        %dma_wait3A_971 = tpu.memref_slice %arg12[%dma_wait3A_970] : memref<2048xf32, #tpu.memory_space<vmem>> -> memref<128xf32, #tpu.memory_space<vmem>>
        %dma_wait3A_972 = arith.constant 0 : i32
        %dma_wait3A_973 = tpu.memref_slice %arg8[%dma_wait3A_969, %dma_wait3A_972] : memref<16x128xi32, #tpu.memory_space<vmem>> -> memref<1x128xi32, #tpu.memory_space<vmem>>
        %dma_wait3A_974 = tpu.memref_squeeze %dma_wait3A_973 : memref<1x128xi32, #tpu.memory_space<vmem>> -> memref<128xi32, #tpu.memory_space<vmem>>
        %dma_wait3A_975 = arith.constant 0 : i32
        %dma_wait3A_976 = tpu.memref_slice %arg2[%dma_wait3A_975] : memref<16777216xf32, #tpu.memory_space<hbm>> -> memref<16777216xf32, #tpu.memory_space<hbm>>
        tpu.wait_indirect_dma semaphore(%arg16 : memref<!tpu.dma_semaphore, #tpu.memory_space<semaphore_mem>>) src(%dma_wait3A_976 : memref<16777216xf32, #tpu.memory_space<hbm>>) dst(%dma_wait3A_971 : memref<128xf32, #tpu.memory_space<vmem>>)
        %dma_wait3A_977 = arith.constant 11 : i32
        %dma_wait3A_978 = arith.constant 1408 : i32
        %dma_wait3A_979 = tpu.memref_slice %arg12[%dma_wait3A_978] : memref<2048xf32, #tpu.memory_space<vmem>> -> memref<128xf32, #tpu.memory_space<vmem>>
        %dma_wait3A_980 = arith.constant 0 : i32
        %dma_wait3A_981 = tpu.memref_slice %arg8[%dma_wait3A_977, %dma_wait3A_980] : memref<16x128xi32, #tpu.memory_space<vmem>> -> memref<1x128xi32, #tpu.memory_space<vmem>>
        %dma_wait3A_982 = tpu.memref_squeeze %dma_wait3A_981 : memref<1x128xi32, #tpu.memory_space<vmem>> -> memref<128xi32, #tpu.memory_space<vmem>>
        %dma_wait3A_983 = arith.constant 0 : i32
        %dma_wait3A_984 = tpu.memref_slice %arg2[%dma_wait3A_983] : memref<16777216xf32, #tpu.memory_space<hbm>> -> memref<16777216xf32, #tpu.memory_space<hbm>>
        tpu.wait_indirect_dma semaphore(%arg16 : memref<!tpu.dma_semaphore, #tpu.memory_space<semaphore_mem>>) src(%dma_wait3A_984 : memref<16777216xf32, #tpu.memory_space<hbm>>) dst(%dma_wait3A_979 : memref<128xf32, #tpu.memory_space<vmem>>)
        %dma_wait3A_985 = arith.constant 12 : i32
        %dma_wait3A_986 = arith.constant 1536 : i32
        %dma_wait3A_987 = tpu.memref_slice %arg12[%dma_wait3A_986] : memref<2048xf32, #tpu.memory_space<vmem>> -> memref<128xf32, #tpu.memory_space<vmem>>
        %dma_wait3A_988 = arith.constant 0 : i32
        %dma_wait3A_989 = tpu.memref_slice %arg8[%dma_wait3A_985, %dma_wait3A_988] : memref<16x128xi32, #tpu.memory_space<vmem>> -> memref<1x128xi32, #tpu.memory_space<vmem>>
        %dma_wait3A_990 = tpu.memref_squeeze %dma_wait3A_989 : memref<1x128xi32, #tpu.memory_space<vmem>> -> memref<128xi32, #tpu.memory_space<vmem>>
        %dma_wait3A_991 = arith.constant 0 : i32
        %dma_wait3A_992 = tpu.memref_slice %arg2[%dma_wait3A_991] : memref<16777216xf32, #tpu.memory_space<hbm>> -> memref<16777216xf32, #tpu.memory_space<hbm>>
        tpu.wait_indirect_dma semaphore(%arg16 : memref<!tpu.dma_semaphore, #tpu.memory_space<semaphore_mem>>) src(%dma_wait3A_992 : memref<16777216xf32, #tpu.memory_space<hbm>>) dst(%dma_wait3A_987 : memref<128xf32, #tpu.memory_space<vmem>>)
        %dma_wait3A_993 = arith.constant 13 : i32
        %dma_wait3A_994 = arith.constant 1664 : i32
        %dma_wait3A_995 = tpu.memref_slice %arg12[%dma_wait3A_994] : memref<2048xf32, #tpu.memory_space<vmem>> -> memref<128xf32, #tpu.memory_space<vmem>>
        %dma_wait3A_996 = arith.constant 0 : i32
        %dma_wait3A_997 = tpu.memref_slice %arg8[%dma_wait3A_993, %dma_wait3A_996] : memref<16x128xi32, #tpu.memory_space<vmem>> -> memref<1x128xi32, #tpu.memory_space<vmem>>
        %dma_wait3A_998 = tpu.memref_squeeze %dma_wait3A_997 : memref<1x128xi32, #tpu.memory_space<vmem>> -> memref<128xi32, #tpu.memory_space<vmem>>
        %dma_wait3A_999 = arith.constant 0 : i32
        %dma_wait3A_1000 = tpu.memref_slice %arg2[%dma_wait3A_999] : memref<16777216xf32, #tpu.memory_space<hbm>> -> memref<16777216xf32, #tpu.memory_space<hbm>>
        tpu.wait_indirect_dma semaphore(%arg16 : memref<!tpu.dma_semaphore, #tpu.memory_space<semaphore_mem>>) src(%dma_wait3A_1000 : memref<16777216xf32, #tpu.memory_space<hbm>>) dst(%dma_wait3A_995 : memref<128xf32, #tpu.memory_space<vmem>>)
        %dma_wait3A_1001 = arith.constant 14 : i32
        %dma_wait3A_1002 = arith.constant 1792 : i32
        %dma_wait3A_1003 = tpu.memref_slice %arg12[%dma_wait3A_1002] : memref<2048xf32, #tpu.memory_space<vmem>> -> memref<128xf32, #tpu.memory_space<vmem>>
        %dma_wait3A_1004 = arith.constant 0 : i32
        %dma_wait3A_1005 = tpu.memref_slice %arg8[%dma_wait3A_1001, %dma_wait3A_1004] : memref<16x128xi32, #tpu.memory_space<vmem>> -> memref<1x128xi32, #tpu.memory_space<vmem>>
        %dma_wait3A_1006 = tpu.memref_squeeze %dma_wait3A_1005 : memref<1x128xi32, #tpu.memory_space<vmem>> -> memref<128xi32, #tpu.memory_space<vmem>>
        %dma_wait3A_1007 = arith.constant 0 : i32
        %dma_wait3A_1008 = tpu.memref_slice %arg2[%dma_wait3A_1007] : memref<16777216xf32, #tpu.memory_space<hbm>> -> memref<16777216xf32, #tpu.memory_space<hbm>>
        tpu.wait_indirect_dma semaphore(%arg16 : memref<!tpu.dma_semaphore, #tpu.memory_space<semaphore_mem>>) src(%dma_wait3A_1008 : memref<16777216xf32, #tpu.memory_space<hbm>>) dst(%dma_wait3A_1003 : memref<128xf32, #tpu.memory_space<vmem>>)
        %dma_wait3A_1009 = arith.constant 15 : i32
        %dma_wait3A_1010 = arith.constant 1920 : i32
        %dma_wait3A_1011 = tpu.memref_slice %arg12[%dma_wait3A_1010] : memref<2048xf32, #tpu.memory_space<vmem>> -> memref<128xf32, #tpu.memory_space<vmem>>
        %dma_wait3A_1012 = arith.constant 0 : i32
        %dma_wait3A_1013 = tpu.memref_slice %arg8[%dma_wait3A_1009, %dma_wait3A_1012] : memref<16x128xi32, #tpu.memory_space<vmem>> -> memref<1x128xi32, #tpu.memory_space<vmem>>
        %dma_wait3A_1014 = tpu.memref_squeeze %dma_wait3A_1013 : memref<1x128xi32, #tpu.memory_space<vmem>> -> memref<128xi32, #tpu.memory_space<vmem>>
        %dma_wait3A_1015 = arith.constant 0 : i32
        %dma_wait3A_1016 = tpu.memref_slice %arg2[%dma_wait3A_1015] : memref<16777216xf32, #tpu.memory_space<hbm>> -> memref<16777216xf32, #tpu.memory_space<hbm>>
        tpu.wait_indirect_dma semaphore(%arg16 : memref<!tpu.dma_semaphore, #tpu.memory_space<semaphore_mem>>) src(%dma_wait3A_1016 : memref<16777216xf32, #tpu.memory_space<hbm>>) dst(%dma_wait3A_1011 : memref<128xf32, #tpu.memory_space<vmem>>)
        %sub3A = arith.constant 2 : i32
        %sub3A_1017 = arith.subi %add3A_305, %sub3A : i32
        %mul3A_1018 = arith.constant 2048 : i32
        %mul3A_1019 = arith.muli %sub3A_1017, %mul3A_1018 : i32
        %add3A_1020 = arith.addi %mul3A_2, %mul3A_1019 : i32
        %dma_start3A_1021 = tpu.memref_slice %arg4[%add3A_1020] : memref<2097152xf32, #tpu.memory_space<hbm>> -> memref<2048xf32, #tpu.memory_space<hbm>>
        %dma_start3A_1022 = tpu.memref_slice %arg4[%add3A_1020] : memref<2097152xf32, #tpu.memory_space<hbm>> -> memref<2048xf32, #tpu.memory_space<hbm>>
        tpu.enqueue_dma source(%arg12 : memref<2048xf32, #tpu.memory_space<vmem>>) target(%dma_start3A_1022 : memref<2048xf32, #tpu.memory_space<hbm>>) target_semaphore(%arg20 : memref<!tpu.dma_semaphore, #tpu.memory_space<semaphore_mem>>)
      } else {
      }
      %ge3A_310 = arith.constant 4 : i32
      %ge3A_311 = arith.cmpi sge, %add3A_305, %ge3A_310 : i32
      %convert_element_type3A_312 = arith.extui %ge3A_311 : i1 to i32
      %cond3A_313 = arith.constant 0 : i32
      %cond3A_314 = arith.cmpi ne, %convert_element_type3A_312, %cond3A_313 : i32
      scf.if %cond3A_314 {
        %sub3A = arith.constant 4 : i32
        %sub3A_889 = arith.subi %add3A_305, %sub3A : i32
        %mul3A_890 = arith.constant 2048 : i32
        %mul3A_891 = arith.muli %sub3A_889, %mul3A_890 : i32
        %add3A_892 = arith.addi %mul3A_2, %mul3A_891 : i32
        %dma_wait3A_893 = tpu.memref_slice %arg4[%add3A_892] : memref<2097152xf32, #tpu.memory_space<hbm>> -> memref<2048xf32, #tpu.memory_space<hbm>>
        %dma_wait3A_894 = tpu.memref_slice %arg4[%add3A_892] : memref<2097152xf32, #tpu.memory_space<hbm>> -> memref<2048xf32, #tpu.memory_space<hbm>>
        tpu.wait_dma2 semaphore(%arg18 : memref<!tpu.dma_semaphore, #tpu.memory_space<semaphore_mem>>) src(%arg10 : memref<2048xf32, #tpu.memory_space<vmem>>) dst(%dma_wait3A_894 : memref<2048xf32, #tpu.memory_space<hbm>>)
      } else {
      }
      %dma_start3A_315 = arith.constant 0 : i32
      %dma_start3A_316 = arith.constant 0 : i32
      %dma_start3A_317 = tpu.memref_slice %arg10[%dma_start3A_316] : memref<2048xf32, #tpu.memory_space<vmem>> -> memref<128xf32, #tpu.memory_space<vmem>>
      %dma_start3A_318 = arith.constant 0 : i32
      %dma_start3A_319 = tpu.memref_slice %arg6[%dma_start3A_315, %dma_start3A_318] : memref<16x128xi32, #tpu.memory_space<vmem>> -> memref<1x128xi32, #tpu.memory_space<vmem>>
      %dma_start3A_320 = tpu.memref_squeeze %dma_start3A_319 : memref<1x128xi32, #tpu.memory_space<vmem>> -> memref<128xi32, #tpu.memory_space<vmem>>
      %dma_start3A_321 = arith.constant 0 : i32
      %dma_start3A_322 = tpu.memref_slice %arg2[%dma_start3A_321] : memref<16777216xf32, #tpu.memory_space<hbm>> -> memref<16777216xf32, #tpu.memory_space<hbm>>
      tpu.enqueue_indirect_dma source(%dma_start3A_322 : memref<16777216xf32, #tpu.memory_space<hbm>>) target(%dma_start3A_317 : memref<128xf32, #tpu.memory_space<vmem>>) offsets(%dma_start3A_320 : memref<128xi32, #tpu.memory_space<vmem>>) semaphore(%arg14 : memref<!tpu.dma_semaphore, #tpu.memory_space<semaphore_mem>>)
      %dma_start3A_323 = arith.constant 1 : i32
      %dma_start3A_324 = arith.constant 128 : i32
      %dma_start3A_325 = tpu.memref_slice %arg10[%dma_start3A_324] : memref<2048xf32, #tpu.memory_space<vmem>> -> memref<128xf32, #tpu.memory_space<vmem>>
      %dma_start3A_326 = arith.constant 0 : i32
      %dma_start3A_327 = tpu.memref_slice %arg6[%dma_start3A_323, %dma_start3A_326] : memref<16x128xi32, #tpu.memory_space<vmem>> -> memref<1x128xi32, #tpu.memory_space<vmem>>
      %dma_start3A_328 = tpu.memref_squeeze %dma_start3A_327 : memref<1x128xi32, #tpu.memory_space<vmem>> -> memref<128xi32, #tpu.memory_space<vmem>>
      %dma_start3A_329 = arith.constant 0 : i32
      %dma_start3A_330 = tpu.memref_slice %arg2[%dma_start3A_329] : memref<16777216xf32, #tpu.memory_space<hbm>> -> memref<16777216xf32, #tpu.memory_space<hbm>>
      tpu.enqueue_indirect_dma source(%dma_start3A_330 : memref<16777216xf32, #tpu.memory_space<hbm>>) target(%dma_start3A_325 : memref<128xf32, #tpu.memory_space<vmem>>) offsets(%dma_start3A_328 : memref<128xi32, #tpu.memory_space<vmem>>) semaphore(%arg14 : memref<!tpu.dma_semaphore, #tpu.memory_space<semaphore_mem>>)
      %dma_start3A_331 = arith.constant 2 : i32
      %dma_start3A_332 = arith.constant 256 : i32
      %dma_start3A_333 = tpu.memref_slice %arg10[%dma_start3A_332] : memref<2048xf32, #tpu.memory_space<vmem>> -> memref<128xf32, #tpu.memory_space<vmem>>
      %dma_start3A_334 = arith.constant 0 : i32
      %dma_start3A_335 = tpu.memref_slice %arg6[%dma_start3A_331, %dma_start3A_334] : memref<16x128xi32, #tpu.memory_space<vmem>> -> memref<1x128xi32, #tpu.memory_space<vmem>>
      %dma_start3A_336 = tpu.memref_squeeze %dma_start3A_335 : memref<1x128xi32, #tpu.memory_space<vmem>> -> memref<128xi32, #tpu.memory_space<vmem>>
      %dma_start3A_337 = arith.constant 0 : i32
      %dma_start3A_338 = tpu.memref_slice %arg2[%dma_start3A_337] : memref<16777216xf32, #tpu.memory_space<hbm>> -> memref<16777216xf32, #tpu.memory_space<hbm>>
      tpu.enqueue_indirect_dma source(%dma_start3A_338 : memref<16777216xf32, #tpu.memory_space<hbm>>) target(%dma_start3A_333 : memref<128xf32, #tpu.memory_space<vmem>>) offsets(%dma_start3A_336 : memref<128xi32, #tpu.memory_space<vmem>>) semaphore(%arg14 : memref<!tpu.dma_semaphore, #tpu.memory_space<semaphore_mem>>)
      %dma_start3A_339 = arith.constant 3 : i32
      %dma_start3A_340 = arith.constant 384 : i32
      %dma_start3A_341 = tpu.memref_slice %arg10[%dma_start3A_340] : memref<2048xf32, #tpu.memory_space<vmem>> -> memref<128xf32, #tpu.memory_space<vmem>>
      %dma_start3A_342 = arith.constant 0 : i32
      %dma_start3A_343 = tpu.memref_slice %arg6[%dma_start3A_339, %dma_start3A_342] : memref<16x128xi32, #tpu.memory_space<vmem>> -> memref<1x128xi32, #tpu.memory_space<vmem>>
      %dma_start3A_344 = tpu.memref_squeeze %dma_start3A_343 : memref<1x128xi32, #tpu.memory_space<vmem>> -> memref<128xi32, #tpu.memory_space<vmem>>
      %dma_start3A_345 = arith.constant 0 : i32
      %dma_start3A_346 = tpu.memref_slice %arg2[%dma_start3A_345] : memref<16777216xf32, #tpu.memory_space<hbm>> -> memref<16777216xf32, #tpu.memory_space<hbm>>
      tpu.enqueue_indirect_dma source(%dma_start3A_346 : memref<16777216xf32, #tpu.memory_space<hbm>>) target(%dma_start3A_341 : memref<128xf32, #tpu.memory_space<vmem>>) offsets(%dma_start3A_344 : memref<128xi32, #tpu.memory_space<vmem>>) semaphore(%arg14 : memref<!tpu.dma_semaphore, #tpu.memory_space<semaphore_mem>>)
      %dma_start3A_347 = arith.constant 4 : i32
      %dma_start3A_348 = arith.constant 512 : i32
      %dma_start3A_349 = tpu.memref_slice %arg10[%dma_start3A_348] : memref<2048xf32, #tpu.memory_space<vmem>> -> memref<128xf32, #tpu.memory_space<vmem>>
      %dma_start3A_350 = arith.constant 0 : i32
      %dma_start3A_351 = tpu.memref_slice %arg6[%dma_start3A_347, %dma_start3A_350] : memref<16x128xi32, #tpu.memory_space<vmem>> -> memref<1x128xi32, #tpu.memory_space<vmem>>
      %dma_start3A_352 = tpu.memref_squeeze %dma_start3A_351 : memref<1x128xi32, #tpu.memory_space<vmem>> -> memref<128xi32, #tpu.memory_space<vmem>>
      %dma_start3A_353 = arith.constant 0 : i32
      %dma_start3A_354 = tpu.memref_slice %arg2[%dma_start3A_353] : memref<16777216xf32, #tpu.memory_space<hbm>> -> memref<16777216xf32, #tpu.memory_space<hbm>>
      tpu.enqueue_indirect_dma source(%dma_start3A_354 : memref<16777216xf32, #tpu.memory_space<hbm>>) target(%dma_start3A_349 : memref<128xf32, #tpu.memory_space<vmem>>) offsets(%dma_start3A_352 : memref<128xi32, #tpu.memory_space<vmem>>) semaphore(%arg14 : memref<!tpu.dma_semaphore, #tpu.memory_space<semaphore_mem>>)
      %dma_start3A_355 = arith.constant 5 : i32
      %dma_start3A_356 = arith.constant 640 : i32
      %dma_start3A_357 = tpu.memref_slice %arg10[%dma_start3A_356] : memref<2048xf32, #tpu.memory_space<vmem>> -> memref<128xf32, #tpu.memory_space<vmem>>
      %dma_start3A_358 = arith.constant 0 : i32
      %dma_start3A_359 = tpu.memref_slice %arg6[%dma_start3A_355, %dma_start3A_358] : memref<16x128xi32, #tpu.memory_space<vmem>> -> memref<1x128xi32, #tpu.memory_space<vmem>>
      %dma_start3A_360 = tpu.memref_squeeze %dma_start3A_359 : memref<1x128xi32, #tpu.memory_space<vmem>> -> memref<128xi32, #tpu.memory_space<vmem>>
      %dma_start3A_361 = arith.constant 0 : i32
      %dma_start3A_362 = tpu.memref_slice %arg2[%dma_start3A_361] : memref<16777216xf32, #tpu.memory_space<hbm>> -> memref<16777216xf32, #tpu.memory_space<hbm>>
      tpu.enqueue_indirect_dma source(%dma_start3A_362 : memref<16777216xf32, #tpu.memory_space<hbm>>) target(%dma_start3A_357 : memref<128xf32, #tpu.memory_space<vmem>>) offsets(%dma_start3A_360 : memref<128xi32, #tpu.memory_space<vmem>>) semaphore(%arg14 : memref<!tpu.dma_semaphore, #tpu.memory_space<semaphore_mem>>)
      %dma_start3A_363 = arith.constant 6 : i32
      %dma_start3A_364 = arith.constant 768 : i32
      %dma_start3A_365 = tpu.memref_slice %arg10[%dma_start3A_364] : memref<2048xf32, #tpu.memory_space<vmem>> -> memref<128xf32, #tpu.memory_space<vmem>>
      %dma_start3A_366 = arith.constant 0 : i32
      %dma_start3A_367 = tpu.memref_slice %arg6[%dma_start3A_363, %dma_start3A_366] : memref<16x128xi32, #tpu.memory_space<vmem>> -> memref<1x128xi32, #tpu.memory_space<vmem>>
      %dma_start3A_368 = tpu.memref_squeeze %dma_start3A_367 : memref<1x128xi32, #tpu.memory_space<vmem>> -> memref<128xi32, #tpu.memory_space<vmem>>
      %dma_start3A_369 = arith.constant 0 : i32
      %dma_start3A_370 = tpu.memref_slice %arg2[%dma_start3A_369] : memref<16777216xf32, #tpu.memory_space<hbm>> -> memref<16777216xf32, #tpu.memory_space<hbm>>
      tpu.enqueue_indirect_dma source(%dma_start3A_370 : memref<16777216xf32, #tpu.memory_space<hbm>>) target(%dma_start3A_365 : memref<128xf32, #tpu.memory_space<vmem>>) offsets(%dma_start3A_368 : memref<128xi32, #tpu.memory_space<vmem>>) semaphore(%arg14 : memref<!tpu.dma_semaphore, #tpu.memory_space<semaphore_mem>>)
      %dma_start3A_371 = arith.constant 7 : i32
      %dma_start3A_372 = arith.constant 896 : i32
      %dma_start3A_373 = tpu.memref_slice %arg10[%dma_start3A_372] : memref<2048xf32, #tpu.memory_space<vmem>> -> memref<128xf32, #tpu.memory_space<vmem>>
      %dma_start3A_374 = arith.constant 0 : i32
      %dma_start3A_375 = tpu.memref_slice %arg6[%dma_start3A_371, %dma_start3A_374] : memref<16x128xi32, #tpu.memory_space<vmem>> -> memref<1x128xi32, #tpu.memory_space<vmem>>
      %dma_start3A_376 = tpu.memref_squeeze %dma_start3A_375 : memref<1x128xi32, #tpu.memory_space<vmem>> -> memref<128xi32, #tpu.memory_space<vmem>>
      %dma_start3A_377 = arith.constant 0 : i32
      %dma_start3A_378 = tpu.memref_slice %arg2[%dma_start3A_377] : memref<16777216xf32, #tpu.memory_space<hbm>> -> memref<16777216xf32, #tpu.memory_space<hbm>>
      tpu.enqueue_indirect_dma source(%dma_start3A_378 : memref<16777216xf32, #tpu.memory_space<hbm>>) target(%dma_start3A_373 : memref<128xf32, #tpu.memory_space<vmem>>) offsets(%dma_start3A_376 : memref<128xi32, #tpu.memory_space<vmem>>) semaphore(%arg14 : memref<!tpu.dma_semaphore, #tpu.memory_space<semaphore_mem>>)
      %dma_start3A_379 = arith.constant 8 : i32
      %dma_start3A_380 = arith.constant 1024 : i32
      %dma_start3A_381 = tpu.memref_slice %arg10[%dma_start3A_380] : memref<2048xf32, #tpu.memory_space<vmem>> -> memref<128xf32, #tpu.memory_space<vmem>>
      %dma_start3A_382 = arith.constant 0 : i32
      %dma_start3A_383 = tpu.memref_slice %arg6[%dma_start3A_379, %dma_start3A_382] : memref<16x128xi32, #tpu.memory_space<vmem>> -> memref<1x128xi32, #tpu.memory_space<vmem>>
      %dma_start3A_384 = tpu.memref_squeeze %dma_start3A_383 : memref<1x128xi32, #tpu.memory_space<vmem>> -> memref<128xi32, #tpu.memory_space<vmem>>
      %dma_start3A_385 = arith.constant 0 : i32
      %dma_start3A_386 = tpu.memref_slice %arg2[%dma_start3A_385] : memref<16777216xf32, #tpu.memory_space<hbm>> -> memref<16777216xf32, #tpu.memory_space<hbm>>
      tpu.enqueue_indirect_dma source(%dma_start3A_386 : memref<16777216xf32, #tpu.memory_space<hbm>>) target(%dma_start3A_381 : memref<128xf32, #tpu.memory_space<vmem>>) offsets(%dma_start3A_384 : memref<128xi32, #tpu.memory_space<vmem>>) semaphore(%arg14 : memref<!tpu.dma_semaphore, #tpu.memory_space<semaphore_mem>>)
      %dma_start3A_387 = arith.constant 9 : i32
      %dma_start3A_388 = arith.constant 1152 : i32
      %dma_start3A_389 = tpu.memref_slice %arg10[%dma_start3A_388] : memref<2048xf32, #tpu.memory_space<vmem>> -> memref<128xf32, #tpu.memory_space<vmem>>
      %dma_start3A_390 = arith.constant 0 : i32
      %dma_start3A_391 = tpu.memref_slice %arg6[%dma_start3A_387, %dma_start3A_390] : memref<16x128xi32, #tpu.memory_space<vmem>> -> memref<1x128xi32, #tpu.memory_space<vmem>>
      %dma_start3A_392 = tpu.memref_squeeze %dma_start3A_391 : memref<1x128xi32, #tpu.memory_space<vmem>> -> memref<128xi32, #tpu.memory_space<vmem>>
      %dma_start3A_393 = arith.constant 0 : i32
      %dma_start3A_394 = tpu.memref_slice %arg2[%dma_start3A_393] : memref<16777216xf32, #tpu.memory_space<hbm>> -> memref<16777216xf32, #tpu.memory_space<hbm>>
      tpu.enqueue_indirect_dma source(%dma_start3A_394 : memref<16777216xf32, #tpu.memory_space<hbm>>) target(%dma_start3A_389 : memref<128xf32, #tpu.memory_space<vmem>>) offsets(%dma_start3A_392 : memref<128xi32, #tpu.memory_space<vmem>>) semaphore(%arg14 : memref<!tpu.dma_semaphore, #tpu.memory_space<semaphore_mem>>)
      %dma_start3A_395 = arith.constant 10 : i32
      %dma_start3A_396 = arith.constant 1280 : i32
      %dma_start3A_397 = tpu.memref_slice %arg10[%dma_start3A_396] : memref<2048xf32, #tpu.memory_space<vmem>> -> memref<128xf32, #tpu.memory_space<vmem>>
      %dma_start3A_398 = arith.constant 0 : i32
      %dma_start3A_399 = tpu.memref_slice %arg6[%dma_start3A_395, %dma_start3A_398] : memref<16x128xi32, #tpu.memory_space<vmem>> -> memref<1x128xi32, #tpu.memory_space<vmem>>
      %dma_start3A_400 = tpu.memref_squeeze %dma_start3A_399 : memref<1x128xi32, #tpu.memory_space<vmem>> -> memref<128xi32, #tpu.memory_space<vmem>>
      %dma_start3A_401 = arith.constant 0 : i32
      %dma_start3A_402 = tpu.memref_slice %arg2[%dma_start3A_401] : memref<16777216xf32, #tpu.memory_space<hbm>> -> memref<16777216xf32, #tpu.memory_space<hbm>>
      tpu.enqueue_indirect_dma source(%dma_start3A_402 : memref<16777216xf32, #tpu.memory_space<hbm>>) target(%dma_start3A_397 : memref<128xf32, #tpu.memory_space<vmem>>) offsets(%dma_start3A_400 : memref<128xi32, #tpu.memory_space<vmem>>) semaphore(%arg14 : memref<!tpu.dma_semaphore, #tpu.memory_space<semaphore_mem>>)
      %dma_start3A_403 = arith.constant 11 : i32
      %dma_start3A_404 = arith.constant 1408 : i32
      %dma_start3A_405 = tpu.memref_slice %arg10[%dma_start3A_404] : memref<2048xf32, #tpu.memory_space<vmem>> -> memref<128xf32, #tpu.memory_space<vmem>>
      %dma_start3A_406 = arith.constant 0 : i32
      %dma_start3A_407 = tpu.memref_slice %arg6[%dma_start3A_403, %dma_start3A_406] : memref<16x128xi32, #tpu.memory_space<vmem>> -> memref<1x128xi32, #tpu.memory_space<vmem>>
      %dma_start3A_408 = tpu.memref_squeeze %dma_start3A_407 : memref<1x128xi32, #tpu.memory_space<vmem>> -> memref<128xi32, #tpu.memory_space<vmem>>
      %dma_start3A_409 = arith.constant 0 : i32
      %dma_start3A_410 = tpu.memref_slice %arg2[%dma_start3A_409] : memref<16777216xf32, #tpu.memory_space<hbm>> -> memref<16777216xf32, #tpu.memory_space<hbm>>
      tpu.enqueue_indirect_dma source(%dma_start3A_410 : memref<16777216xf32, #tpu.memory_space<hbm>>) target(%dma_start3A_405 : memref<128xf32, #tpu.memory_space<vmem>>) offsets(%dma_start3A_408 : memref<128xi32, #tpu.memory_space<vmem>>) semaphore(%arg14 : memref<!tpu.dma_semaphore, #tpu.memory_space<semaphore_mem>>)
      %dma_start3A_411 = arith.constant 12 : i32
      %dma_start3A_412 = arith.constant 1536 : i32
      %dma_start3A_413 = tpu.memref_slice %arg10[%dma_start3A_412] : memref<2048xf32, #tpu.memory_space<vmem>> -> memref<128xf32, #tpu.memory_space<vmem>>
      %dma_start3A_414 = arith.constant 0 : i32
      %dma_start3A_415 = tpu.memref_slice %arg6[%dma_start3A_411, %dma_start3A_414] : memref<16x128xi32, #tpu.memory_space<vmem>> -> memref<1x128xi32, #tpu.memory_space<vmem>>
      %dma_start3A_416 = tpu.memref_squeeze %dma_start3A_415 : memref<1x128xi32, #tpu.memory_space<vmem>> -> memref<128xi32, #tpu.memory_space<vmem>>
      %dma_start3A_417 = arith.constant 0 : i32
      %dma_start3A_418 = tpu.memref_slice %arg2[%dma_start3A_417] : memref<16777216xf32, #tpu.memory_space<hbm>> -> memref<16777216xf32, #tpu.memory_space<hbm>>
      tpu.enqueue_indirect_dma source(%dma_start3A_418 : memref<16777216xf32, #tpu.memory_space<hbm>>) target(%dma_start3A_413 : memref<128xf32, #tpu.memory_space<vmem>>) offsets(%dma_start3A_416 : memref<128xi32, #tpu.memory_space<vmem>>) semaphore(%arg14 : memref<!tpu.dma_semaphore, #tpu.memory_space<semaphore_mem>>)
      %dma_start3A_419 = arith.constant 13 : i32
      %dma_start3A_420 = arith.constant 1664 : i32
      %dma_start3A_421 = tpu.memref_slice %arg10[%dma_start3A_420] : memref<2048xf32, #tpu.memory_space<vmem>> -> memref<128xf32, #tpu.memory_space<vmem>>
      %dma_start3A_422 = arith.constant 0 : i32
      %dma_start3A_423 = tpu.memref_slice %arg6[%dma_start3A_419, %dma_start3A_422] : memref<16x128xi32, #tpu.memory_space<vmem>> -> memref<1x128xi32, #tpu.memory_space<vmem>>
      %dma_start3A_424 = tpu.memref_squeeze %dma_start3A_423 : memref<1x128xi32, #tpu.memory_space<vmem>> -> memref<128xi32, #tpu.memory_space<vmem>>
      %dma_start3A_425 = arith.constant 0 : i32
      %dma_start3A_426 = tpu.memref_slice %arg2[%dma_start3A_425] : memref<16777216xf32, #tpu.memory_space<hbm>> -> memref<16777216xf32, #tpu.memory_space<hbm>>
      tpu.enqueue_indirect_dma source(%dma_start3A_426 : memref<16777216xf32, #tpu.memory_space<hbm>>) target(%dma_start3A_421 : memref<128xf32, #tpu.memory_space<vmem>>) offsets(%dma_start3A_424 : memref<128xi32, #tpu.memory_space<vmem>>) semaphore(%arg14 : memref<!tpu.dma_semaphore, #tpu.memory_space<semaphore_mem>>)
      %dma_start3A_427 = arith.constant 14 : i32
      %dma_start3A_428 = arith.constant 1792 : i32
      %dma_start3A_429 = tpu.memref_slice %arg10[%dma_start3A_428] : memref<2048xf32, #tpu.memory_space<vmem>> -> memref<128xf32, #tpu.memory_space<vmem>>
      %dma_start3A_430 = arith.constant 0 : i32
      %dma_start3A_431 = tpu.memref_slice %arg6[%dma_start3A_427, %dma_start3A_430] : memref<16x128xi32, #tpu.memory_space<vmem>> -> memref<1x128xi32, #tpu.memory_space<vmem>>
      %dma_start3A_432 = tpu.memref_squeeze %dma_start3A_431 : memref<1x128xi32, #tpu.memory_space<vmem>> -> memref<128xi32, #tpu.memory_space<vmem>>
      %dma_start3A_433 = arith.constant 0 : i32
      %dma_start3A_434 = tpu.memref_slice %arg2[%dma_start3A_433] : memref<16777216xf32, #tpu.memory_space<hbm>> -> memref<16777216xf32, #tpu.memory_space<hbm>>
      tpu.enqueue_indirect_dma source(%dma_start3A_434 : memref<16777216xf32, #tpu.memory_space<hbm>>) target(%dma_start3A_429 : memref<128xf32, #tpu.memory_space<vmem>>) offsets(%dma_start3A_432 : memref<128xi32, #tpu.memory_space<vmem>>) semaphore(%arg14 : memref<!tpu.dma_semaphore, #tpu.memory_space<semaphore_mem>>)
      %dma_start3A_435 = arith.constant 15 : i32
      %dma_start3A_436 = arith.constant 1920 : i32
      %dma_start3A_437 = tpu.memref_slice %arg10[%dma_start3A_436] : memref<2048xf32, #tpu.memory_space<vmem>> -> memref<128xf32, #tpu.memory_space<vmem>>
      %dma_start3A_438 = arith.constant 0 : i32
      %dma_start3A_439 = tpu.memref_slice %arg6[%dma_start3A_435, %dma_start3A_438] : memref<16x128xi32, #tpu.memory_space<vmem>> -> memref<1x128xi32, #tpu.memory_space<vmem>>
      %dma_start3A_440 = tpu.memref_squeeze %dma_start3A_439 : memref<1x128xi32, #tpu.memory_space<vmem>> -> memref<128xi32, #tpu.memory_space<vmem>>
      %dma_start3A_441 = arith.constant 0 : i32
      %dma_start3A_442 = tpu.memref_slice %arg2[%dma_start3A_441] : memref<16777216xf32, #tpu.memory_space<hbm>> -> memref<16777216xf32, #tpu.memory_space<hbm>>
      tpu.enqueue_indirect_dma source(%dma_start3A_442 : memref<16777216xf32, #tpu.memory_space<hbm>>) target(%dma_start3A_437 : memref<128xf32, #tpu.memory_space<vmem>>) offsets(%dma_start3A_440 : memref<128xi32, #tpu.memory_space<vmem>>) semaphore(%arg14 : memref<!tpu.dma_semaphore, #tpu.memory_space<semaphore_mem>>)
      %lt3A = arith.constant 31 : i32
      %lt3A_443 = arith.cmpi slt, %add3A_305, %lt3A : i32
      %convert_element_type3A_444 = arith.extui %lt3A_443 : i1 to i32
      %cond3A_445 = arith.constant 0 : i32
      %cond3A_446 = arith.cmpi ne, %convert_element_type3A_444, %cond3A_445 : i32
      scf.if %cond3A_446 {
        %add3A_889 = arith.constant 1 : i32
        %add3A_890 = arith.addi %add3A_305, %add3A_889 : i32
        %scan3A_891 = arith.constant 0 : i32
        %scan3A_892 = arith.constant 0 : i32
        %scan3A_893 = arith.constant 32 : i32
        %scan3A_894 = arith.addi %scan3A_892, %scan3A_893 : i32
        %scan3A_895 = arith.constant 1 : i32
        %scan3A_896 = scf.for %scan3A_898 = %scan3A_892 to %scan3A_894 step %scan3A_895 iter_args(%scan3A_899 = %scan3A_891) -> (i32)  : i32 {
          %mul3A_900 = arith.constant 4 : i32
          %mul3A_901 = arith.muli %scan3A_898, %mul3A_900 : i32
          %add3A_902 = arith.constant 0 : i32
          %add3A_903 = arith.addi %mul3A_901, %add3A_902 : i32
          %mul3A_904 = arith.constant 2048 : i32
          %mul3A_905 = arith.muli %add3A_890, %mul3A_904 : i32
          %mul3A_906 = arith.constant 16 : i32
          %mul3A_907 = arith.muli %add3A_903, %mul3A_906 : i32
          %add3A_908 = arith.addi %mul3A_905, %mul3A_907 : i32
          %add3A_909 = arith.constant 14 : i32
          %add3A_910 = arith.addi %add3A_909, %add3A_908 : i32
          %get3A = arith.index_cast %add3A_910 : i32 to index
          %get3A_911 = tpu.vector_load %arg5[%get3A] {strides = array<i32>} : memref<65552xi32, #tpu.memory_space<vmem>>, vector<16xi32>,
          %get3A_912 = vector.shape_cast %get3A_911 : vector<16xi32> to vector<16xi32>
          %add3A_913 = arith.constant 15 : i32
          %add3A_914 = arith.addi %add3A_913, %add3A_908 : i32
          %get3A_915 = arith.index_cast %add3A_914 : i32 to index
          %get3A_916 = tpu.vector_load %arg5[%get3A_915] {strides = array<i32>} : memref<65552xi32, #tpu.memory_space<vmem>>, vector<16xi32>,
          %get3A_917 = vector.shape_cast %get3A_916 : vector<16xi32> to vector<16xi32>
          %add3A_918 = arith.constant 16 : i32
          %add3A_919 = arith.addi %add3A_918, %add3A_908 : i32
          %get3A_920 = arith.index_cast %add3A_919 : i32 to index
          %get3A_921 = tpu.vector_load %arg5[%get3A_920] {strides = array<i32>} : memref<65552xi32, #tpu.memory_space<vmem>>, vector<16xi32>,
          %get3A_922 = vector.shape_cast %get3A_921 : vector<16xi32> to vector<16xi32>
          %shift_left3A = arith.constant 16 : i32
          %shift_left3A_923 = vector.broadcast %shift_left3A : i32 to vector<16xi32>
          %shift_left3A_924 = arith.shli %get3A_912, %shift_left3A_923 : vector<16xi32>
          %shift_right_arithmetic3A = arith.constant 3 : i32
          %shift_right_arithmetic3A_925 = vector.broadcast %shift_right_arithmetic3A : i32 to vector<16xi32>
          %shift_right_arithmetic3A_926 = arith.shrsi %get3A_917, %shift_right_arithmetic3A_925 : vector<16xi32>
          %shift_left3A_927 = arith.constant 11 : i32
          %shift_left3A_928 = vector.broadcast %shift_left3A_927 : i32 to vector<16xi32>
          %shift_left3A_929 = arith.shli %shift_right_arithmetic3A_926, %shift_left3A_928 : vector<16xi32>
          %or3A = arith.ori %shift_left3A_924, %shift_left3A_929 : vector<16xi32>
          %shift_right_arithmetic3A_930 = arith.constant 7 : i32
          %shift_right_arithmetic3A_931 = vector.broadcast %shift_right_arithmetic3A_930 : i32 to vector<16xi32>
          %shift_right_arithmetic3A_932 = arith.shrsi %get3A_922, %shift_right_arithmetic3A_931 : vector<16xi32>
          %shift_left3A_933 = arith.constant 10 : i32
          %shift_left3A_934 = vector.broadcast %shift_left3A_933 : i32 to vector<16xi32>
          %shift_left3A_935 = arith.shli %shift_right_arithmetic3A_932, %shift_left3A_934 : vector<16xi32>
          %or3A_936 = arith.ori %or3A, %shift_left3A_935 : vector<16xi32>
          %and3A = arith.constant 7 : i32
          %and3A_937 = vector.broadcast %and3A : i32 to vector<16xi32>
          %and3A_938 = arith.andi %get3A_917, %and3A_937 : vector<16xi32>
          %shift_left3A_939 = arith.constant 7 : i32
          %shift_left3A_940 = vector.broadcast %shift_left3A_939 : i32 to vector<16xi32>
          %shift_left3A_941 = arith.shli %and3A_938, %shift_left3A_940 : vector<16xi32>
          %or3A_942 = arith.ori %or3A_936, %shift_left3A_941 : vector<16xi32>
          %and3A_943 = arith.constant 127 : i32
          %and3A_944 = vector.broadcast %and3A_943 : i32 to vector<16xi32>
          %and3A_945 = arith.andi %get3A_922, %and3A_944 : vector<16xi32>
          %or3A_946 = arith.ori %or3A_942, %and3A_945 : vector<16xi32>
          %jit3A = arith.constant 8 : i32
          %div3A = arith.divsi %add3A_903, %jit3A : i32
          %sign3A = arith.constant 0 : i32
          %sign3A_947 = arith.cmpi sgt, %add3A_903, %sign3A : i32
          %sign3A_948 = arith.extui %sign3A_947 : i1 to i32
          %sign3A_949 = arith.constant 0 : i32
          %sign3A_950 = arith.cmpi slt, %add3A_903, %sign3A_949 : i32
          %sign3A_951 = arith.extui %sign3A_950 : i1 to i32
          %sign3A_952 = arith.subi %sign3A_948, %sign3A_951 : i32
          %sign3A_953 = arith.constant 0 : i32
          %sign3A_954 = arith.cmpi sgt, %jit3A, %sign3A_953 : i32
          %sign3A_955 = arith.extui %sign3A_954 : i1 to i32
          %sign3A_956 = arith.constant 0 : i32
          %sign3A_957 = arith.cmpi slt, %jit3A, %sign3A_956 : i32
          %sign3A_958 = arith.extui %sign3A_957 : i1 to i32
          %sign3A_959 = arith.subi %sign3A_955, %sign3A_958 : i32
          %ne3A = arith.cmpi ne, %sign3A_952, %sign3A_959 : i32
          %rem3A = arith.remsi %add3A_903, %jit3A : i32
          %ne3A_960 = arith.constant 0 : i32
          %ne3A_961 = arith.cmpi ne, %rem3A, %ne3A_960 : i32
          %and3A_962 = arith.andi %ne3A, %ne3A_961 : i1
          %sub3A = arith.constant 1 : i32
          %sub3A_963 = arith.subi %div3A, %sub3A : i32
          %select_n3A = arith.select %and3A_962, %sub3A_963, %div3A : i32
          %jit3A_964 = arith.constant 8 : i32
          %eq3A_965 = arith.constant 0 : i32
          %eq3A_966 = arith.cmpi eq, %jit3A_964, %eq3A_965 : i32
          %jit3A_967 = arith.constant 1 : i32
          %select_n3A_968 = arith.select %eq3A_966, %jit3A_967, %jit3A_964 : i32
          %rem3A_969 = arith.remsi %add3A_903, %select_n3A_968 : i32
          %ne3A_970 = arith.constant 0 : i32
          %ne3A_971 = arith.cmpi ne, %rem3A_969, %ne3A_970 : i32
          %lt3A_972 = arith.constant 0 : i32
          %lt3A_973 = arith.cmpi slt, %rem3A_969, %lt3A_972 : i32
          %lt3A_974 = arith.constant 0 : i32
          %lt3A_975 = arith.cmpi slt, %select_n3A_968, %lt3A_974 : i32
          %ne3A_976 = arith.xori %lt3A_973, %lt3A_975 : i1
          %and3A_977 = arith.andi %ne3A_976, %ne3A_971 : i1
          %add3A_978 = arith.addi %rem3A_969, %select_n3A_968 : i32
          %select_n3A_979 = arith.select %and3A_977, %add3A_978, %rem3A_969 : i32
          %mul3A_980 = arith.constant 16 : i32
          %mul3A_981 = arith.muli %select_n3A_979, %mul3A_980 : i32
          %swap3A = arith.index_cast %select_n3A : i32 to index
          %swap3A_982 = arith.index_cast %mul3A_981 : i32 to index
          %swap3A_983 = tpu.vector_load %arg7[%swap3A, %swap3A_982] {strides = array<i32>} : memref<16x128xi32, #tpu.memory_space<vmem>>, vector<1x16xi32>,
          %swap3A_984 = vector.shape_cast %swap3A_983 : vector<1x16xi32> to vector<16xi32>
          %swap3A_985 = vector.shape_cast %or3A_946 : vector<16xi32> to vector<1x16xi32>
          tpu.vector_store %arg7[%swap3A, %swap3A_982], %swap3A_985 {strides = array<i32>} : memref<16x128xi32, #tpu.memory_space<vmem>>, vector<1x16xi32>,
          %mul3A_986 = arith.constant 4 : i32
          %mul3A_987 = arith.muli %scan3A_898, %mul3A_986 : i32
          %add3A_988 = arith.constant 1 : i32
          %add3A_989 = arith.addi %mul3A_987, %add3A_988 : i32
          %mul3A_990 = arith.constant 2048 : i32
          %mul3A_991 = arith.muli %add3A_890, %mul3A_990 : i32
          %mul3A_992 = arith.constant 16 : i32
          %mul3A_993 = arith.muli %add3A_989, %mul3A_992 : i32
          %add3A_994 = arith.addi %mul3A_991, %mul3A_993 : i32
          %add3A_995 = arith.constant 14 : i32
          %add3A_996 = arith.addi %add3A_995, %add3A_994 : i32
          %get3A_997 = arith.index_cast %add3A_996 : i32 to index
          %get3A_998 = tpu.vector_load %arg5[%get3A_997] {strides = array<i32>} : memref<65552xi32, #tpu.memory_space<vmem>>, vector<16xi32>,
          %get3A_999 = vector.shape_cast %get3A_998 : vector<16xi32> to vector<16xi32>
          %add3A_1000 = arith.constant 15 : i32
          %add3A_1001 = arith.addi %add3A_1000, %add3A_994 : i32
          %get3A_1002 = arith.index_cast %add3A_1001 : i32 to index
          %get3A_1003 = tpu.vector_load %arg5[%get3A_1002] {strides = array<i32>} : memref<65552xi32, #tpu.memory_space<vmem>>, vector<16xi32>,
          %get3A_1004 = vector.shape_cast %get3A_1003 : vector<16xi32> to vector<16xi32>
          %add3A_1005 = arith.constant 16 : i32
          %add3A_1006 = arith.addi %add3A_1005, %add3A_994 : i32
          %get3A_1007 = arith.index_cast %add3A_1006 : i32 to index
          %get3A_1008 = tpu.vector_load %arg5[%get3A_1007] {strides = array<i32>} : memref<65552xi32, #tpu.memory_space<vmem>>, vector<16xi32>,
          %get3A_1009 = vector.shape_cast %get3A_1008 : vector<16xi32> to vector<16xi32>
          %shift_left3A_1010 = arith.constant 16 : i32
          %shift_left3A_1011 = vector.broadcast %shift_left3A_1010 : i32 to vector<16xi32>
          %shift_left3A_1012 = arith.shli %get3A_999, %shift_left3A_1011 : vector<16xi32>
          %shift_right_arithmetic3A_1013 = arith.constant 3 : i32
          %shift_right_arithmetic3A_1014 = vector.broadcast %shift_right_arithmetic3A_1013 : i32 to vector<16xi32>
          %shift_right_arithmetic3A_1015 = arith.shrsi %get3A_1004, %shift_right_arithmetic3A_1014 : vector<16xi32>
          %shift_left3A_1016 = arith.constant 11 : i32
          %shift_left3A_1017 = vector.broadcast %shift_left3A_1016 : i32 to vector<16xi32>
          %shift_left3A_1018 = arith.shli %shift_right_arithmetic3A_1015, %shift_left3A_1017 : vector<16xi32>
          %or3A_1019 = arith.ori %shift_left3A_1012, %shift_left3A_1018 : vector<16xi32>
          %shift_right_arithmetic3A_1020 = arith.constant 7 : i32
          %shift_right_arithmetic3A_1021 = vector.broadcast %shift_right_arithmetic3A_1020 : i32 to vector<16xi32>
          %shift_right_arithmetic3A_1022 = arith.shrsi %get3A_1009, %shift_right_arithmetic3A_1021 : vector<16xi32>
          %shift_left3A_1023 = arith.constant 10 : i32
          %shift_left3A_1024 = vector.broadcast %shift_left3A_1023 : i32 to vector<16xi32>
          %shift_left3A_1025 = arith.shli %shift_right_arithmetic3A_1022, %shift_left3A_1024 : vector<16xi32>
          %or3A_1026 = arith.ori %or3A_1019, %shift_left3A_1025 : vector<16xi32>
          %and3A_1027 = arith.constant 7 : i32
          %and3A_1028 = vector.broadcast %and3A_1027 : i32 to vector<16xi32>
          %and3A_1029 = arith.andi %get3A_1004, %and3A_1028 : vector<16xi32>
          %shift_left3A_1030 = arith.constant 7 : i32
          %shift_left3A_1031 = vector.broadcast %shift_left3A_1030 : i32 to vector<16xi32>
          %shift_left3A_1032 = arith.shli %and3A_1029, %shift_left3A_1031 : vector<16xi32>
          %or3A_1033 = arith.ori %or3A_1026, %shift_left3A_1032 : vector<16xi32>
          %and3A_1034 = arith.constant 127 : i32
          %and3A_1035 = vector.broadcast %and3A_1034 : i32 to vector<16xi32>
          %and3A_1036 = arith.andi %get3A_1009, %and3A_1035 : vector<16xi32>
          %or3A_1037 = arith.ori %or3A_1033, %and3A_1036 : vector<16xi32>
          %jit3A_1038 = arith.constant 8 : i32
          %div3A_1039 = arith.divsi %add3A_989, %jit3A_1038 : i32
          %sign3A_1040 = arith.constant 0 : i32
          %sign3A_1041 = arith.cmpi sgt, %add3A_989, %sign3A_1040 : i32
          %sign3A_1042 = arith.extui %sign3A_1041 : i1 to i32
          %sign3A_1043 = arith.constant 0 : i32
          %sign3A_1044 = arith.cmpi slt, %add3A_989, %sign3A_1043 : i32
          %sign3A_1045 = arith.extui %sign3A_1044 : i1 to i32
          %sign3A_1046 = arith.subi %sign3A_1042, %sign3A_1045 : i32
          %sign3A_1047 = arith.constant 0 : i32
          %sign3A_1048 = arith.cmpi sgt, %jit3A_1038, %sign3A_1047 : i32
          %sign3A_1049 = arith.extui %sign3A_1048 : i1 to i32
          %sign3A_1050 = arith.constant 0 : i32
          %sign3A_1051 = arith.cmpi slt, %jit3A_1038, %sign3A_1050 : i32
          %sign3A_1052 = arith.extui %sign3A_1051 : i1 to i32
          %sign3A_1053 = arith.subi %sign3A_1049, %sign3A_1052 : i32
          %ne3A_1054 = arith.cmpi ne, %sign3A_1046, %sign3A_1053 : i32
          %rem3A_1055 = arith.remsi %add3A_989, %jit3A_1038 : i32
          %ne3A_1056 = arith.constant 0 : i32
          %ne3A_1057 = arith.cmpi ne, %rem3A_1055, %ne3A_1056 : i32
          %and3A_1058 = arith.andi %ne3A_1054, %ne3A_1057 : i1
          %sub3A_1059 = arith.constant 1 : i32
          %sub3A_1060 = arith.subi %div3A_1039, %sub3A_1059 : i32
          %select_n3A_1061 = arith.select %and3A_1058, %sub3A_1060, %div3A_1039 : i32
          %jit3A_1062 = arith.constant 8 : i32
          %eq3A_1063 = arith.constant 0 : i32
          %eq3A_1064 = arith.cmpi eq, %jit3A_1062, %eq3A_1063 : i32
          %jit3A_1065 = arith.constant 1 : i32
          %select_n3A_1066 = arith.select %eq3A_1064, %jit3A_1065, %jit3A_1062 : i32
          %rem3A_1067 = arith.remsi %add3A_989, %select_n3A_1066 : i32
          %ne3A_1068 = arith.constant 0 : i32
          %ne3A_1069 = arith.cmpi ne, %rem3A_1067, %ne3A_1068 : i32
          %lt3A_1070 = arith.constant 0 : i32
          %lt3A_1071 = arith.cmpi slt, %rem3A_1067, %lt3A_1070 : i32
          %lt3A_1072 = arith.constant 0 : i32
          %lt3A_1073 = arith.cmpi slt, %select_n3A_1066, %lt3A_1072 : i32
          %ne3A_1074 = arith.xori %lt3A_1071, %lt3A_1073 : i1
          %and3A_1075 = arith.andi %ne3A_1074, %ne3A_1069 : i1
          %add3A_1076 = arith.addi %rem3A_1067, %select_n3A_1066 : i32
          %select_n3A_1077 = arith.select %and3A_1075, %add3A_1076, %rem3A_1067 : i32
          %mul3A_1078 = arith.constant 16 : i32
          %mul3A_1079 = arith.muli %select_n3A_1077, %mul3A_1078 : i32
          %swap3A_1080 = arith.index_cast %select_n3A_1061 : i32 to index
          %swap3A_1081 = arith.index_cast %mul3A_1079 : i32 to index
          %swap3A_1082 = tpu.vector_load %arg7[%swap3A_1080, %swap3A_1081] {strides = array<i32>} : memref<16x128xi32, #tpu.memory_space<vmem>>, vector<1x16xi32>,
          %swap3A_1083 = vector.shape_cast %swap3A_1082 : vector<1x16xi32> to vector<16xi32>
          %swap3A_1084 = vector.shape_cast %or3A_1037 : vector<16xi32> to vector<1x16xi32>
          tpu.vector_store %arg7[%swap3A_1080, %swap3A_1081], %swap3A_1084 {strides = array<i32>} : memref<16x128xi32, #tpu.memory_space<vmem>>, vector<1x16xi32>,
          %mul3A_1085 = arith.constant 4 : i32
          %mul3A_1086 = arith.muli %scan3A_898, %mul3A_1085 : i32
          %add3A_1087 = arith.constant 2 : i32
          %add3A_1088 = arith.addi %mul3A_1086, %add3A_1087 : i32
          %mul3A_1089 = arith.constant 2048 : i32
          %mul3A_1090 = arith.muli %add3A_890, %mul3A_1089 : i32
          %mul3A_1091 = arith.constant 16 : i32
          %mul3A_1092 = arith.muli %add3A_1088, %mul3A_1091 : i32
          %add3A_1093 = arith.addi %mul3A_1090, %mul3A_1092 : i32
          %add3A_1094 = arith.constant 14 : i32
          %add3A_1095 = arith.addi %add3A_1094, %add3A_1093 : i32
          %get3A_1096 = arith.index_cast %add3A_1095 : i32 to index
          %get3A_1097 = tpu.vector_load %arg5[%get3A_1096] {strides = array<i32>} : memref<65552xi32, #tpu.memory_space<vmem>>, vector<16xi32>,
          %get3A_1098 = vector.shape_cast %get3A_1097 : vector<16xi32> to vector<16xi32>
          %add3A_1099 = arith.constant 15 : i32
          %add3A_1100 = arith.addi %add3A_1099, %add3A_1093 : i32
          %get3A_1101 = arith.index_cast %add3A_1100 : i32 to index
          %get3A_1102 = tpu.vector_load %arg5[%get3A_1101] {strides = array<i32>} : memref<65552xi32, #tpu.memory_space<vmem>>, vector<16xi32>,
          %get3A_1103 = vector.shape_cast %get3A_1102 : vector<16xi32> to vector<16xi32>
          %add3A_1104 = arith.constant 16 : i32
          %add3A_1105 = arith.addi %add3A_1104, %add3A_1093 : i32
          %get3A_1106 = arith.index_cast %add3A_1105 : i32 to index
          %get3A_1107 = tpu.vector_load %arg5[%get3A_1106] {strides = array<i32>} : memref<65552xi32, #tpu.memory_space<vmem>>, vector<16xi32>,
          %get3A_1108 = vector.shape_cast %get3A_1107 : vector<16xi32> to vector<16xi32>
          %shift_left3A_1109 = arith.constant 16 : i32
          %shift_left3A_1110 = vector.broadcast %shift_left3A_1109 : i32 to vector<16xi32>
          %shift_left3A_1111 = arith.shli %get3A_1098, %shift_left3A_1110 : vector<16xi32>
          %shift_right_arithmetic3A_1112 = arith.constant 3 : i32
          %shift_right_arithmetic3A_1113 = vector.broadcast %shift_right_arithmetic3A_1112 : i32 to vector<16xi32>
          %shift_right_arithmetic3A_1114 = arith.shrsi %get3A_1103, %shift_right_arithmetic3A_1113 : vector<16xi32>
          %shift_left3A_1115 = arith.constant 11 : i32
          %shift_left3A_1116 = vector.broadcast %shift_left3A_1115 : i32 to vector<16xi32>
          %shift_left3A_1117 = arith.shli %shift_right_arithmetic3A_1114, %shift_left3A_1116 : vector<16xi32>
          %or3A_1118 = arith.ori %shift_left3A_1111, %shift_left3A_1117 : vector<16xi32>
          %shift_right_arithmetic3A_1119 = arith.constant 7 : i32
          %shift_right_arithmetic3A_1120 = vector.broadcast %shift_right_arithmetic3A_1119 : i32 to vector<16xi32>
          %shift_right_arithmetic3A_1121 = arith.shrsi %get3A_1108, %shift_right_arithmetic3A_1120 : vector<16xi32>
          %shift_left3A_1122 = arith.constant 10 : i32
          %shift_left3A_1123 = vector.broadcast %shift_left3A_1122 : i32 to vector<16xi32>
          %shift_left3A_1124 = arith.shli %shift_right_arithmetic3A_1121, %shift_left3A_1123 : vector<16xi32>
          %or3A_1125 = arith.ori %or3A_1118, %shift_left3A_1124 : vector<16xi32>
          %and3A_1126 = arith.constant 7 : i32
          %and3A_1127 = vector.broadcast %and3A_1126 : i32 to vector<16xi32>
          %and3A_1128 = arith.andi %get3A_1103, %and3A_1127 : vector<16xi32>
          %shift_left3A_1129 = arith.constant 7 : i32
          %shift_left3A_1130 = vector.broadcast %shift_left3A_1129 : i32 to vector<16xi32>
          %shift_left3A_1131 = arith.shli %and3A_1128, %shift_left3A_1130 : vector<16xi32>
          %or3A_1132 = arith.ori %or3A_1125, %shift_left3A_1131 : vector<16xi32>
          %and3A_1133 = arith.constant 127 : i32
          %and3A_1134 = vector.broadcast %and3A_1133 : i32 to vector<16xi32>
          %and3A_1135 = arith.andi %get3A_1108, %and3A_1134 : vector<16xi32>
          %or3A_1136 = arith.ori %or3A_1132, %and3A_1135 : vector<16xi32>
          %jit3A_1137 = arith.constant 8 : i32
          %div3A_1138 = arith.divsi %add3A_1088, %jit3A_1137 : i32
          %sign3A_1139 = arith.constant 0 : i32
          %sign3A_1140 = arith.cmpi sgt, %add3A_1088, %sign3A_1139 : i32
          %sign3A_1141 = arith.extui %sign3A_1140 : i1 to i32
          %sign3A_1142 = arith.constant 0 : i32
          %sign3A_1143 = arith.cmpi slt, %add3A_1088, %sign3A_1142 : i32
          %sign3A_1144 = arith.extui %sign3A_1143 : i1 to i32
          %sign3A_1145 = arith.subi %sign3A_1141, %sign3A_1144 : i32
          %sign3A_1146 = arith.constant 0 : i32
          %sign3A_1147 = arith.cmpi sgt, %jit3A_1137, %sign3A_1146 : i32
          %sign3A_1148 = arith.extui %sign3A_1147 : i1 to i32
          %sign3A_1149 = arith.constant 0 : i32
          %sign3A_1150 = arith.cmpi slt, %jit3A_1137, %sign3A_1149 : i32
          %sign3A_1151 = arith.extui %sign3A_1150 : i1 to i32
          %sign3A_1152 = arith.subi %sign3A_1148, %sign3A_1151 : i32
          %ne3A_1153 = arith.cmpi ne, %sign3A_1145, %sign3A_1152 : i32
          %rem3A_1154 = arith.remsi %add3A_1088, %jit3A_1137 : i32
          %ne3A_1155 = arith.constant 0 : i32
          %ne3A_1156 = arith.cmpi ne, %rem3A_1154, %ne3A_1155 : i32
          %and3A_1157 = arith.andi %ne3A_1153, %ne3A_1156 : i1
          %sub3A_1158 = arith.constant 1 : i32
          %sub3A_1159 = arith.subi %div3A_1138, %sub3A_1158 : i32
          %select_n3A_1160 = arith.select %and3A_1157, %sub3A_1159, %div3A_1138 : i32
          %jit3A_1161 = arith.constant 8 : i32
          %eq3A_1162 = arith.constant 0 : i32
          %eq3A_1163 = arith.cmpi eq, %jit3A_1161, %eq3A_1162 : i32
          %jit3A_1164 = arith.constant 1 : i32
          %select_n3A_1165 = arith.select %eq3A_1163, %jit3A_1164, %jit3A_1161 : i32
          %rem3A_1166 = arith.remsi %add3A_1088, %select_n3A_1165 : i32
          %ne3A_1167 = arith.constant 0 : i32
          %ne3A_1168 = arith.cmpi ne, %rem3A_1166, %ne3A_1167 : i32
          %lt3A_1169 = arith.constant 0 : i32
          %lt3A_1170 = arith.cmpi slt, %rem3A_1166, %lt3A_1169 : i32
          %lt3A_1171 = arith.constant 0 : i32
          %lt3A_1172 = arith.cmpi slt, %select_n3A_1165, %lt3A_1171 : i32
          %ne3A_1173 = arith.xori %lt3A_1170, %lt3A_1172 : i1
          %and3A_1174 = arith.andi %ne3A_1173, %ne3A_1168 : i1
          %add3A_1175 = arith.addi %rem3A_1166, %select_n3A_1165 : i32
          %select_n3A_1176 = arith.select %and3A_1174, %add3A_1175, %rem3A_1166 : i32
          %mul3A_1177 = arith.constant 16 : i32
          %mul3A_1178 = arith.muli %select_n3A_1176, %mul3A_1177 : i32
          %swap3A_1179 = arith.index_cast %select_n3A_1160 : i32 to index
          %swap3A_1180 = arith.index_cast %mul3A_1178 : i32 to index
          %swap3A_1181 = tpu.vector_load %arg7[%swap3A_1179, %swap3A_1180] {strides = array<i32>} : memref<16x128xi32, #tpu.memory_space<vmem>>, vector<1x16xi32>,
          %swap3A_1182 = vector.shape_cast %swap3A_1181 : vector<1x16xi32> to vector<16xi32>
          %swap3A_1183 = vector.shape_cast %or3A_1136 : vector<16xi32> to vector<1x16xi32>
          tpu.vector_store %arg7[%swap3A_1179, %swap3A_1180], %swap3A_1183 {strides = array<i32>} : memref<16x128xi32, #tpu.memory_space<vmem>>, vector<1x16xi32>,
          %mul3A_1184 = arith.constant 4 : i32
          %mul3A_1185 = arith.muli %scan3A_898, %mul3A_1184 : i32
          %add3A_1186 = arith.constant 3 : i32
          %add3A_1187 = arith.addi %mul3A_1185, %add3A_1186 : i32
          %mul3A_1188 = arith.constant 2048 : i32
          %mul3A_1189 = arith.muli %add3A_890, %mul3A_1188 : i32
          %mul3A_1190 = arith.constant 16 : i32
          %mul3A_1191 = arith.muli %add3A_1187, %mul3A_1190 : i32
          %add3A_1192 = arith.addi %mul3A_1189, %mul3A_1191 : i32
          %add3A_1193 = arith.constant 14 : i32
          %add3A_1194 = arith.addi %add3A_1193, %add3A_1192 : i32
          %get3A_1195 = arith.index_cast %add3A_1194 : i32 to index
          %get3A_1196 = tpu.vector_load %arg5[%get3A_1195] {strides = array<i32>} : memref<65552xi32, #tpu.memory_space<vmem>>, vector<16xi32>,
          %get3A_1197 = vector.shape_cast %get3A_1196 : vector<16xi32> to vector<16xi32>
          %add3A_1198 = arith.constant 15 : i32
          %add3A_1199 = arith.addi %add3A_1198, %add3A_1192 : i32
          %get3A_1200 = arith.index_cast %add3A_1199 : i32 to index
          %get3A_1201 = tpu.vector_load %arg5[%get3A_1200] {strides = array<i32>} : memref<65552xi32, #tpu.memory_space<vmem>>, vector<16xi32>,
          %get3A_1202 = vector.shape_cast %get3A_1201 : vector<16xi32> to vector<16xi32>
          %add3A_1203 = arith.constant 16 : i32
          %add3A_1204 = arith.addi %add3A_1203, %add3A_1192 : i32
          %get3A_1205 = arith.index_cast %add3A_1204 : i32 to index
          %get3A_1206 = tpu.vector_load %arg5[%get3A_1205] {strides = array<i32>} : memref<65552xi32, #tpu.memory_space<vmem>>, vector<16xi32>,
          %get3A_1207 = vector.shape_cast %get3A_1206 : vector<16xi32> to vector<16xi32>
          %shift_left3A_1208 = arith.constant 16 : i32
          %shift_left3A_1209 = vector.broadcast %shift_left3A_1208 : i32 to vector<16xi32>
          %shift_left3A_1210 = arith.shli %get3A_1197, %shift_left3A_1209 : vector<16xi32>
          %shift_right_arithmetic3A_1211 = arith.constant 3 : i32
          %shift_right_arithmetic3A_1212 = vector.broadcast %shift_right_arithmetic3A_1211 : i32 to vector<16xi32>
          %shift_right_arithmetic3A_1213 = arith.shrsi %get3A_1202, %shift_right_arithmetic3A_1212 : vector<16xi32>
          %shift_left3A_1214 = arith.constant 11 : i32
          %shift_left3A_1215 = vector.broadcast %shift_left3A_1214 : i32 to vector<16xi32>
          %shift_left3A_1216 = arith.shli %shift_right_arithmetic3A_1213, %shift_left3A_1215 : vector<16xi32>
          %or3A_1217 = arith.ori %shift_left3A_1210, %shift_left3A_1216 : vector<16xi32>
          %shift_right_arithmetic3A_1218 = arith.constant 7 : i32
          %shift_right_arithmetic3A_1219 = vector.broadcast %shift_right_arithmetic3A_1218 : i32 to vector<16xi32>
          %shift_right_arithmetic3A_1220 = arith.shrsi %get3A_1207, %shift_right_arithmetic3A_1219 : vector<16xi32>
          %shift_left3A_1221 = arith.constant 10 : i32
          %shift_left3A_1222 = vector.broadcast %shift_left3A_1221 : i32 to vector<16xi32>
          %shift_left3A_1223 = arith.shli %shift_right_arithmetic3A_1220, %shift_left3A_1222 : vector<16xi32>
          %or3A_1224 = arith.ori %or3A_1217, %shift_left3A_1223 : vector<16xi32>
          %and3A_1225 = arith.constant 7 : i32
          %and3A_1226 = vector.broadcast %and3A_1225 : i32 to vector<16xi32>
          %and3A_1227 = arith.andi %get3A_1202, %and3A_1226 : vector<16xi32>
          %shift_left3A_1228 = arith.constant 7 : i32
          %shift_left3A_1229 = vector.broadcast %shift_left3A_1228 : i32 to vector<16xi32>
          %shift_left3A_1230 = arith.shli %and3A_1227, %shift_left3A_1229 : vector<16xi32>
          %or3A_1231 = arith.ori %or3A_1224, %shift_left3A_1230 : vector<16xi32>
          %and3A_1232 = arith.constant 127 : i32
          %and3A_1233 = vector.broadcast %and3A_1232 : i32 to vector<16xi32>
          %and3A_1234 = arith.andi %get3A_1207, %and3A_1233 : vector<16xi32>
          %or3A_1235 = arith.ori %or3A_1231, %and3A_1234 : vector<16xi32>
          %jit3A_1236 = arith.constant 8 : i32
          %div3A_1237 = arith.divsi %add3A_1187, %jit3A_1236 : i32
          %sign3A_1238 = arith.constant 0 : i32
          %sign3A_1239 = arith.cmpi sgt, %add3A_1187, %sign3A_1238 : i32
          %sign3A_1240 = arith.extui %sign3A_1239 : i1 to i32
          %sign3A_1241 = arith.constant 0 : i32
          %sign3A_1242 = arith.cmpi slt, %add3A_1187, %sign3A_1241 : i32
          %sign3A_1243 = arith.extui %sign3A_1242 : i1 to i32
          %sign3A_1244 = arith.subi %sign3A_1240, %sign3A_1243 : i32
          %sign3A_1245 = arith.constant 0 : i32
          %sign3A_1246 = arith.cmpi sgt, %jit3A_1236, %sign3A_1245 : i32
          %sign3A_1247 = arith.extui %sign3A_1246 : i1 to i32
          %sign3A_1248 = arith.constant 0 : i32
          %sign3A_1249 = arith.cmpi slt, %jit3A_1236, %sign3A_1248 : i32
          %sign3A_1250 = arith.extui %sign3A_1249 : i1 to i32
          %sign3A_1251 = arith.subi %sign3A_1247, %sign3A_1250 : i32
          %ne3A_1252 = arith.cmpi ne, %sign3A_1244, %sign3A_1251 : i32
          %rem3A_1253 = arith.remsi %add3A_1187, %jit3A_1236 : i32
          %ne3A_1254 = arith.constant 0 : i32
          %ne3A_1255 = arith.cmpi ne, %rem3A_1253, %ne3A_1254 : i32
          %and3A_1256 = arith.andi %ne3A_1252, %ne3A_1255 : i1
          %sub3A_1257 = arith.constant 1 : i32
          %sub3A_1258 = arith.subi %div3A_1237, %sub3A_1257 : i32
          %select_n3A_1259 = arith.select %and3A_1256, %sub3A_1258, %div3A_1237 : i32
          %jit3A_1260 = arith.constant 8 : i32
          %eq3A_1261 = arith.constant 0 : i32
          %eq3A_1262 = arith.cmpi eq, %jit3A_1260, %eq3A_1261 : i32
          %jit3A_1263 = arith.constant 1 : i32
          %select_n3A_1264 = arith.select %eq3A_1262, %jit3A_1263, %jit3A_1260 : i32
          %rem3A_1265 = arith.remsi %add3A_1187, %select_n3A_1264 : i32
          %ne3A_1266 = arith.constant 0 : i32
          %ne3A_1267 = arith.cmpi ne, %rem3A_1265, %ne3A_1266 : i32
          %lt3A_1268 = arith.constant 0 : i32
          %lt3A_1269 = arith.cmpi slt, %rem3A_1265, %lt3A_1268 : i32
          %lt3A_1270 = arith.constant 0 : i32
          %lt3A_1271 = arith.cmpi slt, %select_n3A_1264, %lt3A_1270 : i32
          %ne3A_1272 = arith.xori %lt3A_1269, %lt3A_1271 : i1
          %and3A_1273 = arith.andi %ne3A_1272, %ne3A_1267 : i1
          %add3A_1274 = arith.addi %rem3A_1265, %select_n3A_1264 : i32
          %select_n3A_1275 = arith.select %and3A_1273, %add3A_1274, %rem3A_1265 : i32
          %mul3A_1276 = arith.constant 16 : i32
          %mul3A_1277 = arith.muli %select_n3A_1275, %mul3A_1276 : i32
          %swap3A_1278 = arith.index_cast %select_n3A_1259 : i32 to index
          %swap3A_1279 = arith.index_cast %mul3A_1277 : i32 to index
          %swap3A_1280 = tpu.vector_load %arg7[%swap3A_1278, %swap3A_1279] {strides = array<i32>} : memref<16x128xi32, #tpu.memory_space<vmem>>, vector<1x16xi32>,
          %swap3A_1281 = vector.shape_cast %swap3A_1280 : vector<1x16xi32> to vector<16xi32>
          %swap3A_1282 = vector.shape_cast %or3A_1235 : vector<16xi32> to vector<1x16xi32>
          tpu.vector_store %arg7[%swap3A_1278, %swap3A_1279], %swap3A_1282 {strides = array<i32>} : memref<16x128xi32, #tpu.memory_space<vmem>>, vector<1x16xi32>,
          %scan3A_1283 = arith.constant 0 : i32
          scf.yield %scan3A_1283 : i32
        }
        %scan3A_897 = arith.constant 32 : i32
      } else {
      }
      %mul3A_447 = arith.constant 4 : i32
      %mul3A_448 = arith.muli %mul3A_447, %scan3A_300 : i32
      %add3A_449 = arith.constant 1 : i32
      %add3A_450 = arith.addi %mul3A_448, %add3A_449 : i32
      %ge3A_451 = arith.constant 2 : i32
      %ge3A_452 = arith.cmpi sge, %add3A_450, %ge3A_451 : i32
      %convert_element_type3A_453 = arith.extui %ge3A_452 : i1 to i32
      %cond3A_454 = arith.constant 0 : i32
      %cond3A_455 = arith.cmpi ne, %convert_element_type3A_453, %cond3A_454 : i32
      scf.if %cond3A_455 {
        %dma_wait3A_889 = arith.constant 0 : i32
        %dma_wait3A_890 = arith.constant 0 : i32
        %dma_wait3A_891 = tpu.memref_slice %arg13[%dma_wait3A_890] : memref<2048xf32, #tpu.memory_space<vmem>> -> memref<128xf32, #tpu.memory_space<vmem>>
        %dma_wait3A_892 = arith.constant 0 : i32
        %dma_wait3A_893 = tpu.memref_slice %arg9[%dma_wait3A_889, %dma_wait3A_892] : memref<16x128xi32, #tpu.memory_space<vmem>> -> memref<1x128xi32, #tpu.memory_space<vmem>>
        %dma_wait3A_894 = tpu.memref_squeeze %dma_wait3A_893 : memref<1x128xi32, #tpu.memory_space<vmem>> -> memref<128xi32, #tpu.memory_space<vmem>>
        %dma_wait3A_895 = arith.constant 0 : i32
        %dma_wait3A_896 = tpu.memref_slice %arg2[%dma_wait3A_895] : memref<16777216xf32, #tpu.memory_space<hbm>> -> memref<16777216xf32, #tpu.memory_space<hbm>>
        tpu.wait_indirect_dma semaphore(%arg17 : memref<!tpu.dma_semaphore, #tpu.memory_space<semaphore_mem>>) src(%dma_wait3A_896 : memref<16777216xf32, #tpu.memory_space<hbm>>) dst(%dma_wait3A_891 : memref<128xf32, #tpu.memory_space<vmem>>)
        %dma_wait3A_897 = arith.constant 1 : i32
        %dma_wait3A_898 = arith.constant 128 : i32
        %dma_wait3A_899 = tpu.memref_slice %arg13[%dma_wait3A_898] : memref<2048xf32, #tpu.memory_space<vmem>> -> memref<128xf32, #tpu.memory_space<vmem>>
        %dma_wait3A_900 = arith.constant 0 : i32
        %dma_wait3A_901 = tpu.memref_slice %arg9[%dma_wait3A_897, %dma_wait3A_900] : memref<16x128xi32, #tpu.memory_space<vmem>> -> memref<1x128xi32, #tpu.memory_space<vmem>>
        %dma_wait3A_902 = tpu.memref_squeeze %dma_wait3A_901 : memref<1x128xi32, #tpu.memory_space<vmem>> -> memref<128xi32, #tpu.memory_space<vmem>>
        %dma_wait3A_903 = arith.constant 0 : i32
        %dma_wait3A_904 = tpu.memref_slice %arg2[%dma_wait3A_903] : memref<16777216xf32, #tpu.memory_space<hbm>> -> memref<16777216xf32, #tpu.memory_space<hbm>>
        tpu.wait_indirect_dma semaphore(%arg17 : memref<!tpu.dma_semaphore, #tpu.memory_space<semaphore_mem>>) src(%dma_wait3A_904 : memref<16777216xf32, #tpu.memory_space<hbm>>) dst(%dma_wait3A_899 : memref<128xf32, #tpu.memory_space<vmem>>)
        %dma_wait3A_905 = arith.constant 2 : i32
        %dma_wait3A_906 = arith.constant 256 : i32
        %dma_wait3A_907 = tpu.memref_slice %arg13[%dma_wait3A_906] : memref<2048xf32, #tpu.memory_space<vmem>> -> memref<128xf32, #tpu.memory_space<vmem>>
        %dma_wait3A_908 = arith.constant 0 : i32
        %dma_wait3A_909 = tpu.memref_slice %arg9[%dma_wait3A_905, %dma_wait3A_908] : memref<16x128xi32, #tpu.memory_space<vmem>> -> memref<1x128xi32, #tpu.memory_space<vmem>>
        %dma_wait3A_910 = tpu.memref_squeeze %dma_wait3A_909 : memref<1x128xi32, #tpu.memory_space<vmem>> -> memref<128xi32, #tpu.memory_space<vmem>>
        %dma_wait3A_911 = arith.constant 0 : i32
        %dma_wait3A_912 = tpu.memref_slice %arg2[%dma_wait3A_911] : memref<16777216xf32, #tpu.memory_space<hbm>> -> memref<16777216xf32, #tpu.memory_space<hbm>>
        tpu.wait_indirect_dma semaphore(%arg17 : memref<!tpu.dma_semaphore, #tpu.memory_space<semaphore_mem>>) src(%dma_wait3A_912 : memref<16777216xf32, #tpu.memory_space<hbm>>) dst(%dma_wait3A_907 : memref<128xf32, #tpu.memory_space<vmem>>)
        %dma_wait3A_913 = arith.constant 3 : i32
        %dma_wait3A_914 = arith.constant 384 : i32
        %dma_wait3A_915 = tpu.memref_slice %arg13[%dma_wait3A_914] : memref<2048xf32, #tpu.memory_space<vmem>> -> memref<128xf32, #tpu.memory_space<vmem>>
        %dma_wait3A_916 = arith.constant 0 : i32
        %dma_wait3A_917 = tpu.memref_slice %arg9[%dma_wait3A_913, %dma_wait3A_916] : memref<16x128xi32, #tpu.memory_space<vmem>> -> memref<1x128xi32, #tpu.memory_space<vmem>>
        %dma_wait3A_918 = tpu.memref_squeeze %dma_wait3A_917 : memref<1x128xi32, #tpu.memory_space<vmem>> -> memref<128xi32, #tpu.memory_space<vmem>>
        %dma_wait3A_919 = arith.constant 0 : i32
        %dma_wait3A_920 = tpu.memref_slice %arg2[%dma_wait3A_919] : memref<16777216xf32, #tpu.memory_space<hbm>> -> memref<16777216xf32, #tpu.memory_space<hbm>>
        tpu.wait_indirect_dma semaphore(%arg17 : memref<!tpu.dma_semaphore, #tpu.memory_space<semaphore_mem>>) src(%dma_wait3A_920 : memref<16777216xf32, #tpu.memory_space<hbm>>) dst(%dma_wait3A_915 : memref<128xf32, #tpu.memory_space<vmem>>)
        %dma_wait3A_921 = arith.constant 4 : i32
        %dma_wait3A_922 = arith.constant 512 : i32
        %dma_wait3A_923 = tpu.memref_slice %arg13[%dma_wait3A_922] : memref<2048xf32, #tpu.memory_space<vmem>> -> memref<128xf32, #tpu.memory_space<vmem>>
        %dma_wait3A_924 = arith.constant 0 : i32
        %dma_wait3A_925 = tpu.memref_slice %arg9[%dma_wait3A_921, %dma_wait3A_924] : memref<16x128xi32, #tpu.memory_space<vmem>> -> memref<1x128xi32, #tpu.memory_space<vmem>>
        %dma_wait3A_926 = tpu.memref_squeeze %dma_wait3A_925 : memref<1x128xi32, #tpu.memory_space<vmem>> -> memref<128xi32, #tpu.memory_space<vmem>>
        %dma_wait3A_927 = arith.constant 0 : i32
        %dma_wait3A_928 = tpu.memref_slice %arg2[%dma_wait3A_927] : memref<16777216xf32, #tpu.memory_space<hbm>> -> memref<16777216xf32, #tpu.memory_space<hbm>>
        tpu.wait_indirect_dma semaphore(%arg17 : memref<!tpu.dma_semaphore, #tpu.memory_space<semaphore_mem>>) src(%dma_wait3A_928 : memref<16777216xf32, #tpu.memory_space<hbm>>) dst(%dma_wait3A_923 : memref<128xf32, #tpu.memory_space<vmem>>)
        %dma_wait3A_929 = arith.constant 5 : i32
        %dma_wait3A_930 = arith.constant 640 : i32
        %dma_wait3A_931 = tpu.memref_slice %arg13[%dma_wait3A_930] : memref<2048xf32, #tpu.memory_space<vmem>> -> memref<128xf32, #tpu.memory_space<vmem>>
        %dma_wait3A_932 = arith.constant 0 : i32
        %dma_wait3A_933 = tpu.memref_slice %arg9[%dma_wait3A_929, %dma_wait3A_932] : memref<16x128xi32, #tpu.memory_space<vmem>> -> memref<1x128xi32, #tpu.memory_space<vmem>>
        %dma_wait3A_934 = tpu.memref_squeeze %dma_wait3A_933 : memref<1x128xi32, #tpu.memory_space<vmem>> -> memref<128xi32, #tpu.memory_space<vmem>>
        %dma_wait3A_935 = arith.constant 0 : i32
        %dma_wait3A_936 = tpu.memref_slice %arg2[%dma_wait3A_935] : memref<16777216xf32, #tpu.memory_space<hbm>> -> memref<16777216xf32, #tpu.memory_space<hbm>>
        tpu.wait_indirect_dma semaphore(%arg17 : memref<!tpu.dma_semaphore, #tpu.memory_space<semaphore_mem>>) src(%dma_wait3A_936 : memref<16777216xf32, #tpu.memory_space<hbm>>) dst(%dma_wait3A_931 : memref<128xf32, #tpu.memory_space<vmem>>)
        %dma_wait3A_937 = arith.constant 6 : i32
        %dma_wait3A_938 = arith.constant 768 : i32
        %dma_wait3A_939 = tpu.memref_slice %arg13[%dma_wait3A_938] : memref<2048xf32, #tpu.memory_space<vmem>> -> memref<128xf32, #tpu.memory_space<vmem>>
        %dma_wait3A_940 = arith.constant 0 : i32
        %dma_wait3A_941 = tpu.memref_slice %arg9[%dma_wait3A_937, %dma_wait3A_940] : memref<16x128xi32, #tpu.memory_space<vmem>> -> memref<1x128xi32, #tpu.memory_space<vmem>>
        %dma_wait3A_942 = tpu.memref_squeeze %dma_wait3A_941 : memref<1x128xi32, #tpu.memory_space<vmem>> -> memref<128xi32, #tpu.memory_space<vmem>>
        %dma_wait3A_943 = arith.constant 0 : i32
        %dma_wait3A_944 = tpu.memref_slice %arg2[%dma_wait3A_943] : memref<16777216xf32, #tpu.memory_space<hbm>> -> memref<16777216xf32, #tpu.memory_space<hbm>>
        tpu.wait_indirect_dma semaphore(%arg17 : memref<!tpu.dma_semaphore, #tpu.memory_space<semaphore_mem>>) src(%dma_wait3A_944 : memref<16777216xf32, #tpu.memory_space<hbm>>) dst(%dma_wait3A_939 : memref<128xf32, #tpu.memory_space<vmem>>)
        %dma_wait3A_945 = arith.constant 7 : i32
        %dma_wait3A_946 = arith.constant 896 : i32
        %dma_wait3A_947 = tpu.memref_slice %arg13[%dma_wait3A_946] : memref<2048xf32, #tpu.memory_space<vmem>> -> memref<128xf32, #tpu.memory_space<vmem>>
        %dma_wait3A_948 = arith.constant 0 : i32
        %dma_wait3A_949 = tpu.memref_slice %arg9[%dma_wait3A_945, %dma_wait3A_948] : memref<16x128xi32, #tpu.memory_space<vmem>> -> memref<1x128xi32, #tpu.memory_space<vmem>>
        %dma_wait3A_950 = tpu.memref_squeeze %dma_wait3A_949 : memref<1x128xi32, #tpu.memory_space<vmem>> -> memref<128xi32, #tpu.memory_space<vmem>>
        %dma_wait3A_951 = arith.constant 0 : i32
        %dma_wait3A_952 = tpu.memref_slice %arg2[%dma_wait3A_951] : memref<16777216xf32, #tpu.memory_space<hbm>> -> memref<16777216xf32, #tpu.memory_space<hbm>>
        tpu.wait_indirect_dma semaphore(%arg17 : memref<!tpu.dma_semaphore, #tpu.memory_space<semaphore_mem>>) src(%dma_wait3A_952 : memref<16777216xf32, #tpu.memory_space<hbm>>) dst(%dma_wait3A_947 : memref<128xf32, #tpu.memory_space<vmem>>)
        %dma_wait3A_953 = arith.constant 8 : i32
        %dma_wait3A_954 = arith.constant 1024 : i32
        %dma_wait3A_955 = tpu.memref_slice %arg13[%dma_wait3A_954] : memref<2048xf32, #tpu.memory_space<vmem>> -> memref<128xf32, #tpu.memory_space<vmem>>
        %dma_wait3A_956 = arith.constant 0 : i32
        %dma_wait3A_957 = tpu.memref_slice %arg9[%dma_wait3A_953, %dma_wait3A_956] : memref<16x128xi32, #tpu.memory_space<vmem>> -> memref<1x128xi32, #tpu.memory_space<vmem>>
        %dma_wait3A_958 = tpu.memref_squeeze %dma_wait3A_957 : memref<1x128xi32, #tpu.memory_space<vmem>> -> memref<128xi32, #tpu.memory_space<vmem>>
        %dma_wait3A_959 = arith.constant 0 : i32
        %dma_wait3A_960 = tpu.memref_slice %arg2[%dma_wait3A_959] : memref<16777216xf32, #tpu.memory_space<hbm>> -> memref<16777216xf32, #tpu.memory_space<hbm>>
        tpu.wait_indirect_dma semaphore(%arg17 : memref<!tpu.dma_semaphore, #tpu.memory_space<semaphore_mem>>) src(%dma_wait3A_960 : memref<16777216xf32, #tpu.memory_space<hbm>>) dst(%dma_wait3A_955 : memref<128xf32, #tpu.memory_space<vmem>>)
        %dma_wait3A_961 = arith.constant 9 : i32
        %dma_wait3A_962 = arith.constant 1152 : i32
        %dma_wait3A_963 = tpu.memref_slice %arg13[%dma_wait3A_962] : memref<2048xf32, #tpu.memory_space<vmem>> -> memref<128xf32, #tpu.memory_space<vmem>>
        %dma_wait3A_964 = arith.constant 0 : i32
        %dma_wait3A_965 = tpu.memref_slice %arg9[%dma_wait3A_961, %dma_wait3A_964] : memref<16x128xi32, #tpu.memory_space<vmem>> -> memref<1x128xi32, #tpu.memory_space<vmem>>
        %dma_wait3A_966 = tpu.memref_squeeze %dma_wait3A_965 : memref<1x128xi32, #tpu.memory_space<vmem>> -> memref<128xi32, #tpu.memory_space<vmem>>
        %dma_wait3A_967 = arith.constant 0 : i32
        %dma_wait3A_968 = tpu.memref_slice %arg2[%dma_wait3A_967] : memref<16777216xf32, #tpu.memory_space<hbm>> -> memref<16777216xf32, #tpu.memory_space<hbm>>
        tpu.wait_indirect_dma semaphore(%arg17 : memref<!tpu.dma_semaphore, #tpu.memory_space<semaphore_mem>>) src(%dma_wait3A_968 : memref<16777216xf32, #tpu.memory_space<hbm>>) dst(%dma_wait3A_963 : memref<128xf32, #tpu.memory_space<vmem>>)
        %dma_wait3A_969 = arith.constant 10 : i32
        %dma_wait3A_970 = arith.constant 1280 : i32
        %dma_wait3A_971 = tpu.memref_slice %arg13[%dma_wait3A_970] : memref<2048xf32, #tpu.memory_space<vmem>> -> memref<128xf32, #tpu.memory_space<vmem>>
        %dma_wait3A_972 = arith.constant 0 : i32
        %dma_wait3A_973 = tpu.memref_slice %arg9[%dma_wait3A_969, %dma_wait3A_972] : memref<16x128xi32, #tpu.memory_space<vmem>> -> memref<1x128xi32, #tpu.memory_space<vmem>>
        %dma_wait3A_974 = tpu.memref_squeeze %dma_wait3A_973 : memref<1x128xi32, #tpu.memory_space<vmem>> -> memref<128xi32, #tpu.memory_space<vmem>>
        %dma_wait3A_975 = arith.constant 0 : i32
        %dma_wait3A_976 = tpu.memref_slice %arg2[%dma_wait3A_975] : memref<16777216xf32, #tpu.memory_space<hbm>> -> memref<16777216xf32, #tpu.memory_space<hbm>>
        tpu.wait_indirect_dma semaphore(%arg17 : memref<!tpu.dma_semaphore, #tpu.memory_space<semaphore_mem>>) src(%dma_wait3A_976 : memref<16777216xf32, #tpu.memory_space<hbm>>) dst(%dma_wait3A_971 : memref<128xf32, #tpu.memory_space<vmem>>)
        %dma_wait3A_977 = arith.constant 11 : i32
        %dma_wait3A_978 = arith.constant 1408 : i32
        %dma_wait3A_979 = tpu.memref_slice %arg13[%dma_wait3A_978] : memref<2048xf32, #tpu.memory_space<vmem>> -> memref<128xf32, #tpu.memory_space<vmem>>
        %dma_wait3A_980 = arith.constant 0 : i32
        %dma_wait3A_981 = tpu.memref_slice %arg9[%dma_wait3A_977, %dma_wait3A_980] : memref<16x128xi32, #tpu.memory_space<vmem>> -> memref<1x128xi32, #tpu.memory_space<vmem>>
        %dma_wait3A_982 = tpu.memref_squeeze %dma_wait3A_981 : memref<1x128xi32, #tpu.memory_space<vmem>> -> memref<128xi32, #tpu.memory_space<vmem>>
        %dma_wait3A_983 = arith.constant 0 : i32
        %dma_wait3A_984 = tpu.memref_slice %arg2[%dma_wait3A_983] : memref<16777216xf32, #tpu.memory_space<hbm>> -> memref<16777216xf32, #tpu.memory_space<hbm>>
        tpu.wait_indirect_dma semaphore(%arg17 : memref<!tpu.dma_semaphore, #tpu.memory_space<semaphore_mem>>) src(%dma_wait3A_984 : memref<16777216xf32, #tpu.memory_space<hbm>>) dst(%dma_wait3A_979 : memref<128xf32, #tpu.memory_space<vmem>>)
        %dma_wait3A_985 = arith.constant 12 : i32
        %dma_wait3A_986 = arith.constant 1536 : i32
        %dma_wait3A_987 = tpu.memref_slice %arg13[%dma_wait3A_986] : memref<2048xf32, #tpu.memory_space<vmem>> -> memref<128xf32, #tpu.memory_space<vmem>>
        %dma_wait3A_988 = arith.constant 0 : i32
        %dma_wait3A_989 = tpu.memref_slice %arg9[%dma_wait3A_985, %dma_wait3A_988] : memref<16x128xi32, #tpu.memory_space<vmem>> -> memref<1x128xi32, #tpu.memory_space<vmem>>
        %dma_wait3A_990 = tpu.memref_squeeze %dma_wait3A_989 : memref<1x128xi32, #tpu.memory_space<vmem>> -> memref<128xi32, #tpu.memory_space<vmem>>
        %dma_wait3A_991 = arith.constant 0 : i32
        %dma_wait3A_992 = tpu.memref_slice %arg2[%dma_wait3A_991] : memref<16777216xf32, #tpu.memory_space<hbm>> -> memref<16777216xf32, #tpu.memory_space<hbm>>
        tpu.wait_indirect_dma semaphore(%arg17 : memref<!tpu.dma_semaphore, #tpu.memory_space<semaphore_mem>>) src(%dma_wait3A_992 : memref<16777216xf32, #tpu.memory_space<hbm>>) dst(%dma_wait3A_987 : memref<128xf32, #tpu.memory_space<vmem>>)
        %dma_wait3A_993 = arith.constant 13 : i32
        %dma_wait3A_994 = arith.constant 1664 : i32
        %dma_wait3A_995 = tpu.memref_slice %arg13[%dma_wait3A_994] : memref<2048xf32, #tpu.memory_space<vmem>> -> memref<128xf32, #tpu.memory_space<vmem>>
        %dma_wait3A_996 = arith.constant 0 : i32
        %dma_wait3A_997 = tpu.memref_slice %arg9[%dma_wait3A_993, %dma_wait3A_996] : memref<16x128xi32, #tpu.memory_space<vmem>> -> memref<1x128xi32, #tpu.memory_space<vmem>>
        %dma_wait3A_998 = tpu.memref_squeeze %dma_wait3A_997 : memref<1x128xi32, #tpu.memory_space<vmem>> -> memref<128xi32, #tpu.memory_space<vmem>>
        %dma_wait3A_999 = arith.constant 0 : i32
        %dma_wait3A_1000 = tpu.memref_slice %arg2[%dma_wait3A_999] : memref<16777216xf32, #tpu.memory_space<hbm>> -> memref<16777216xf32, #tpu.memory_space<hbm>>
        tpu.wait_indirect_dma semaphore(%arg17 : memref<!tpu.dma_semaphore, #tpu.memory_space<semaphore_mem>>) src(%dma_wait3A_1000 : memref<16777216xf32, #tpu.memory_space<hbm>>) dst(%dma_wait3A_995 : memref<128xf32, #tpu.memory_space<vmem>>)
        %dma_wait3A_1001 = arith.constant 14 : i32
        %dma_wait3A_1002 = arith.constant 1792 : i32
        %dma_wait3A_1003 = tpu.memref_slice %arg13[%dma_wait3A_1002] : memref<2048xf32, #tpu.memory_space<vmem>> -> memref<128xf32, #tpu.memory_space<vmem>>
        %dma_wait3A_1004 = arith.constant 0 : i32
        %dma_wait3A_1005 = tpu.memref_slice %arg9[%dma_wait3A_1001, %dma_wait3A_1004] : memref<16x128xi32, #tpu.memory_space<vmem>> -> memref<1x128xi32, #tpu.memory_space<vmem>>
        %dma_wait3A_1006 = tpu.memref_squeeze %dma_wait3A_1005 : memref<1x128xi32, #tpu.memory_space<vmem>> -> memref<128xi32, #tpu.memory_space<vmem>>
        %dma_wait3A_1007 = arith.constant 0 : i32
        %dma_wait3A_1008 = tpu.memref_slice %arg2[%dma_wait3A_1007] : memref<16777216xf32, #tpu.memory_space<hbm>> -> memref<16777216xf32, #tpu.memory_space<hbm>>
        tpu.wait_indirect_dma semaphore(%arg17 : memref<!tpu.dma_semaphore, #tpu.memory_space<semaphore_mem>>) src(%dma_wait3A_1008 : memref<16777216xf32, #tpu.memory_space<hbm>>) dst(%dma_wait3A_1003 : memref<128xf32, #tpu.memory_space<vmem>>)
        %dma_wait3A_1009 = arith.constant 15 : i32
        %dma_wait3A_1010 = arith.constant 1920 : i32
        %dma_wait3A_1011 = tpu.memref_slice %arg13[%dma_wait3A_1010] : memref<2048xf32, #tpu.memory_space<vmem>> -> memref<128xf32, #tpu.memory_space<vmem>>
        %dma_wait3A_1012 = arith.constant 0 : i32
        %dma_wait3A_1013 = tpu.memref_slice %arg9[%dma_wait3A_1009, %dma_wait3A_1012] : memref<16x128xi32, #tpu.memory_space<vmem>> -> memref<1x128xi32, #tpu.memory_space<vmem>>
        %dma_wait3A_1014 = tpu.memref_squeeze %dma_wait3A_1013 : memref<1x128xi32, #tpu.memory_space<vmem>> -> memref<128xi32, #tpu.memory_space<vmem>>
        %dma_wait3A_1015 = arith.constant 0 : i32
        %dma_wait3A_1016 = tpu.memref_slice %arg2[%dma_wait3A_1015] : memref<16777216xf32, #tpu.memory_space<hbm>> -> memref<16777216xf32, #tpu.memory_space<hbm>>
        tpu.wait_indirect_dma semaphore(%arg17 : memref<!tpu.dma_semaphore, #tpu.memory_space<semaphore_mem>>) src(%dma_wait3A_1016 : memref<16777216xf32, #tpu.memory_space<hbm>>) dst(%dma_wait3A_1011 : memref<128xf32, #tpu.memory_space<vmem>>)
        %sub3A = arith.constant 2 : i32
        %sub3A_1017 = arith.subi %add3A_450, %sub3A : i32
        %mul3A_1018 = arith.constant 2048 : i32
        %mul3A_1019 = arith.muli %sub3A_1017, %mul3A_1018 : i32
        %add3A_1020 = arith.addi %mul3A_2, %mul3A_1019 : i32
        %dma_start3A_1021 = tpu.memref_slice %arg4[%add3A_1020] : memref<2097152xf32, #tpu.memory_space<hbm>> -> memref<2048xf32, #tpu.memory_space<hbm>>
        %dma_start3A_1022 = tpu.memref_slice %arg4[%add3A_1020] : memref<2097152xf32, #tpu.memory_space<hbm>> -> memref<2048xf32, #tpu.memory_space<hbm>>
        tpu.enqueue_dma source(%arg13 : memref<2048xf32, #tpu.memory_space<vmem>>) target(%dma_start3A_1022 : memref<2048xf32, #tpu.memory_space<hbm>>) target_semaphore(%arg21 : memref<!tpu.dma_semaphore, #tpu.memory_space<semaphore_mem>>)
      } else {
      }
      %ge3A_456 = arith.constant 4 : i32
      %ge3A_457 = arith.cmpi sge, %add3A_450, %ge3A_456 : i32
      %convert_element_type3A_458 = arith.extui %ge3A_457 : i1 to i32
      %cond3A_459 = arith.constant 0 : i32
      %cond3A_460 = arith.cmpi ne, %convert_element_type3A_458, %cond3A_459 : i32
      scf.if %cond3A_460 {
        %sub3A = arith.constant 4 : i32
        %sub3A_889 = arith.subi %add3A_450, %sub3A : i32
        %mul3A_890 = arith.constant 2048 : i32
        %mul3A_891 = arith.muli %sub3A_889, %mul3A_890 : i32
        %add3A_892 = arith.addi %mul3A_2, %mul3A_891 : i32
        %dma_wait3A_893 = tpu.memref_slice %arg4[%add3A_892] : memref<2097152xf32, #tpu.memory_space<hbm>> -> memref<2048xf32, #tpu.memory_space<hbm>>
        %dma_wait3A_894 = tpu.memref_slice %arg4[%add3A_892] : memref<2097152xf32, #tpu.memory_space<hbm>> -> memref<2048xf32, #tpu.memory_space<hbm>>
        tpu.wait_dma2 semaphore(%arg19 : memref<!tpu.dma_semaphore, #tpu.memory_space<semaphore_mem>>) src(%arg11 : memref<2048xf32, #tpu.memory_space<vmem>>) dst(%dma_wait3A_894 : memref<2048xf32, #tpu.memory_space<hbm>>)
      } else {
      }
      %dma_start3A_461 = arith.constant 0 : i32
      %dma_start3A_462 = arith.constant 0 : i32
      %dma_start3A_463 = tpu.memref_slice %arg11[%dma_start3A_462] : memref<2048xf32, #tpu.memory_space<vmem>> -> memref<128xf32, #tpu.memory_space<vmem>>
      %dma_start3A_464 = arith.constant 0 : i32
      %dma_start3A_465 = tpu.memref_slice %arg7[%dma_start3A_461, %dma_start3A_464] : memref<16x128xi32, #tpu.memory_space<vmem>> -> memref<1x128xi32, #tpu.memory_space<vmem>>
      %dma_start3A_466 = tpu.memref_squeeze %dma_start3A_465 : memref<1x128xi32, #tpu.memory_space<vmem>> -> memref<128xi32, #tpu.memory_space<vmem>>
      %dma_start3A_467 = arith.constant 0 : i32
      %dma_start3A_468 = tpu.memref_slice %arg2[%dma_start3A_467] : memref<16777216xf32, #tpu.memory_space<hbm>> -> memref<16777216xf32, #tpu.memory_space<hbm>>
      tpu.enqueue_indirect_dma source(%dma_start3A_468 : memref<16777216xf32, #tpu.memory_space<hbm>>) target(%dma_start3A_463 : memref<128xf32, #tpu.memory_space<vmem>>) offsets(%dma_start3A_466 : memref<128xi32, #tpu.memory_space<vmem>>) semaphore(%arg15 : memref<!tpu.dma_semaphore, #tpu.memory_space<semaphore_mem>>)
      %dma_start3A_469 = arith.constant 1 : i32
      %dma_start3A_470 = arith.constant 128 : i32
      %dma_start3A_471 = tpu.memref_slice %arg11[%dma_start3A_470] : memref<2048xf32, #tpu.memory_space<vmem>> -> memref<128xf32, #tpu.memory_space<vmem>>
      %dma_start3A_472 = arith.constant 0 : i32
      %dma_start3A_473 = tpu.memref_slice %arg7[%dma_start3A_469, %dma_start3A_472] : memref<16x128xi32, #tpu.memory_space<vmem>> -> memref<1x128xi32, #tpu.memory_space<vmem>>
      %dma_start3A_474 = tpu.memref_squeeze %dma_start3A_473 : memref<1x128xi32, #tpu.memory_space<vmem>> -> memref<128xi32, #tpu.memory_space<vmem>>
      %dma_start3A_475 = arith.constant 0 : i32
      %dma_start3A_476 = tpu.memref_slice %arg2[%dma_start3A_475] : memref<16777216xf32, #tpu.memory_space<hbm>> -> memref<16777216xf32, #tpu.memory_space<hbm>>
      tpu.enqueue_indirect_dma source(%dma_start3A_476 : memref<16777216xf32, #tpu.memory_space<hbm>>) target(%dma_start3A_471 : memref<128xf32, #tpu.memory_space<vmem>>) offsets(%dma_start3A_474 : memref<128xi32, #tpu.memory_space<vmem>>) semaphore(%arg15 : memref<!tpu.dma_semaphore, #tpu.memory_space<semaphore_mem>>)
      %dma_start3A_477 = arith.constant 2 : i32
      %dma_start3A_478 = arith.constant 256 : i32
      %dma_start3A_479 = tpu.memref_slice %arg11[%dma_start3A_478] : memref<2048xf32, #tpu.memory_space<vmem>> -> memref<128xf32, #tpu.memory_space<vmem>>
      %dma_start3A_480 = arith.constant 0 : i32
      %dma_start3A_481 = tpu.memref_slice %arg7[%dma_start3A_477, %dma_start3A_480] : memref<16x128xi32, #tpu.memory_space<vmem>> -> memref<1x128xi32, #tpu.memory_space<vmem>>
      %dma_start3A_482 = tpu.memref_squeeze %dma_start3A_481 : memref<1x128xi32, #tpu.memory_space<vmem>> -> memref<128xi32, #tpu.memory_space<vmem>>
      %dma_start3A_483 = arith.constant 0 : i32
      %dma_start3A_484 = tpu.memref_slice %arg2[%dma_start3A_483] : memref<16777216xf32, #tpu.memory_space<hbm>> -> memref<16777216xf32, #tpu.memory_space<hbm>>
      tpu.enqueue_indirect_dma source(%dma_start3A_484 : memref<16777216xf32, #tpu.memory_space<hbm>>) target(%dma_start3A_479 : memref<128xf32, #tpu.memory_space<vmem>>) offsets(%dma_start3A_482 : memref<128xi32, #tpu.memory_space<vmem>>) semaphore(%arg15 : memref<!tpu.dma_semaphore, #tpu.memory_space<semaphore_mem>>)
      %dma_start3A_485 = arith.constant 3 : i32
      %dma_start3A_486 = arith.constant 384 : i32
      %dma_start3A_487 = tpu.memref_slice %arg11[%dma_start3A_486] : memref<2048xf32, #tpu.memory_space<vmem>> -> memref<128xf32, #tpu.memory_space<vmem>>
      %dma_start3A_488 = arith.constant 0 : i32
      %dma_start3A_489 = tpu.memref_slice %arg7[%dma_start3A_485, %dma_start3A_488] : memref<16x128xi32, #tpu.memory_space<vmem>> -> memref<1x128xi32, #tpu.memory_space<vmem>>
      %dma_start3A_490 = tpu.memref_squeeze %dma_start3A_489 : memref<1x128xi32, #tpu.memory_space<vmem>> -> memref<128xi32, #tpu.memory_space<vmem>>
      %dma_start3A_491 = arith.constant 0 : i32
      %dma_start3A_492 = tpu.memref_slice %arg2[%dma_start3A_491] : memref<16777216xf32, #tpu.memory_space<hbm>> -> memref<16777216xf32, #tpu.memory_space<hbm>>
      tpu.enqueue_indirect_dma source(%dma_start3A_492 : memref<16777216xf32, #tpu.memory_space<hbm>>) target(%dma_start3A_487 : memref<128xf32, #tpu.memory_space<vmem>>) offsets(%dma_start3A_490 : memref<128xi32, #tpu.memory_space<vmem>>) semaphore(%arg15 : memref<!tpu.dma_semaphore, #tpu.memory_space<semaphore_mem>>)
      %dma_start3A_493 = arith.constant 4 : i32
      %dma_start3A_494 = arith.constant 512 : i32
      %dma_start3A_495 = tpu.memref_slice %arg11[%dma_start3A_494] : memref<2048xf32, #tpu.memory_space<vmem>> -> memref<128xf32, #tpu.memory_space<vmem>>
      %dma_start3A_496 = arith.constant 0 : i32
      %dma_start3A_497 = tpu.memref_slice %arg7[%dma_start3A_493, %dma_start3A_496] : memref<16x128xi32, #tpu.memory_space<vmem>> -> memref<1x128xi32, #tpu.memory_space<vmem>>
      %dma_start3A_498 = tpu.memref_squeeze %dma_start3A_497 : memref<1x128xi32, #tpu.memory_space<vmem>> -> memref<128xi32, #tpu.memory_space<vmem>>
      %dma_start3A_499 = arith.constant 0 : i32
      %dma_start3A_500 = tpu.memref_slice %arg2[%dma_start3A_499] : memref<16777216xf32, #tpu.memory_space<hbm>> -> memref<16777216xf32, #tpu.memory_space<hbm>>
      tpu.enqueue_indirect_dma source(%dma_start3A_500 : memref<16777216xf32, #tpu.memory_space<hbm>>) target(%dma_start3A_495 : memref<128xf32, #tpu.memory_space<vmem>>) offsets(%dma_start3A_498 : memref<128xi32, #tpu.memory_space<vmem>>) semaphore(%arg15 : memref<!tpu.dma_semaphore, #tpu.memory_space<semaphore_mem>>)
      %dma_start3A_501 = arith.constant 5 : i32
      %dma_start3A_502 = arith.constant 640 : i32
      %dma_start3A_503 = tpu.memref_slice %arg11[%dma_start3A_502] : memref<2048xf32, #tpu.memory_space<vmem>> -> memref<128xf32, #tpu.memory_space<vmem>>
      %dma_start3A_504 = arith.constant 0 : i32
      %dma_start3A_505 = tpu.memref_slice %arg7[%dma_start3A_501, %dma_start3A_504] : memref<16x128xi32, #tpu.memory_space<vmem>> -> memref<1x128xi32, #tpu.memory_space<vmem>>
      %dma_start3A_506 = tpu.memref_squeeze %dma_start3A_505 : memref<1x128xi32, #tpu.memory_space<vmem>> -> memref<128xi32, #tpu.memory_space<vmem>>
      %dma_start3A_507 = arith.constant 0 : i32
      %dma_start3A_508 = tpu.memref_slice %arg2[%dma_start3A_507] : memref<16777216xf32, #tpu.memory_space<hbm>> -> memref<16777216xf32, #tpu.memory_space<hbm>>
      tpu.enqueue_indirect_dma source(%dma_start3A_508 : memref<16777216xf32, #tpu.memory_space<hbm>>) target(%dma_start3A_503 : memref<128xf32, #tpu.memory_space<vmem>>) offsets(%dma_start3A_506 : memref<128xi32, #tpu.memory_space<vmem>>) semaphore(%arg15 : memref<!tpu.dma_semaphore, #tpu.memory_space<semaphore_mem>>)
      %dma_start3A_509 = arith.constant 6 : i32
      %dma_start3A_510 = arith.constant 768 : i32
      %dma_start3A_511 = tpu.memref_slice %arg11[%dma_start3A_510] : memref<2048xf32, #tpu.memory_space<vmem>> -> memref<128xf32, #tpu.memory_space<vmem>>
      %dma_start3A_512 = arith.constant 0 : i32
      %dma_start3A_513 = tpu.memref_slice %arg7[%dma_start3A_509, %dma_start3A_512] : memref<16x128xi32, #tpu.memory_space<vmem>> -> memref<1x128xi32, #tpu.memory_space<vmem>>
      %dma_start3A_514 = tpu.memref_squeeze %dma_start3A_513 : memref<1x128xi32, #tpu.memory_space<vmem>> -> memref<128xi32, #tpu.memory_space<vmem>>
      %dma_start3A_515 = arith.constant 0 : i32
      %dma_start3A_516 = tpu.memref_slice %arg2[%dma_start3A_515] : memref<16777216xf32, #tpu.memory_space<hbm>> -> memref<16777216xf32, #tpu.memory_space<hbm>>
      tpu.enqueue_indirect_dma source(%dma_start3A_516 : memref<16777216xf32, #tpu.memory_space<hbm>>) target(%dma_start3A_511 : memref<128xf32, #tpu.memory_space<vmem>>) offsets(%dma_start3A_514 : memref<128xi32, #tpu.memory_space<vmem>>) semaphore(%arg15 : memref<!tpu.dma_semaphore, #tpu.memory_space<semaphore_mem>>)
      %dma_start3A_517 = arith.constant 7 : i32
      %dma_start3A_518 = arith.constant 896 : i32
      %dma_start3A_519 = tpu.memref_slice %arg11[%dma_start3A_518] : memref<2048xf32, #tpu.memory_space<vmem>> -> memref<128xf32, #tpu.memory_space<vmem>>
      %dma_start3A_520 = arith.constant 0 : i32
      %dma_start3A_521 = tpu.memref_slice %arg7[%dma_start3A_517, %dma_start3A_520] : memref<16x128xi32, #tpu.memory_space<vmem>> -> memref<1x128xi32, #tpu.memory_space<vmem>>
      %dma_start3A_522 = tpu.memref_squeeze %dma_start3A_521 : memref<1x128xi32, #tpu.memory_space<vmem>> -> memref<128xi32, #tpu.memory_space<vmem>>
      %dma_start3A_523 = arith.constant 0 : i32
      %dma_start3A_524 = tpu.memref_slice %arg2[%dma_start3A_523] : memref<16777216xf32, #tpu.memory_space<hbm>> -> memref<16777216xf32, #tpu.memory_space<hbm>>
      tpu.enqueue_indirect_dma source(%dma_start3A_524 : memref<16777216xf32, #tpu.memory_space<hbm>>) target(%dma_start3A_519 : memref<128xf32, #tpu.memory_space<vmem>>) offsets(%dma_start3A_522 : memref<128xi32, #tpu.memory_space<vmem>>) semaphore(%arg15 : memref<!tpu.dma_semaphore, #tpu.memory_space<semaphore_mem>>)
      %dma_start3A_525 = arith.constant 8 : i32
      %dma_start3A_526 = arith.constant 1024 : i32
      %dma_start3A_527 = tpu.memref_slice %arg11[%dma_start3A_526] : memref<2048xf32, #tpu.memory_space<vmem>> -> memref<128xf32, #tpu.memory_space<vmem>>
      %dma_start3A_528 = arith.constant 0 : i32
      %dma_start3A_529 = tpu.memref_slice %arg7[%dma_start3A_525, %dma_start3A_528] : memref<16x128xi32, #tpu.memory_space<vmem>> -> memref<1x128xi32, #tpu.memory_space<vmem>>
      %dma_start3A_530 = tpu.memref_squeeze %dma_start3A_529 : memref<1x128xi32, #tpu.memory_space<vmem>> -> memref<128xi32, #tpu.memory_space<vmem>>
      %dma_start3A_531 = arith.constant 0 : i32
      %dma_start3A_532 = tpu.memref_slice %arg2[%dma_start3A_531] : memref<16777216xf32, #tpu.memory_space<hbm>> -> memref<16777216xf32, #tpu.memory_space<hbm>>
      tpu.enqueue_indirect_dma source(%dma_start3A_532 : memref<16777216xf32, #tpu.memory_space<hbm>>) target(%dma_start3A_527 : memref<128xf32, #tpu.memory_space<vmem>>) offsets(%dma_start3A_530 : memref<128xi32, #tpu.memory_space<vmem>>) semaphore(%arg15 : memref<!tpu.dma_semaphore, #tpu.memory_space<semaphore_mem>>)
      %dma_start3A_533 = arith.constant 9 : i32
      %dma_start3A_534 = arith.constant 1152 : i32
      %dma_start3A_535 = tpu.memref_slice %arg11[%dma_start3A_534] : memref<2048xf32, #tpu.memory_space<vmem>> -> memref<128xf32, #tpu.memory_space<vmem>>
      %dma_start3A_536 = arith.constant 0 : i32
      %dma_start3A_537 = tpu.memref_slice %arg7[%dma_start3A_533, %dma_start3A_536] : memref<16x128xi32, #tpu.memory_space<vmem>> -> memref<1x128xi32, #tpu.memory_space<vmem>>
      %dma_start3A_538 = tpu.memref_squeeze %dma_start3A_537 : memref<1x128xi32, #tpu.memory_space<vmem>> -> memref<128xi32, #tpu.memory_space<vmem>>
      %dma_start3A_539 = arith.constant 0 : i32
      %dma_start3A_540 = tpu.memref_slice %arg2[%dma_start3A_539] : memref<16777216xf32, #tpu.memory_space<hbm>> -> memref<16777216xf32, #tpu.memory_space<hbm>>
      tpu.enqueue_indirect_dma source(%dma_start3A_540 : memref<16777216xf32, #tpu.memory_space<hbm>>) target(%dma_start3A_535 : memref<128xf32, #tpu.memory_space<vmem>>) offsets(%dma_start3A_538 : memref<128xi32, #tpu.memory_space<vmem>>) semaphore(%arg15 : memref<!tpu.dma_semaphore, #tpu.memory_space<semaphore_mem>>)
      %dma_start3A_541 = arith.constant 10 : i32
      %dma_start3A_542 = arith.constant 1280 : i32
      %dma_start3A_543 = tpu.memref_slice %arg11[%dma_start3A_542] : memref<2048xf32, #tpu.memory_space<vmem>> -> memref<128xf32, #tpu.memory_space<vmem>>
      %dma_start3A_544 = arith.constant 0 : i32
      %dma_start3A_545 = tpu.memref_slice %arg7[%dma_start3A_541, %dma_start3A_544] : memref<16x128xi32, #tpu.memory_space<vmem>> -> memref<1x128xi32, #tpu.memory_space<vmem>>
      %dma_start3A_546 = tpu.memref_squeeze %dma_start3A_545 : memref<1x128xi32, #tpu.memory_space<vmem>> -> memref<128xi32, #tpu.memory_space<vmem>>
      %dma_start3A_547 = arith.constant 0 : i32
      %dma_start3A_548 = tpu.memref_slice %arg2[%dma_start3A_547] : memref<16777216xf32, #tpu.memory_space<hbm>> -> memref<16777216xf32, #tpu.memory_space<hbm>>
      tpu.enqueue_indirect_dma source(%dma_start3A_548 : memref<16777216xf32, #tpu.memory_space<hbm>>) target(%dma_start3A_543 : memref<128xf32, #tpu.memory_space<vmem>>) offsets(%dma_start3A_546 : memref<128xi32, #tpu.memory_space<vmem>>) semaphore(%arg15 : memref<!tpu.dma_semaphore, #tpu.memory_space<semaphore_mem>>)
      %dma_start3A_549 = arith.constant 11 : i32
      %dma_start3A_550 = arith.constant 1408 : i32
      %dma_start3A_551 = tpu.memref_slice %arg11[%dma_start3A_550] : memref<2048xf32, #tpu.memory_space<vmem>> -> memref<128xf32, #tpu.memory_space<vmem>>
      %dma_start3A_552 = arith.constant 0 : i32
      %dma_start3A_553 = tpu.memref_slice %arg7[%dma_start3A_549, %dma_start3A_552] : memref<16x128xi32, #tpu.memory_space<vmem>> -> memref<1x128xi32, #tpu.memory_space<vmem>>
      %dma_start3A_554 = tpu.memref_squeeze %dma_start3A_553 : memref<1x128xi32, #tpu.memory_space<vmem>> -> memref<128xi32, #tpu.memory_space<vmem>>
      %dma_start3A_555 = arith.constant 0 : i32
      %dma_start3A_556 = tpu.memref_slice %arg2[%dma_start3A_555] : memref<16777216xf32, #tpu.memory_space<hbm>> -> memref<16777216xf32, #tpu.memory_space<hbm>>
      tpu.enqueue_indirect_dma source(%dma_start3A_556 : memref<16777216xf32, #tpu.memory_space<hbm>>) target(%dma_start3A_551 : memref<128xf32, #tpu.memory_space<vmem>>) offsets(%dma_start3A_554 : memref<128xi32, #tpu.memory_space<vmem>>) semaphore(%arg15 : memref<!tpu.dma_semaphore, #tpu.memory_space<semaphore_mem>>)
      %dma_start3A_557 = arith.constant 12 : i32
      %dma_start3A_558 = arith.constant 1536 : i32
      %dma_start3A_559 = tpu.memref_slice %arg11[%dma_start3A_558] : memref<2048xf32, #tpu.memory_space<vmem>> -> memref<128xf32, #tpu.memory_space<vmem>>
      %dma_start3A_560 = arith.constant 0 : i32
      %dma_start3A_561 = tpu.memref_slice %arg7[%dma_start3A_557, %dma_start3A_560] : memref<16x128xi32, #tpu.memory_space<vmem>> -> memref<1x128xi32, #tpu.memory_space<vmem>>
      %dma_start3A_562 = tpu.memref_squeeze %dma_start3A_561 : memref<1x128xi32, #tpu.memory_space<vmem>> -> memref<128xi32, #tpu.memory_space<vmem>>
      %dma_start3A_563 = arith.constant 0 : i32
      %dma_start3A_564 = tpu.memref_slice %arg2[%dma_start3A_563] : memref<16777216xf32, #tpu.memory_space<hbm>> -> memref<16777216xf32, #tpu.memory_space<hbm>>
      tpu.enqueue_indirect_dma source(%dma_start3A_564 : memref<16777216xf32, #tpu.memory_space<hbm>>) target(%dma_start3A_559 : memref<128xf32, #tpu.memory_space<vmem>>) offsets(%dma_start3A_562 : memref<128xi32, #tpu.memory_space<vmem>>) semaphore(%arg15 : memref<!tpu.dma_semaphore, #tpu.memory_space<semaphore_mem>>)
      %dma_start3A_565 = arith.constant 13 : i32
      %dma_start3A_566 = arith.constant 1664 : i32
      %dma_start3A_567 = tpu.memref_slice %arg11[%dma_start3A_566] : memref<2048xf32, #tpu.memory_space<vmem>> -> memref<128xf32, #tpu.memory_space<vmem>>
      %dma_start3A_568 = arith.constant 0 : i32
      %dma_start3A_569 = tpu.memref_slice %arg7[%dma_start3A_565, %dma_start3A_568] : memref<16x128xi32, #tpu.memory_space<vmem>> -> memref<1x128xi32, #tpu.memory_space<vmem>>
      %dma_start3A_570 = tpu.memref_squeeze %dma_start3A_569 : memref<1x128xi32, #tpu.memory_space<vmem>> -> memref<128xi32, #tpu.memory_space<vmem>>
      %dma_start3A_571 = arith.constant 0 : i32
      %dma_start3A_572 = tpu.memref_slice %arg2[%dma_start3A_571] : memref<16777216xf32, #tpu.memory_space<hbm>> -> memref<16777216xf32, #tpu.memory_space<hbm>>
      tpu.enqueue_indirect_dma source(%dma_start3A_572 : memref<16777216xf32, #tpu.memory_space<hbm>>) target(%dma_start3A_567 : memref<128xf32, #tpu.memory_space<vmem>>) offsets(%dma_start3A_570 : memref<128xi32, #tpu.memory_space<vmem>>) semaphore(%arg15 : memref<!tpu.dma_semaphore, #tpu.memory_space<semaphore_mem>>)
      %dma_start3A_573 = arith.constant 14 : i32
      %dma_start3A_574 = arith.constant 1792 : i32
      %dma_start3A_575 = tpu.memref_slice %arg11[%dma_start3A_574] : memref<2048xf32, #tpu.memory_space<vmem>> -> memref<128xf32, #tpu.memory_space<vmem>>
      %dma_start3A_576 = arith.constant 0 : i32
      %dma_start3A_577 = tpu.memref_slice %arg7[%dma_start3A_573, %dma_start3A_576] : memref<16x128xi32, #tpu.memory_space<vmem>> -> memref<1x128xi32, #tpu.memory_space<vmem>>
      %dma_start3A_578 = tpu.memref_squeeze %dma_start3A_577 : memref<1x128xi32, #tpu.memory_space<vmem>> -> memref<128xi32, #tpu.memory_space<vmem>>
      %dma_start3A_579 = arith.constant 0 : i32
      %dma_start3A_580 = tpu.memref_slice %arg2[%dma_start3A_579] : memref<16777216xf32, #tpu.memory_space<hbm>> -> memref<16777216xf32, #tpu.memory_space<hbm>>
      tpu.enqueue_indirect_dma source(%dma_start3A_580 : memref<16777216xf32, #tpu.memory_space<hbm>>) target(%dma_start3A_575 : memref<128xf32, #tpu.memory_space<vmem>>) offsets(%dma_start3A_578 : memref<128xi32, #tpu.memory_space<vmem>>) semaphore(%arg15 : memref<!tpu.dma_semaphore, #tpu.memory_space<semaphore_mem>>)
      %dma_start3A_581 = arith.constant 15 : i32
      %dma_start3A_582 = arith.constant 1920 : i32
      %dma_start3A_583 = tpu.memref_slice %arg11[%dma_start3A_582] : memref<2048xf32, #tpu.memory_space<vmem>> -> memref<128xf32, #tpu.memory_space<vmem>>
      %dma_start3A_584 = arith.constant 0 : i32
      %dma_start3A_585 = tpu.memref_slice %arg7[%dma_start3A_581, %dma_start3A_584] : memref<16x128xi32, #tpu.memory_space<vmem>> -> memref<1x128xi32, #tpu.memory_space<vmem>>
      %dma_start3A_586 = tpu.memref_squeeze %dma_start3A_585 : memref<1x128xi32, #tpu.memory_space<vmem>> -> memref<128xi32, #tpu.memory_space<vmem>>
      %dma_start3A_587 = arith.constant 0 : i32
      %dma_start3A_588 = tpu.memref_slice %arg2[%dma_start3A_587] : memref<16777216xf32, #tpu.memory_space<hbm>> -> memref<16777216xf32, #tpu.memory_space<hbm>>
      tpu.enqueue_indirect_dma source(%dma_start3A_588 : memref<16777216xf32, #tpu.memory_space<hbm>>) target(%dma_start3A_583 : memref<128xf32, #tpu.memory_space<vmem>>) offsets(%dma_start3A_586 : memref<128xi32, #tpu.memory_space<vmem>>) semaphore(%arg15 : memref<!tpu.dma_semaphore, #tpu.memory_space<semaphore_mem>>)
      %lt3A_589 = arith.constant 31 : i32
      %lt3A_590 = arith.cmpi slt, %add3A_450, %lt3A_589 : i32
      %convert_element_type3A_591 = arith.extui %lt3A_590 : i1 to i32
      %cond3A_592 = arith.constant 0 : i32
      %cond3A_593 = arith.cmpi ne, %convert_element_type3A_591, %cond3A_592 : i32
      scf.if %cond3A_593 {
        %add3A_889 = arith.constant 1 : i32
        %add3A_890 = arith.addi %add3A_450, %add3A_889 : i32
        %scan3A_891 = arith.constant 0 : i32
        %scan3A_892 = arith.constant 0 : i32
        %scan3A_893 = arith.constant 32 : i32
        %scan3A_894 = arith.addi %scan3A_892, %scan3A_893 : i32
        %scan3A_895 = arith.constant 1 : i32
        %scan3A_896 = scf.for %scan3A_898 = %scan3A_892 to %scan3A_894 step %scan3A_895 iter_args(%scan3A_899 = %scan3A_891) -> (i32)  : i32 {
          %mul3A_900 = arith.constant 4 : i32
          %mul3A_901 = arith.muli %scan3A_898, %mul3A_900 : i32
          %add3A_902 = arith.constant 0 : i32
          %add3A_903 = arith.addi %mul3A_901, %add3A_902 : i32
          %mul3A_904 = arith.constant 2048 : i32
          %mul3A_905 = arith.muli %add3A_890, %mul3A_904 : i32
          %mul3A_906 = arith.constant 16 : i32
          %mul3A_907 = arith.muli %add3A_903, %mul3A_906 : i32
          %add3A_908 = arith.addi %mul3A_905, %mul3A_907 : i32
          %add3A_909 = arith.constant 14 : i32
          %add3A_910 = arith.addi %add3A_909, %add3A_908 : i32
          %get3A = arith.index_cast %add3A_910 : i32 to index
          %get3A_911 = tpu.vector_load %arg5[%get3A] {strides = array<i32>} : memref<65552xi32, #tpu.memory_space<vmem>>, vector<16xi32>,
          %get3A_912 = vector.shape_cast %get3A_911 : vector<16xi32> to vector<16xi32>
          %add3A_913 = arith.constant 15 : i32
          %add3A_914 = arith.addi %add3A_913, %add3A_908 : i32
          %get3A_915 = arith.index_cast %add3A_914 : i32 to index
          %get3A_916 = tpu.vector_load %arg5[%get3A_915] {strides = array<i32>} : memref<65552xi32, #tpu.memory_space<vmem>>, vector<16xi32>,
          %get3A_917 = vector.shape_cast %get3A_916 : vector<16xi32> to vector<16xi32>
          %add3A_918 = arith.constant 16 : i32
          %add3A_919 = arith.addi %add3A_918, %add3A_908 : i32
          %get3A_920 = arith.index_cast %add3A_919 : i32 to index
          %get3A_921 = tpu.vector_load %arg5[%get3A_920] {strides = array<i32>} : memref<65552xi32, #tpu.memory_space<vmem>>, vector<16xi32>,
          %get3A_922 = vector.shape_cast %get3A_921 : vector<16xi32> to vector<16xi32>
          %shift_left3A = arith.constant 16 : i32
          %shift_left3A_923 = vector.broadcast %shift_left3A : i32 to vector<16xi32>
          %shift_left3A_924 = arith.shli %get3A_912, %shift_left3A_923 : vector<16xi32>
          %shift_right_arithmetic3A = arith.constant 3 : i32
          %shift_right_arithmetic3A_925 = vector.broadcast %shift_right_arithmetic3A : i32 to vector<16xi32>
          %shift_right_arithmetic3A_926 = arith.shrsi %get3A_917, %shift_right_arithmetic3A_925 : vector<16xi32>
          %shift_left3A_927 = arith.constant 11 : i32
          %shift_left3A_928 = vector.broadcast %shift_left3A_927 : i32 to vector<16xi32>
          %shift_left3A_929 = arith.shli %shift_right_arithmetic3A_926, %shift_left3A_928 : vector<16xi32>
          %or3A = arith.ori %shift_left3A_924, %shift_left3A_929 : vector<16xi32>
          %shift_right_arithmetic3A_930 = arith.constant 7 : i32
          %shift_right_arithmetic3A_931 = vector.broadcast %shift_right_arithmetic3A_930 : i32 to vector<16xi32>
          %shift_right_arithmetic3A_932 = arith.shrsi %get3A_922, %shift_right_arithmetic3A_931 : vector<16xi32>
          %shift_left3A_933 = arith.constant 10 : i32
          %shift_left3A_934 = vector.broadcast %shift_left3A_933 : i32 to vector<16xi32>
          %shift_left3A_935 = arith.shli %shift_right_arithmetic3A_932, %shift_left3A_934 : vector<16xi32>
          %or3A_936 = arith.ori %or3A, %shift_left3A_935 : vector<16xi32>
          %and3A = arith.constant 7 : i32
          %and3A_937 = vector.broadcast %and3A : i32 to vector<16xi32>
          %and3A_938 = arith.andi %get3A_917, %and3A_937 : vector<16xi32>
          %shift_left3A_939 = arith.constant 7 : i32
          %shift_left3A_940 = vector.broadcast %shift_left3A_939 : i32 to vector<16xi32>
          %shift_left3A_941 = arith.shli %and3A_938, %shift_left3A_940 : vector<16xi32>
          %or3A_942 = arith.ori %or3A_936, %shift_left3A_941 : vector<16xi32>
          %and3A_943 = arith.constant 127 : i32
          %and3A_944 = vector.broadcast %and3A_943 : i32 to vector<16xi32>
          %and3A_945 = arith.andi %get3A_922, %and3A_944 : vector<16xi32>
          %or3A_946 = arith.ori %or3A_942, %and3A_945 : vector<16xi32>
          %jit3A = arith.constant 8 : i32
          %div3A = arith.divsi %add3A_903, %jit3A : i32
          %sign3A = arith.constant 0 : i32
          %sign3A_947 = arith.cmpi sgt, %add3A_903, %sign3A : i32
          %sign3A_948 = arith.extui %sign3A_947 : i1 to i32
          %sign3A_949 = arith.constant 0 : i32
          %sign3A_950 = arith.cmpi slt, %add3A_903, %sign3A_949 : i32
          %sign3A_951 = arith.extui %sign3A_950 : i1 to i32
          %sign3A_952 = arith.subi %sign3A_948, %sign3A_951 : i32
          %sign3A_953 = arith.constant 0 : i32
          %sign3A_954 = arith.cmpi sgt, %jit3A, %sign3A_953 : i32
          %sign3A_955 = arith.extui %sign3A_954 : i1 to i32
          %sign3A_956 = arith.constant 0 : i32
          %sign3A_957 = arith.cmpi slt, %jit3A, %sign3A_956 : i32
          %sign3A_958 = arith.extui %sign3A_957 : i1 to i32
          %sign3A_959 = arith.subi %sign3A_955, %sign3A_958 : i32
          %ne3A = arith.cmpi ne, %sign3A_952, %sign3A_959 : i32
          %rem3A = arith.remsi %add3A_903, %jit3A : i32
          %ne3A_960 = arith.constant 0 : i32
          %ne3A_961 = arith.cmpi ne, %rem3A, %ne3A_960 : i32
          %and3A_962 = arith.andi %ne3A, %ne3A_961 : i1
          %sub3A = arith.constant 1 : i32
          %sub3A_963 = arith.subi %div3A, %sub3A : i32
          %select_n3A = arith.select %and3A_962, %sub3A_963, %div3A : i32
          %jit3A_964 = arith.constant 8 : i32
          %eq3A_965 = arith.constant 0 : i32
          %eq3A_966 = arith.cmpi eq, %jit3A_964, %eq3A_965 : i32
          %jit3A_967 = arith.constant 1 : i32
          %select_n3A_968 = arith.select %eq3A_966, %jit3A_967, %jit3A_964 : i32
          %rem3A_969 = arith.remsi %add3A_903, %select_n3A_968 : i32
          %ne3A_970 = arith.constant 0 : i32
          %ne3A_971 = arith.cmpi ne, %rem3A_969, %ne3A_970 : i32
          %lt3A_972 = arith.constant 0 : i32
          %lt3A_973 = arith.cmpi slt, %rem3A_969, %lt3A_972 : i32
          %lt3A_974 = arith.constant 0 : i32
          %lt3A_975 = arith.cmpi slt, %select_n3A_968, %lt3A_974 : i32
          %ne3A_976 = arith.xori %lt3A_973, %lt3A_975 : i1
          %and3A_977 = arith.andi %ne3A_976, %ne3A_971 : i1
          %add3A_978 = arith.addi %rem3A_969, %select_n3A_968 : i32
          %select_n3A_979 = arith.select %and3A_977, %add3A_978, %rem3A_969 : i32
          %mul3A_980 = arith.constant 16 : i32
          %mul3A_981 = arith.muli %select_n3A_979, %mul3A_980 : i32
          %swap3A = arith.index_cast %select_n3A : i32 to index
          %swap3A_982 = arith.index_cast %mul3A_981 : i32 to index
          %swap3A_983 = tpu.vector_load %arg8[%swap3A, %swap3A_982] {strides = array<i32>} : memref<16x128xi32, #tpu.memory_space<vmem>>, vector<1x16xi32>,
          %swap3A_984 = vector.shape_cast %swap3A_983 : vector<1x16xi32> to vector<16xi32>
          %swap3A_985 = vector.shape_cast %or3A_946 : vector<16xi32> to vector<1x16xi32>
          tpu.vector_store %arg8[%swap3A, %swap3A_982], %swap3A_985 {strides = array<i32>} : memref<16x128xi32, #tpu.memory_space<vmem>>, vector<1x16xi32>,
          %mul3A_986 = arith.constant 4 : i32
          %mul3A_987 = arith.muli %scan3A_898, %mul3A_986 : i32
          %add3A_988 = arith.constant 1 : i32
          %add3A_989 = arith.addi %mul3A_987, %add3A_988 : i32
          %mul3A_990 = arith.constant 2048 : i32
          %mul3A_991 = arith.muli %add3A_890, %mul3A_990 : i32
          %mul3A_992 = arith.constant 16 : i32
          %mul3A_993 = arith.muli %add3A_989, %mul3A_992 : i32
          %add3A_994 = arith.addi %mul3A_991, %mul3A_993 : i32
          %add3A_995 = arith.constant 14 : i32
          %add3A_996 = arith.addi %add3A_995, %add3A_994 : i32
          %get3A_997 = arith.index_cast %add3A_996 : i32 to index
          %get3A_998 = tpu.vector_load %arg5[%get3A_997] {strides = array<i32>} : memref<65552xi32, #tpu.memory_space<vmem>>, vector<16xi32>,
          %get3A_999 = vector.shape_cast %get3A_998 : vector<16xi32> to vector<16xi32>
          %add3A_1000 = arith.constant 15 : i32
          %add3A_1001 = arith.addi %add3A_1000, %add3A_994 : i32
          %get3A_1002 = arith.index_cast %add3A_1001 : i32 to index
          %get3A_1003 = tpu.vector_load %arg5[%get3A_1002] {strides = array<i32>} : memref<65552xi32, #tpu.memory_space<vmem>>, vector<16xi32>,
          %get3A_1004 = vector.shape_cast %get3A_1003 : vector<16xi32> to vector<16xi32>
          %add3A_1005 = arith.constant 16 : i32
          %add3A_1006 = arith.addi %add3A_1005, %add3A_994 : i32
          %get3A_1007 = arith.index_cast %add3A_1006 : i32 to index
          %get3A_1008 = tpu.vector_load %arg5[%get3A_1007] {strides = array<i32>} : memref<65552xi32, #tpu.memory_space<vmem>>, vector<16xi32>,
          %get3A_1009 = vector.shape_cast %get3A_1008 : vector<16xi32> to vector<16xi32>
          %shift_left3A_1010 = arith.constant 16 : i32
          %shift_left3A_1011 = vector.broadcast %shift_left3A_1010 : i32 to vector<16xi32>
          %shift_left3A_1012 = arith.shli %get3A_999, %shift_left3A_1011 : vector<16xi32>
          %shift_right_arithmetic3A_1013 = arith.constant 3 : i32
          %shift_right_arithmetic3A_1014 = vector.broadcast %shift_right_arithmetic3A_1013 : i32 to vector<16xi32>
          %shift_right_arithmetic3A_1015 = arith.shrsi %get3A_1004, %shift_right_arithmetic3A_1014 : vector<16xi32>
          %shift_left3A_1016 = arith.constant 11 : i32
          %shift_left3A_1017 = vector.broadcast %shift_left3A_1016 : i32 to vector<16xi32>
          %shift_left3A_1018 = arith.shli %shift_right_arithmetic3A_1015, %shift_left3A_1017 : vector<16xi32>
          %or3A_1019 = arith.ori %shift_left3A_1012, %shift_left3A_1018 : vector<16xi32>
          %shift_right_arithmetic3A_1020 = arith.constant 7 : i32
          %shift_right_arithmetic3A_1021 = vector.broadcast %shift_right_arithmetic3A_1020 : i32 to vector<16xi32>
          %shift_right_arithmetic3A_1022 = arith.shrsi %get3A_1009, %shift_right_arithmetic3A_1021 : vector<16xi32>
          %shift_left3A_1023 = arith.constant 10 : i32
          %shift_left3A_1024 = vector.broadcast %shift_left3A_1023 : i32 to vector<16xi32>
          %shift_left3A_1025 = arith.shli %shift_right_arithmetic3A_1022, %shift_left3A_1024 : vector<16xi32>
          %or3A_1026 = arith.ori %or3A_1019, %shift_left3A_1025 : vector<16xi32>
          %and3A_1027 = arith.constant 7 : i32
          %and3A_1028 = vector.broadcast %and3A_1027 : i32 to vector<16xi32>
          %and3A_1029 = arith.andi %get3A_1004, %and3A_1028 : vector<16xi32>
          %shift_left3A_1030 = arith.constant 7 : i32
          %shift_left3A_1031 = vector.broadcast %shift_left3A_1030 : i32 to vector<16xi32>
          %shift_left3A_1032 = arith.shli %and3A_1029, %shift_left3A_1031 : vector<16xi32>
          %or3A_1033 = arith.ori %or3A_1026, %shift_left3A_1032 : vector<16xi32>
          %and3A_1034 = arith.constant 127 : i32
          %and3A_1035 = vector.broadcast %and3A_1034 : i32 to vector<16xi32>
          %and3A_1036 = arith.andi %get3A_1009, %and3A_1035 : vector<16xi32>
          %or3A_1037 = arith.ori %or3A_1033, %and3A_1036 : vector<16xi32>
          %jit3A_1038 = arith.constant 8 : i32
          %div3A_1039 = arith.divsi %add3A_989, %jit3A_1038 : i32
          %sign3A_1040 = arith.constant 0 : i32
          %sign3A_1041 = arith.cmpi sgt, %add3A_989, %sign3A_1040 : i32
          %sign3A_1042 = arith.extui %sign3A_1041 : i1 to i32
          %sign3A_1043 = arith.constant 0 : i32
          %sign3A_1044 = arith.cmpi slt, %add3A_989, %sign3A_1043 : i32
          %sign3A_1045 = arith.extui %sign3A_1044 : i1 to i32
          %sign3A_1046 = arith.subi %sign3A_1042, %sign3A_1045 : i32
          %sign3A_1047 = arith.constant 0 : i32
          %sign3A_1048 = arith.cmpi sgt, %jit3A_1038, %sign3A_1047 : i32
          %sign3A_1049 = arith.extui %sign3A_1048 : i1 to i32
          %sign3A_1050 = arith.constant 0 : i32
          %sign3A_1051 = arith.cmpi slt, %jit3A_1038, %sign3A_1050 : i32
          %sign3A_1052 = arith.extui %sign3A_1051 : i1 to i32
          %sign3A_1053 = arith.subi %sign3A_1049, %sign3A_1052 : i32
          %ne3A_1054 = arith.cmpi ne, %sign3A_1046, %sign3A_1053 : i32
          %rem3A_1055 = arith.remsi %add3A_989, %jit3A_1038 : i32
          %ne3A_1056 = arith.constant 0 : i32
          %ne3A_1057 = arith.cmpi ne, %rem3A_1055, %ne3A_1056 : i32
          %and3A_1058 = arith.andi %ne3A_1054, %ne3A_1057 : i1
          %sub3A_1059 = arith.constant 1 : i32
          %sub3A_1060 = arith.subi %div3A_1039, %sub3A_1059 : i32
          %select_n3A_1061 = arith.select %and3A_1058, %sub3A_1060, %div3A_1039 : i32
          %jit3A_1062 = arith.constant 8 : i32
          %eq3A_1063 = arith.constant 0 : i32
          %eq3A_1064 = arith.cmpi eq, %jit3A_1062, %eq3A_1063 : i32
          %jit3A_1065 = arith.constant 1 : i32
          %select_n3A_1066 = arith.select %eq3A_1064, %jit3A_1065, %jit3A_1062 : i32
          %rem3A_1067 = arith.remsi %add3A_989, %select_n3A_1066 : i32
          %ne3A_1068 = arith.constant 0 : i32
          %ne3A_1069 = arith.cmpi ne, %rem3A_1067, %ne3A_1068 : i32
          %lt3A_1070 = arith.constant 0 : i32
          %lt3A_1071 = arith.cmpi slt, %rem3A_1067, %lt3A_1070 : i32
          %lt3A_1072 = arith.constant 0 : i32
          %lt3A_1073 = arith.cmpi slt, %select_n3A_1066, %lt3A_1072 : i32
          %ne3A_1074 = arith.xori %lt3A_1071, %lt3A_1073 : i1
          %and3A_1075 = arith.andi %ne3A_1074, %ne3A_1069 : i1
          %add3A_1076 = arith.addi %rem3A_1067, %select_n3A_1066 : i32
          %select_n3A_1077 = arith.select %and3A_1075, %add3A_1076, %rem3A_1067 : i32
          %mul3A_1078 = arith.constant 16 : i32
          %mul3A_1079 = arith.muli %select_n3A_1077, %mul3A_1078 : i32
          %swap3A_1080 = arith.index_cast %select_n3A_1061 : i32 to index
          %swap3A_1081 = arith.index_cast %mul3A_1079 : i32 to index
          %swap3A_1082 = tpu.vector_load %arg8[%swap3A_1080, %swap3A_1081] {strides = array<i32>} : memref<16x128xi32, #tpu.memory_space<vmem>>, vector<1x16xi32>,
          %swap3A_1083 = vector.shape_cast %swap3A_1082 : vector<1x16xi32> to vector<16xi32>
          %swap3A_1084 = vector.shape_cast %or3A_1037 : vector<16xi32> to vector<1x16xi32>
          tpu.vector_store %arg8[%swap3A_1080, %swap3A_1081], %swap3A_1084 {strides = array<i32>} : memref<16x128xi32, #tpu.memory_space<vmem>>, vector<1x16xi32>,
          %mul3A_1085 = arith.constant 4 : i32
          %mul3A_1086 = arith.muli %scan3A_898, %mul3A_1085 : i32
          %add3A_1087 = arith.constant 2 : i32
          %add3A_1088 = arith.addi %mul3A_1086, %add3A_1087 : i32
          %mul3A_1089 = arith.constant 2048 : i32
          %mul3A_1090 = arith.muli %add3A_890, %mul3A_1089 : i32
          %mul3A_1091 = arith.constant 16 : i32
          %mul3A_1092 = arith.muli %add3A_1088, %mul3A_1091 : i32
          %add3A_1093 = arith.addi %mul3A_1090, %mul3A_1092 : i32
          %add3A_1094 = arith.constant 14 : i32
          %add3A_1095 = arith.addi %add3A_1094, %add3A_1093 : i32
          %get3A_1096 = arith.index_cast %add3A_1095 : i32 to index
          %get3A_1097 = tpu.vector_load %arg5[%get3A_1096] {strides = array<i32>} : memref<65552xi32, #tpu.memory_space<vmem>>, vector<16xi32>,
          %get3A_1098 = vector.shape_cast %get3A_1097 : vector<16xi32> to vector<16xi32>
          %add3A_1099 = arith.constant 15 : i32
          %add3A_1100 = arith.addi %add3A_1099, %add3A_1093 : i32
          %get3A_1101 = arith.index_cast %add3A_1100 : i32 to index
          %get3A_1102 = tpu.vector_load %arg5[%get3A_1101] {strides = array<i32>} : memref<65552xi32, #tpu.memory_space<vmem>>, vector<16xi32>,
          %get3A_1103 = vector.shape_cast %get3A_1102 : vector<16xi32> to vector<16xi32>
          %add3A_1104 = arith.constant 16 : i32
          %add3A_1105 = arith.addi %add3A_1104, %add3A_1093 : i32
          %get3A_1106 = arith.index_cast %add3A_1105 : i32 to index
          %get3A_1107 = tpu.vector_load %arg5[%get3A_1106] {strides = array<i32>} : memref<65552xi32, #tpu.memory_space<vmem>>, vector<16xi32>,
          %get3A_1108 = vector.shape_cast %get3A_1107 : vector<16xi32> to vector<16xi32>
          %shift_left3A_1109 = arith.constant 16 : i32
          %shift_left3A_1110 = vector.broadcast %shift_left3A_1109 : i32 to vector<16xi32>
          %shift_left3A_1111 = arith.shli %get3A_1098, %shift_left3A_1110 : vector<16xi32>
          %shift_right_arithmetic3A_1112 = arith.constant 3 : i32
          %shift_right_arithmetic3A_1113 = vector.broadcast %shift_right_arithmetic3A_1112 : i32 to vector<16xi32>
          %shift_right_arithmetic3A_1114 = arith.shrsi %get3A_1103, %shift_right_arithmetic3A_1113 : vector<16xi32>
          %shift_left3A_1115 = arith.constant 11 : i32
          %shift_left3A_1116 = vector.broadcast %shift_left3A_1115 : i32 to vector<16xi32>
          %shift_left3A_1117 = arith.shli %shift_right_arithmetic3A_1114, %shift_left3A_1116 : vector<16xi32>
          %or3A_1118 = arith.ori %shift_left3A_1111, %shift_left3A_1117 : vector<16xi32>
          %shift_right_arithmetic3A_1119 = arith.constant 7 : i32
          %shift_right_arithmetic3A_1120 = vector.broadcast %shift_right_arithmetic3A_1119 : i32 to vector<16xi32>
          %shift_right_arithmetic3A_1121 = arith.shrsi %get3A_1108, %shift_right_arithmetic3A_1120 : vector<16xi32>
          %shift_left3A_1122 = arith.constant 10 : i32
          %shift_left3A_1123 = vector.broadcast %shift_left3A_1122 : i32 to vector<16xi32>
          %shift_left3A_1124 = arith.shli %shift_right_arithmetic3A_1121, %shift_left3A_1123 : vector<16xi32>
          %or3A_1125 = arith.ori %or3A_1118, %shift_left3A_1124 : vector<16xi32>
          %and3A_1126 = arith.constant 7 : i32
          %and3A_1127 = vector.broadcast %and3A_1126 : i32 to vector<16xi32>
          %and3A_1128 = arith.andi %get3A_1103, %and3A_1127 : vector<16xi32>
          %shift_left3A_1129 = arith.constant 7 : i32
          %shift_left3A_1130 = vector.broadcast %shift_left3A_1129 : i32 to vector<16xi32>
          %shift_left3A_1131 = arith.shli %and3A_1128, %shift_left3A_1130 : vector<16xi32>
          %or3A_1132 = arith.ori %or3A_1125, %shift_left3A_1131 : vector<16xi32>
          %and3A_1133 = arith.constant 127 : i32
          %and3A_1134 = vector.broadcast %and3A_1133 : i32 to vector<16xi32>
          %and3A_1135 = arith.andi %get3A_1108, %and3A_1134 : vector<16xi32>
          %or3A_1136 = arith.ori %or3A_1132, %and3A_1135 : vector<16xi32>
          %jit3A_1137 = arith.constant 8 : i32
          %div3A_1138 = arith.divsi %add3A_1088, %jit3A_1137 : i32
          %sign3A_1139 = arith.constant 0 : i32
          %sign3A_1140 = arith.cmpi sgt, %add3A_1088, %sign3A_1139 : i32
          %sign3A_1141 = arith.extui %sign3A_1140 : i1 to i32
          %sign3A_1142 = arith.constant 0 : i32
          %sign3A_1143 = arith.cmpi slt, %add3A_1088, %sign3A_1142 : i32
          %sign3A_1144 = arith.extui %sign3A_1143 : i1 to i32
          %sign3A_1145 = arith.subi %sign3A_1141, %sign3A_1144 : i32
          %sign3A_1146 = arith.constant 0 : i32
          %sign3A_1147 = arith.cmpi sgt, %jit3A_1137, %sign3A_1146 : i32
          %sign3A_1148 = arith.extui %sign3A_1147 : i1 to i32
          %sign3A_1149 = arith.constant 0 : i32
          %sign3A_1150 = arith.cmpi slt, %jit3A_1137, %sign3A_1149 : i32
          %sign3A_1151 = arith.extui %sign3A_1150 : i1 to i32
          %sign3A_1152 = arith.subi %sign3A_1148, %sign3A_1151 : i32
          %ne3A_1153 = arith.cmpi ne, %sign3A_1145, %sign3A_1152 : i32
          %rem3A_1154 = arith.remsi %add3A_1088, %jit3A_1137 : i32
          %ne3A_1155 = arith.constant 0 : i32
          %ne3A_1156 = arith.cmpi ne, %rem3A_1154, %ne3A_1155 : i32
          %and3A_1157 = arith.andi %ne3A_1153, %ne3A_1156 : i1
          %sub3A_1158 = arith.constant 1 : i32
          %sub3A_1159 = arith.subi %div3A_1138, %sub3A_1158 : i32
          %select_n3A_1160 = arith.select %and3A_1157, %sub3A_1159, %div3A_1138 : i32
          %jit3A_1161 = arith.constant 8 : i32
          %eq3A_1162 = arith.constant 0 : i32
          %eq3A_1163 = arith.cmpi eq, %jit3A_1161, %eq3A_1162 : i32
          %jit3A_1164 = arith.constant 1 : i32
          %select_n3A_1165 = arith.select %eq3A_1163, %jit3A_1164, %jit3A_1161 : i32
          %rem3A_1166 = arith.remsi %add3A_1088, %select_n3A_1165 : i32
          %ne3A_1167 = arith.constant 0 : i32
          %ne3A_1168 = arith.cmpi ne, %rem3A_1166, %ne3A_1167 : i32
          %lt3A_1169 = arith.constant 0 : i32
          %lt3A_1170 = arith.cmpi slt, %rem3A_1166, %lt3A_1169 : i32
          %lt3A_1171 = arith.constant 0 : i32
          %lt3A_1172 = arith.cmpi slt, %select_n3A_1165, %lt3A_1171 : i32
          %ne3A_1173 = arith.xori %lt3A_1170, %lt3A_1172 : i1
          %and3A_1174 = arith.andi %ne3A_1173, %ne3A_1168 : i1
          %add3A_1175 = arith.addi %rem3A_1166, %select_n3A_1165 : i32
          %select_n3A_1176 = arith.select %and3A_1174, %add3A_1175, %rem3A_1166 : i32
          %mul3A_1177 = arith.constant 16 : i32
          %mul3A_1178 = arith.muli %select_n3A_1176, %mul3A_1177 : i32
          %swap3A_1179 = arith.index_cast %select_n3A_1160 : i32 to index
          %swap3A_1180 = arith.index_cast %mul3A_1178 : i32 to index
          %swap3A_1181 = tpu.vector_load %arg8[%swap3A_1179, %swap3A_1180] {strides = array<i32>} : memref<16x128xi32, #tpu.memory_space<vmem>>, vector<1x16xi32>,
          %swap3A_1182 = vector.shape_cast %swap3A_1181 : vector<1x16xi32> to vector<16xi32>
          %swap3A_1183 = vector.shape_cast %or3A_1136 : vector<16xi32> to vector<1x16xi32>
          tpu.vector_store %arg8[%swap3A_1179, %swap3A_1180], %swap3A_1183 {strides = array<i32>} : memref<16x128xi32, #tpu.memory_space<vmem>>, vector<1x16xi32>,
          %mul3A_1184 = arith.constant 4 : i32
          %mul3A_1185 = arith.muli %scan3A_898, %mul3A_1184 : i32
          %add3A_1186 = arith.constant 3 : i32
          %add3A_1187 = arith.addi %mul3A_1185, %add3A_1186 : i32
          %mul3A_1188 = arith.constant 2048 : i32
          %mul3A_1189 = arith.muli %add3A_890, %mul3A_1188 : i32
          %mul3A_1190 = arith.constant 16 : i32
          %mul3A_1191 = arith.muli %add3A_1187, %mul3A_1190 : i32
          %add3A_1192 = arith.addi %mul3A_1189, %mul3A_1191 : i32
          %add3A_1193 = arith.constant 14 : i32
          %add3A_1194 = arith.addi %add3A_1193, %add3A_1192 : i32
          %get3A_1195 = arith.index_cast %add3A_1194 : i32 to index
          %get3A_1196 = tpu.vector_load %arg5[%get3A_1195] {strides = array<i32>} : memref<65552xi32, #tpu.memory_space<vmem>>, vector<16xi32>,
          %get3A_1197 = vector.shape_cast %get3A_1196 : vector<16xi32> to vector<16xi32>
          %add3A_1198 = arith.constant 15 : i32
          %add3A_1199 = arith.addi %add3A_1198, %add3A_1192 : i32
          %get3A_1200 = arith.index_cast %add3A_1199 : i32 to index
          %get3A_1201 = tpu.vector_load %arg5[%get3A_1200] {strides = array<i32>} : memref<65552xi32, #tpu.memory_space<vmem>>, vector<16xi32>,
          %get3A_1202 = vector.shape_cast %get3A_1201 : vector<16xi32> to vector<16xi32>
          %add3A_1203 = arith.constant 16 : i32
          %add3A_1204 = arith.addi %add3A_1203, %add3A_1192 : i32
          %get3A_1205 = arith.index_cast %add3A_1204 : i32 to index
          %get3A_1206 = tpu.vector_load %arg5[%get3A_1205] {strides = array<i32>} : memref<65552xi32, #tpu.memory_space<vmem>>, vector<16xi32>,
          %get3A_1207 = vector.shape_cast %get3A_1206 : vector<16xi32> to vector<16xi32>
          %shift_left3A_1208 = arith.constant 16 : i32
          %shift_left3A_1209 = vector.broadcast %shift_left3A_1208 : i32 to vector<16xi32>
          %shift_left3A_1210 = arith.shli %get3A_1197, %shift_left3A_1209 : vector<16xi32>
          %shift_right_arithmetic3A_1211 = arith.constant 3 : i32
          %shift_right_arithmetic3A_1212 = vector.broadcast %shift_right_arithmetic3A_1211 : i32 to vector<16xi32>
          %shift_right_arithmetic3A_1213 = arith.shrsi %get3A_1202, %shift_right_arithmetic3A_1212 : vector<16xi32>
          %shift_left3A_1214 = arith.constant 11 : i32
          %shift_left3A_1215 = vector.broadcast %shift_left3A_1214 : i32 to vector<16xi32>
          %shift_left3A_1216 = arith.shli %shift_right_arithmetic3A_1213, %shift_left3A_1215 : vector<16xi32>
          %or3A_1217 = arith.ori %shift_left3A_1210, %shift_left3A_1216 : vector<16xi32>
          %shift_right_arithmetic3A_1218 = arith.constant 7 : i32
          %shift_right_arithmetic3A_1219 = vector.broadcast %shift_right_arithmetic3A_1218 : i32 to vector<16xi32>
          %shift_right_arithmetic3A_1220 = arith.shrsi %get3A_1207, %shift_right_arithmetic3A_1219 : vector<16xi32>
          %shift_left3A_1221 = arith.constant 10 : i32
          %shift_left3A_1222 = vector.broadcast %shift_left3A_1221 : i32 to vector<16xi32>
          %shift_left3A_1223 = arith.shli %shift_right_arithmetic3A_1220, %shift_left3A_1222 : vector<16xi32>
          %or3A_1224 = arith.ori %or3A_1217, %shift_left3A_1223 : vector<16xi32>
          %and3A_1225 = arith.constant 7 : i32
          %and3A_1226 = vector.broadcast %and3A_1225 : i32 to vector<16xi32>
          %and3A_1227 = arith.andi %get3A_1202, %and3A_1226 : vector<16xi32>
          %shift_left3A_1228 = arith.constant 7 : i32
          %shift_left3A_1229 = vector.broadcast %shift_left3A_1228 : i32 to vector<16xi32>
          %shift_left3A_1230 = arith.shli %and3A_1227, %shift_left3A_1229 : vector<16xi32>
          %or3A_1231 = arith.ori %or3A_1224, %shift_left3A_1230 : vector<16xi32>
          %and3A_1232 = arith.constant 127 : i32
          %and3A_1233 = vector.broadcast %and3A_1232 : i32 to vector<16xi32>
          %and3A_1234 = arith.andi %get3A_1207, %and3A_1233 : vector<16xi32>
          %or3A_1235 = arith.ori %or3A_1231, %and3A_1234 : vector<16xi32>
          %jit3A_1236 = arith.constant 8 : i32
          %div3A_1237 = arith.divsi %add3A_1187, %jit3A_1236 : i32
          %sign3A_1238 = arith.constant 0 : i32
          %sign3A_1239 = arith.cmpi sgt, %add3A_1187, %sign3A_1238 : i32
          %sign3A_1240 = arith.extui %sign3A_1239 : i1 to i32
          %sign3A_1241 = arith.constant 0 : i32
          %sign3A_1242 = arith.cmpi slt, %add3A_1187, %sign3A_1241 : i32
          %sign3A_1243 = arith.extui %sign3A_1242 : i1 to i32
          %sign3A_1244 = arith.subi %sign3A_1240, %sign3A_1243 : i32
          %sign3A_1245 = arith.constant 0 : i32
          %sign3A_1246 = arith.cmpi sgt, %jit3A_1236, %sign3A_1245 : i32
          %sign3A_1247 = arith.extui %sign3A_1246 : i1 to i32
          %sign3A_1248 = arith.constant 0 : i32
          %sign3A_1249 = arith.cmpi slt, %jit3A_1236, %sign3A_1248 : i32
          %sign3A_1250 = arith.extui %sign3A_1249 : i1 to i32
          %sign3A_1251 = arith.subi %sign3A_1247, %sign3A_1250 : i32
          %ne3A_1252 = arith.cmpi ne, %sign3A_1244, %sign3A_1251 : i32
          %rem3A_1253 = arith.remsi %add3A_1187, %jit3A_1236 : i32
          %ne3A_1254 = arith.constant 0 : i32
          %ne3A_1255 = arith.cmpi ne, %rem3A_1253, %ne3A_1254 : i32
          %and3A_1256 = arith.andi %ne3A_1252, %ne3A_1255 : i1
          %sub3A_1257 = arith.constant 1 : i32
          %sub3A_1258 = arith.subi %div3A_1237, %sub3A_1257 : i32
          %select_n3A_1259 = arith.select %and3A_1256, %sub3A_1258, %div3A_1237 : i32
          %jit3A_1260 = arith.constant 8 : i32
          %eq3A_1261 = arith.constant 0 : i32
          %eq3A_1262 = arith.cmpi eq, %jit3A_1260, %eq3A_1261 : i32
          %jit3A_1263 = arith.constant 1 : i32
          %select_n3A_1264 = arith.select %eq3A_1262, %jit3A_1263, %jit3A_1260 : i32
          %rem3A_1265 = arith.remsi %add3A_1187, %select_n3A_1264 : i32
          %ne3A_1266 = arith.constant 0 : i32
          %ne3A_1267 = arith.cmpi ne, %rem3A_1265, %ne3A_1266 : i32
          %lt3A_1268 = arith.constant 0 : i32
          %lt3A_1269 = arith.cmpi slt, %rem3A_1265, %lt3A_1268 : i32
          %lt3A_1270 = arith.constant 0 : i32
          %lt3A_1271 = arith.cmpi slt, %select_n3A_1264, %lt3A_1270 : i32
          %ne3A_1272 = arith.xori %lt3A_1269, %lt3A_1271 : i1
          %and3A_1273 = arith.andi %ne3A_1272, %ne3A_1267 : i1
          %add3A_1274 = arith.addi %rem3A_1265, %select_n3A_1264 : i32
          %select_n3A_1275 = arith.select %and3A_1273, %add3A_1274, %rem3A_1265 : i32
          %mul3A_1276 = arith.constant 16 : i32
          %mul3A_1277 = arith.muli %select_n3A_1275, %mul3A_1276 : i32
          %swap3A_1278 = arith.index_cast %select_n3A_1259 : i32 to index
          %swap3A_1279 = arith.index_cast %mul3A_1277 : i32 to index
          %swap3A_1280 = tpu.vector_load %arg8[%swap3A_1278, %swap3A_1279] {strides = array<i32>} : memref<16x128xi32, #tpu.memory_space<vmem>>, vector<1x16xi32>,
          %swap3A_1281 = vector.shape_cast %swap3A_1280 : vector<1x16xi32> to vector<16xi32>
          %swap3A_1282 = vector.shape_cast %or3A_1235 : vector<16xi32> to vector<1x16xi32>
          tpu.vector_store %arg8[%swap3A_1278, %swap3A_1279], %swap3A_1282 {strides = array<i32>} : memref<16x128xi32, #tpu.memory_space<vmem>>, vector<1x16xi32>,
          %scan3A_1283 = arith.constant 0 : i32
          scf.yield %scan3A_1283 : i32
        }
        %scan3A_897 = arith.constant 32 : i32
      } else {
      }
      %mul3A_594 = arith.constant 4 : i32
      %mul3A_595 = arith.muli %mul3A_594, %scan3A_300 : i32
      %add3A_596 = arith.constant 2 : i32
      %add3A_597 = arith.addi %mul3A_595, %add3A_596 : i32
      %ge3A_598 = arith.constant 2 : i32
      %ge3A_599 = arith.cmpi sge, %add3A_597, %ge3A_598 : i32
      %convert_element_type3A_600 = arith.extui %ge3A_599 : i1 to i32
      %cond3A_601 = arith.constant 0 : i32
      %cond3A_602 = arith.cmpi ne, %convert_element_type3A_600, %cond3A_601 : i32
      scf.if %cond3A_602 {
        %dma_wait3A_889 = arith.constant 0 : i32
        %dma_wait3A_890 = arith.constant 0 : i32
        %dma_wait3A_891 = tpu.memref_slice %arg10[%dma_wait3A_890] : memref<2048xf32, #tpu.memory_space<vmem>> -> memref<128xf32, #tpu.memory_space<vmem>>
        %dma_wait3A_892 = arith.constant 0 : i32
        %dma_wait3A_893 = tpu.memref_slice %arg6[%dma_wait3A_889, %dma_wait3A_892] : memref<16x128xi32, #tpu.memory_space<vmem>> -> memref<1x128xi32, #tpu.memory_space<vmem>>
        %dma_wait3A_894 = tpu.memref_squeeze %dma_wait3A_893 : memref<1x128xi32, #tpu.memory_space<vmem>> -> memref<128xi32, #tpu.memory_space<vmem>>
        %dma_wait3A_895 = arith.constant 0 : i32
        %dma_wait3A_896 = tpu.memref_slice %arg2[%dma_wait3A_895] : memref<16777216xf32, #tpu.memory_space<hbm>> -> memref<16777216xf32, #tpu.memory_space<hbm>>
        tpu.wait_indirect_dma semaphore(%arg14 : memref<!tpu.dma_semaphore, #tpu.memory_space<semaphore_mem>>) src(%dma_wait3A_896 : memref<16777216xf32, #tpu.memory_space<hbm>>) dst(%dma_wait3A_891 : memref<128xf32, #tpu.memory_space<vmem>>)
        %dma_wait3A_897 = arith.constant 1 : i32
        %dma_wait3A_898 = arith.constant 128 : i32
        %dma_wait3A_899 = tpu.memref_slice %arg10[%dma_wait3A_898] : memref<2048xf32, #tpu.memory_space<vmem>> -> memref<128xf32, #tpu.memory_space<vmem>>
        %dma_wait3A_900 = arith.constant 0 : i32
        %dma_wait3A_901 = tpu.memref_slice %arg6[%dma_wait3A_897, %dma_wait3A_900] : memref<16x128xi32, #tpu.memory_space<vmem>> -> memref<1x128xi32, #tpu.memory_space<vmem>>
        %dma_wait3A_902 = tpu.memref_squeeze %dma_wait3A_901 : memref<1x128xi32, #tpu.memory_space<vmem>> -> memref<128xi32, #tpu.memory_space<vmem>>
        %dma_wait3A_903 = arith.constant 0 : i32
        %dma_wait3A_904 = tpu.memref_slice %arg2[%dma_wait3A_903] : memref<16777216xf32, #tpu.memory_space<hbm>> -> memref<16777216xf32, #tpu.memory_space<hbm>>
        tpu.wait_indirect_dma semaphore(%arg14 : memref<!tpu.dma_semaphore, #tpu.memory_space<semaphore_mem>>) src(%dma_wait3A_904 : memref<16777216xf32, #tpu.memory_space<hbm>>) dst(%dma_wait3A_899 : memref<128xf32, #tpu.memory_space<vmem>>)
        %dma_wait3A_905 = arith.constant 2 : i32
        %dma_wait3A_906 = arith.constant 256 : i32
        %dma_wait3A_907 = tpu.memref_slice %arg10[%dma_wait3A_906] : memref<2048xf32, #tpu.memory_space<vmem>> -> memref<128xf32, #tpu.memory_space<vmem>>
        %dma_wait3A_908 = arith.constant 0 : i32
        %dma_wait3A_909 = tpu.memref_slice %arg6[%dma_wait3A_905, %dma_wait3A_908] : memref<16x128xi32, #tpu.memory_space<vmem>> -> memref<1x128xi32, #tpu.memory_space<vmem>>
        %dma_wait3A_910 = tpu.memref_squeeze %dma_wait3A_909 : memref<1x128xi32, #tpu.memory_space<vmem>> -> memref<128xi32, #tpu.memory_space<vmem>>
        %dma_wait3A_911 = arith.constant 0 : i32
        %dma_wait3A_912 = tpu.memref_slice %arg2[%dma_wait3A_911] : memref<16777216xf32, #tpu.memory_space<hbm>> -> memref<16777216xf32, #tpu.memory_space<hbm>>
        tpu.wait_indirect_dma semaphore(%arg14 : memref<!tpu.dma_semaphore, #tpu.memory_space<semaphore_mem>>) src(%dma_wait3A_912 : memref<16777216xf32, #tpu.memory_space<hbm>>) dst(%dma_wait3A_907 : memref<128xf32, #tpu.memory_space<vmem>>)
        %dma_wait3A_913 = arith.constant 3 : i32
        %dma_wait3A_914 = arith.constant 384 : i32
        %dma_wait3A_915 = tpu.memref_slice %arg10[%dma_wait3A_914] : memref<2048xf32, #tpu.memory_space<vmem>> -> memref<128xf32, #tpu.memory_space<vmem>>
        %dma_wait3A_916 = arith.constant 0 : i32
        %dma_wait3A_917 = tpu.memref_slice %arg6[%dma_wait3A_913, %dma_wait3A_916] : memref<16x128xi32, #tpu.memory_space<vmem>> -> memref<1x128xi32, #tpu.memory_space<vmem>>
        %dma_wait3A_918 = tpu.memref_squeeze %dma_wait3A_917 : memref<1x128xi32, #tpu.memory_space<vmem>> -> memref<128xi32, #tpu.memory_space<vmem>>
        %dma_wait3A_919 = arith.constant 0 : i32
        %dma_wait3A_920 = tpu.memref_slice %arg2[%dma_wait3A_919] : memref<16777216xf32, #tpu.memory_space<hbm>> -> memref<16777216xf32, #tpu.memory_space<hbm>>
        tpu.wait_indirect_dma semaphore(%arg14 : memref<!tpu.dma_semaphore, #tpu.memory_space<semaphore_mem>>) src(%dma_wait3A_920 : memref<16777216xf32, #tpu.memory_space<hbm>>) dst(%dma_wait3A_915 : memref<128xf32, #tpu.memory_space<vmem>>)
        %dma_wait3A_921 = arith.constant 4 : i32
        %dma_wait3A_922 = arith.constant 512 : i32
        %dma_wait3A_923 = tpu.memref_slice %arg10[%dma_wait3A_922] : memref<2048xf32, #tpu.memory_space<vmem>> -> memref<128xf32, #tpu.memory_space<vmem>>
        %dma_wait3A_924 = arith.constant 0 : i32
        %dma_wait3A_925 = tpu.memref_slice %arg6[%dma_wait3A_921, %dma_wait3A_924] : memref<16x128xi32, #tpu.memory_space<vmem>> -> memref<1x128xi32, #tpu.memory_space<vmem>>
        %dma_wait3A_926 = tpu.memref_squeeze %dma_wait3A_925 : memref<1x128xi32, #tpu.memory_space<vmem>> -> memref<128xi32, #tpu.memory_space<vmem>>
        %dma_wait3A_927 = arith.constant 0 : i32
        %dma_wait3A_928 = tpu.memref_slice %arg2[%dma_wait3A_927] : memref<16777216xf32, #tpu.memory_space<hbm>> -> memref<16777216xf32, #tpu.memory_space<hbm>>
        tpu.wait_indirect_dma semaphore(%arg14 : memref<!tpu.dma_semaphore, #tpu.memory_space<semaphore_mem>>) src(%dma_wait3A_928 : memref<16777216xf32, #tpu.memory_space<hbm>>) dst(%dma_wait3A_923 : memref<128xf32, #tpu.memory_space<vmem>>)
        %dma_wait3A_929 = arith.constant 5 : i32
        %dma_wait3A_930 = arith.constant 640 : i32
        %dma_wait3A_931 = tpu.memref_slice %arg10[%dma_wait3A_930] : memref<2048xf32, #tpu.memory_space<vmem>> -> memref<128xf32, #tpu.memory_space<vmem>>
        %dma_wait3A_932 = arith.constant 0 : i32
        %dma_wait3A_933 = tpu.memref_slice %arg6[%dma_wait3A_929, %dma_wait3A_932] : memref<16x128xi32, #tpu.memory_space<vmem>> -> memref<1x128xi32, #tpu.memory_space<vmem>>
        %dma_wait3A_934 = tpu.memref_squeeze %dma_wait3A_933 : memref<1x128xi32, #tpu.memory_space<vmem>> -> memref<128xi32, #tpu.memory_space<vmem>>
        %dma_wait3A_935 = arith.constant 0 : i32
        %dma_wait3A_936 = tpu.memref_slice %arg2[%dma_wait3A_935] : memref<16777216xf32, #tpu.memory_space<hbm>> -> memref<16777216xf32, #tpu.memory_space<hbm>>
        tpu.wait_indirect_dma semaphore(%arg14 : memref<!tpu.dma_semaphore, #tpu.memory_space<semaphore_mem>>) src(%dma_wait3A_936 : memref<16777216xf32, #tpu.memory_space<hbm>>) dst(%dma_wait3A_931 : memref<128xf32, #tpu.memory_space<vmem>>)
        %dma_wait3A_937 = arith.constant 6 : i32
        %dma_wait3A_938 = arith.constant 768 : i32
        %dma_wait3A_939 = tpu.memref_slice %arg10[%dma_wait3A_938] : memref<2048xf32, #tpu.memory_space<vmem>> -> memref<128xf32, #tpu.memory_space<vmem>>
        %dma_wait3A_940 = arith.constant 0 : i32
        %dma_wait3A_941 = tpu.memref_slice %arg6[%dma_wait3A_937, %dma_wait3A_940] : memref<16x128xi32, #tpu.memory_space<vmem>> -> memref<1x128xi32, #tpu.memory_space<vmem>>
        %dma_wait3A_942 = tpu.memref_squeeze %dma_wait3A_941 : memref<1x128xi32, #tpu.memory_space<vmem>> -> memref<128xi32, #tpu.memory_space<vmem>>
        %dma_wait3A_943 = arith.constant 0 : i32
        %dma_wait3A_944 = tpu.memref_slice %arg2[%dma_wait3A_943] : memref<16777216xf32, #tpu.memory_space<hbm>> -> memref<16777216xf32, #tpu.memory_space<hbm>>
        tpu.wait_indirect_dma semaphore(%arg14 : memref<!tpu.dma_semaphore, #tpu.memory_space<semaphore_mem>>) src(%dma_wait3A_944 : memref<16777216xf32, #tpu.memory_space<hbm>>) dst(%dma_wait3A_939 : memref<128xf32, #tpu.memory_space<vmem>>)
        %dma_wait3A_945 = arith.constant 7 : i32
        %dma_wait3A_946 = arith.constant 896 : i32
        %dma_wait3A_947 = tpu.memref_slice %arg10[%dma_wait3A_946] : memref<2048xf32, #tpu.memory_space<vmem>> -> memref<128xf32, #tpu.memory_space<vmem>>
        %dma_wait3A_948 = arith.constant 0 : i32
        %dma_wait3A_949 = tpu.memref_slice %arg6[%dma_wait3A_945, %dma_wait3A_948] : memref<16x128xi32, #tpu.memory_space<vmem>> -> memref<1x128xi32, #tpu.memory_space<vmem>>
        %dma_wait3A_950 = tpu.memref_squeeze %dma_wait3A_949 : memref<1x128xi32, #tpu.memory_space<vmem>> -> memref<128xi32, #tpu.memory_space<vmem>>
        %dma_wait3A_951 = arith.constant 0 : i32
        %dma_wait3A_952 = tpu.memref_slice %arg2[%dma_wait3A_951] : memref<16777216xf32, #tpu.memory_space<hbm>> -> memref<16777216xf32, #tpu.memory_space<hbm>>
        tpu.wait_indirect_dma semaphore(%arg14 : memref<!tpu.dma_semaphore, #tpu.memory_space<semaphore_mem>>) src(%dma_wait3A_952 : memref<16777216xf32, #tpu.memory_space<hbm>>) dst(%dma_wait3A_947 : memref<128xf32, #tpu.memory_space<vmem>>)
        %dma_wait3A_953 = arith.constant 8 : i32
        %dma_wait3A_954 = arith.constant 1024 : i32
        %dma_wait3A_955 = tpu.memref_slice %arg10[%dma_wait3A_954] : memref<2048xf32, #tpu.memory_space<vmem>> -> memref<128xf32, #tpu.memory_space<vmem>>
        %dma_wait3A_956 = arith.constant 0 : i32
        %dma_wait3A_957 = tpu.memref_slice %arg6[%dma_wait3A_953, %dma_wait3A_956] : memref<16x128xi32, #tpu.memory_space<vmem>> -> memref<1x128xi32, #tpu.memory_space<vmem>>
        %dma_wait3A_958 = tpu.memref_squeeze %dma_wait3A_957 : memref<1x128xi32, #tpu.memory_space<vmem>> -> memref<128xi32, #tpu.memory_space<vmem>>
        %dma_wait3A_959 = arith.constant 0 : i32
        %dma_wait3A_960 = tpu.memref_slice %arg2[%dma_wait3A_959] : memref<16777216xf32, #tpu.memory_space<hbm>> -> memref<16777216xf32, #tpu.memory_space<hbm>>
        tpu.wait_indirect_dma semaphore(%arg14 : memref<!tpu.dma_semaphore, #tpu.memory_space<semaphore_mem>>) src(%dma_wait3A_960 : memref<16777216xf32, #tpu.memory_space<hbm>>) dst(%dma_wait3A_955 : memref<128xf32, #tpu.memory_space<vmem>>)
        %dma_wait3A_961 = arith.constant 9 : i32
        %dma_wait3A_962 = arith.constant 1152 : i32
        %dma_wait3A_963 = tpu.memref_slice %arg10[%dma_wait3A_962] : memref<2048xf32, #tpu.memory_space<vmem>> -> memref<128xf32, #tpu.memory_space<vmem>>
        %dma_wait3A_964 = arith.constant 0 : i32
        %dma_wait3A_965 = tpu.memref_slice %arg6[%dma_wait3A_961, %dma_wait3A_964] : memref<16x128xi32, #tpu.memory_space<vmem>> -> memref<1x128xi32, #tpu.memory_space<vmem>>
        %dma_wait3A_966 = tpu.memref_squeeze %dma_wait3A_965 : memref<1x128xi32, #tpu.memory_space<vmem>> -> memref<128xi32, #tpu.memory_space<vmem>>
        %dma_wait3A_967 = arith.constant 0 : i32
        %dma_wait3A_968 = tpu.memref_slice %arg2[%dma_wait3A_967] : memref<16777216xf32, #tpu.memory_space<hbm>> -> memref<16777216xf32, #tpu.memory_space<hbm>>
        tpu.wait_indirect_dma semaphore(%arg14 : memref<!tpu.dma_semaphore, #tpu.memory_space<semaphore_mem>>) src(%dma_wait3A_968 : memref<16777216xf32, #tpu.memory_space<hbm>>) dst(%dma_wait3A_963 : memref<128xf32, #tpu.memory_space<vmem>>)
        %dma_wait3A_969 = arith.constant 10 : i32
        %dma_wait3A_970 = arith.constant 1280 : i32
        %dma_wait3A_971 = tpu.memref_slice %arg10[%dma_wait3A_970] : memref<2048xf32, #tpu.memory_space<vmem>> -> memref<128xf32, #tpu.memory_space<vmem>>
        %dma_wait3A_972 = arith.constant 0 : i32
        %dma_wait3A_973 = tpu.memref_slice %arg6[%dma_wait3A_969, %dma_wait3A_972] : memref<16x128xi32, #tpu.memory_space<vmem>> -> memref<1x128xi32, #tpu.memory_space<vmem>>
        %dma_wait3A_974 = tpu.memref_squeeze %dma_wait3A_973 : memref<1x128xi32, #tpu.memory_space<vmem>> -> memref<128xi32, #tpu.memory_space<vmem>>
        %dma_wait3A_975 = arith.constant 0 : i32
        %dma_wait3A_976 = tpu.memref_slice %arg2[%dma_wait3A_975] : memref<16777216xf32, #tpu.memory_space<hbm>> -> memref<16777216xf32, #tpu.memory_space<hbm>>
        tpu.wait_indirect_dma semaphore(%arg14 : memref<!tpu.dma_semaphore, #tpu.memory_space<semaphore_mem>>) src(%dma_wait3A_976 : memref<16777216xf32, #tpu.memory_space<hbm>>) dst(%dma_wait3A_971 : memref<128xf32, #tpu.memory_space<vmem>>)
        %dma_wait3A_977 = arith.constant 11 : i32
        %dma_wait3A_978 = arith.constant 1408 : i32
        %dma_wait3A_979 = tpu.memref_slice %arg10[%dma_wait3A_978] : memref<2048xf32, #tpu.memory_space<vmem>> -> memref<128xf32, #tpu.memory_space<vmem>>
        %dma_wait3A_980 = arith.constant 0 : i32
        %dma_wait3A_981 = tpu.memref_slice %arg6[%dma_wait3A_977, %dma_wait3A_980] : memref<16x128xi32, #tpu.memory_space<vmem>> -> memref<1x128xi32, #tpu.memory_space<vmem>>
        %dma_wait3A_982 = tpu.memref_squeeze %dma_wait3A_981 : memref<1x128xi32, #tpu.memory_space<vmem>> -> memref<128xi32, #tpu.memory_space<vmem>>
        %dma_wait3A_983 = arith.constant 0 : i32
        %dma_wait3A_984 = tpu.memref_slice %arg2[%dma_wait3A_983] : memref<16777216xf32, #tpu.memory_space<hbm>> -> memref<16777216xf32, #tpu.memory_space<hbm>>
        tpu.wait_indirect_dma semaphore(%arg14 : memref<!tpu.dma_semaphore, #tpu.memory_space<semaphore_mem>>) src(%dma_wait3A_984 : memref<16777216xf32, #tpu.memory_space<hbm>>) dst(%dma_wait3A_979 : memref<128xf32, #tpu.memory_space<vmem>>)
        %dma_wait3A_985 = arith.constant 12 : i32
        %dma_wait3A_986 = arith.constant 1536 : i32
        %dma_wait3A_987 = tpu.memref_slice %arg10[%dma_wait3A_986] : memref<2048xf32, #tpu.memory_space<vmem>> -> memref<128xf32, #tpu.memory_space<vmem>>
        %dma_wait3A_988 = arith.constant 0 : i32
        %dma_wait3A_989 = tpu.memref_slice %arg6[%dma_wait3A_985, %dma_wait3A_988] : memref<16x128xi32, #tpu.memory_space<vmem>> -> memref<1x128xi32, #tpu.memory_space<vmem>>
        %dma_wait3A_990 = tpu.memref_squeeze %dma_wait3A_989 : memref<1x128xi32, #tpu.memory_space<vmem>> -> memref<128xi32, #tpu.memory_space<vmem>>
        %dma_wait3A_991 = arith.constant 0 : i32
        %dma_wait3A_992 = tpu.memref_slice %arg2[%dma_wait3A_991] : memref<16777216xf32, #tpu.memory_space<hbm>> -> memref<16777216xf32, #tpu.memory_space<hbm>>
        tpu.wait_indirect_dma semaphore(%arg14 : memref<!tpu.dma_semaphore, #tpu.memory_space<semaphore_mem>>) src(%dma_wait3A_992 : memref<16777216xf32, #tpu.memory_space<hbm>>) dst(%dma_wait3A_987 : memref<128xf32, #tpu.memory_space<vmem>>)
        %dma_wait3A_993 = arith.constant 13 : i32
        %dma_wait3A_994 = arith.constant 1664 : i32
        %dma_wait3A_995 = tpu.memref_slice %arg10[%dma_wait3A_994] : memref<2048xf32, #tpu.memory_space<vmem>> -> memref<128xf32, #tpu.memory_space<vmem>>
        %dma_wait3A_996 = arith.constant 0 : i32
        %dma_wait3A_997 = tpu.memref_slice %arg6[%dma_wait3A_993, %dma_wait3A_996] : memref<16x128xi32, #tpu.memory_space<vmem>> -> memref<1x128xi32, #tpu.memory_space<vmem>>
        %dma_wait3A_998 = tpu.memref_squeeze %dma_wait3A_997 : memref<1x128xi32, #tpu.memory_space<vmem>> -> memref<128xi32, #tpu.memory_space<vmem>>
        %dma_wait3A_999 = arith.constant 0 : i32
        %dma_wait3A_1000 = tpu.memref_slice %arg2[%dma_wait3A_999] : memref<16777216xf32, #tpu.memory_space<hbm>> -> memref<16777216xf32, #tpu.memory_space<hbm>>
        tpu.wait_indirect_dma semaphore(%arg14 : memref<!tpu.dma_semaphore, #tpu.memory_space<semaphore_mem>>) src(%dma_wait3A_1000 : memref<16777216xf32, #tpu.memory_space<hbm>>) dst(%dma_wait3A_995 : memref<128xf32, #tpu.memory_space<vmem>>)
        %dma_wait3A_1001 = arith.constant 14 : i32
        %dma_wait3A_1002 = arith.constant 1792 : i32
        %dma_wait3A_1003 = tpu.memref_slice %arg10[%dma_wait3A_1002] : memref<2048xf32, #tpu.memory_space<vmem>> -> memref<128xf32, #tpu.memory_space<vmem>>
        %dma_wait3A_1004 = arith.constant 0 : i32
        %dma_wait3A_1005 = tpu.memref_slice %arg6[%dma_wait3A_1001, %dma_wait3A_1004] : memref<16x128xi32, #tpu.memory_space<vmem>> -> memref<1x128xi32, #tpu.memory_space<vmem>>
        %dma_wait3A_1006 = tpu.memref_squeeze %dma_wait3A_1005 : memref<1x128xi32, #tpu.memory_space<vmem>> -> memref<128xi32, #tpu.memory_space<vmem>>
        %dma_wait3A_1007 = arith.constant 0 : i32
        %dma_wait3A_1008 = tpu.memref_slice %arg2[%dma_wait3A_1007] : memref<16777216xf32, #tpu.memory_space<hbm>> -> memref<16777216xf32, #tpu.memory_space<hbm>>
        tpu.wait_indirect_dma semaphore(%arg14 : memref<!tpu.dma_semaphore, #tpu.memory_space<semaphore_mem>>) src(%dma_wait3A_1008 : memref<16777216xf32, #tpu.memory_space<hbm>>) dst(%dma_wait3A_1003 : memref<128xf32, #tpu.memory_space<vmem>>)
        %dma_wait3A_1009 = arith.constant 15 : i32
        %dma_wait3A_1010 = arith.constant 1920 : i32
        %dma_wait3A_1011 = tpu.memref_slice %arg10[%dma_wait3A_1010] : memref<2048xf32, #tpu.memory_space<vmem>> -> memref<128xf32, #tpu.memory_space<vmem>>
        %dma_wait3A_1012 = arith.constant 0 : i32
        %dma_wait3A_1013 = tpu.memref_slice %arg6[%dma_wait3A_1009, %dma_wait3A_1012] : memref<16x128xi32, #tpu.memory_space<vmem>> -> memref<1x128xi32, #tpu.memory_space<vmem>>
        %dma_wait3A_1014 = tpu.memref_squeeze %dma_wait3A_1013 : memref<1x128xi32, #tpu.memory_space<vmem>> -> memref<128xi32, #tpu.memory_space<vmem>>
        %dma_wait3A_1015 = arith.constant 0 : i32
        %dma_wait3A_1016 = tpu.memref_slice %arg2[%dma_wait3A_1015] : memref<16777216xf32, #tpu.memory_space<hbm>> -> memref<16777216xf32, #tpu.memory_space<hbm>>
        tpu.wait_indirect_dma semaphore(%arg14 : memref<!tpu.dma_semaphore, #tpu.memory_space<semaphore_mem>>) src(%dma_wait3A_1016 : memref<16777216xf32, #tpu.memory_space<hbm>>) dst(%dma_wait3A_1011 : memref<128xf32, #tpu.memory_space<vmem>>)
        %sub3A = arith.constant 2 : i32
        %sub3A_1017 = arith.subi %add3A_597, %sub3A : i32
        %mul3A_1018 = arith.constant 2048 : i32
        %mul3A_1019 = arith.muli %sub3A_1017, %mul3A_1018 : i32
        %add3A_1020 = arith.addi %mul3A_2, %mul3A_1019 : i32
        %dma_start3A_1021 = tpu.memref_slice %arg4[%add3A_1020] : memref<2097152xf32, #tpu.memory_space<hbm>> -> memref<2048xf32, #tpu.memory_space<hbm>>
        %dma_start3A_1022 = tpu.memref_slice %arg4[%add3A_1020] : memref<2097152xf32, #tpu.memory_space<hbm>> -> memref<2048xf32, #tpu.memory_space<hbm>>
        tpu.enqueue_dma source(%arg10 : memref<2048xf32, #tpu.memory_space<vmem>>) target(%dma_start3A_1022 : memref<2048xf32, #tpu.memory_space<hbm>>) target_semaphore(%arg18 : memref<!tpu.dma_semaphore, #tpu.memory_space<semaphore_mem>>)
      } else {
      }
      %ge3A_603 = arith.constant 4 : i32
      %ge3A_604 = arith.cmpi sge, %add3A_597, %ge3A_603 : i32
      %convert_element_type3A_605 = arith.extui %ge3A_604 : i1 to i32
      %cond3A_606 = arith.constant 0 : i32
      %cond3A_607 = arith.cmpi ne, %convert_element_type3A_605, %cond3A_606 : i32
      scf.if %cond3A_607 {
        %sub3A = arith.constant 4 : i32
        %sub3A_889 = arith.subi %add3A_597, %sub3A : i32
        %mul3A_890 = arith.constant 2048 : i32
        %mul3A_891 = arith.muli %sub3A_889, %mul3A_890 : i32
        %add3A_892 = arith.addi %mul3A_2, %mul3A_891 : i32
        %dma_wait3A_893 = tpu.memref_slice %arg4[%add3A_892] : memref<2097152xf32, #tpu.memory_space<hbm>> -> memref<2048xf32, #tpu.memory_space<hbm>>
        %dma_wait3A_894 = tpu.memref_slice %arg4[%add3A_892] : memref<2097152xf32, #tpu.memory_space<hbm>> -> memref<2048xf32, #tpu.memory_space<hbm>>
        tpu.wait_dma2 semaphore(%arg20 : memref<!tpu.dma_semaphore, #tpu.memory_space<semaphore_mem>>) src(%arg12 : memref<2048xf32, #tpu.memory_space<vmem>>) dst(%dma_wait3A_894 : memref<2048xf32, #tpu.memory_space<hbm>>)
      } else {
      }
      %dma_start3A_608 = arith.constant 0 : i32
      %dma_start3A_609 = arith.constant 0 : i32
      %dma_start3A_610 = tpu.memref_slice %arg12[%dma_start3A_609] : memref<2048xf32, #tpu.memory_space<vmem>> -> memref<128xf32, #tpu.memory_space<vmem>>
      %dma_start3A_611 = arith.constant 0 : i32
      %dma_start3A_612 = tpu.memref_slice %arg8[%dma_start3A_608, %dma_start3A_611] : memref<16x128xi32, #tpu.memory_space<vmem>> -> memref<1x128xi32, #tpu.memory_space<vmem>>
      %dma_start3A_613 = tpu.memref_squeeze %dma_start3A_612 : memref<1x128xi32, #tpu.memory_space<vmem>> -> memref<128xi32, #tpu.memory_space<vmem>>
      %dma_start3A_614 = arith.constant 0 : i32
      %dma_start3A_615 = tpu.memref_slice %arg2[%dma_start3A_614] : memref<16777216xf32, #tpu.memory_space<hbm>> -> memref<16777216xf32, #tpu.memory_space<hbm>>
      tpu.enqueue_indirect_dma source(%dma_start3A_615 : memref<16777216xf32, #tpu.memory_space<hbm>>) target(%dma_start3A_610 : memref<128xf32, #tpu.memory_space<vmem>>) offsets(%dma_start3A_613 : memref<128xi32, #tpu.memory_space<vmem>>) semaphore(%arg16 : memref<!tpu.dma_semaphore, #tpu.memory_space<semaphore_mem>>)
      %dma_start3A_616 = arith.constant 1 : i32
      %dma_start3A_617 = arith.constant 128 : i32
      %dma_start3A_618 = tpu.memref_slice %arg12[%dma_start3A_617] : memref<2048xf32, #tpu.memory_space<vmem>> -> memref<128xf32, #tpu.memory_space<vmem>>
      %dma_start3A_619 = arith.constant 0 : i32
      %dma_start3A_620 = tpu.memref_slice %arg8[%dma_start3A_616, %dma_start3A_619] : memref<16x128xi32, #tpu.memory_space<vmem>> -> memref<1x128xi32, #tpu.memory_space<vmem>>
      %dma_start3A_621 = tpu.memref_squeeze %dma_start3A_620 : memref<1x128xi32, #tpu.memory_space<vmem>> -> memref<128xi32, #tpu.memory_space<vmem>>
      %dma_start3A_622 = arith.constant 0 : i32
      %dma_start3A_623 = tpu.memref_slice %arg2[%dma_start3A_622] : memref<16777216xf32, #tpu.memory_space<hbm>> -> memref<16777216xf32, #tpu.memory_space<hbm>>
      tpu.enqueue_indirect_dma source(%dma_start3A_623 : memref<16777216xf32, #tpu.memory_space<hbm>>) target(%dma_start3A_618 : memref<128xf32, #tpu.memory_space<vmem>>) offsets(%dma_start3A_621 : memref<128xi32, #tpu.memory_space<vmem>>) semaphore(%arg16 : memref<!tpu.dma_semaphore, #tpu.memory_space<semaphore_mem>>)
      %dma_start3A_624 = arith.constant 2 : i32
      %dma_start3A_625 = arith.constant 256 : i32
      %dma_start3A_626 = tpu.memref_slice %arg12[%dma_start3A_625] : memref<2048xf32, #tpu.memory_space<vmem>> -> memref<128xf32, #tpu.memory_space<vmem>>
      %dma_start3A_627 = arith.constant 0 : i32
      %dma_start3A_628 = tpu.memref_slice %arg8[%dma_start3A_624, %dma_start3A_627] : memref<16x128xi32, #tpu.memory_space<vmem>> -> memref<1x128xi32, #tpu.memory_space<vmem>>
      %dma_start3A_629 = tpu.memref_squeeze %dma_start3A_628 : memref<1x128xi32, #tpu.memory_space<vmem>> -> memref<128xi32, #tpu.memory_space<vmem>>
      %dma_start3A_630 = arith.constant 0 : i32
      %dma_start3A_631 = tpu.memref_slice %arg2[%dma_start3A_630] : memref<16777216xf32, #tpu.memory_space<hbm>> -> memref<16777216xf32, #tpu.memory_space<hbm>>
      tpu.enqueue_indirect_dma source(%dma_start3A_631 : memref<16777216xf32, #tpu.memory_space<hbm>>) target(%dma_start3A_626 : memref<128xf32, #tpu.memory_space<vmem>>) offsets(%dma_start3A_629 : memref<128xi32, #tpu.memory_space<vmem>>) semaphore(%arg16 : memref<!tpu.dma_semaphore, #tpu.memory_space<semaphore_mem>>)
      %dma_start3A_632 = arith.constant 3 : i32
      %dma_start3A_633 = arith.constant 384 : i32
      %dma_start3A_634 = tpu.memref_slice %arg12[%dma_start3A_633] : memref<2048xf32, #tpu.memory_space<vmem>> -> memref<128xf32, #tpu.memory_space<vmem>>
      %dma_start3A_635 = arith.constant 0 : i32
      %dma_start3A_636 = tpu.memref_slice %arg8[%dma_start3A_632, %dma_start3A_635] : memref<16x128xi32, #tpu.memory_space<vmem>> -> memref<1x128xi32, #tpu.memory_space<vmem>>
      %dma_start3A_637 = tpu.memref_squeeze %dma_start3A_636 : memref<1x128xi32, #tpu.memory_space<vmem>> -> memref<128xi32, #tpu.memory_space<vmem>>
      %dma_start3A_638 = arith.constant 0 : i32
      %dma_start3A_639 = tpu.memref_slice %arg2[%dma_start3A_638] : memref<16777216xf32, #tpu.memory_space<hbm>> -> memref<16777216xf32, #tpu.memory_space<hbm>>
      tpu.enqueue_indirect_dma source(%dma_start3A_639 : memref<16777216xf32, #tpu.memory_space<hbm>>) target(%dma_start3A_634 : memref<128xf32, #tpu.memory_space<vmem>>) offsets(%dma_start3A_637 : memref<128xi32, #tpu.memory_space<vmem>>) semaphore(%arg16 : memref<!tpu.dma_semaphore, #tpu.memory_space<semaphore_mem>>)
      %dma_start3A_640 = arith.constant 4 : i32
      %dma_start3A_641 = arith.constant 512 : i32
      %dma_start3A_642 = tpu.memref_slice %arg12[%dma_start3A_641] : memref<2048xf32, #tpu.memory_space<vmem>> -> memref<128xf32, #tpu.memory_space<vmem>>
      %dma_start3A_643 = arith.constant 0 : i32
      %dma_start3A_644 = tpu.memref_slice %arg8[%dma_start3A_640, %dma_start3A_643] : memref<16x128xi32, #tpu.memory_space<vmem>> -> memref<1x128xi32, #tpu.memory_space<vmem>>
      %dma_start3A_645 = tpu.memref_squeeze %dma_start3A_644 : memref<1x128xi32, #tpu.memory_space<vmem>> -> memref<128xi32, #tpu.memory_space<vmem>>
      %dma_start3A_646 = arith.constant 0 : i32
      %dma_start3A_647 = tpu.memref_slice %arg2[%dma_start3A_646] : memref<16777216xf32, #tpu.memory_space<hbm>> -> memref<16777216xf32, #tpu.memory_space<hbm>>
      tpu.enqueue_indirect_dma source(%dma_start3A_647 : memref<16777216xf32, #tpu.memory_space<hbm>>) target(%dma_start3A_642 : memref<128xf32, #tpu.memory_space<vmem>>) offsets(%dma_start3A_645 : memref<128xi32, #tpu.memory_space<vmem>>) semaphore(%arg16 : memref<!tpu.dma_semaphore, #tpu.memory_space<semaphore_mem>>)
      %dma_start3A_648 = arith.constant 5 : i32
      %dma_start3A_649 = arith.constant 640 : i32
      %dma_start3A_650 = tpu.memref_slice %arg12[%dma_start3A_649] : memref<2048xf32, #tpu.memory_space<vmem>> -> memref<128xf32, #tpu.memory_space<vmem>>
      %dma_start3A_651 = arith.constant 0 : i32
      %dma_start3A_652 = tpu.memref_slice %arg8[%dma_start3A_648, %dma_start3A_651] : memref<16x128xi32, #tpu.memory_space<vmem>> -> memref<1x128xi32, #tpu.memory_space<vmem>>
      %dma_start3A_653 = tpu.memref_squeeze %dma_start3A_652 : memref<1x128xi32, #tpu.memory_space<vmem>> -> memref<128xi32, #tpu.memory_space<vmem>>
      %dma_start3A_654 = arith.constant 0 : i32
      %dma_start3A_655 = tpu.memref_slice %arg2[%dma_start3A_654] : memref<16777216xf32, #tpu.memory_space<hbm>> -> memref<16777216xf32, #tpu.memory_space<hbm>>
      tpu.enqueue_indirect_dma source(%dma_start3A_655 : memref<16777216xf32, #tpu.memory_space<hbm>>) target(%dma_start3A_650 : memref<128xf32, #tpu.memory_space<vmem>>) offsets(%dma_start3A_653 : memref<128xi32, #tpu.memory_space<vmem>>) semaphore(%arg16 : memref<!tpu.dma_semaphore, #tpu.memory_space<semaphore_mem>>)
      %dma_start3A_656 = arith.constant 6 : i32
      %dma_start3A_657 = arith.constant 768 : i32
      %dma_start3A_658 = tpu.memref_slice %arg12[%dma_start3A_657] : memref<2048xf32, #tpu.memory_space<vmem>> -> memref<128xf32, #tpu.memory_space<vmem>>
      %dma_start3A_659 = arith.constant 0 : i32
      %dma_start3A_660 = tpu.memref_slice %arg8[%dma_start3A_656, %dma_start3A_659] : memref<16x128xi32, #tpu.memory_space<vmem>> -> memref<1x128xi32, #tpu.memory_space<vmem>>
      %dma_start3A_661 = tpu.memref_squeeze %dma_start3A_660 : memref<1x128xi32, #tpu.memory_space<vmem>> -> memref<128xi32, #tpu.memory_space<vmem>>
      %dma_start3A_662 = arith.constant 0 : i32
      %dma_start3A_663 = tpu.memref_slice %arg2[%dma_start3A_662] : memref<16777216xf32, #tpu.memory_space<hbm>> -> memref<16777216xf32, #tpu.memory_space<hbm>>
      tpu.enqueue_indirect_dma source(%dma_start3A_663 : memref<16777216xf32, #tpu.memory_space<hbm>>) target(%dma_start3A_658 : memref<128xf32, #tpu.memory_space<vmem>>) offsets(%dma_start3A_661 : memref<128xi32, #tpu.memory_space<vmem>>) semaphore(%arg16 : memref<!tpu.dma_semaphore, #tpu.memory_space<semaphore_mem>>)
      %dma_start3A_664 = arith.constant 7 : i32
      %dma_start3A_665 = arith.constant 896 : i32
      %dma_start3A_666 = tpu.memref_slice %arg12[%dma_start3A_665] : memref<2048xf32, #tpu.memory_space<vmem>> -> memref<128xf32, #tpu.memory_space<vmem>>
      %dma_start3A_667 = arith.constant 0 : i32
      %dma_start3A_668 = tpu.memref_slice %arg8[%dma_start3A_664, %dma_start3A_667] : memref<16x128xi32, #tpu.memory_space<vmem>> -> memref<1x128xi32, #tpu.memory_space<vmem>>
      %dma_start3A_669 = tpu.memref_squeeze %dma_start3A_668 : memref<1x128xi32, #tpu.memory_space<vmem>> -> memref<128xi32, #tpu.memory_space<vmem>>
      %dma_start3A_670 = arith.constant 0 : i32
      %dma_start3A_671 = tpu.memref_slice %arg2[%dma_start3A_670] : memref<16777216xf32, #tpu.memory_space<hbm>> -> memref<16777216xf32, #tpu.memory_space<hbm>>
      tpu.enqueue_indirect_dma source(%dma_start3A_671 : memref<16777216xf32, #tpu.memory_space<hbm>>) target(%dma_start3A_666 : memref<128xf32, #tpu.memory_space<vmem>>) offsets(%dma_start3A_669 : memref<128xi32, #tpu.memory_space<vmem>>) semaphore(%arg16 : memref<!tpu.dma_semaphore, #tpu.memory_space<semaphore_mem>>)
      %dma_start3A_672 = arith.constant 8 : i32
      %dma_start3A_673 = arith.constant 1024 : i32
      %dma_start3A_674 = tpu.memref_slice %arg12[%dma_start3A_673] : memref<2048xf32, #tpu.memory_space<vmem>> -> memref<128xf32, #tpu.memory_space<vmem>>
      %dma_start3A_675 = arith.constant 0 : i32
      %dma_start3A_676 = tpu.memref_slice %arg8[%dma_start3A_672, %dma_start3A_675] : memref<16x128xi32, #tpu.memory_space<vmem>> -> memref<1x128xi32, #tpu.memory_space<vmem>>
      %dma_start3A_677 = tpu.memref_squeeze %dma_start3A_676 : memref<1x128xi32, #tpu.memory_space<vmem>> -> memref<128xi32, #tpu.memory_space<vmem>>
      %dma_start3A_678 = arith.constant 0 : i32
      %dma_start3A_679 = tpu.memref_slice %arg2[%dma_start3A_678] : memref<16777216xf32, #tpu.memory_space<hbm>> -> memref<16777216xf32, #tpu.memory_space<hbm>>
      tpu.enqueue_indirect_dma source(%dma_start3A_679 : memref<16777216xf32, #tpu.memory_space<hbm>>) target(%dma_start3A_674 : memref<128xf32, #tpu.memory_space<vmem>>) offsets(%dma_start3A_677 : memref<128xi32, #tpu.memory_space<vmem>>) semaphore(%arg16 : memref<!tpu.dma_semaphore, #tpu.memory_space<semaphore_mem>>)
      %dma_start3A_680 = arith.constant 9 : i32
      %dma_start3A_681 = arith.constant 1152 : i32
      %dma_start3A_682 = tpu.memref_slice %arg12[%dma_start3A_681] : memref<2048xf32, #tpu.memory_space<vmem>> -> memref<128xf32, #tpu.memory_space<vmem>>
      %dma_start3A_683 = arith.constant 0 : i32
      %dma_start3A_684 = tpu.memref_slice %arg8[%dma_start3A_680, %dma_start3A_683] : memref<16x128xi32, #tpu.memory_space<vmem>> -> memref<1x128xi32, #tpu.memory_space<vmem>>
      %dma_start3A_685 = tpu.memref_squeeze %dma_start3A_684 : memref<1x128xi32, #tpu.memory_space<vmem>> -> memref<128xi32, #tpu.memory_space<vmem>>
      %dma_start3A_686 = arith.constant 0 : i32
      %dma_start3A_687 = tpu.memref_slice %arg2[%dma_start3A_686] : memref<16777216xf32, #tpu.memory_space<hbm>> -> memref<16777216xf32, #tpu.memory_space<hbm>>
      tpu.enqueue_indirect_dma source(%dma_start3A_687 : memref<16777216xf32, #tpu.memory_space<hbm>>) target(%dma_start3A_682 : memref<128xf32, #tpu.memory_space<vmem>>) offsets(%dma_start3A_685 : memref<128xi32, #tpu.memory_space<vmem>>) semaphore(%arg16 : memref<!tpu.dma_semaphore, #tpu.memory_space<semaphore_mem>>)
      %dma_start3A_688 = arith.constant 10 : i32
      %dma_start3A_689 = arith.constant 1280 : i32
      %dma_start3A_690 = tpu.memref_slice %arg12[%dma_start3A_689] : memref<2048xf32, #tpu.memory_space<vmem>> -> memref<128xf32, #tpu.memory_space<vmem>>
      %dma_start3A_691 = arith.constant 0 : i32
      %dma_start3A_692 = tpu.memref_slice %arg8[%dma_start3A_688, %dma_start3A_691] : memref<16x128xi32, #tpu.memory_space<vmem>> -> memref<1x128xi32, #tpu.memory_space<vmem>>
      %dma_start3A_693 = tpu.memref_squeeze %dma_start3A_692 : memref<1x128xi32, #tpu.memory_space<vmem>> -> memref<128xi32, #tpu.memory_space<vmem>>
      %dma_start3A_694 = arith.constant 0 : i32
      %dma_start3A_695 = tpu.memref_slice %arg2[%dma_start3A_694] : memref<16777216xf32, #tpu.memory_space<hbm>> -> memref<16777216xf32, #tpu.memory_space<hbm>>
      tpu.enqueue_indirect_dma source(%dma_start3A_695 : memref<16777216xf32, #tpu.memory_space<hbm>>) target(%dma_start3A_690 : memref<128xf32, #tpu.memory_space<vmem>>) offsets(%dma_start3A_693 : memref<128xi32, #tpu.memory_space<vmem>>) semaphore(%arg16 : memref<!tpu.dma_semaphore, #tpu.memory_space<semaphore_mem>>)
      %dma_start3A_696 = arith.constant 11 : i32
      %dma_start3A_697 = arith.constant 1408 : i32
      %dma_start3A_698 = tpu.memref_slice %arg12[%dma_start3A_697] : memref<2048xf32, #tpu.memory_space<vmem>> -> memref<128xf32, #tpu.memory_space<vmem>>
      %dma_start3A_699 = arith.constant 0 : i32
      %dma_start3A_700 = tpu.memref_slice %arg8[%dma_start3A_696, %dma_start3A_699] : memref<16x128xi32, #tpu.memory_space<vmem>> -> memref<1x128xi32, #tpu.memory_space<vmem>>
      %dma_start3A_701 = tpu.memref_squeeze %dma_start3A_700 : memref<1x128xi32, #tpu.memory_space<vmem>> -> memref<128xi32, #tpu.memory_space<vmem>>
      %dma_start3A_702 = arith.constant 0 : i32
      %dma_start3A_703 = tpu.memref_slice %arg2[%dma_start3A_702] : memref<16777216xf32, #tpu.memory_space<hbm>> -> memref<16777216xf32, #tpu.memory_space<hbm>>
      tpu.enqueue_indirect_dma source(%dma_start3A_703 : memref<16777216xf32, #tpu.memory_space<hbm>>) target(%dma_start3A_698 : memref<128xf32, #tpu.memory_space<vmem>>) offsets(%dma_start3A_701 : memref<128xi32, #tpu.memory_space<vmem>>) semaphore(%arg16 : memref<!tpu.dma_semaphore, #tpu.memory_space<semaphore_mem>>)
      %dma_start3A_704 = arith.constant 12 : i32
      %dma_start3A_705 = arith.constant 1536 : i32
      %dma_start3A_706 = tpu.memref_slice %arg12[%dma_start3A_705] : memref<2048xf32, #tpu.memory_space<vmem>> -> memref<128xf32, #tpu.memory_space<vmem>>
      %dma_start3A_707 = arith.constant 0 : i32
      %dma_start3A_708 = tpu.memref_slice %arg8[%dma_start3A_704, %dma_start3A_707] : memref<16x128xi32, #tpu.memory_space<vmem>> -> memref<1x128xi32, #tpu.memory_space<vmem>>
      %dma_start3A_709 = tpu.memref_squeeze %dma_start3A_708 : memref<1x128xi32, #tpu.memory_space<vmem>> -> memref<128xi32, #tpu.memory_space<vmem>>
      %dma_start3A_710 = arith.constant 0 : i32
      %dma_start3A_711 = tpu.memref_slice %arg2[%dma_start3A_710] : memref<16777216xf32, #tpu.memory_space<hbm>> -> memref<16777216xf32, #tpu.memory_space<hbm>>
      tpu.enqueue_indirect_dma source(%dma_start3A_711 : memref<16777216xf32, #tpu.memory_space<hbm>>) target(%dma_start3A_706 : memref<128xf32, #tpu.memory_space<vmem>>) offsets(%dma_start3A_709 : memref<128xi32, #tpu.memory_space<vmem>>) semaphore(%arg16 : memref<!tpu.dma_semaphore, #tpu.memory_space<semaphore_mem>>)
      %dma_start3A_712 = arith.constant 13 : i32
      %dma_start3A_713 = arith.constant 1664 : i32
      %dma_start3A_714 = tpu.memref_slice %arg12[%dma_start3A_713] : memref<2048xf32, #tpu.memory_space<vmem>> -> memref<128xf32, #tpu.memory_space<vmem>>
      %dma_start3A_715 = arith.constant 0 : i32
      %dma_start3A_716 = tpu.memref_slice %arg8[%dma_start3A_712, %dma_start3A_715] : memref<16x128xi32, #tpu.memory_space<vmem>> -> memref<1x128xi32, #tpu.memory_space<vmem>>
      %dma_start3A_717 = tpu.memref_squeeze %dma_start3A_716 : memref<1x128xi32, #tpu.memory_space<vmem>> -> memref<128xi32, #tpu.memory_space<vmem>>
      %dma_start3A_718 = arith.constant 0 : i32
      %dma_start3A_719 = tpu.memref_slice %arg2[%dma_start3A_718] : memref<16777216xf32, #tpu.memory_space<hbm>> -> memref<16777216xf32, #tpu.memory_space<hbm>>
      tpu.enqueue_indirect_dma source(%dma_start3A_719 : memref<16777216xf32, #tpu.memory_space<hbm>>) target(%dma_start3A_714 : memref<128xf32, #tpu.memory_space<vmem>>) offsets(%dma_start3A_717 : memref<128xi32, #tpu.memory_space<vmem>>) semaphore(%arg16 : memref<!tpu.dma_semaphore, #tpu.memory_space<semaphore_mem>>)
      %dma_start3A_720 = arith.constant 14 : i32
      %dma_start3A_721 = arith.constant 1792 : i32
      %dma_start3A_722 = tpu.memref_slice %arg12[%dma_start3A_721] : memref<2048xf32, #tpu.memory_space<vmem>> -> memref<128xf32, #tpu.memory_space<vmem>>
      %dma_start3A_723 = arith.constant 0 : i32
      %dma_start3A_724 = tpu.memref_slice %arg8[%dma_start3A_720, %dma_start3A_723] : memref<16x128xi32, #tpu.memory_space<vmem>> -> memref<1x128xi32, #tpu.memory_space<vmem>>
      %dma_start3A_725 = tpu.memref_squeeze %dma_start3A_724 : memref<1x128xi32, #tpu.memory_space<vmem>> -> memref<128xi32, #tpu.memory_space<vmem>>
      %dma_start3A_726 = arith.constant 0 : i32
      %dma_start3A_727 = tpu.memref_slice %arg2[%dma_start3A_726] : memref<16777216xf32, #tpu.memory_space<hbm>> -> memref<16777216xf32, #tpu.memory_space<hbm>>
      tpu.enqueue_indirect_dma source(%dma_start3A_727 : memref<16777216xf32, #tpu.memory_space<hbm>>) target(%dma_start3A_722 : memref<128xf32, #tpu.memory_space<vmem>>) offsets(%dma_start3A_725 : memref<128xi32, #tpu.memory_space<vmem>>) semaphore(%arg16 : memref<!tpu.dma_semaphore, #tpu.memory_space<semaphore_mem>>)
      %dma_start3A_728 = arith.constant 15 : i32
      %dma_start3A_729 = arith.constant 1920 : i32
      %dma_start3A_730 = tpu.memref_slice %arg12[%dma_start3A_729] : memref<2048xf32, #tpu.memory_space<vmem>> -> memref<128xf32, #tpu.memory_space<vmem>>
      %dma_start3A_731 = arith.constant 0 : i32
      %dma_start3A_732 = tpu.memref_slice %arg8[%dma_start3A_728, %dma_start3A_731] : memref<16x128xi32, #tpu.memory_space<vmem>> -> memref<1x128xi32, #tpu.memory_space<vmem>>
      %dma_start3A_733 = tpu.memref_squeeze %dma_start3A_732 : memref<1x128xi32, #tpu.memory_space<vmem>> -> memref<128xi32, #tpu.memory_space<vmem>>
      %dma_start3A_734 = arith.constant 0 : i32
      %dma_start3A_735 = tpu.memref_slice %arg2[%dma_start3A_734] : memref<16777216xf32, #tpu.memory_space<hbm>> -> memref<16777216xf32, #tpu.memory_space<hbm>>
      tpu.enqueue_indirect_dma source(%dma_start3A_735 : memref<16777216xf32, #tpu.memory_space<hbm>>) target(%dma_start3A_730 : memref<128xf32, #tpu.memory_space<vmem>>) offsets(%dma_start3A_733 : memref<128xi32, #tpu.memory_space<vmem>>) semaphore(%arg16 : memref<!tpu.dma_semaphore, #tpu.memory_space<semaphore_mem>>)
      %lt3A_736 = arith.constant 31 : i32
      %lt3A_737 = arith.cmpi slt, %add3A_597, %lt3A_736 : i32
      %convert_element_type3A_738 = arith.extui %lt3A_737 : i1 to i32
      %cond3A_739 = arith.constant 0 : i32
      %cond3A_740 = arith.cmpi ne, %convert_element_type3A_738, %cond3A_739 : i32
      scf.if %cond3A_740 {
        %add3A_889 = arith.constant 1 : i32
        %add3A_890 = arith.addi %add3A_597, %add3A_889 : i32
        %scan3A_891 = arith.constant 0 : i32
        %scan3A_892 = arith.constant 0 : i32
        %scan3A_893 = arith.constant 32 : i32
        %scan3A_894 = arith.addi %scan3A_892, %scan3A_893 : i32
        %scan3A_895 = arith.constant 1 : i32
        %scan3A_896 = scf.for %scan3A_898 = %scan3A_892 to %scan3A_894 step %scan3A_895 iter_args(%scan3A_899 = %scan3A_891) -> (i32)  : i32 {
          %mul3A_900 = arith.constant 4 : i32
          %mul3A_901 = arith.muli %scan3A_898, %mul3A_900 : i32
          %add3A_902 = arith.constant 0 : i32
          %add3A_903 = arith.addi %mul3A_901, %add3A_902 : i32
          %mul3A_904 = arith.constant 2048 : i32
          %mul3A_905 = arith.muli %add3A_890, %mul3A_904 : i32
          %mul3A_906 = arith.constant 16 : i32
          %mul3A_907 = arith.muli %add3A_903, %mul3A_906 : i32
          %add3A_908 = arith.addi %mul3A_905, %mul3A_907 : i32
          %add3A_909 = arith.constant 14 : i32
          %add3A_910 = arith.addi %add3A_909, %add3A_908 : i32
          %get3A = arith.index_cast %add3A_910 : i32 to index
          %get3A_911 = tpu.vector_load %arg5[%get3A] {strides = array<i32>} : memref<65552xi32, #tpu.memory_space<vmem>>, vector<16xi32>,
          %get3A_912 = vector.shape_cast %get3A_911 : vector<16xi32> to vector<16xi32>
          %add3A_913 = arith.constant 15 : i32
          %add3A_914 = arith.addi %add3A_913, %add3A_908 : i32
          %get3A_915 = arith.index_cast %add3A_914 : i32 to index
          %get3A_916 = tpu.vector_load %arg5[%get3A_915] {strides = array<i32>} : memref<65552xi32, #tpu.memory_space<vmem>>, vector<16xi32>,
          %get3A_917 = vector.shape_cast %get3A_916 : vector<16xi32> to vector<16xi32>
          %add3A_918 = arith.constant 16 : i32
          %add3A_919 = arith.addi %add3A_918, %add3A_908 : i32
          %get3A_920 = arith.index_cast %add3A_919 : i32 to index
          %get3A_921 = tpu.vector_load %arg5[%get3A_920] {strides = array<i32>} : memref<65552xi32, #tpu.memory_space<vmem>>, vector<16xi32>,
          %get3A_922 = vector.shape_cast %get3A_921 : vector<16xi32> to vector<16xi32>
          %shift_left3A = arith.constant 16 : i32
          %shift_left3A_923 = vector.broadcast %shift_left3A : i32 to vector<16xi32>
          %shift_left3A_924 = arith.shli %get3A_912, %shift_left3A_923 : vector<16xi32>
          %shift_right_arithmetic3A = arith.constant 3 : i32
          %shift_right_arithmetic3A_925 = vector.broadcast %shift_right_arithmetic3A : i32 to vector<16xi32>
          %shift_right_arithmetic3A_926 = arith.shrsi %get3A_917, %shift_right_arithmetic3A_925 : vector<16xi32>
          %shift_left3A_927 = arith.constant 11 : i32
          %shift_left3A_928 = vector.broadcast %shift_left3A_927 : i32 to vector<16xi32>
          %shift_left3A_929 = arith.shli %shift_right_arithmetic3A_926, %shift_left3A_928 : vector<16xi32>
          %or3A = arith.ori %shift_left3A_924, %shift_left3A_929 : vector<16xi32>
          %shift_right_arithmetic3A_930 = arith.constant 7 : i32
          %shift_right_arithmetic3A_931 = vector.broadcast %shift_right_arithmetic3A_930 : i32 to vector<16xi32>
          %shift_right_arithmetic3A_932 = arith.shrsi %get3A_922, %shift_right_arithmetic3A_931 : vector<16xi32>
          %shift_left3A_933 = arith.constant 10 : i32
          %shift_left3A_934 = vector.broadcast %shift_left3A_933 : i32 to vector<16xi32>
          %shift_left3A_935 = arith.shli %shift_right_arithmetic3A_932, %shift_left3A_934 : vector<16xi32>
          %or3A_936 = arith.ori %or3A, %shift_left3A_935 : vector<16xi32>
          %and3A = arith.constant 7 : i32
          %and3A_937 = vector.broadcast %and3A : i32 to vector<16xi32>
          %and3A_938 = arith.andi %get3A_917, %and3A_937 : vector<16xi32>
          %shift_left3A_939 = arith.constant 7 : i32
          %shift_left3A_940 = vector.broadcast %shift_left3A_939 : i32 to vector<16xi32>
          %shift_left3A_941 = arith.shli %and3A_938, %shift_left3A_940 : vector<16xi32>
          %or3A_942 = arith.ori %or3A_936, %shift_left3A_941 : vector<16xi32>
          %and3A_943 = arith.constant 127 : i32
          %and3A_944 = vector.broadcast %and3A_943 : i32 to vector<16xi32>
          %and3A_945 = arith.andi %get3A_922, %and3A_944 : vector<16xi32>
          %or3A_946 = arith.ori %or3A_942, %and3A_945 : vector<16xi32>
          %jit3A = arith.constant 8 : i32
          %div3A = arith.divsi %add3A_903, %jit3A : i32
          %sign3A = arith.constant 0 : i32
          %sign3A_947 = arith.cmpi sgt, %add3A_903, %sign3A : i32
          %sign3A_948 = arith.extui %sign3A_947 : i1 to i32
          %sign3A_949 = arith.constant 0 : i32
          %sign3A_950 = arith.cmpi slt, %add3A_903, %sign3A_949 : i32
          %sign3A_951 = arith.extui %sign3A_950 : i1 to i32
          %sign3A_952 = arith.subi %sign3A_948, %sign3A_951 : i32
          %sign3A_953 = arith.constant 0 : i32
          %sign3A_954 = arith.cmpi sgt, %jit3A, %sign3A_953 : i32
          %sign3A_955 = arith.extui %sign3A_954 : i1 to i32
          %sign3A_956 = arith.constant 0 : i32
          %sign3A_957 = arith.cmpi slt, %jit3A, %sign3A_956 : i32
          %sign3A_958 = arith.extui %sign3A_957 : i1 to i32
          %sign3A_959 = arith.subi %sign3A_955, %sign3A_958 : i32
          %ne3A = arith.cmpi ne, %sign3A_952, %sign3A_959 : i32
          %rem3A = arith.remsi %add3A_903, %jit3A : i32
          %ne3A_960 = arith.constant 0 : i32
          %ne3A_961 = arith.cmpi ne, %rem3A, %ne3A_960 : i32
          %and3A_962 = arith.andi %ne3A, %ne3A_961 : i1
          %sub3A = arith.constant 1 : i32
          %sub3A_963 = arith.subi %div3A, %sub3A : i32
          %select_n3A = arith.select %and3A_962, %sub3A_963, %div3A : i32
          %jit3A_964 = arith.constant 8 : i32
          %eq3A_965 = arith.constant 0 : i32
          %eq3A_966 = arith.cmpi eq, %jit3A_964, %eq3A_965 : i32
          %jit3A_967 = arith.constant 1 : i32
          %select_n3A_968 = arith.select %eq3A_966, %jit3A_967, %jit3A_964 : i32
          %rem3A_969 = arith.remsi %add3A_903, %select_n3A_968 : i32
          %ne3A_970 = arith.constant 0 : i32
          %ne3A_971 = arith.cmpi ne, %rem3A_969, %ne3A_970 : i32
          %lt3A_972 = arith.constant 0 : i32
          %lt3A_973 = arith.cmpi slt, %rem3A_969, %lt3A_972 : i32
          %lt3A_974 = arith.constant 0 : i32
          %lt3A_975 = arith.cmpi slt, %select_n3A_968, %lt3A_974 : i32
          %ne3A_976 = arith.xori %lt3A_973, %lt3A_975 : i1
          %and3A_977 = arith.andi %ne3A_976, %ne3A_971 : i1
          %add3A_978 = arith.addi %rem3A_969, %select_n3A_968 : i32
          %select_n3A_979 = arith.select %and3A_977, %add3A_978, %rem3A_969 : i32
          %mul3A_980 = arith.constant 16 : i32
          %mul3A_981 = arith.muli %select_n3A_979, %mul3A_980 : i32
          %swap3A = arith.index_cast %select_n3A : i32 to index
          %swap3A_982 = arith.index_cast %mul3A_981 : i32 to index
          %swap3A_983 = tpu.vector_load %arg9[%swap3A, %swap3A_982] {strides = array<i32>} : memref<16x128xi32, #tpu.memory_space<vmem>>, vector<1x16xi32>,
          %swap3A_984 = vector.shape_cast %swap3A_983 : vector<1x16xi32> to vector<16xi32>
          %swap3A_985 = vector.shape_cast %or3A_946 : vector<16xi32> to vector<1x16xi32>
          tpu.vector_store %arg9[%swap3A, %swap3A_982], %swap3A_985 {strides = array<i32>} : memref<16x128xi32, #tpu.memory_space<vmem>>, vector<1x16xi32>,
          %mul3A_986 = arith.constant 4 : i32
          %mul3A_987 = arith.muli %scan3A_898, %mul3A_986 : i32
          %add3A_988 = arith.constant 1 : i32
          %add3A_989 = arith.addi %mul3A_987, %add3A_988 : i32
          %mul3A_990 = arith.constant 2048 : i32
          %mul3A_991 = arith.muli %add3A_890, %mul3A_990 : i32
          %mul3A_992 = arith.constant 16 : i32
          %mul3A_993 = arith.muli %add3A_989, %mul3A_992 : i32
          %add3A_994 = arith.addi %mul3A_991, %mul3A_993 : i32
          %add3A_995 = arith.constant 14 : i32
          %add3A_996 = arith.addi %add3A_995, %add3A_994 : i32
          %get3A_997 = arith.index_cast %add3A_996 : i32 to index
          %get3A_998 = tpu.vector_load %arg5[%get3A_997] {strides = array<i32>} : memref<65552xi32, #tpu.memory_space<vmem>>, vector<16xi32>,
          %get3A_999 = vector.shape_cast %get3A_998 : vector<16xi32> to vector<16xi32>
          %add3A_1000 = arith.constant 15 : i32
          %add3A_1001 = arith.addi %add3A_1000, %add3A_994 : i32
          %get3A_1002 = arith.index_cast %add3A_1001 : i32 to index
          %get3A_1003 = tpu.vector_load %arg5[%get3A_1002] {strides = array<i32>} : memref<65552xi32, #tpu.memory_space<vmem>>, vector<16xi32>,
          %get3A_1004 = vector.shape_cast %get3A_1003 : vector<16xi32> to vector<16xi32>
          %add3A_1005 = arith.constant 16 : i32
          %add3A_1006 = arith.addi %add3A_1005, %add3A_994 : i32
          %get3A_1007 = arith.index_cast %add3A_1006 : i32 to index
          %get3A_1008 = tpu.vector_load %arg5[%get3A_1007] {strides = array<i32>} : memref<65552xi32, #tpu.memory_space<vmem>>, vector<16xi32>,
          %get3A_1009 = vector.shape_cast %get3A_1008 : vector<16xi32> to vector<16xi32>
          %shift_left3A_1010 = arith.constant 16 : i32
          %shift_left3A_1011 = vector.broadcast %shift_left3A_1010 : i32 to vector<16xi32>
          %shift_left3A_1012 = arith.shli %get3A_999, %shift_left3A_1011 : vector<16xi32>
          %shift_right_arithmetic3A_1013 = arith.constant 3 : i32
          %shift_right_arithmetic3A_1014 = vector.broadcast %shift_right_arithmetic3A_1013 : i32 to vector<16xi32>
          %shift_right_arithmetic3A_1015 = arith.shrsi %get3A_1004, %shift_right_arithmetic3A_1014 : vector<16xi32>
          %shift_left3A_1016 = arith.constant 11 : i32
          %shift_left3A_1017 = vector.broadcast %shift_left3A_1016 : i32 to vector<16xi32>
          %shift_left3A_1018 = arith.shli %shift_right_arithmetic3A_1015, %shift_left3A_1017 : vector<16xi32>
          %or3A_1019 = arith.ori %shift_left3A_1012, %shift_left3A_1018 : vector<16xi32>
          %shift_right_arithmetic3A_1020 = arith.constant 7 : i32
          %shift_right_arithmetic3A_1021 = vector.broadcast %shift_right_arithmetic3A_1020 : i32 to vector<16xi32>
          %shift_right_arithmetic3A_1022 = arith.shrsi %get3A_1009, %shift_right_arithmetic3A_1021 : vector<16xi32>
          %shift_left3A_1023 = arith.constant 10 : i32
          %shift_left3A_1024 = vector.broadcast %shift_left3A_1023 : i32 to vector<16xi32>
          %shift_left3A_1025 = arith.shli %shift_right_arithmetic3A_1022, %shift_left3A_1024 : vector<16xi32>
          %or3A_1026 = arith.ori %or3A_1019, %shift_left3A_1025 : vector<16xi32>
          %and3A_1027 = arith.constant 7 : i32
          %and3A_1028 = vector.broadcast %and3A_1027 : i32 to vector<16xi32>
          %and3A_1029 = arith.andi %get3A_1004, %and3A_1028 : vector<16xi32>
          %shift_left3A_1030 = arith.constant 7 : i32
          %shift_left3A_1031 = vector.broadcast %shift_left3A_1030 : i32 to vector<16xi32>
          %shift_left3A_1032 = arith.shli %and3A_1029, %shift_left3A_1031 : vector<16xi32>
          %or3A_1033 = arith.ori %or3A_1026, %shift_left3A_1032 : vector<16xi32>
          %and3A_1034 = arith.constant 127 : i32
          %and3A_1035 = vector.broadcast %and3A_1034 : i32 to vector<16xi32>
          %and3A_1036 = arith.andi %get3A_1009, %and3A_1035 : vector<16xi32>
          %or3A_1037 = arith.ori %or3A_1033, %and3A_1036 : vector<16xi32>
          %jit3A_1038 = arith.constant 8 : i32
          %div3A_1039 = arith.divsi %add3A_989, %jit3A_1038 : i32
          %sign3A_1040 = arith.constant 0 : i32
          %sign3A_1041 = arith.cmpi sgt, %add3A_989, %sign3A_1040 : i32
          %sign3A_1042 = arith.extui %sign3A_1041 : i1 to i32
          %sign3A_1043 = arith.constant 0 : i32
          %sign3A_1044 = arith.cmpi slt, %add3A_989, %sign3A_1043 : i32
          %sign3A_1045 = arith.extui %sign3A_1044 : i1 to i32
          %sign3A_1046 = arith.subi %sign3A_1042, %sign3A_1045 : i32
          %sign3A_1047 = arith.constant 0 : i32
          %sign3A_1048 = arith.cmpi sgt, %jit3A_1038, %sign3A_1047 : i32
          %sign3A_1049 = arith.extui %sign3A_1048 : i1 to i32
          %sign3A_1050 = arith.constant 0 : i32
          %sign3A_1051 = arith.cmpi slt, %jit3A_1038, %sign3A_1050 : i32
          %sign3A_1052 = arith.extui %sign3A_1051 : i1 to i32
          %sign3A_1053 = arith.subi %sign3A_1049, %sign3A_1052 : i32
          %ne3A_1054 = arith.cmpi ne, %sign3A_1046, %sign3A_1053 : i32
          %rem3A_1055 = arith.remsi %add3A_989, %jit3A_1038 : i32
          %ne3A_1056 = arith.constant 0 : i32
          %ne3A_1057 = arith.cmpi ne, %rem3A_1055, %ne3A_1056 : i32
          %and3A_1058 = arith.andi %ne3A_1054, %ne3A_1057 : i1
          %sub3A_1059 = arith.constant 1 : i32
          %sub3A_1060 = arith.subi %div3A_1039, %sub3A_1059 : i32
          %select_n3A_1061 = arith.select %and3A_1058, %sub3A_1060, %div3A_1039 : i32
          %jit3A_1062 = arith.constant 8 : i32
          %eq3A_1063 = arith.constant 0 : i32
          %eq3A_1064 = arith.cmpi eq, %jit3A_1062, %eq3A_1063 : i32
          %jit3A_1065 = arith.constant 1 : i32
          %select_n3A_1066 = arith.select %eq3A_1064, %jit3A_1065, %jit3A_1062 : i32
          %rem3A_1067 = arith.remsi %add3A_989, %select_n3A_1066 : i32
          %ne3A_1068 = arith.constant 0 : i32
          %ne3A_1069 = arith.cmpi ne, %rem3A_1067, %ne3A_1068 : i32
          %lt3A_1070 = arith.constant 0 : i32
          %lt3A_1071 = arith.cmpi slt, %rem3A_1067, %lt3A_1070 : i32
          %lt3A_1072 = arith.constant 0 : i32
          %lt3A_1073 = arith.cmpi slt, %select_n3A_1066, %lt3A_1072 : i32
          %ne3A_1074 = arith.xori %lt3A_1071, %lt3A_1073 : i1
          %and3A_1075 = arith.andi %ne3A_1074, %ne3A_1069 : i1
          %add3A_1076 = arith.addi %rem3A_1067, %select_n3A_1066 : i32
          %select_n3A_1077 = arith.select %and3A_1075, %add3A_1076, %rem3A_1067 : i32
          %mul3A_1078 = arith.constant 16 : i32
          %mul3A_1079 = arith.muli %select_n3A_1077, %mul3A_1078 : i32
          %swap3A_1080 = arith.index_cast %select_n3A_1061 : i32 to index
          %swap3A_1081 = arith.index_cast %mul3A_1079 : i32 to index
          %swap3A_1082 = tpu.vector_load %arg9[%swap3A_1080, %swap3A_1081] {strides = array<i32>} : memref<16x128xi32, #tpu.memory_space<vmem>>, vector<1x16xi32>,
          %swap3A_1083 = vector.shape_cast %swap3A_1082 : vector<1x16xi32> to vector<16xi32>
          %swap3A_1084 = vector.shape_cast %or3A_1037 : vector<16xi32> to vector<1x16xi32>
          tpu.vector_store %arg9[%swap3A_1080, %swap3A_1081], %swap3A_1084 {strides = array<i32>} : memref<16x128xi32, #tpu.memory_space<vmem>>, vector<1x16xi32>,
          %mul3A_1085 = arith.constant 4 : i32
          %mul3A_1086 = arith.muli %scan3A_898, %mul3A_1085 : i32
          %add3A_1087 = arith.constant 2 : i32
          %add3A_1088 = arith.addi %mul3A_1086, %add3A_1087 : i32
          %mul3A_1089 = arith.constant 2048 : i32
          %mul3A_1090 = arith.muli %add3A_890, %mul3A_1089 : i32
          %mul3A_1091 = arith.constant 16 : i32
          %mul3A_1092 = arith.muli %add3A_1088, %mul3A_1091 : i32
          %add3A_1093 = arith.addi %mul3A_1090, %mul3A_1092 : i32
          %add3A_1094 = arith.constant 14 : i32
          %add3A_1095 = arith.addi %add3A_1094, %add3A_1093 : i32
          %get3A_1096 = arith.index_cast %add3A_1095 : i32 to index
          %get3A_1097 = tpu.vector_load %arg5[%get3A_1096] {strides = array<i32>} : memref<65552xi32, #tpu.memory_space<vmem>>, vector<16xi32>,
          %get3A_1098 = vector.shape_cast %get3A_1097 : vector<16xi32> to vector<16xi32>
          %add3A_1099 = arith.constant 15 : i32
          %add3A_1100 = arith.addi %add3A_1099, %add3A_1093 : i32
          %get3A_1101 = arith.index_cast %add3A_1100 : i32 to index
          %get3A_1102 = tpu.vector_load %arg5[%get3A_1101] {strides = array<i32>} : memref<65552xi32, #tpu.memory_space<vmem>>, vector<16xi32>,
          %get3A_1103 = vector.shape_cast %get3A_1102 : vector<16xi32> to vector<16xi32>
          %add3A_1104 = arith.constant 16 : i32
          %add3A_1105 = arith.addi %add3A_1104, %add3A_1093 : i32
          %get3A_1106 = arith.index_cast %add3A_1105 : i32 to index
          %get3A_1107 = tpu.vector_load %arg5[%get3A_1106] {strides = array<i32>} : memref<65552xi32, #tpu.memory_space<vmem>>, vector<16xi32>,
          %get3A_1108 = vector.shape_cast %get3A_1107 : vector<16xi32> to vector<16xi32>
          %shift_left3A_1109 = arith.constant 16 : i32
          %shift_left3A_1110 = vector.broadcast %shift_left3A_1109 : i32 to vector<16xi32>
          %shift_left3A_1111 = arith.shli %get3A_1098, %shift_left3A_1110 : vector<16xi32>
          %shift_right_arithmetic3A_1112 = arith.constant 3 : i32
          %shift_right_arithmetic3A_1113 = vector.broadcast %shift_right_arithmetic3A_1112 : i32 to vector<16xi32>
          %shift_right_arithmetic3A_1114 = arith.shrsi %get3A_1103, %shift_right_arithmetic3A_1113 : vector<16xi32>
          %shift_left3A_1115 = arith.constant 11 : i32
          %shift_left3A_1116 = vector.broadcast %shift_left3A_1115 : i32 to vector<16xi32>
          %shift_left3A_1117 = arith.shli %shift_right_arithmetic3A_1114, %shift_left3A_1116 : vector<16xi32>
          %or3A_1118 = arith.ori %shift_left3A_1111, %shift_left3A_1117 : vector<16xi32>
          %shift_right_arithmetic3A_1119 = arith.constant 7 : i32
          %shift_right_arithmetic3A_1120 = vector.broadcast %shift_right_arithmetic3A_1119 : i32 to vector<16xi32>
          %shift_right_arithmetic3A_1121 = arith.shrsi %get3A_1108, %shift_right_arithmetic3A_1120 : vector<16xi32>
          %shift_left3A_1122 = arith.constant 10 : i32
          %shift_left3A_1123 = vector.broadcast %shift_left3A_1122 : i32 to vector<16xi32>
          %shift_left3A_1124 = arith.shli %shift_right_arithmetic3A_1121, %shift_left3A_1123 : vector<16xi32>
          %or3A_1125 = arith.ori %or3A_1118, %shift_left3A_1124 : vector<16xi32>
          %and3A_1126 = arith.constant 7 : i32
          %and3A_1127 = vector.broadcast %and3A_1126 : i32 to vector<16xi32>
          %and3A_1128 = arith.andi %get3A_1103, %and3A_1127 : vector<16xi32>
          %shift_left3A_1129 = arith.constant 7 : i32
          %shift_left3A_1130 = vector.broadcast %shift_left3A_1129 : i32 to vector<16xi32>
          %shift_left3A_1131 = arith.shli %and3A_1128, %shift_left3A_1130 : vector<16xi32>
          %or3A_1132 = arith.ori %or3A_1125, %shift_left3A_1131 : vector<16xi32>
          %and3A_1133 = arith.constant 127 : i32
          %and3A_1134 = vector.broadcast %and3A_1133 : i32 to vector<16xi32>
          %and3A_1135 = arith.andi %get3A_1108, %and3A_1134 : vector<16xi32>
          %or3A_1136 = arith.ori %or3A_1132, %and3A_1135 : vector<16xi32>
          %jit3A_1137 = arith.constant 8 : i32
          %div3A_1138 = arith.divsi %add3A_1088, %jit3A_1137 : i32
          %sign3A_1139 = arith.constant 0 : i32
          %sign3A_1140 = arith.cmpi sgt, %add3A_1088, %sign3A_1139 : i32
          %sign3A_1141 = arith.extui %sign3A_1140 : i1 to i32
          %sign3A_1142 = arith.constant 0 : i32
          %sign3A_1143 = arith.cmpi slt, %add3A_1088, %sign3A_1142 : i32
          %sign3A_1144 = arith.extui %sign3A_1143 : i1 to i32
          %sign3A_1145 = arith.subi %sign3A_1141, %sign3A_1144 : i32
          %sign3A_1146 = arith.constant 0 : i32
          %sign3A_1147 = arith.cmpi sgt, %jit3A_1137, %sign3A_1146 : i32
          %sign3A_1148 = arith.extui %sign3A_1147 : i1 to i32
          %sign3A_1149 = arith.constant 0 : i32
          %sign3A_1150 = arith.cmpi slt, %jit3A_1137, %sign3A_1149 : i32
          %sign3A_1151 = arith.extui %sign3A_1150 : i1 to i32
          %sign3A_1152 = arith.subi %sign3A_1148, %sign3A_1151 : i32
          %ne3A_1153 = arith.cmpi ne, %sign3A_1145, %sign3A_1152 : i32
          %rem3A_1154 = arith.remsi %add3A_1088, %jit3A_1137 : i32
          %ne3A_1155 = arith.constant 0 : i32
          %ne3A_1156 = arith.cmpi ne, %rem3A_1154, %ne3A_1155 : i32
          %and3A_1157 = arith.andi %ne3A_1153, %ne3A_1156 : i1
          %sub3A_1158 = arith.constant 1 : i32
          %sub3A_1159 = arith.subi %div3A_1138, %sub3A_1158 : i32
          %select_n3A_1160 = arith.select %and3A_1157, %sub3A_1159, %div3A_1138 : i32
          %jit3A_1161 = arith.constant 8 : i32
          %eq3A_1162 = arith.constant 0 : i32
          %eq3A_1163 = arith.cmpi eq, %jit3A_1161, %eq3A_1162 : i32
          %jit3A_1164 = arith.constant 1 : i32
          %select_n3A_1165 = arith.select %eq3A_1163, %jit3A_1164, %jit3A_1161 : i32
          %rem3A_1166 = arith.remsi %add3A_1088, %select_n3A_1165 : i32
          %ne3A_1167 = arith.constant 0 : i32
          %ne3A_1168 = arith.cmpi ne, %rem3A_1166, %ne3A_1167 : i32
          %lt3A_1169 = arith.constant 0 : i32
          %lt3A_1170 = arith.cmpi slt, %rem3A_1166, %lt3A_1169 : i32
          %lt3A_1171 = arith.constant 0 : i32
          %lt3A_1172 = arith.cmpi slt, %select_n3A_1165, %lt3A_1171 : i32
          %ne3A_1173 = arith.xori %lt3A_1170, %lt3A_1172 : i1
          %and3A_1174 = arith.andi %ne3A_1173, %ne3A_1168 : i1
          %add3A_1175 = arith.addi %rem3A_1166, %select_n3A_1165 : i32
          %select_n3A_1176 = arith.select %and3A_1174, %add3A_1175, %rem3A_1166 : i32
          %mul3A_1177 = arith.constant 16 : i32
          %mul3A_1178 = arith.muli %select_n3A_1176, %mul3A_1177 : i32
          %swap3A_1179 = arith.index_cast %select_n3A_1160 : i32 to index
          %swap3A_1180 = arith.index_cast %mul3A_1178 : i32 to index
          %swap3A_1181 = tpu.vector_load %arg9[%swap3A_1179, %swap3A_1180] {strides = array<i32>} : memref<16x128xi32, #tpu.memory_space<vmem>>, vector<1x16xi32>,
          %swap3A_1182 = vector.shape_cast %swap3A_1181 : vector<1x16xi32> to vector<16xi32>
          %swap3A_1183 = vector.shape_cast %or3A_1136 : vector<16xi32> to vector<1x16xi32>
          tpu.vector_store %arg9[%swap3A_1179, %swap3A_1180], %swap3A_1183 {strides = array<i32>} : memref<16x128xi32, #tpu.memory_space<vmem>>, vector<1x16xi32>,
          %mul3A_1184 = arith.constant 4 : i32
          %mul3A_1185 = arith.muli %scan3A_898, %mul3A_1184 : i32
          %add3A_1186 = arith.constant 3 : i32
          %add3A_1187 = arith.addi %mul3A_1185, %add3A_1186 : i32
          %mul3A_1188 = arith.constant 2048 : i32
          %mul3A_1189 = arith.muli %add3A_890, %mul3A_1188 : i32
          %mul3A_1190 = arith.constant 16 : i32
          %mul3A_1191 = arith.muli %add3A_1187, %mul3A_1190 : i32
          %add3A_1192 = arith.addi %mul3A_1189, %mul3A_1191 : i32
          %add3A_1193 = arith.constant 14 : i32
          %add3A_1194 = arith.addi %add3A_1193, %add3A_1192 : i32
          %get3A_1195 = arith.index_cast %add3A_1194 : i32 to index
          %get3A_1196 = tpu.vector_load %arg5[%get3A_1195] {strides = array<i32>} : memref<65552xi32, #tpu.memory_space<vmem>>, vector<16xi32>,
          %get3A_1197 = vector.shape_cast %get3A_1196 : vector<16xi32> to vector<16xi32>
          %add3A_1198 = arith.constant 15 : i32
          %add3A_1199 = arith.addi %add3A_1198, %add3A_1192 : i32
          %get3A_1200 = arith.index_cast %add3A_1199 : i32 to index
          %get3A_1201 = tpu.vector_load %arg5[%get3A_1200] {strides = array<i32>} : memref<65552xi32, #tpu.memory_space<vmem>>, vector<16xi32>,
          %get3A_1202 = vector.shape_cast %get3A_1201 : vector<16xi32> to vector<16xi32>
          %add3A_1203 = arith.constant 16 : i32
          %add3A_1204 = arith.addi %add3A_1203, %add3A_1192 : i32
          %get3A_1205 = arith.index_cast %add3A_1204 : i32 to index
          %get3A_1206 = tpu.vector_load %arg5[%get3A_1205] {strides = array<i32>} : memref<65552xi32, #tpu.memory_space<vmem>>, vector<16xi32>,
          %get3A_1207 = vector.shape_cast %get3A_1206 : vector<16xi32> to vector<16xi32>
          %shift_left3A_1208 = arith.constant 16 : i32
          %shift_left3A_1209 = vector.broadcast %shift_left3A_1208 : i32 to vector<16xi32>
          %shift_left3A_1210 = arith.shli %get3A_1197, %shift_left3A_1209 : vector<16xi32>
          %shift_right_arithmetic3A_1211 = arith.constant 3 : i32
          %shift_right_arithmetic3A_1212 = vector.broadcast %shift_right_arithmetic3A_1211 : i32 to vector<16xi32>
          %shift_right_arithmetic3A_1213 = arith.shrsi %get3A_1202, %shift_right_arithmetic3A_1212 : vector<16xi32>
          %shift_left3A_1214 = arith.constant 11 : i32
          %shift_left3A_1215 = vector.broadcast %shift_left3A_1214 : i32 to vector<16xi32>
          %shift_left3A_1216 = arith.shli %shift_right_arithmetic3A_1213, %shift_left3A_1215 : vector<16xi32>
          %or3A_1217 = arith.ori %shift_left3A_1210, %shift_left3A_1216 : vector<16xi32>
          %shift_right_arithmetic3A_1218 = arith.constant 7 : i32
          %shift_right_arithmetic3A_1219 = vector.broadcast %shift_right_arithmetic3A_1218 : i32 to vector<16xi32>
          %shift_right_arithmetic3A_1220 = arith.shrsi %get3A_1207, %shift_right_arithmetic3A_1219 : vector<16xi32>
          %shift_left3A_1221 = arith.constant 10 : i32
          %shift_left3A_1222 = vector.broadcast %shift_left3A_1221 : i32 to vector<16xi32>
          %shift_left3A_1223 = arith.shli %shift_right_arithmetic3A_1220, %shift_left3A_1222 : vector<16xi32>
          %or3A_1224 = arith.ori %or3A_1217, %shift_left3A_1223 : vector<16xi32>
          %and3A_1225 = arith.constant 7 : i32
          %and3A_1226 = vector.broadcast %and3A_1225 : i32 to vector<16xi32>
          %and3A_1227 = arith.andi %get3A_1202, %and3A_1226 : vector<16xi32>
          %shift_left3A_1228 = arith.constant 7 : i32
          %shift_left3A_1229 = vector.broadcast %shift_left3A_1228 : i32 to vector<16xi32>
          %shift_left3A_1230 = arith.shli %and3A_1227, %shift_left3A_1229 : vector<16xi32>
          %or3A_1231 = arith.ori %or3A_1224, %shift_left3A_1230 : vector<16xi32>
          %and3A_1232 = arith.constant 127 : i32
          %and3A_1233 = vector.broadcast %and3A_1232 : i32 to vector<16xi32>
          %and3A_1234 = arith.andi %get3A_1207, %and3A_1233 : vector<16xi32>
          %or3A_1235 = arith.ori %or3A_1231, %and3A_1234 : vector<16xi32>
          %jit3A_1236 = arith.constant 8 : i32
          %div3A_1237 = arith.divsi %add3A_1187, %jit3A_1236 : i32
          %sign3A_1238 = arith.constant 0 : i32
          %sign3A_1239 = arith.cmpi sgt, %add3A_1187, %sign3A_1238 : i32
          %sign3A_1240 = arith.extui %sign3A_1239 : i1 to i32
          %sign3A_1241 = arith.constant 0 : i32
          %sign3A_1242 = arith.cmpi slt, %add3A_1187, %sign3A_1241 : i32
          %sign3A_1243 = arith.extui %sign3A_1242 : i1 to i32
          %sign3A_1244 = arith.subi %sign3A_1240, %sign3A_1243 : i32
          %sign3A_1245 = arith.constant 0 : i32
          %sign3A_1246 = arith.cmpi sgt, %jit3A_1236, %sign3A_1245 : i32
          %sign3A_1247 = arith.extui %sign3A_1246 : i1 to i32
          %sign3A_1248 = arith.constant 0 : i32
          %sign3A_1249 = arith.cmpi slt, %jit3A_1236, %sign3A_1248 : i32
          %sign3A_1250 = arith.extui %sign3A_1249 : i1 to i32
          %sign3A_1251 = arith.subi %sign3A_1247, %sign3A_1250 : i32
          %ne3A_1252 = arith.cmpi ne, %sign3A_1244, %sign3A_1251 : i32
          %rem3A_1253 = arith.remsi %add3A_1187, %jit3A_1236 : i32
          %ne3A_1254 = arith.constant 0 : i32
          %ne3A_1255 = arith.cmpi ne, %rem3A_1253, %ne3A_1254 : i32
          %and3A_1256 = arith.andi %ne3A_1252, %ne3A_1255 : i1
          %sub3A_1257 = arith.constant 1 : i32
          %sub3A_1258 = arith.subi %div3A_1237, %sub3A_1257 : i32
          %select_n3A_1259 = arith.select %and3A_1256, %sub3A_1258, %div3A_1237 : i32
          %jit3A_1260 = arith.constant 8 : i32
          %eq3A_1261 = arith.constant 0 : i32
          %eq3A_1262 = arith.cmpi eq, %jit3A_1260, %eq3A_1261 : i32
          %jit3A_1263 = arith.constant 1 : i32
          %select_n3A_1264 = arith.select %eq3A_1262, %jit3A_1263, %jit3A_1260 : i32
          %rem3A_1265 = arith.remsi %add3A_1187, %select_n3A_1264 : i32
          %ne3A_1266 = arith.constant 0 : i32
          %ne3A_1267 = arith.cmpi ne, %rem3A_1265, %ne3A_1266 : i32
          %lt3A_1268 = arith.constant 0 : i32
          %lt3A_1269 = arith.cmpi slt, %rem3A_1265, %lt3A_1268 : i32
          %lt3A_1270 = arith.constant 0 : i32
          %lt3A_1271 = arith.cmpi slt, %select_n3A_1264, %lt3A_1270 : i32
          %ne3A_1272 = arith.xori %lt3A_1269, %lt3A_1271 : i1
          %and3A_1273 = arith.andi %ne3A_1272, %ne3A_1267 : i1
          %add3A_1274 = arith.addi %rem3A_1265, %select_n3A_1264 : i32
          %select_n3A_1275 = arith.select %and3A_1273, %add3A_1274, %rem3A_1265 : i32
          %mul3A_1276 = arith.constant 16 : i32
          %mul3A_1277 = arith.muli %select_n3A_1275, %mul3A_1276 : i32
          %swap3A_1278 = arith.index_cast %select_n3A_1259 : i32 to index
          %swap3A_1279 = arith.index_cast %mul3A_1277 : i32 to index
          %swap3A_1280 = tpu.vector_load %arg9[%swap3A_1278, %swap3A_1279] {strides = array<i32>} : memref<16x128xi32, #tpu.memory_space<vmem>>, vector<1x16xi32>,
          %swap3A_1281 = vector.shape_cast %swap3A_1280 : vector<1x16xi32> to vector<16xi32>
          %swap3A_1282 = vector.shape_cast %or3A_1235 : vector<16xi32> to vector<1x16xi32>
          tpu.vector_store %arg9[%swap3A_1278, %swap3A_1279], %swap3A_1282 {strides = array<i32>} : memref<16x128xi32, #tpu.memory_space<vmem>>, vector<1x16xi32>,
          %scan3A_1283 = arith.constant 0 : i32
          scf.yield %scan3A_1283 : i32
        }
        %scan3A_897 = arith.constant 32 : i32
      } else {
      }
      %mul3A_741 = arith.constant 4 : i32
      %mul3A_742 = arith.muli %mul3A_741, %scan3A_300 : i32
      %add3A_743 = arith.constant 3 : i32
      %add3A_744 = arith.addi %mul3A_742, %add3A_743 : i32
      %ge3A_745 = arith.constant 2 : i32
      %ge3A_746 = arith.cmpi sge, %add3A_744, %ge3A_745 : i32
      %convert_element_type3A_747 = arith.extui %ge3A_746 : i1 to i32
      %cond3A_748 = arith.constant 0 : i32
      %cond3A_749 = arith.cmpi ne, %convert_element_type3A_747, %cond3A_748 : i32
      scf.if %cond3A_749 {
        %dma_wait3A_889 = arith.constant 0 : i32
        %dma_wait3A_890 = arith.constant 0 : i32
        %dma_wait3A_891 = tpu.memref_slice %arg11[%dma_wait3A_890] : memref<2048xf32, #tpu.memory_space<vmem>> -> memref<128xf32, #tpu.memory_space<vmem>>
        %dma_wait3A_892 = arith.constant 0 : i32
        %dma_wait3A_893 = tpu.memref_slice %arg7[%dma_wait3A_889, %dma_wait3A_892] : memref<16x128xi32, #tpu.memory_space<vmem>> -> memref<1x128xi32, #tpu.memory_space<vmem>>
        %dma_wait3A_894 = tpu.memref_squeeze %dma_wait3A_893 : memref<1x128xi32, #tpu.memory_space<vmem>> -> memref<128xi32, #tpu.memory_space<vmem>>
        %dma_wait3A_895 = arith.constant 0 : i32
        %dma_wait3A_896 = tpu.memref_slice %arg2[%dma_wait3A_895] : memref<16777216xf32, #tpu.memory_space<hbm>> -> memref<16777216xf32, #tpu.memory_space<hbm>>
        tpu.wait_indirect_dma semaphore(%arg15 : memref<!tpu.dma_semaphore, #tpu.memory_space<semaphore_mem>>) src(%dma_wait3A_896 : memref<16777216xf32, #tpu.memory_space<hbm>>) dst(%dma_wait3A_891 : memref<128xf32, #tpu.memory_space<vmem>>)
        %dma_wait3A_897 = arith.constant 1 : i32
        %dma_wait3A_898 = arith.constant 128 : i32
        %dma_wait3A_899 = tpu.memref_slice %arg11[%dma_wait3A_898] : memref<2048xf32, #tpu.memory_space<vmem>> -> memref<128xf32, #tpu.memory_space<vmem>>
        %dma_wait3A_900 = arith.constant 0 : i32
        %dma_wait3A_901 = tpu.memref_slice %arg7[%dma_wait3A_897, %dma_wait3A_900] : memref<16x128xi32, #tpu.memory_space<vmem>> -> memref<1x128xi32, #tpu.memory_space<vmem>>
        %dma_wait3A_902 = tpu.memref_squeeze %dma_wait3A_901 : memref<1x128xi32, #tpu.memory_space<vmem>> -> memref<128xi32, #tpu.memory_space<vmem>>
        %dma_wait3A_903 = arith.constant 0 : i32
        %dma_wait3A_904 = tpu.memref_slice %arg2[%dma_wait3A_903] : memref<16777216xf32, #tpu.memory_space<hbm>> -> memref<16777216xf32, #tpu.memory_space<hbm>>
        tpu.wait_indirect_dma semaphore(%arg15 : memref<!tpu.dma_semaphore, #tpu.memory_space<semaphore_mem>>) src(%dma_wait3A_904 : memref<16777216xf32, #tpu.memory_space<hbm>>) dst(%dma_wait3A_899 : memref<128xf32, #tpu.memory_space<vmem>>)
        %dma_wait3A_905 = arith.constant 2 : i32
        %dma_wait3A_906 = arith.constant 256 : i32
        %dma_wait3A_907 = tpu.memref_slice %arg11[%dma_wait3A_906] : memref<2048xf32, #tpu.memory_space<vmem>> -> memref<128xf32, #tpu.memory_space<vmem>>
        %dma_wait3A_908 = arith.constant 0 : i32
        %dma_wait3A_909 = tpu.memref_slice %arg7[%dma_wait3A_905, %dma_wait3A_908] : memref<16x128xi32, #tpu.memory_space<vmem>> -> memref<1x128xi32, #tpu.memory_space<vmem>>
        %dma_wait3A_910 = tpu.memref_squeeze %dma_wait3A_909 : memref<1x128xi32, #tpu.memory_space<vmem>> -> memref<128xi32, #tpu.memory_space<vmem>>
        %dma_wait3A_911 = arith.constant 0 : i32
        %dma_wait3A_912 = tpu.memref_slice %arg2[%dma_wait3A_911] : memref<16777216xf32, #tpu.memory_space<hbm>> -> memref<16777216xf32, #tpu.memory_space<hbm>>
        tpu.wait_indirect_dma semaphore(%arg15 : memref<!tpu.dma_semaphore, #tpu.memory_space<semaphore_mem>>) src(%dma_wait3A_912 : memref<16777216xf32, #tpu.memory_space<hbm>>) dst(%dma_wait3A_907 : memref<128xf32, #tpu.memory_space<vmem>>)
        %dma_wait3A_913 = arith.constant 3 : i32
        %dma_wait3A_914 = arith.constant 384 : i32
        %dma_wait3A_915 = tpu.memref_slice %arg11[%dma_wait3A_914] : memref<2048xf32, #tpu.memory_space<vmem>> -> memref<128xf32, #tpu.memory_space<vmem>>
        %dma_wait3A_916 = arith.constant 0 : i32
        %dma_wait3A_917 = tpu.memref_slice %arg7[%dma_wait3A_913, %dma_wait3A_916] : memref<16x128xi32, #tpu.memory_space<vmem>> -> memref<1x128xi32, #tpu.memory_space<vmem>>
        %dma_wait3A_918 = tpu.memref_squeeze %dma_wait3A_917 : memref<1x128xi32, #tpu.memory_space<vmem>> -> memref<128xi32, #tpu.memory_space<vmem>>
        %dma_wait3A_919 = arith.constant 0 : i32
        %dma_wait3A_920 = tpu.memref_slice %arg2[%dma_wait3A_919] : memref<16777216xf32, #tpu.memory_space<hbm>> -> memref<16777216xf32, #tpu.memory_space<hbm>>
        tpu.wait_indirect_dma semaphore(%arg15 : memref<!tpu.dma_semaphore, #tpu.memory_space<semaphore_mem>>) src(%dma_wait3A_920 : memref<16777216xf32, #tpu.memory_space<hbm>>) dst(%dma_wait3A_915 : memref<128xf32, #tpu.memory_space<vmem>>)
        %dma_wait3A_921 = arith.constant 4 : i32
        %dma_wait3A_922 = arith.constant 512 : i32
        %dma_wait3A_923 = tpu.memref_slice %arg11[%dma_wait3A_922] : memref<2048xf32, #tpu.memory_space<vmem>> -> memref<128xf32, #tpu.memory_space<vmem>>
        %dma_wait3A_924 = arith.constant 0 : i32
        %dma_wait3A_925 = tpu.memref_slice %arg7[%dma_wait3A_921, %dma_wait3A_924] : memref<16x128xi32, #tpu.memory_space<vmem>> -> memref<1x128xi32, #tpu.memory_space<vmem>>
        %dma_wait3A_926 = tpu.memref_squeeze %dma_wait3A_925 : memref<1x128xi32, #tpu.memory_space<vmem>> -> memref<128xi32, #tpu.memory_space<vmem>>
        %dma_wait3A_927 = arith.constant 0 : i32
        %dma_wait3A_928 = tpu.memref_slice %arg2[%dma_wait3A_927] : memref<16777216xf32, #tpu.memory_space<hbm>> -> memref<16777216xf32, #tpu.memory_space<hbm>>
        tpu.wait_indirect_dma semaphore(%arg15 : memref<!tpu.dma_semaphore, #tpu.memory_space<semaphore_mem>>) src(%dma_wait3A_928 : memref<16777216xf32, #tpu.memory_space<hbm>>) dst(%dma_wait3A_923 : memref<128xf32, #tpu.memory_space<vmem>>)
        %dma_wait3A_929 = arith.constant 5 : i32
        %dma_wait3A_930 = arith.constant 640 : i32
        %dma_wait3A_931 = tpu.memref_slice %arg11[%dma_wait3A_930] : memref<2048xf32, #tpu.memory_space<vmem>> -> memref<128xf32, #tpu.memory_space<vmem>>
        %dma_wait3A_932 = arith.constant 0 : i32
        %dma_wait3A_933 = tpu.memref_slice %arg7[%dma_wait3A_929, %dma_wait3A_932] : memref<16x128xi32, #tpu.memory_space<vmem>> -> memref<1x128xi32, #tpu.memory_space<vmem>>
        %dma_wait3A_934 = tpu.memref_squeeze %dma_wait3A_933 : memref<1x128xi32, #tpu.memory_space<vmem>> -> memref<128xi32, #tpu.memory_space<vmem>>
        %dma_wait3A_935 = arith.constant 0 : i32
        %dma_wait3A_936 = tpu.memref_slice %arg2[%dma_wait3A_935] : memref<16777216xf32, #tpu.memory_space<hbm>> -> memref<16777216xf32, #tpu.memory_space<hbm>>
        tpu.wait_indirect_dma semaphore(%arg15 : memref<!tpu.dma_semaphore, #tpu.memory_space<semaphore_mem>>) src(%dma_wait3A_936 : memref<16777216xf32, #tpu.memory_space<hbm>>) dst(%dma_wait3A_931 : memref<128xf32, #tpu.memory_space<vmem>>)
        %dma_wait3A_937 = arith.constant 6 : i32
        %dma_wait3A_938 = arith.constant 768 : i32
        %dma_wait3A_939 = tpu.memref_slice %arg11[%dma_wait3A_938] : memref<2048xf32, #tpu.memory_space<vmem>> -> memref<128xf32, #tpu.memory_space<vmem>>
        %dma_wait3A_940 = arith.constant 0 : i32
        %dma_wait3A_941 = tpu.memref_slice %arg7[%dma_wait3A_937, %dma_wait3A_940] : memref<16x128xi32, #tpu.memory_space<vmem>> -> memref<1x128xi32, #tpu.memory_space<vmem>>
        %dma_wait3A_942 = tpu.memref_squeeze %dma_wait3A_941 : memref<1x128xi32, #tpu.memory_space<vmem>> -> memref<128xi32, #tpu.memory_space<vmem>>
        %dma_wait3A_943 = arith.constant 0 : i32
        %dma_wait3A_944 = tpu.memref_slice %arg2[%dma_wait3A_943] : memref<16777216xf32, #tpu.memory_space<hbm>> -> memref<16777216xf32, #tpu.memory_space<hbm>>
        tpu.wait_indirect_dma semaphore(%arg15 : memref<!tpu.dma_semaphore, #tpu.memory_space<semaphore_mem>>) src(%dma_wait3A_944 : memref<16777216xf32, #tpu.memory_space<hbm>>) dst(%dma_wait3A_939 : memref<128xf32, #tpu.memory_space<vmem>>)
        %dma_wait3A_945 = arith.constant 7 : i32
        %dma_wait3A_946 = arith.constant 896 : i32
        %dma_wait3A_947 = tpu.memref_slice %arg11[%dma_wait3A_946] : memref<2048xf32, #tpu.memory_space<vmem>> -> memref<128xf32, #tpu.memory_space<vmem>>
        %dma_wait3A_948 = arith.constant 0 : i32
        %dma_wait3A_949 = tpu.memref_slice %arg7[%dma_wait3A_945, %dma_wait3A_948] : memref<16x128xi32, #tpu.memory_space<vmem>> -> memref<1x128xi32, #tpu.memory_space<vmem>>
        %dma_wait3A_950 = tpu.memref_squeeze %dma_wait3A_949 : memref<1x128xi32, #tpu.memory_space<vmem>> -> memref<128xi32, #tpu.memory_space<vmem>>
        %dma_wait3A_951 = arith.constant 0 : i32
        %dma_wait3A_952 = tpu.memref_slice %arg2[%dma_wait3A_951] : memref<16777216xf32, #tpu.memory_space<hbm>> -> memref<16777216xf32, #tpu.memory_space<hbm>>
        tpu.wait_indirect_dma semaphore(%arg15 : memref<!tpu.dma_semaphore, #tpu.memory_space<semaphore_mem>>) src(%dma_wait3A_952 : memref<16777216xf32, #tpu.memory_space<hbm>>) dst(%dma_wait3A_947 : memref<128xf32, #tpu.memory_space<vmem>>)
        %dma_wait3A_953 = arith.constant 8 : i32
        %dma_wait3A_954 = arith.constant 1024 : i32
        %dma_wait3A_955 = tpu.memref_slice %arg11[%dma_wait3A_954] : memref<2048xf32, #tpu.memory_space<vmem>> -> memref<128xf32, #tpu.memory_space<vmem>>
        %dma_wait3A_956 = arith.constant 0 : i32
        %dma_wait3A_957 = tpu.memref_slice %arg7[%dma_wait3A_953, %dma_wait3A_956] : memref<16x128xi32, #tpu.memory_space<vmem>> -> memref<1x128xi32, #tpu.memory_space<vmem>>
        %dma_wait3A_958 = tpu.memref_squeeze %dma_wait3A_957 : memref<1x128xi32, #tpu.memory_space<vmem>> -> memref<128xi32, #tpu.memory_space<vmem>>
        %dma_wait3A_959 = arith.constant 0 : i32
        %dma_wait3A_960 = tpu.memref_slice %arg2[%dma_wait3A_959] : memref<16777216xf32, #tpu.memory_space<hbm>> -> memref<16777216xf32, #tpu.memory_space<hbm>>
        tpu.wait_indirect_dma semaphore(%arg15 : memref<!tpu.dma_semaphore, #tpu.memory_space<semaphore_mem>>) src(%dma_wait3A_960 : memref<16777216xf32, #tpu.memory_space<hbm>>) dst(%dma_wait3A_955 : memref<128xf32, #tpu.memory_space<vmem>>)
        %dma_wait3A_961 = arith.constant 9 : i32
        %dma_wait3A_962 = arith.constant 1152 : i32
        %dma_wait3A_963 = tpu.memref_slice %arg11[%dma_wait3A_962] : memref<2048xf32, #tpu.memory_space<vmem>> -> memref<128xf32, #tpu.memory_space<vmem>>
        %dma_wait3A_964 = arith.constant 0 : i32
        %dma_wait3A_965 = tpu.memref_slice %arg7[%dma_wait3A_961, %dma_wait3A_964] : memref<16x128xi32, #tpu.memory_space<vmem>> -> memref<1x128xi32, #tpu.memory_space<vmem>>
        %dma_wait3A_966 = tpu.memref_squeeze %dma_wait3A_965 : memref<1x128xi32, #tpu.memory_space<vmem>> -> memref<128xi32, #tpu.memory_space<vmem>>
        %dma_wait3A_967 = arith.constant 0 : i32
        %dma_wait3A_968 = tpu.memref_slice %arg2[%dma_wait3A_967] : memref<16777216xf32, #tpu.memory_space<hbm>> -> memref<16777216xf32, #tpu.memory_space<hbm>>
        tpu.wait_indirect_dma semaphore(%arg15 : memref<!tpu.dma_semaphore, #tpu.memory_space<semaphore_mem>>) src(%dma_wait3A_968 : memref<16777216xf32, #tpu.memory_space<hbm>>) dst(%dma_wait3A_963 : memref<128xf32, #tpu.memory_space<vmem>>)
        %dma_wait3A_969 = arith.constant 10 : i32
        %dma_wait3A_970 = arith.constant 1280 : i32
        %dma_wait3A_971 = tpu.memref_slice %arg11[%dma_wait3A_970] : memref<2048xf32, #tpu.memory_space<vmem>> -> memref<128xf32, #tpu.memory_space<vmem>>
        %dma_wait3A_972 = arith.constant 0 : i32
        %dma_wait3A_973 = tpu.memref_slice %arg7[%dma_wait3A_969, %dma_wait3A_972] : memref<16x128xi32, #tpu.memory_space<vmem>> -> memref<1x128xi32, #tpu.memory_space<vmem>>
        %dma_wait3A_974 = tpu.memref_squeeze %dma_wait3A_973 : memref<1x128xi32, #tpu.memory_space<vmem>> -> memref<128xi32, #tpu.memory_space<vmem>>
        %dma_wait3A_975 = arith.constant 0 : i32
        %dma_wait3A_976 = tpu.memref_slice %arg2[%dma_wait3A_975] : memref<16777216xf32, #tpu.memory_space<hbm>> -> memref<16777216xf32, #tpu.memory_space<hbm>>
        tpu.wait_indirect_dma semaphore(%arg15 : memref<!tpu.dma_semaphore, #tpu.memory_space<semaphore_mem>>) src(%dma_wait3A_976 : memref<16777216xf32, #tpu.memory_space<hbm>>) dst(%dma_wait3A_971 : memref<128xf32, #tpu.memory_space<vmem>>)
        %dma_wait3A_977 = arith.constant 11 : i32
        %dma_wait3A_978 = arith.constant 1408 : i32
        %dma_wait3A_979 = tpu.memref_slice %arg11[%dma_wait3A_978] : memref<2048xf32, #tpu.memory_space<vmem>> -> memref<128xf32, #tpu.memory_space<vmem>>
        %dma_wait3A_980 = arith.constant 0 : i32
        %dma_wait3A_981 = tpu.memref_slice %arg7[%dma_wait3A_977, %dma_wait3A_980] : memref<16x128xi32, #tpu.memory_space<vmem>> -> memref<1x128xi32, #tpu.memory_space<vmem>>
        %dma_wait3A_982 = tpu.memref_squeeze %dma_wait3A_981 : memref<1x128xi32, #tpu.memory_space<vmem>> -> memref<128xi32, #tpu.memory_space<vmem>>
        %dma_wait3A_983 = arith.constant 0 : i32
        %dma_wait3A_984 = tpu.memref_slice %arg2[%dma_wait3A_983] : memref<16777216xf32, #tpu.memory_space<hbm>> -> memref<16777216xf32, #tpu.memory_space<hbm>>
        tpu.wait_indirect_dma semaphore(%arg15 : memref<!tpu.dma_semaphore, #tpu.memory_space<semaphore_mem>>) src(%dma_wait3A_984 : memref<16777216xf32, #tpu.memory_space<hbm>>) dst(%dma_wait3A_979 : memref<128xf32, #tpu.memory_space<vmem>>)
        %dma_wait3A_985 = arith.constant 12 : i32
        %dma_wait3A_986 = arith.constant 1536 : i32
        %dma_wait3A_987 = tpu.memref_slice %arg11[%dma_wait3A_986] : memref<2048xf32, #tpu.memory_space<vmem>> -> memref<128xf32, #tpu.memory_space<vmem>>
        %dma_wait3A_988 = arith.constant 0 : i32
        %dma_wait3A_989 = tpu.memref_slice %arg7[%dma_wait3A_985, %dma_wait3A_988] : memref<16x128xi32, #tpu.memory_space<vmem>> -> memref<1x128xi32, #tpu.memory_space<vmem>>
        %dma_wait3A_990 = tpu.memref_squeeze %dma_wait3A_989 : memref<1x128xi32, #tpu.memory_space<vmem>> -> memref<128xi32, #tpu.memory_space<vmem>>
        %dma_wait3A_991 = arith.constant 0 : i32
        %dma_wait3A_992 = tpu.memref_slice %arg2[%dma_wait3A_991] : memref<16777216xf32, #tpu.memory_space<hbm>> -> memref<16777216xf32, #tpu.memory_space<hbm>>
        tpu.wait_indirect_dma semaphore(%arg15 : memref<!tpu.dma_semaphore, #tpu.memory_space<semaphore_mem>>) src(%dma_wait3A_992 : memref<16777216xf32, #tpu.memory_space<hbm>>) dst(%dma_wait3A_987 : memref<128xf32, #tpu.memory_space<vmem>>)
        %dma_wait3A_993 = arith.constant 13 : i32
        %dma_wait3A_994 = arith.constant 1664 : i32
        %dma_wait3A_995 = tpu.memref_slice %arg11[%dma_wait3A_994] : memref<2048xf32, #tpu.memory_space<vmem>> -> memref<128xf32, #tpu.memory_space<vmem>>
        %dma_wait3A_996 = arith.constant 0 : i32
        %dma_wait3A_997 = tpu.memref_slice %arg7[%dma_wait3A_993, %dma_wait3A_996] : memref<16x128xi32, #tpu.memory_space<vmem>> -> memref<1x128xi32, #tpu.memory_space<vmem>>
        %dma_wait3A_998 = tpu.memref_squeeze %dma_wait3A_997 : memref<1x128xi32, #tpu.memory_space<vmem>> -> memref<128xi32, #tpu.memory_space<vmem>>
        %dma_wait3A_999 = arith.constant 0 : i32
        %dma_wait3A_1000 = tpu.memref_slice %arg2[%dma_wait3A_999] : memref<16777216xf32, #tpu.memory_space<hbm>> -> memref<16777216xf32, #tpu.memory_space<hbm>>
        tpu.wait_indirect_dma semaphore(%arg15 : memref<!tpu.dma_semaphore, #tpu.memory_space<semaphore_mem>>) src(%dma_wait3A_1000 : memref<16777216xf32, #tpu.memory_space<hbm>>) dst(%dma_wait3A_995 : memref<128xf32, #tpu.memory_space<vmem>>)
        %dma_wait3A_1001 = arith.constant 14 : i32
        %dma_wait3A_1002 = arith.constant 1792 : i32
        %dma_wait3A_1003 = tpu.memref_slice %arg11[%dma_wait3A_1002] : memref<2048xf32, #tpu.memory_space<vmem>> -> memref<128xf32, #tpu.memory_space<vmem>>
        %dma_wait3A_1004 = arith.constant 0 : i32
        %dma_wait3A_1005 = tpu.memref_slice %arg7[%dma_wait3A_1001, %dma_wait3A_1004] : memref<16x128xi32, #tpu.memory_space<vmem>> -> memref<1x128xi32, #tpu.memory_space<vmem>>
        %dma_wait3A_1006 = tpu.memref_squeeze %dma_wait3A_1005 : memref<1x128xi32, #tpu.memory_space<vmem>> -> memref<128xi32, #tpu.memory_space<vmem>>
        %dma_wait3A_1007 = arith.constant 0 : i32
        %dma_wait3A_1008 = tpu.memref_slice %arg2[%dma_wait3A_1007] : memref<16777216xf32, #tpu.memory_space<hbm>> -> memref<16777216xf32, #tpu.memory_space<hbm>>
        tpu.wait_indirect_dma semaphore(%arg15 : memref<!tpu.dma_semaphore, #tpu.memory_space<semaphore_mem>>) src(%dma_wait3A_1008 : memref<16777216xf32, #tpu.memory_space<hbm>>) dst(%dma_wait3A_1003 : memref<128xf32, #tpu.memory_space<vmem>>)
        %dma_wait3A_1009 = arith.constant 15 : i32
        %dma_wait3A_1010 = arith.constant 1920 : i32
        %dma_wait3A_1011 = tpu.memref_slice %arg11[%dma_wait3A_1010] : memref<2048xf32, #tpu.memory_space<vmem>> -> memref<128xf32, #tpu.memory_space<vmem>>
        %dma_wait3A_1012 = arith.constant 0 : i32
        %dma_wait3A_1013 = tpu.memref_slice %arg7[%dma_wait3A_1009, %dma_wait3A_1012] : memref<16x128xi32, #tpu.memory_space<vmem>> -> memref<1x128xi32, #tpu.memory_space<vmem>>
        %dma_wait3A_1014 = tpu.memref_squeeze %dma_wait3A_1013 : memref<1x128xi32, #tpu.memory_space<vmem>> -> memref<128xi32, #tpu.memory_space<vmem>>
        %dma_wait3A_1015 = arith.constant 0 : i32
        %dma_wait3A_1016 = tpu.memref_slice %arg2[%dma_wait3A_1015] : memref<16777216xf32, #tpu.memory_space<hbm>> -> memref<16777216xf32, #tpu.memory_space<hbm>>
        tpu.wait_indirect_dma semaphore(%arg15 : memref<!tpu.dma_semaphore, #tpu.memory_space<semaphore_mem>>) src(%dma_wait3A_1016 : memref<16777216xf32, #tpu.memory_space<hbm>>) dst(%dma_wait3A_1011 : memref<128xf32, #tpu.memory_space<vmem>>)
        %sub3A = arith.constant 2 : i32
        %sub3A_1017 = arith.subi %add3A_744, %sub3A : i32
        %mul3A_1018 = arith.constant 2048 : i32
        %mul3A_1019 = arith.muli %sub3A_1017, %mul3A_1018 : i32
        %add3A_1020 = arith.addi %mul3A_2, %mul3A_1019 : i32
        %dma_start3A_1021 = tpu.memref_slice %arg4[%add3A_1020] : memref<2097152xf32, #tpu.memory_space<hbm>> -> memref<2048xf32, #tpu.memory_space<hbm>>
        %dma_start3A_1022 = tpu.memref_slice %arg4[%add3A_1020] : memref<2097152xf32, #tpu.memory_space<hbm>> -> memref<2048xf32, #tpu.memory_space<hbm>>
        tpu.enqueue_dma source(%arg11 : memref<2048xf32, #tpu.memory_space<vmem>>) target(%dma_start3A_1022 : memref<2048xf32, #tpu.memory_space<hbm>>) target_semaphore(%arg19 : memref<!tpu.dma_semaphore, #tpu.memory_space<semaphore_mem>>)
      } else {
      }
      %ge3A_750 = arith.constant 4 : i32
      %ge3A_751 = arith.cmpi sge, %add3A_744, %ge3A_750 : i32
      %convert_element_type3A_752 = arith.extui %ge3A_751 : i1 to i32
      %cond3A_753 = arith.constant 0 : i32
      %cond3A_754 = arith.cmpi ne, %convert_element_type3A_752, %cond3A_753 : i32
      scf.if %cond3A_754 {
        %sub3A = arith.constant 4 : i32
        %sub3A_889 = arith.subi %add3A_744, %sub3A : i32
        %mul3A_890 = arith.constant 2048 : i32
        %mul3A_891 = arith.muli %sub3A_889, %mul3A_890 : i32
        %add3A_892 = arith.addi %mul3A_2, %mul3A_891 : i32
        %dma_wait3A_893 = tpu.memref_slice %arg4[%add3A_892] : memref<2097152xf32, #tpu.memory_space<hbm>> -> memref<2048xf32, #tpu.memory_space<hbm>>
        %dma_wait3A_894 = tpu.memref_slice %arg4[%add3A_892] : memref<2097152xf32, #tpu.memory_space<hbm>> -> memref<2048xf32, #tpu.memory_space<hbm>>
        tpu.wait_dma2 semaphore(%arg21 : memref<!tpu.dma_semaphore, #tpu.memory_space<semaphore_mem>>) src(%arg13 : memref<2048xf32, #tpu.memory_space<vmem>>) dst(%dma_wait3A_894 : memref<2048xf32, #tpu.memory_space<hbm>>)
      } else {
      }
      %dma_start3A_755 = arith.constant 0 : i32
      %dma_start3A_756 = arith.constant 0 : i32
      %dma_start3A_757 = tpu.memref_slice %arg13[%dma_start3A_756] : memref<2048xf32, #tpu.memory_space<vmem>> -> memref<128xf32, #tpu.memory_space<vmem>>
      %dma_start3A_758 = arith.constant 0 : i32
      %dma_start3A_759 = tpu.memref_slice %arg9[%dma_start3A_755, %dma_start3A_758] : memref<16x128xi32, #tpu.memory_space<vmem>> -> memref<1x128xi32, #tpu.memory_space<vmem>>
      %dma_start3A_760 = tpu.memref_squeeze %dma_start3A_759 : memref<1x128xi32, #tpu.memory_space<vmem>> -> memref<128xi32, #tpu.memory_space<vmem>>
      %dma_start3A_761 = arith.constant 0 : i32
      %dma_start3A_762 = tpu.memref_slice %arg2[%dma_start3A_761] : memref<16777216xf32, #tpu.memory_space<hbm>> -> memref<16777216xf32, #tpu.memory_space<hbm>>
      tpu.enqueue_indirect_dma source(%dma_start3A_762 : memref<16777216xf32, #tpu.memory_space<hbm>>) target(%dma_start3A_757 : memref<128xf32, #tpu.memory_space<vmem>>) offsets(%dma_start3A_760 : memref<128xi32, #tpu.memory_space<vmem>>) semaphore(%arg17 : memref<!tpu.dma_semaphore, #tpu.memory_space<semaphore_mem>>)
      %dma_start3A_763 = arith.constant 1 : i32
      %dma_start3A_764 = arith.constant 128 : i32
      %dma_start3A_765 = tpu.memref_slice %arg13[%dma_start3A_764] : memref<2048xf32, #tpu.memory_space<vmem>> -> memref<128xf32, #tpu.memory_space<vmem>>
      %dma_start3A_766 = arith.constant 0 : i32
      %dma_start3A_767 = tpu.memref_slice %arg9[%dma_start3A_763, %dma_start3A_766] : memref<16x128xi32, #tpu.memory_space<vmem>> -> memref<1x128xi32, #tpu.memory_space<vmem>>
      %dma_start3A_768 = tpu.memref_squeeze %dma_start3A_767 : memref<1x128xi32, #tpu.memory_space<vmem>> -> memref<128xi32, #tpu.memory_space<vmem>>
      %dma_start3A_769 = arith.constant 0 : i32
      %dma_start3A_770 = tpu.memref_slice %arg2[%dma_start3A_769] : memref<16777216xf32, #tpu.memory_space<hbm>> -> memref<16777216xf32, #tpu.memory_space<hbm>>
      tpu.enqueue_indirect_dma source(%dma_start3A_770 : memref<16777216xf32, #tpu.memory_space<hbm>>) target(%dma_start3A_765 : memref<128xf32, #tpu.memory_space<vmem>>) offsets(%dma_start3A_768 : memref<128xi32, #tpu.memory_space<vmem>>) semaphore(%arg17 : memref<!tpu.dma_semaphore, #tpu.memory_space<semaphore_mem>>)
      %dma_start3A_771 = arith.constant 2 : i32
      %dma_start3A_772 = arith.constant 256 : i32
      %dma_start3A_773 = tpu.memref_slice %arg13[%dma_start3A_772] : memref<2048xf32, #tpu.memory_space<vmem>> -> memref<128xf32, #tpu.memory_space<vmem>>
      %dma_start3A_774 = arith.constant 0 : i32
      %dma_start3A_775 = tpu.memref_slice %arg9[%dma_start3A_771, %dma_start3A_774] : memref<16x128xi32, #tpu.memory_space<vmem>> -> memref<1x128xi32, #tpu.memory_space<vmem>>
      %dma_start3A_776 = tpu.memref_squeeze %dma_start3A_775 : memref<1x128xi32, #tpu.memory_space<vmem>> -> memref<128xi32, #tpu.memory_space<vmem>>
      %dma_start3A_777 = arith.constant 0 : i32
      %dma_start3A_778 = tpu.memref_slice %arg2[%dma_start3A_777] : memref<16777216xf32, #tpu.memory_space<hbm>> -> memref<16777216xf32, #tpu.memory_space<hbm>>
      tpu.enqueue_indirect_dma source(%dma_start3A_778 : memref<16777216xf32, #tpu.memory_space<hbm>>) target(%dma_start3A_773 : memref<128xf32, #tpu.memory_space<vmem>>) offsets(%dma_start3A_776 : memref<128xi32, #tpu.memory_space<vmem>>) semaphore(%arg17 : memref<!tpu.dma_semaphore, #tpu.memory_space<semaphore_mem>>)
      %dma_start3A_779 = arith.constant 3 : i32
      %dma_start3A_780 = arith.constant 384 : i32
      %dma_start3A_781 = tpu.memref_slice %arg13[%dma_start3A_780] : memref<2048xf32, #tpu.memory_space<vmem>> -> memref<128xf32, #tpu.memory_space<vmem>>
      %dma_start3A_782 = arith.constant 0 : i32
      %dma_start3A_783 = tpu.memref_slice %arg9[%dma_start3A_779, %dma_start3A_782] : memref<16x128xi32, #tpu.memory_space<vmem>> -> memref<1x128xi32, #tpu.memory_space<vmem>>
      %dma_start3A_784 = tpu.memref_squeeze %dma_start3A_783 : memref<1x128xi32, #tpu.memory_space<vmem>> -> memref<128xi32, #tpu.memory_space<vmem>>
      %dma_start3A_785 = arith.constant 0 : i32
      %dma_start3A_786 = tpu.memref_slice %arg2[%dma_start3A_785] : memref<16777216xf32, #tpu.memory_space<hbm>> -> memref<16777216xf32, #tpu.memory_space<hbm>>
      tpu.enqueue_indirect_dma source(%dma_start3A_786 : memref<16777216xf32, #tpu.memory_space<hbm>>) target(%dma_start3A_781 : memref<128xf32, #tpu.memory_space<vmem>>) offsets(%dma_start3A_784 : memref<128xi32, #tpu.memory_space<vmem>>) semaphore(%arg17 : memref<!tpu.dma_semaphore, #tpu.memory_space<semaphore_mem>>)
      %dma_start3A_787 = arith.constant 4 : i32
      %dma_start3A_788 = arith.constant 512 : i32
      %dma_start3A_789 = tpu.memref_slice %arg13[%dma_start3A_788] : memref<2048xf32, #tpu.memory_space<vmem>> -> memref<128xf32, #tpu.memory_space<vmem>>
      %dma_start3A_790 = arith.constant 0 : i32
      %dma_start3A_791 = tpu.memref_slice %arg9[%dma_start3A_787, %dma_start3A_790] : memref<16x128xi32, #tpu.memory_space<vmem>> -> memref<1x128xi32, #tpu.memory_space<vmem>>
      %dma_start3A_792 = tpu.memref_squeeze %dma_start3A_791 : memref<1x128xi32, #tpu.memory_space<vmem>> -> memref<128xi32, #tpu.memory_space<vmem>>
      %dma_start3A_793 = arith.constant 0 : i32
      %dma_start3A_794 = tpu.memref_slice %arg2[%dma_start3A_793] : memref<16777216xf32, #tpu.memory_space<hbm>> -> memref<16777216xf32, #tpu.memory_space<hbm>>
      tpu.enqueue_indirect_dma source(%dma_start3A_794 : memref<16777216xf32, #tpu.memory_space<hbm>>) target(%dma_start3A_789 : memref<128xf32, #tpu.memory_space<vmem>>) offsets(%dma_start3A_792 : memref<128xi32, #tpu.memory_space<vmem>>) semaphore(%arg17 : memref<!tpu.dma_semaphore, #tpu.memory_space<semaphore_mem>>)
      %dma_start3A_795 = arith.constant 5 : i32
      %dma_start3A_796 = arith.constant 640 : i32
      %dma_start3A_797 = tpu.memref_slice %arg13[%dma_start3A_796] : memref<2048xf32, #tpu.memory_space<vmem>> -> memref<128xf32, #tpu.memory_space<vmem>>
      %dma_start3A_798 = arith.constant 0 : i32
      %dma_start3A_799 = tpu.memref_slice %arg9[%dma_start3A_795, %dma_start3A_798] : memref<16x128xi32, #tpu.memory_space<vmem>> -> memref<1x128xi32, #tpu.memory_space<vmem>>
      %dma_start3A_800 = tpu.memref_squeeze %dma_start3A_799 : memref<1x128xi32, #tpu.memory_space<vmem>> -> memref<128xi32, #tpu.memory_space<vmem>>
      %dma_start3A_801 = arith.constant 0 : i32
      %dma_start3A_802 = tpu.memref_slice %arg2[%dma_start3A_801] : memref<16777216xf32, #tpu.memory_space<hbm>> -> memref<16777216xf32, #tpu.memory_space<hbm>>
      tpu.enqueue_indirect_dma source(%dma_start3A_802 : memref<16777216xf32, #tpu.memory_space<hbm>>) target(%dma_start3A_797 : memref<128xf32, #tpu.memory_space<vmem>>) offsets(%dma_start3A_800 : memref<128xi32, #tpu.memory_space<vmem>>) semaphore(%arg17 : memref<!tpu.dma_semaphore, #tpu.memory_space<semaphore_mem>>)
      %dma_start3A_803 = arith.constant 6 : i32
      %dma_start3A_804 = arith.constant 768 : i32
      %dma_start3A_805 = tpu.memref_slice %arg13[%dma_start3A_804] : memref<2048xf32, #tpu.memory_space<vmem>> -> memref<128xf32, #tpu.memory_space<vmem>>
      %dma_start3A_806 = arith.constant 0 : i32
      %dma_start3A_807 = tpu.memref_slice %arg9[%dma_start3A_803, %dma_start3A_806] : memref<16x128xi32, #tpu.memory_space<vmem>> -> memref<1x128xi32, #tpu.memory_space<vmem>>
      %dma_start3A_808 = tpu.memref_squeeze %dma_start3A_807 : memref<1x128xi32, #tpu.memory_space<vmem>> -> memref<128xi32, #tpu.memory_space<vmem>>
      %dma_start3A_809 = arith.constant 0 : i32
      %dma_start3A_810 = tpu.memref_slice %arg2[%dma_start3A_809] : memref<16777216xf32, #tpu.memory_space<hbm>> -> memref<16777216xf32, #tpu.memory_space<hbm>>
      tpu.enqueue_indirect_dma source(%dma_start3A_810 : memref<16777216xf32, #tpu.memory_space<hbm>>) target(%dma_start3A_805 : memref<128xf32, #tpu.memory_space<vmem>>) offsets(%dma_start3A_808 : memref<128xi32, #tpu.memory_space<vmem>>) semaphore(%arg17 : memref<!tpu.dma_semaphore, #tpu.memory_space<semaphore_mem>>)
      %dma_start3A_811 = arith.constant 7 : i32
      %dma_start3A_812 = arith.constant 896 : i32
      %dma_start3A_813 = tpu.memref_slice %arg13[%dma_start3A_812] : memref<2048xf32, #tpu.memory_space<vmem>> -> memref<128xf32, #tpu.memory_space<vmem>>
      %dma_start3A_814 = arith.constant 0 : i32
      %dma_start3A_815 = tpu.memref_slice %arg9[%dma_start3A_811, %dma_start3A_814] : memref<16x128xi32, #tpu.memory_space<vmem>> -> memref<1x128xi32, #tpu.memory_space<vmem>>
      %dma_start3A_816 = tpu.memref_squeeze %dma_start3A_815 : memref<1x128xi32, #tpu.memory_space<vmem>> -> memref<128xi32, #tpu.memory_space<vmem>>
      %dma_start3A_817 = arith.constant 0 : i32
      %dma_start3A_818 = tpu.memref_slice %arg2[%dma_start3A_817] : memref<16777216xf32, #tpu.memory_space<hbm>> -> memref<16777216xf32, #tpu.memory_space<hbm>>
      tpu.enqueue_indirect_dma source(%dma_start3A_818 : memref<16777216xf32, #tpu.memory_space<hbm>>) target(%dma_start3A_813 : memref<128xf32, #tpu.memory_space<vmem>>) offsets(%dma_start3A_816 : memref<128xi32, #tpu.memory_space<vmem>>) semaphore(%arg17 : memref<!tpu.dma_semaphore, #tpu.memory_space<semaphore_mem>>)
      %dma_start3A_819 = arith.constant 8 : i32
      %dma_start3A_820 = arith.constant 1024 : i32
      %dma_start3A_821 = tpu.memref_slice %arg13[%dma_start3A_820] : memref<2048xf32, #tpu.memory_space<vmem>> -> memref<128xf32, #tpu.memory_space<vmem>>
      %dma_start3A_822 = arith.constant 0 : i32
      %dma_start3A_823 = tpu.memref_slice %arg9[%dma_start3A_819, %dma_start3A_822] : memref<16x128xi32, #tpu.memory_space<vmem>> -> memref<1x128xi32, #tpu.memory_space<vmem>>
      %dma_start3A_824 = tpu.memref_squeeze %dma_start3A_823 : memref<1x128xi32, #tpu.memory_space<vmem>> -> memref<128xi32, #tpu.memory_space<vmem>>
      %dma_start3A_825 = arith.constant 0 : i32
      %dma_start3A_826 = tpu.memref_slice %arg2[%dma_start3A_825] : memref<16777216xf32, #tpu.memory_space<hbm>> -> memref<16777216xf32, #tpu.memory_space<hbm>>
      tpu.enqueue_indirect_dma source(%dma_start3A_826 : memref<16777216xf32, #tpu.memory_space<hbm>>) target(%dma_start3A_821 : memref<128xf32, #tpu.memory_space<vmem>>) offsets(%dma_start3A_824 : memref<128xi32, #tpu.memory_space<vmem>>) semaphore(%arg17 : memref<!tpu.dma_semaphore, #tpu.memory_space<semaphore_mem>>)
      %dma_start3A_827 = arith.constant 9 : i32
      %dma_start3A_828 = arith.constant 1152 : i32
      %dma_start3A_829 = tpu.memref_slice %arg13[%dma_start3A_828] : memref<2048xf32, #tpu.memory_space<vmem>> -> memref<128xf32, #tpu.memory_space<vmem>>
      %dma_start3A_830 = arith.constant 0 : i32
      %dma_start3A_831 = tpu.memref_slice %arg9[%dma_start3A_827, %dma_start3A_830] : memref<16x128xi32, #tpu.memory_space<vmem>> -> memref<1x128xi32, #tpu.memory_space<vmem>>
      %dma_start3A_832 = tpu.memref_squeeze %dma_start3A_831 : memref<1x128xi32, #tpu.memory_space<vmem>> -> memref<128xi32, #tpu.memory_space<vmem>>
      %dma_start3A_833 = arith.constant 0 : i32
      %dma_start3A_834 = tpu.memref_slice %arg2[%dma_start3A_833] : memref<16777216xf32, #tpu.memory_space<hbm>> -> memref<16777216xf32, #tpu.memory_space<hbm>>
      tpu.enqueue_indirect_dma source(%dma_start3A_834 : memref<16777216xf32, #tpu.memory_space<hbm>>) target(%dma_start3A_829 : memref<128xf32, #tpu.memory_space<vmem>>) offsets(%dma_start3A_832 : memref<128xi32, #tpu.memory_space<vmem>>) semaphore(%arg17 : memref<!tpu.dma_semaphore, #tpu.memory_space<semaphore_mem>>)
      %dma_start3A_835 = arith.constant 10 : i32
      %dma_start3A_836 = arith.constant 1280 : i32
      %dma_start3A_837 = tpu.memref_slice %arg13[%dma_start3A_836] : memref<2048xf32, #tpu.memory_space<vmem>> -> memref<128xf32, #tpu.memory_space<vmem>>
      %dma_start3A_838 = arith.constant 0 : i32
      %dma_start3A_839 = tpu.memref_slice %arg9[%dma_start3A_835, %dma_start3A_838] : memref<16x128xi32, #tpu.memory_space<vmem>> -> memref<1x128xi32, #tpu.memory_space<vmem>>
      %dma_start3A_840 = tpu.memref_squeeze %dma_start3A_839 : memref<1x128xi32, #tpu.memory_space<vmem>> -> memref<128xi32, #tpu.memory_space<vmem>>
      %dma_start3A_841 = arith.constant 0 : i32
      %dma_start3A_842 = tpu.memref_slice %arg2[%dma_start3A_841] : memref<16777216xf32, #tpu.memory_space<hbm>> -> memref<16777216xf32, #tpu.memory_space<hbm>>
      tpu.enqueue_indirect_dma source(%dma_start3A_842 : memref<16777216xf32, #tpu.memory_space<hbm>>) target(%dma_start3A_837 : memref<128xf32, #tpu.memory_space<vmem>>) offsets(%dma_start3A_840 : memref<128xi32, #tpu.memory_space<vmem>>) semaphore(%arg17 : memref<!tpu.dma_semaphore, #tpu.memory_space<semaphore_mem>>)
      %dma_start3A_843 = arith.constant 11 : i32
      %dma_start3A_844 = arith.constant 1408 : i32
      %dma_start3A_845 = tpu.memref_slice %arg13[%dma_start3A_844] : memref<2048xf32, #tpu.memory_space<vmem>> -> memref<128xf32, #tpu.memory_space<vmem>>
      %dma_start3A_846 = arith.constant 0 : i32
      %dma_start3A_847 = tpu.memref_slice %arg9[%dma_start3A_843, %dma_start3A_846] : memref<16x128xi32, #tpu.memory_space<vmem>> -> memref<1x128xi32, #tpu.memory_space<vmem>>
      %dma_start3A_848 = tpu.memref_squeeze %dma_start3A_847 : memref<1x128xi32, #tpu.memory_space<vmem>> -> memref<128xi32, #tpu.memory_space<vmem>>
      %dma_start3A_849 = arith.constant 0 : i32
      %dma_start3A_850 = tpu.memref_slice %arg2[%dma_start3A_849] : memref<16777216xf32, #tpu.memory_space<hbm>> -> memref<16777216xf32, #tpu.memory_space<hbm>>
      tpu.enqueue_indirect_dma source(%dma_start3A_850 : memref<16777216xf32, #tpu.memory_space<hbm>>) target(%dma_start3A_845 : memref<128xf32, #tpu.memory_space<vmem>>) offsets(%dma_start3A_848 : memref<128xi32, #tpu.memory_space<vmem>>) semaphore(%arg17 : memref<!tpu.dma_semaphore, #tpu.memory_space<semaphore_mem>>)
      %dma_start3A_851 = arith.constant 12 : i32
      %dma_start3A_852 = arith.constant 1536 : i32
      %dma_start3A_853 = tpu.memref_slice %arg13[%dma_start3A_852] : memref<2048xf32, #tpu.memory_space<vmem>> -> memref<128xf32, #tpu.memory_space<vmem>>
      %dma_start3A_854 = arith.constant 0 : i32
      %dma_start3A_855 = tpu.memref_slice %arg9[%dma_start3A_851, %dma_start3A_854] : memref<16x128xi32, #tpu.memory_space<vmem>> -> memref<1x128xi32, #tpu.memory_space<vmem>>
      %dma_start3A_856 = tpu.memref_squeeze %dma_start3A_855 : memref<1x128xi32, #tpu.memory_space<vmem>> -> memref<128xi32, #tpu.memory_space<vmem>>
      %dma_start3A_857 = arith.constant 0 : i32
      %dma_start3A_858 = tpu.memref_slice %arg2[%dma_start3A_857] : memref<16777216xf32, #tpu.memory_space<hbm>> -> memref<16777216xf32, #tpu.memory_space<hbm>>
      tpu.enqueue_indirect_dma source(%dma_start3A_858 : memref<16777216xf32, #tpu.memory_space<hbm>>) target(%dma_start3A_853 : memref<128xf32, #tpu.memory_space<vmem>>) offsets(%dma_start3A_856 : memref<128xi32, #tpu.memory_space<vmem>>) semaphore(%arg17 : memref<!tpu.dma_semaphore, #tpu.memory_space<semaphore_mem>>)
      %dma_start3A_859 = arith.constant 13 : i32
      %dma_start3A_860 = arith.constant 1664 : i32
      %dma_start3A_861 = tpu.memref_slice %arg13[%dma_start3A_860] : memref<2048xf32, #tpu.memory_space<vmem>> -> memref<128xf32, #tpu.memory_space<vmem>>
      %dma_start3A_862 = arith.constant 0 : i32
      %dma_start3A_863 = tpu.memref_slice %arg9[%dma_start3A_859, %dma_start3A_862] : memref<16x128xi32, #tpu.memory_space<vmem>> -> memref<1x128xi32, #tpu.memory_space<vmem>>
      %dma_start3A_864 = tpu.memref_squeeze %dma_start3A_863 : memref<1x128xi32, #tpu.memory_space<vmem>> -> memref<128xi32, #tpu.memory_space<vmem>>
      %dma_start3A_865 = arith.constant 0 : i32
      %dma_start3A_866 = tpu.memref_slice %arg2[%dma_start3A_865] : memref<16777216xf32, #tpu.memory_space<hbm>> -> memref<16777216xf32, #tpu.memory_space<hbm>>
      tpu.enqueue_indirect_dma source(%dma_start3A_866 : memref<16777216xf32, #tpu.memory_space<hbm>>) target(%dma_start3A_861 : memref<128xf32, #tpu.memory_space<vmem>>) offsets(%dma_start3A_864 : memref<128xi32, #tpu.memory_space<vmem>>) semaphore(%arg17 : memref<!tpu.dma_semaphore, #tpu.memory_space<semaphore_mem>>)
      %dma_start3A_867 = arith.constant 14 : i32
      %dma_start3A_868 = arith.constant 1792 : i32
      %dma_start3A_869 = tpu.memref_slice %arg13[%dma_start3A_868] : memref<2048xf32, #tpu.memory_space<vmem>> -> memref<128xf32, #tpu.memory_space<vmem>>
      %dma_start3A_870 = arith.constant 0 : i32
      %dma_start3A_871 = tpu.memref_slice %arg9[%dma_start3A_867, %dma_start3A_870] : memref<16x128xi32, #tpu.memory_space<vmem>> -> memref<1x128xi32, #tpu.memory_space<vmem>>
      %dma_start3A_872 = tpu.memref_squeeze %dma_start3A_871 : memref<1x128xi32, #tpu.memory_space<vmem>> -> memref<128xi32, #tpu.memory_space<vmem>>
      %dma_start3A_873 = arith.constant 0 : i32
      %dma_start3A_874 = tpu.memref_slice %arg2[%dma_start3A_873] : memref<16777216xf32, #tpu.memory_space<hbm>> -> memref<16777216xf32, #tpu.memory_space<hbm>>
      tpu.enqueue_indirect_dma source(%dma_start3A_874 : memref<16777216xf32, #tpu.memory_space<hbm>>) target(%dma_start3A_869 : memref<128xf32, #tpu.memory_space<vmem>>) offsets(%dma_start3A_872 : memref<128xi32, #tpu.memory_space<vmem>>) semaphore(%arg17 : memref<!tpu.dma_semaphore, #tpu.memory_space<semaphore_mem>>)
      %dma_start3A_875 = arith.constant 15 : i32
      %dma_start3A_876 = arith.constant 1920 : i32
      %dma_start3A_877 = tpu.memref_slice %arg13[%dma_start3A_876] : memref<2048xf32, #tpu.memory_space<vmem>> -> memref<128xf32, #tpu.memory_space<vmem>>
      %dma_start3A_878 = arith.constant 0 : i32
      %dma_start3A_879 = tpu.memref_slice %arg9[%dma_start3A_875, %dma_start3A_878] : memref<16x128xi32, #tpu.memory_space<vmem>> -> memref<1x128xi32, #tpu.memory_space<vmem>>
      %dma_start3A_880 = tpu.memref_squeeze %dma_start3A_879 : memref<1x128xi32, #tpu.memory_space<vmem>> -> memref<128xi32, #tpu.memory_space<vmem>>
      %dma_start3A_881 = arith.constant 0 : i32
      %dma_start3A_882 = tpu.memref_slice %arg2[%dma_start3A_881] : memref<16777216xf32, #tpu.memory_space<hbm>> -> memref<16777216xf32, #tpu.memory_space<hbm>>
      tpu.enqueue_indirect_dma source(%dma_start3A_882 : memref<16777216xf32, #tpu.memory_space<hbm>>) target(%dma_start3A_877 : memref<128xf32, #tpu.memory_space<vmem>>) offsets(%dma_start3A_880 : memref<128xi32, #tpu.memory_space<vmem>>) semaphore(%arg17 : memref<!tpu.dma_semaphore, #tpu.memory_space<semaphore_mem>>)
      %lt3A_883 = arith.constant 31 : i32
      %lt3A_884 = arith.cmpi slt, %add3A_744, %lt3A_883 : i32
      %convert_element_type3A_885 = arith.extui %lt3A_884 : i1 to i32
      %cond3A_886 = arith.constant 0 : i32
      %cond3A_887 = arith.cmpi ne, %convert_element_type3A_885, %cond3A_886 : i32
      scf.if %cond3A_887 {
        %add3A_889 = arith.constant 1 : i32
        %add3A_890 = arith.addi %add3A_744, %add3A_889 : i32
        %scan3A_891 = arith.constant 0 : i32
        %scan3A_892 = arith.constant 0 : i32
        %scan3A_893 = arith.constant 32 : i32
        %scan3A_894 = arith.addi %scan3A_892, %scan3A_893 : i32
        %scan3A_895 = arith.constant 1 : i32
        %scan3A_896 = scf.for %scan3A_898 = %scan3A_892 to %scan3A_894 step %scan3A_895 iter_args(%scan3A_899 = %scan3A_891) -> (i32)  : i32 {
          %mul3A_900 = arith.constant 4 : i32
          %mul3A_901 = arith.muli %scan3A_898, %mul3A_900 : i32
          %add3A_902 = arith.constant 0 : i32
          %add3A_903 = arith.addi %mul3A_901, %add3A_902 : i32
          %mul3A_904 = arith.constant 2048 : i32
          %mul3A_905 = arith.muli %add3A_890, %mul3A_904 : i32
          %mul3A_906 = arith.constant 16 : i32
          %mul3A_907 = arith.muli %add3A_903, %mul3A_906 : i32
          %add3A_908 = arith.addi %mul3A_905, %mul3A_907 : i32
          %add3A_909 = arith.constant 14 : i32
          %add3A_910 = arith.addi %add3A_909, %add3A_908 : i32
          %get3A = arith.index_cast %add3A_910 : i32 to index
          %get3A_911 = tpu.vector_load %arg5[%get3A] {strides = array<i32>} : memref<65552xi32, #tpu.memory_space<vmem>>, vector<16xi32>,
          %get3A_912 = vector.shape_cast %get3A_911 : vector<16xi32> to vector<16xi32>
          %add3A_913 = arith.constant 15 : i32
          %add3A_914 = arith.addi %add3A_913, %add3A_908 : i32
          %get3A_915 = arith.index_cast %add3A_914 : i32 to index
          %get3A_916 = tpu.vector_load %arg5[%get3A_915] {strides = array<i32>} : memref<65552xi32, #tpu.memory_space<vmem>>, vector<16xi32>,
          %get3A_917 = vector.shape_cast %get3A_916 : vector<16xi32> to vector<16xi32>
          %add3A_918 = arith.constant 16 : i32
          %add3A_919 = arith.addi %add3A_918, %add3A_908 : i32
          %get3A_920 = arith.index_cast %add3A_919 : i32 to index
          %get3A_921 = tpu.vector_load %arg5[%get3A_920] {strides = array<i32>} : memref<65552xi32, #tpu.memory_space<vmem>>, vector<16xi32>,
          %get3A_922 = vector.shape_cast %get3A_921 : vector<16xi32> to vector<16xi32>
          %shift_left3A = arith.constant 16 : i32
          %shift_left3A_923 = vector.broadcast %shift_left3A : i32 to vector<16xi32>
          %shift_left3A_924 = arith.shli %get3A_912, %shift_left3A_923 : vector<16xi32>
          %shift_right_arithmetic3A = arith.constant 3 : i32
          %shift_right_arithmetic3A_925 = vector.broadcast %shift_right_arithmetic3A : i32 to vector<16xi32>
          %shift_right_arithmetic3A_926 = arith.shrsi %get3A_917, %shift_right_arithmetic3A_925 : vector<16xi32>
          %shift_left3A_927 = arith.constant 11 : i32
          %shift_left3A_928 = vector.broadcast %shift_left3A_927 : i32 to vector<16xi32>
          %shift_left3A_929 = arith.shli %shift_right_arithmetic3A_926, %shift_left3A_928 : vector<16xi32>
          %or3A = arith.ori %shift_left3A_924, %shift_left3A_929 : vector<16xi32>
          %shift_right_arithmetic3A_930 = arith.constant 7 : i32
          %shift_right_arithmetic3A_931 = vector.broadcast %shift_right_arithmetic3A_930 : i32 to vector<16xi32>
          %shift_right_arithmetic3A_932 = arith.shrsi %get3A_922, %shift_right_arithmetic3A_931 : vector<16xi32>
          %shift_left3A_933 = arith.constant 10 : i32
          %shift_left3A_934 = vector.broadcast %shift_left3A_933 : i32 to vector<16xi32>
          %shift_left3A_935 = arith.shli %shift_right_arithmetic3A_932, %shift_left3A_934 : vector<16xi32>
          %or3A_936 = arith.ori %or3A, %shift_left3A_935 : vector<16xi32>
          %and3A = arith.constant 7 : i32
          %and3A_937 = vector.broadcast %and3A : i32 to vector<16xi32>
          %and3A_938 = arith.andi %get3A_917, %and3A_937 : vector<16xi32>
          %shift_left3A_939 = arith.constant 7 : i32
          %shift_left3A_940 = vector.broadcast %shift_left3A_939 : i32 to vector<16xi32>
          %shift_left3A_941 = arith.shli %and3A_938, %shift_left3A_940 : vector<16xi32>
          %or3A_942 = arith.ori %or3A_936, %shift_left3A_941 : vector<16xi32>
          %and3A_943 = arith.constant 127 : i32
          %and3A_944 = vector.broadcast %and3A_943 : i32 to vector<16xi32>
          %and3A_945 = arith.andi %get3A_922, %and3A_944 : vector<16xi32>
          %or3A_946 = arith.ori %or3A_942, %and3A_945 : vector<16xi32>
          %jit3A = arith.constant 8 : i32
          %div3A = arith.divsi %add3A_903, %jit3A : i32
          %sign3A = arith.constant 0 : i32
          %sign3A_947 = arith.cmpi sgt, %add3A_903, %sign3A : i32
          %sign3A_948 = arith.extui %sign3A_947 : i1 to i32
          %sign3A_949 = arith.constant 0 : i32
          %sign3A_950 = arith.cmpi slt, %add3A_903, %sign3A_949 : i32
          %sign3A_951 = arith.extui %sign3A_950 : i1 to i32
          %sign3A_952 = arith.subi %sign3A_948, %sign3A_951 : i32
          %sign3A_953 = arith.constant 0 : i32
          %sign3A_954 = arith.cmpi sgt, %jit3A, %sign3A_953 : i32
          %sign3A_955 = arith.extui %sign3A_954 : i1 to i32
          %sign3A_956 = arith.constant 0 : i32
          %sign3A_957 = arith.cmpi slt, %jit3A, %sign3A_956 : i32
          %sign3A_958 = arith.extui %sign3A_957 : i1 to i32
          %sign3A_959 = arith.subi %sign3A_955, %sign3A_958 : i32
          %ne3A = arith.cmpi ne, %sign3A_952, %sign3A_959 : i32
          %rem3A = arith.remsi %add3A_903, %jit3A : i32
          %ne3A_960 = arith.constant 0 : i32
          %ne3A_961 = arith.cmpi ne, %rem3A, %ne3A_960 : i32
          %and3A_962 = arith.andi %ne3A, %ne3A_961 : i1
          %sub3A = arith.constant 1 : i32
          %sub3A_963 = arith.subi %div3A, %sub3A : i32
          %select_n3A = arith.select %and3A_962, %sub3A_963, %div3A : i32
          %jit3A_964 = arith.constant 8 : i32
          %eq3A_965 = arith.constant 0 : i32
          %eq3A_966 = arith.cmpi eq, %jit3A_964, %eq3A_965 : i32
          %jit3A_967 = arith.constant 1 : i32
          %select_n3A_968 = arith.select %eq3A_966, %jit3A_967, %jit3A_964 : i32
          %rem3A_969 = arith.remsi %add3A_903, %select_n3A_968 : i32
          %ne3A_970 = arith.constant 0 : i32
          %ne3A_971 = arith.cmpi ne, %rem3A_969, %ne3A_970 : i32
          %lt3A_972 = arith.constant 0 : i32
          %lt3A_973 = arith.cmpi slt, %rem3A_969, %lt3A_972 : i32
          %lt3A_974 = arith.constant 0 : i32
          %lt3A_975 = arith.cmpi slt, %select_n3A_968, %lt3A_974 : i32
          %ne3A_976 = arith.xori %lt3A_973, %lt3A_975 : i1
          %and3A_977 = arith.andi %ne3A_976, %ne3A_971 : i1
          %add3A_978 = arith.addi %rem3A_969, %select_n3A_968 : i32
          %select_n3A_979 = arith.select %and3A_977, %add3A_978, %rem3A_969 : i32
          %mul3A_980 = arith.constant 16 : i32
          %mul3A_981 = arith.muli %select_n3A_979, %mul3A_980 : i32
          %swap3A = arith.index_cast %select_n3A : i32 to index
          %swap3A_982 = arith.index_cast %mul3A_981 : i32 to index
          %swap3A_983 = tpu.vector_load %arg6[%swap3A, %swap3A_982] {strides = array<i32>} : memref<16x128xi32, #tpu.memory_space<vmem>>, vector<1x16xi32>,
          %swap3A_984 = vector.shape_cast %swap3A_983 : vector<1x16xi32> to vector<16xi32>
          %swap3A_985 = vector.shape_cast %or3A_946 : vector<16xi32> to vector<1x16xi32>
          tpu.vector_store %arg6[%swap3A, %swap3A_982], %swap3A_985 {strides = array<i32>} : memref<16x128xi32, #tpu.memory_space<vmem>>, vector<1x16xi32>,
          %mul3A_986 = arith.constant 4 : i32
          %mul3A_987 = arith.muli %scan3A_898, %mul3A_986 : i32
          %add3A_988 = arith.constant 1 : i32
          %add3A_989 = arith.addi %mul3A_987, %add3A_988 : i32
          %mul3A_990 = arith.constant 2048 : i32
          %mul3A_991 = arith.muli %add3A_890, %mul3A_990 : i32
          %mul3A_992 = arith.constant 16 : i32
          %mul3A_993 = arith.muli %add3A_989, %mul3A_992 : i32
          %add3A_994 = arith.addi %mul3A_991, %mul3A_993 : i32
          %add3A_995 = arith.constant 14 : i32
          %add3A_996 = arith.addi %add3A_995, %add3A_994 : i32
          %get3A_997 = arith.index_cast %add3A_996 : i32 to index
          %get3A_998 = tpu.vector_load %arg5[%get3A_997] {strides = array<i32>} : memref<65552xi32, #tpu.memory_space<vmem>>, vector<16xi32>,
          %get3A_999 = vector.shape_cast %get3A_998 : vector<16xi32> to vector<16xi32>
          %add3A_1000 = arith.constant 15 : i32
          %add3A_1001 = arith.addi %add3A_1000, %add3A_994 : i32
          %get3A_1002 = arith.index_cast %add3A_1001 : i32 to index
          %get3A_1003 = tpu.vector_load %arg5[%get3A_1002] {strides = array<i32>} : memref<65552xi32, #tpu.memory_space<vmem>>, vector<16xi32>,
          %get3A_1004 = vector.shape_cast %get3A_1003 : vector<16xi32> to vector<16xi32>
          %add3A_1005 = arith.constant 16 : i32
          %add3A_1006 = arith.addi %add3A_1005, %add3A_994 : i32
          %get3A_1007 = arith.index_cast %add3A_1006 : i32 to index
          %get3A_1008 = tpu.vector_load %arg5[%get3A_1007] {strides = array<i32>} : memref<65552xi32, #tpu.memory_space<vmem>>, vector<16xi32>,
          %get3A_1009 = vector.shape_cast %get3A_1008 : vector<16xi32> to vector<16xi32>
          %shift_left3A_1010 = arith.constant 16 : i32
          %shift_left3A_1011 = vector.broadcast %shift_left3A_1010 : i32 to vector<16xi32>
          %shift_left3A_1012 = arith.shli %get3A_999, %shift_left3A_1011 : vector<16xi32>
          %shift_right_arithmetic3A_1013 = arith.constant 3 : i32
          %shift_right_arithmetic3A_1014 = vector.broadcast %shift_right_arithmetic3A_1013 : i32 to vector<16xi32>
          %shift_right_arithmetic3A_1015 = arith.shrsi %get3A_1004, %shift_right_arithmetic3A_1014 : vector<16xi32>
          %shift_left3A_1016 = arith.constant 11 : i32
          %shift_left3A_1017 = vector.broadcast %shift_left3A_1016 : i32 to vector<16xi32>
          %shift_left3A_1018 = arith.shli %shift_right_arithmetic3A_1015, %shift_left3A_1017 : vector<16xi32>
          %or3A_1019 = arith.ori %shift_left3A_1012, %shift_left3A_1018 : vector<16xi32>
          %shift_right_arithmetic3A_1020 = arith.constant 7 : i32
          %shift_right_arithmetic3A_1021 = vector.broadcast %shift_right_arithmetic3A_1020 : i32 to vector<16xi32>
          %shift_right_arithmetic3A_1022 = arith.shrsi %get3A_1009, %shift_right_arithmetic3A_1021 : vector<16xi32>
          %shift_left3A_1023 = arith.constant 10 : i32
          %shift_left3A_1024 = vector.broadcast %shift_left3A_1023 : i32 to vector<16xi32>
          %shift_left3A_1025 = arith.shli %shift_right_arithmetic3A_1022, %shift_left3A_1024 : vector<16xi32>
          %or3A_1026 = arith.ori %or3A_1019, %shift_left3A_1025 : vector<16xi32>
          %and3A_1027 = arith.constant 7 : i32
          %and3A_1028 = vector.broadcast %and3A_1027 : i32 to vector<16xi32>
          %and3A_1029 = arith.andi %get3A_1004, %and3A_1028 : vector<16xi32>
          %shift_left3A_1030 = arith.constant 7 : i32
          %shift_left3A_1031 = vector.broadcast %shift_left3A_1030 : i32 to vector<16xi32>
          %shift_left3A_1032 = arith.shli %and3A_1029, %shift_left3A_1031 : vector<16xi32>
          %or3A_1033 = arith.ori %or3A_1026, %shift_left3A_1032 : vector<16xi32>
          %and3A_1034 = arith.constant 127 : i32
          %and3A_1035 = vector.broadcast %and3A_1034 : i32 to vector<16xi32>
          %and3A_1036 = arith.andi %get3A_1009, %and3A_1035 : vector<16xi32>
          %or3A_1037 = arith.ori %or3A_1033, %and3A_1036 : vector<16xi32>
          %jit3A_1038 = arith.constant 8 : i32
          %div3A_1039 = arith.divsi %add3A_989, %jit3A_1038 : i32
          %sign3A_1040 = arith.constant 0 : i32
          %sign3A_1041 = arith.cmpi sgt, %add3A_989, %sign3A_1040 : i32
          %sign3A_1042 = arith.extui %sign3A_1041 : i1 to i32
          %sign3A_1043 = arith.constant 0 : i32
          %sign3A_1044 = arith.cmpi slt, %add3A_989, %sign3A_1043 : i32
          %sign3A_1045 = arith.extui %sign3A_1044 : i1 to i32
          %sign3A_1046 = arith.subi %sign3A_1042, %sign3A_1045 : i32
          %sign3A_1047 = arith.constant 0 : i32
          %sign3A_1048 = arith.cmpi sgt, %jit3A_1038, %sign3A_1047 : i32
          %sign3A_1049 = arith.extui %sign3A_1048 : i1 to i32
          %sign3A_1050 = arith.constant 0 : i32
          %sign3A_1051 = arith.cmpi slt, %jit3A_1038, %sign3A_1050 : i32
          %sign3A_1052 = arith.extui %sign3A_1051 : i1 to i32
          %sign3A_1053 = arith.subi %sign3A_1049, %sign3A_1052 : i32
          %ne3A_1054 = arith.cmpi ne, %sign3A_1046, %sign3A_1053 : i32
          %rem3A_1055 = arith.remsi %add3A_989, %jit3A_1038 : i32
          %ne3A_1056 = arith.constant 0 : i32
          %ne3A_1057 = arith.cmpi ne, %rem3A_1055, %ne3A_1056 : i32
          %and3A_1058 = arith.andi %ne3A_1054, %ne3A_1057 : i1
          %sub3A_1059 = arith.constant 1 : i32
          %sub3A_1060 = arith.subi %div3A_1039, %sub3A_1059 : i32
          %select_n3A_1061 = arith.select %and3A_1058, %sub3A_1060, %div3A_1039 : i32
          %jit3A_1062 = arith.constant 8 : i32
          %eq3A_1063 = arith.constant 0 : i32
          %eq3A_1064 = arith.cmpi eq, %jit3A_1062, %eq3A_1063 : i32
          %jit3A_1065 = arith.constant 1 : i32
          %select_n3A_1066 = arith.select %eq3A_1064, %jit3A_1065, %jit3A_1062 : i32
          %rem3A_1067 = arith.remsi %add3A_989, %select_n3A_1066 : i32
          %ne3A_1068 = arith.constant 0 : i32
          %ne3A_1069 = arith.cmpi ne, %rem3A_1067, %ne3A_1068 : i32
          %lt3A_1070 = arith.constant 0 : i32
          %lt3A_1071 = arith.cmpi slt, %rem3A_1067, %lt3A_1070 : i32
          %lt3A_1072 = arith.constant 0 : i32
          %lt3A_1073 = arith.cmpi slt, %select_n3A_1066, %lt3A_1072 : i32
          %ne3A_1074 = arith.xori %lt3A_1071, %lt3A_1073 : i1
          %and3A_1075 = arith.andi %ne3A_1074, %ne3A_1069 : i1
          %add3A_1076 = arith.addi %rem3A_1067, %select_n3A_1066 : i32
          %select_n3A_1077 = arith.select %and3A_1075, %add3A_1076, %rem3A_1067 : i32
          %mul3A_1078 = arith.constant 16 : i32
          %mul3A_1079 = arith.muli %select_n3A_1077, %mul3A_1078 : i32
          %swap3A_1080 = arith.index_cast %select_n3A_1061 : i32 to index
          %swap3A_1081 = arith.index_cast %mul3A_1079 : i32 to index
          %swap3A_1082 = tpu.vector_load %arg6[%swap3A_1080, %swap3A_1081] {strides = array<i32>} : memref<16x128xi32, #tpu.memory_space<vmem>>, vector<1x16xi32>,
          %swap3A_1083 = vector.shape_cast %swap3A_1082 : vector<1x16xi32> to vector<16xi32>
          %swap3A_1084 = vector.shape_cast %or3A_1037 : vector<16xi32> to vector<1x16xi32>
          tpu.vector_store %arg6[%swap3A_1080, %swap3A_1081], %swap3A_1084 {strides = array<i32>} : memref<16x128xi32, #tpu.memory_space<vmem>>, vector<1x16xi32>,
          %mul3A_1085 = arith.constant 4 : i32
          %mul3A_1086 = arith.muli %scan3A_898, %mul3A_1085 : i32
          %add3A_1087 = arith.constant 2 : i32
          %add3A_1088 = arith.addi %mul3A_1086, %add3A_1087 : i32
          %mul3A_1089 = arith.constant 2048 : i32
          %mul3A_1090 = arith.muli %add3A_890, %mul3A_1089 : i32
          %mul3A_1091 = arith.constant 16 : i32
          %mul3A_1092 = arith.muli %add3A_1088, %mul3A_1091 : i32
          %add3A_1093 = arith.addi %mul3A_1090, %mul3A_1092 : i32
          %add3A_1094 = arith.constant 14 : i32
          %add3A_1095 = arith.addi %add3A_1094, %add3A_1093 : i32
          %get3A_1096 = arith.index_cast %add3A_1095 : i32 to index
          %get3A_1097 = tpu.vector_load %arg5[%get3A_1096] {strides = array<i32>} : memref<65552xi32, #tpu.memory_space<vmem>>, vector<16xi32>,
          %get3A_1098 = vector.shape_cast %get3A_1097 : vector<16xi32> to vector<16xi32>
          %add3A_1099 = arith.constant 15 : i32
          %add3A_1100 = arith.addi %add3A_1099, %add3A_1093 : i32
          %get3A_1101 = arith.index_cast %add3A_1100 : i32 to index
          %get3A_1102 = tpu.vector_load %arg5[%get3A_1101] {strides = array<i32>} : memref<65552xi32, #tpu.memory_space<vmem>>, vector<16xi32>,
          %get3A_1103 = vector.shape_cast %get3A_1102 : vector<16xi32> to vector<16xi32>
          %add3A_1104 = arith.constant 16 : i32
          %add3A_1105 = arith.addi %add3A_1104, %add3A_1093 : i32
          %get3A_1106 = arith.index_cast %add3A_1105 : i32 to index
          %get3A_1107 = tpu.vector_load %arg5[%get3A_1106] {strides = array<i32>} : memref<65552xi32, #tpu.memory_space<vmem>>, vector<16xi32>,
          %get3A_1108 = vector.shape_cast %get3A_1107 : vector<16xi32> to vector<16xi32>
          %shift_left3A_1109 = arith.constant 16 : i32
          %shift_left3A_1110 = vector.broadcast %shift_left3A_1109 : i32 to vector<16xi32>
          %shift_left3A_1111 = arith.shli %get3A_1098, %shift_left3A_1110 : vector<16xi32>
          %shift_right_arithmetic3A_1112 = arith.constant 3 : i32
          %shift_right_arithmetic3A_1113 = vector.broadcast %shift_right_arithmetic3A_1112 : i32 to vector<16xi32>
          %shift_right_arithmetic3A_1114 = arith.shrsi %get3A_1103, %shift_right_arithmetic3A_1113 : vector<16xi32>
          %shift_left3A_1115 = arith.constant 11 : i32
          %shift_left3A_1116 = vector.broadcast %shift_left3A_1115 : i32 to vector<16xi32>
          %shift_left3A_1117 = arith.shli %shift_right_arithmetic3A_1114, %shift_left3A_1116 : vector<16xi32>
          %or3A_1118 = arith.ori %shift_left3A_1111, %shift_left3A_1117 : vector<16xi32>
          %shift_right_arithmetic3A_1119 = arith.constant 7 : i32
          %shift_right_arithmetic3A_1120 = vector.broadcast %shift_right_arithmetic3A_1119 : i32 to vector<16xi32>
          %shift_right_arithmetic3A_1121 = arith.shrsi %get3A_1108, %shift_right_arithmetic3A_1120 : vector<16xi32>
          %shift_left3A_1122 = arith.constant 10 : i32
          %shift_left3A_1123 = vector.broadcast %shift_left3A_1122 : i32 to vector<16xi32>
          %shift_left3A_1124 = arith.shli %shift_right_arithmetic3A_1121, %shift_left3A_1123 : vector<16xi32>
          %or3A_1125 = arith.ori %or3A_1118, %shift_left3A_1124 : vector<16xi32>
          %and3A_1126 = arith.constant 7 : i32
          %and3A_1127 = vector.broadcast %and3A_1126 : i32 to vector<16xi32>
          %and3A_1128 = arith.andi %get3A_1103, %and3A_1127 : vector<16xi32>
          %shift_left3A_1129 = arith.constant 7 : i32
          %shift_left3A_1130 = vector.broadcast %shift_left3A_1129 : i32 to vector<16xi32>
          %shift_left3A_1131 = arith.shli %and3A_1128, %shift_left3A_1130 : vector<16xi32>
          %or3A_1132 = arith.ori %or3A_1125, %shift_left3A_1131 : vector<16xi32>
          %and3A_1133 = arith.constant 127 : i32
          %and3A_1134 = vector.broadcast %and3A_1133 : i32 to vector<16xi32>
          %and3A_1135 = arith.andi %get3A_1108, %and3A_1134 : vector<16xi32>
          %or3A_1136 = arith.ori %or3A_1132, %and3A_1135 : vector<16xi32>
          %jit3A_1137 = arith.constant 8 : i32
          %div3A_1138 = arith.divsi %add3A_1088, %jit3A_1137 : i32
          %sign3A_1139 = arith.constant 0 : i32
          %sign3A_1140 = arith.cmpi sgt, %add3A_1088, %sign3A_1139 : i32
          %sign3A_1141 = arith.extui %sign3A_1140 : i1 to i32
          %sign3A_1142 = arith.constant 0 : i32
          %sign3A_1143 = arith.cmpi slt, %add3A_1088, %sign3A_1142 : i32
          %sign3A_1144 = arith.extui %sign3A_1143 : i1 to i32
          %sign3A_1145 = arith.subi %sign3A_1141, %sign3A_1144 : i32
          %sign3A_1146 = arith.constant 0 : i32
          %sign3A_1147 = arith.cmpi sgt, %jit3A_1137, %sign3A_1146 : i32
          %sign3A_1148 = arith.extui %sign3A_1147 : i1 to i32
          %sign3A_1149 = arith.constant 0 : i32
          %sign3A_1150 = arith.cmpi slt, %jit3A_1137, %sign3A_1149 : i32
          %sign3A_1151 = arith.extui %sign3A_1150 : i1 to i32
          %sign3A_1152 = arith.subi %sign3A_1148, %sign3A_1151 : i32
          %ne3A_1153 = arith.cmpi ne, %sign3A_1145, %sign3A_1152 : i32
          %rem3A_1154 = arith.remsi %add3A_1088, %jit3A_1137 : i32
          %ne3A_1155 = arith.constant 0 : i32
          %ne3A_1156 = arith.cmpi ne, %rem3A_1154, %ne3A_1155 : i32
          %and3A_1157 = arith.andi %ne3A_1153, %ne3A_1156 : i1
          %sub3A_1158 = arith.constant 1 : i32
          %sub3A_1159 = arith.subi %div3A_1138, %sub3A_1158 : i32
          %select_n3A_1160 = arith.select %and3A_1157, %sub3A_1159, %div3A_1138 : i32
          %jit3A_1161 = arith.constant 8 : i32
          %eq3A_1162 = arith.constant 0 : i32
          %eq3A_1163 = arith.cmpi eq, %jit3A_1161, %eq3A_1162 : i32
          %jit3A_1164 = arith.constant 1 : i32
          %select_n3A_1165 = arith.select %eq3A_1163, %jit3A_1164, %jit3A_1161 : i32
          %rem3A_1166 = arith.remsi %add3A_1088, %select_n3A_1165 : i32
          %ne3A_1167 = arith.constant 0 : i32
          %ne3A_1168 = arith.cmpi ne, %rem3A_1166, %ne3A_1167 : i32
          %lt3A_1169 = arith.constant 0 : i32
          %lt3A_1170 = arith.cmpi slt, %rem3A_1166, %lt3A_1169 : i32
          %lt3A_1171 = arith.constant 0 : i32
          %lt3A_1172 = arith.cmpi slt, %select_n3A_1165, %lt3A_1171 : i32
          %ne3A_1173 = arith.xori %lt3A_1170, %lt3A_1172 : i1
          %and3A_1174 = arith.andi %ne3A_1173, %ne3A_1168 : i1
          %add3A_1175 = arith.addi %rem3A_1166, %select_n3A_1165 : i32
          %select_n3A_1176 = arith.select %and3A_1174, %add3A_1175, %rem3A_1166 : i32
          %mul3A_1177 = arith.constant 16 : i32
          %mul3A_1178 = arith.muli %select_n3A_1176, %mul3A_1177 : i32
          %swap3A_1179 = arith.index_cast %select_n3A_1160 : i32 to index
          %swap3A_1180 = arith.index_cast %mul3A_1178 : i32 to index
          %swap3A_1181 = tpu.vector_load %arg6[%swap3A_1179, %swap3A_1180] {strides = array<i32>} : memref<16x128xi32, #tpu.memory_space<vmem>>, vector<1x16xi32>,
          %swap3A_1182 = vector.shape_cast %swap3A_1181 : vector<1x16xi32> to vector<16xi32>
          %swap3A_1183 = vector.shape_cast %or3A_1136 : vector<16xi32> to vector<1x16xi32>
          tpu.vector_store %arg6[%swap3A_1179, %swap3A_1180], %swap3A_1183 {strides = array<i32>} : memref<16x128xi32, #tpu.memory_space<vmem>>, vector<1x16xi32>,
          %mul3A_1184 = arith.constant 4 : i32
          %mul3A_1185 = arith.muli %scan3A_898, %mul3A_1184 : i32
          %add3A_1186 = arith.constant 3 : i32
          %add3A_1187 = arith.addi %mul3A_1185, %add3A_1186 : i32
          %mul3A_1188 = arith.constant 2048 : i32
          %mul3A_1189 = arith.muli %add3A_890, %mul3A_1188 : i32
          %mul3A_1190 = arith.constant 16 : i32
          %mul3A_1191 = arith.muli %add3A_1187, %mul3A_1190 : i32
          %add3A_1192 = arith.addi %mul3A_1189, %mul3A_1191 : i32
          %add3A_1193 = arith.constant 14 : i32
          %add3A_1194 = arith.addi %add3A_1193, %add3A_1192 : i32
          %get3A_1195 = arith.index_cast %add3A_1194 : i32 to index
          %get3A_1196 = tpu.vector_load %arg5[%get3A_1195] {strides = array<i32>} : memref<65552xi32, #tpu.memory_space<vmem>>, vector<16xi32>,
          %get3A_1197 = vector.shape_cast %get3A_1196 : vector<16xi32> to vector<16xi32>
          %add3A_1198 = arith.constant 15 : i32
          %add3A_1199 = arith.addi %add3A_1198, %add3A_1192 : i32
          %get3A_1200 = arith.index_cast %add3A_1199 : i32 to index
          %get3A_1201 = tpu.vector_load %arg5[%get3A_1200] {strides = array<i32>} : memref<65552xi32, #tpu.memory_space<vmem>>, vector<16xi32>,
          %get3A_1202 = vector.shape_cast %get3A_1201 : vector<16xi32> to vector<16xi32>
          %add3A_1203 = arith.constant 16 : i32
          %add3A_1204 = arith.addi %add3A_1203, %add3A_1192 : i32
          %get3A_1205 = arith.index_cast %add3A_1204 : i32 to index
          %get3A_1206 = tpu.vector_load %arg5[%get3A_1205] {strides = array<i32>} : memref<65552xi32, #tpu.memory_space<vmem>>, vector<16xi32>,
          %get3A_1207 = vector.shape_cast %get3A_1206 : vector<16xi32> to vector<16xi32>
          %shift_left3A_1208 = arith.constant 16 : i32
          %shift_left3A_1209 = vector.broadcast %shift_left3A_1208 : i32 to vector<16xi32>
          %shift_left3A_1210 = arith.shli %get3A_1197, %shift_left3A_1209 : vector<16xi32>
          %shift_right_arithmetic3A_1211 = arith.constant 3 : i32
          %shift_right_arithmetic3A_1212 = vector.broadcast %shift_right_arithmetic3A_1211 : i32 to vector<16xi32>
          %shift_right_arithmetic3A_1213 = arith.shrsi %get3A_1202, %shift_right_arithmetic3A_1212 : vector<16xi32>
          %shift_left3A_1214 = arith.constant 11 : i32
          %shift_left3A_1215 = vector.broadcast %shift_left3A_1214 : i32 to vector<16xi32>
          %shift_left3A_1216 = arith.shli %shift_right_arithmetic3A_1213, %shift_left3A_1215 : vector<16xi32>
          %or3A_1217 = arith.ori %shift_left3A_1210, %shift_left3A_1216 : vector<16xi32>
          %shift_right_arithmetic3A_1218 = arith.constant 7 : i32
          %shift_right_arithmetic3A_1219 = vector.broadcast %shift_right_arithmetic3A_1218 : i32 to vector<16xi32>
          %shift_right_arithmetic3A_1220 = arith.shrsi %get3A_1207, %shift_right_arithmetic3A_1219 : vector<16xi32>
          %shift_left3A_1221 = arith.constant 10 : i32
          %shift_left3A_1222 = vector.broadcast %shift_left3A_1221 : i32 to vector<16xi32>
          %shift_left3A_1223 = arith.shli %shift_right_arithmetic3A_1220, %shift_left3A_1222 : vector<16xi32>
          %or3A_1224 = arith.ori %or3A_1217, %shift_left3A_1223 : vector<16xi32>
          %and3A_1225 = arith.constant 7 : i32
          %and3A_1226 = vector.broadcast %and3A_1225 : i32 to vector<16xi32>
          %and3A_1227 = arith.andi %get3A_1202, %and3A_1226 : vector<16xi32>
          %shift_left3A_1228 = arith.constant 7 : i32
          %shift_left3A_1229 = vector.broadcast %shift_left3A_1228 : i32 to vector<16xi32>
          %shift_left3A_1230 = arith.shli %and3A_1227, %shift_left3A_1229 : vector<16xi32>
          %or3A_1231 = arith.ori %or3A_1224, %shift_left3A_1230 : vector<16xi32>
          %and3A_1232 = arith.constant 127 : i32
          %and3A_1233 = vector.broadcast %and3A_1232 : i32 to vector<16xi32>
          %and3A_1234 = arith.andi %get3A_1207, %and3A_1233 : vector<16xi32>
          %or3A_1235 = arith.ori %or3A_1231, %and3A_1234 : vector<16xi32>
          %jit3A_1236 = arith.constant 8 : i32
          %div3A_1237 = arith.divsi %add3A_1187, %jit3A_1236 : i32
          %sign3A_1238 = arith.constant 0 : i32
          %sign3A_1239 = arith.cmpi sgt, %add3A_1187, %sign3A_1238 : i32
          %sign3A_1240 = arith.extui %sign3A_1239 : i1 to i32
          %sign3A_1241 = arith.constant 0 : i32
          %sign3A_1242 = arith.cmpi slt, %add3A_1187, %sign3A_1241 : i32
          %sign3A_1243 = arith.extui %sign3A_1242 : i1 to i32
          %sign3A_1244 = arith.subi %sign3A_1240, %sign3A_1243 : i32
          %sign3A_1245 = arith.constant 0 : i32
          %sign3A_1246 = arith.cmpi sgt, %jit3A_1236, %sign3A_1245 : i32
          %sign3A_1247 = arith.extui %sign3A_1246 : i1 to i32
          %sign3A_1248 = arith.constant 0 : i32
          %sign3A_1249 = arith.cmpi slt, %jit3A_1236, %sign3A_1248 : i32
          %sign3A_1250 = arith.extui %sign3A_1249 : i1 to i32
          %sign3A_1251 = arith.subi %sign3A_1247, %sign3A_1250 : i32
          %ne3A_1252 = arith.cmpi ne, %sign3A_1244, %sign3A_1251 : i32
          %rem3A_1253 = arith.remsi %add3A_1187, %jit3A_1236 : i32
          %ne3A_1254 = arith.constant 0 : i32
          %ne3A_1255 = arith.cmpi ne, %rem3A_1253, %ne3A_1254 : i32
          %and3A_1256 = arith.andi %ne3A_1252, %ne3A_1255 : i1
          %sub3A_1257 = arith.constant 1 : i32
          %sub3A_1258 = arith.subi %div3A_1237, %sub3A_1257 : i32
          %select_n3A_1259 = arith.select %and3A_1256, %sub3A_1258, %div3A_1237 : i32
          %jit3A_1260 = arith.constant 8 : i32
          %eq3A_1261 = arith.constant 0 : i32
          %eq3A_1262 = arith.cmpi eq, %jit3A_1260, %eq3A_1261 : i32
          %jit3A_1263 = arith.constant 1 : i32
          %select_n3A_1264 = arith.select %eq3A_1262, %jit3A_1263, %jit3A_1260 : i32
          %rem3A_1265 = arith.remsi %add3A_1187, %select_n3A_1264 : i32
          %ne3A_1266 = arith.constant 0 : i32
          %ne3A_1267 = arith.cmpi ne, %rem3A_1265, %ne3A_1266 : i32
          %lt3A_1268 = arith.constant 0 : i32
          %lt3A_1269 = arith.cmpi slt, %rem3A_1265, %lt3A_1268 : i32
          %lt3A_1270 = arith.constant 0 : i32
          %lt3A_1271 = arith.cmpi slt, %select_n3A_1264, %lt3A_1270 : i32
          %ne3A_1272 = arith.xori %lt3A_1269, %lt3A_1271 : i1
          %and3A_1273 = arith.andi %ne3A_1272, %ne3A_1267 : i1
          %add3A_1274 = arith.addi %rem3A_1265, %select_n3A_1264 : i32
          %select_n3A_1275 = arith.select %and3A_1273, %add3A_1274, %rem3A_1265 : i32
          %mul3A_1276 = arith.constant 16 : i32
          %mul3A_1277 = arith.muli %select_n3A_1275, %mul3A_1276 : i32
          %swap3A_1278 = arith.index_cast %select_n3A_1259 : i32 to index
          %swap3A_1279 = arith.index_cast %mul3A_1277 : i32 to index
          %swap3A_1280 = tpu.vector_load %arg6[%swap3A_1278, %swap3A_1279] {strides = array<i32>} : memref<16x128xi32, #tpu.memory_space<vmem>>, vector<1x16xi32>,
          %swap3A_1281 = vector.shape_cast %swap3A_1280 : vector<1x16xi32> to vector<16xi32>
          %swap3A_1282 = vector.shape_cast %or3A_1235 : vector<16xi32> to vector<1x16xi32>
          tpu.vector_store %arg6[%swap3A_1278, %swap3A_1279], %swap3A_1282 {strides = array<i32>} : memref<16x128xi32, #tpu.memory_space<vmem>>, vector<1x16xi32>,
          %scan3A_1283 = arith.constant 0 : i32
          scf.yield %scan3A_1283 : i32
        }
        %scan3A_897 = arith.constant 32 : i32
      } else {
      }
      %scan3A_888 = arith.constant 0 : i32
      scf.yield %scan3A_888 : i32
    }
    %scan3A_21 = arith.constant 8 : i32
    %dma_wait3A = arith.constant 0 : i32
    %dma_wait3A_22 = arith.constant 0 : i32
    %dma_wait3A_23 = tpu.memref_slice %arg12[%dma_wait3A_22] : memref<2048xf32, #tpu.memory_space<vmem>> -> memref<128xf32, #tpu.memory_space<vmem>>
    %dma_wait3A_24 = arith.constant 0 : i32
    %dma_wait3A_25 = tpu.memref_slice %arg8[%dma_wait3A, %dma_wait3A_24] : memref<16x128xi32, #tpu.memory_space<vmem>> -> memref<1x128xi32, #tpu.memory_space<vmem>>
    %dma_wait3A_26 = tpu.memref_squeeze %dma_wait3A_25 : memref<1x128xi32, #tpu.memory_space<vmem>> -> memref<128xi32, #tpu.memory_space<vmem>>
    %dma_wait3A_27 = arith.constant 0 : i32
    %dma_wait3A_28 = tpu.memref_slice %arg2[%dma_wait3A_27] : memref<16777216xf32, #tpu.memory_space<hbm>> -> memref<16777216xf32, #tpu.memory_space<hbm>>
    tpu.wait_indirect_dma semaphore(%arg16 : memref<!tpu.dma_semaphore, #tpu.memory_space<semaphore_mem>>) src(%dma_wait3A_28 : memref<16777216xf32, #tpu.memory_space<hbm>>) dst(%dma_wait3A_23 : memref<128xf32, #tpu.memory_space<vmem>>)
    %dma_wait3A_29 = arith.constant 1 : i32
    %dma_wait3A_30 = arith.constant 128 : i32
    %dma_wait3A_31 = tpu.memref_slice %arg12[%dma_wait3A_30] : memref<2048xf32, #tpu.memory_space<vmem>> -> memref<128xf32, #tpu.memory_space<vmem>>
    %dma_wait3A_32 = arith.constant 0 : i32
    %dma_wait3A_33 = tpu.memref_slice %arg8[%dma_wait3A_29, %dma_wait3A_32] : memref<16x128xi32, #tpu.memory_space<vmem>> -> memref<1x128xi32, #tpu.memory_space<vmem>>
    %dma_wait3A_34 = tpu.memref_squeeze %dma_wait3A_33 : memref<1x128xi32, #tpu.memory_space<vmem>> -> memref<128xi32, #tpu.memory_space<vmem>>
    %dma_wait3A_35 = arith.constant 0 : i32
    %dma_wait3A_36 = tpu.memref_slice %arg2[%dma_wait3A_35] : memref<16777216xf32, #tpu.memory_space<hbm>> -> memref<16777216xf32, #tpu.memory_space<hbm>>
    tpu.wait_indirect_dma semaphore(%arg16 : memref<!tpu.dma_semaphore, #tpu.memory_space<semaphore_mem>>) src(%dma_wait3A_36 : memref<16777216xf32, #tpu.memory_space<hbm>>) dst(%dma_wait3A_31 : memref<128xf32, #tpu.memory_space<vmem>>)
    %dma_wait3A_37 = arith.constant 2 : i32
    %dma_wait3A_38 = arith.constant 256 : i32
    %dma_wait3A_39 = tpu.memref_slice %arg12[%dma_wait3A_38] : memref<2048xf32, #tpu.memory_space<vmem>> -> memref<128xf32, #tpu.memory_space<vmem>>
    %dma_wait3A_40 = arith.constant 0 : i32
    %dma_wait3A_41 = tpu.memref_slice %arg8[%dma_wait3A_37, %dma_wait3A_40] : memref<16x128xi32, #tpu.memory_space<vmem>> -> memref<1x128xi32, #tpu.memory_space<vmem>>
    %dma_wait3A_42 = tpu.memref_squeeze %dma_wait3A_41 : memref<1x128xi32, #tpu.memory_space<vmem>> -> memref<128xi32, #tpu.memory_space<vmem>>
    %dma_wait3A_43 = arith.constant 0 : i32
    %dma_wait3A_44 = tpu.memref_slice %arg2[%dma_wait3A_43] : memref<16777216xf32, #tpu.memory_space<hbm>> -> memref<16777216xf32, #tpu.memory_space<hbm>>
    tpu.wait_indirect_dma semaphore(%arg16 : memref<!tpu.dma_semaphore, #tpu.memory_space<semaphore_mem>>) src(%dma_wait3A_44 : memref<16777216xf32, #tpu.memory_space<hbm>>) dst(%dma_wait3A_39 : memref<128xf32, #tpu.memory_space<vmem>>)
    %dma_wait3A_45 = arith.constant 3 : i32
    %dma_wait3A_46 = arith.constant 384 : i32
    %dma_wait3A_47 = tpu.memref_slice %arg12[%dma_wait3A_46] : memref<2048xf32, #tpu.memory_space<vmem>> -> memref<128xf32, #tpu.memory_space<vmem>>
    %dma_wait3A_48 = arith.constant 0 : i32
    %dma_wait3A_49 = tpu.memref_slice %arg8[%dma_wait3A_45, %dma_wait3A_48] : memref<16x128xi32, #tpu.memory_space<vmem>> -> memref<1x128xi32, #tpu.memory_space<vmem>>
    %dma_wait3A_50 = tpu.memref_squeeze %dma_wait3A_49 : memref<1x128xi32, #tpu.memory_space<vmem>> -> memref<128xi32, #tpu.memory_space<vmem>>
    %dma_wait3A_51 = arith.constant 0 : i32
    %dma_wait3A_52 = tpu.memref_slice %arg2[%dma_wait3A_51] : memref<16777216xf32, #tpu.memory_space<hbm>> -> memref<16777216xf32, #tpu.memory_space<hbm>>
    tpu.wait_indirect_dma semaphore(%arg16 : memref<!tpu.dma_semaphore, #tpu.memory_space<semaphore_mem>>) src(%dma_wait3A_52 : memref<16777216xf32, #tpu.memory_space<hbm>>) dst(%dma_wait3A_47 : memref<128xf32, #tpu.memory_space<vmem>>)
    %dma_wait3A_53 = arith.constant 4 : i32
    %dma_wait3A_54 = arith.constant 512 : i32
    %dma_wait3A_55 = tpu.memref_slice %arg12[%dma_wait3A_54] : memref<2048xf32, #tpu.memory_space<vmem>> -> memref<128xf32, #tpu.memory_space<vmem>>
    %dma_wait3A_56 = arith.constant 0 : i32
    %dma_wait3A_57 = tpu.memref_slice %arg8[%dma_wait3A_53, %dma_wait3A_56] : memref<16x128xi32, #tpu.memory_space<vmem>> -> memref<1x128xi32, #tpu.memory_space<vmem>>
    %dma_wait3A_58 = tpu.memref_squeeze %dma_wait3A_57 : memref<1x128xi32, #tpu.memory_space<vmem>> -> memref<128xi32, #tpu.memory_space<vmem>>
    %dma_wait3A_59 = arith.constant 0 : i32
    %dma_wait3A_60 = tpu.memref_slice %arg2[%dma_wait3A_59] : memref<16777216xf32, #tpu.memory_space<hbm>> -> memref<16777216xf32, #tpu.memory_space<hbm>>
    tpu.wait_indirect_dma semaphore(%arg16 : memref<!tpu.dma_semaphore, #tpu.memory_space<semaphore_mem>>) src(%dma_wait3A_60 : memref<16777216xf32, #tpu.memory_space<hbm>>) dst(%dma_wait3A_55 : memref<128xf32, #tpu.memory_space<vmem>>)
    %dma_wait3A_61 = arith.constant 5 : i32
    %dma_wait3A_62 = arith.constant 640 : i32
    %dma_wait3A_63 = tpu.memref_slice %arg12[%dma_wait3A_62] : memref<2048xf32, #tpu.memory_space<vmem>> -> memref<128xf32, #tpu.memory_space<vmem>>
    %dma_wait3A_64 = arith.constant 0 : i32
    %dma_wait3A_65 = tpu.memref_slice %arg8[%dma_wait3A_61, %dma_wait3A_64] : memref<16x128xi32, #tpu.memory_space<vmem>> -> memref<1x128xi32, #tpu.memory_space<vmem>>
    %dma_wait3A_66 = tpu.memref_squeeze %dma_wait3A_65 : memref<1x128xi32, #tpu.memory_space<vmem>> -> memref<128xi32, #tpu.memory_space<vmem>>
    %dma_wait3A_67 = arith.constant 0 : i32
    %dma_wait3A_68 = tpu.memref_slice %arg2[%dma_wait3A_67] : memref<16777216xf32, #tpu.memory_space<hbm>> -> memref<16777216xf32, #tpu.memory_space<hbm>>
    tpu.wait_indirect_dma semaphore(%arg16 : memref<!tpu.dma_semaphore, #tpu.memory_space<semaphore_mem>>) src(%dma_wait3A_68 : memref<16777216xf32, #tpu.memory_space<hbm>>) dst(%dma_wait3A_63 : memref<128xf32, #tpu.memory_space<vmem>>)
    %dma_wait3A_69 = arith.constant 6 : i32
    %dma_wait3A_70 = arith.constant 768 : i32
    %dma_wait3A_71 = tpu.memref_slice %arg12[%dma_wait3A_70] : memref<2048xf32, #tpu.memory_space<vmem>> -> memref<128xf32, #tpu.memory_space<vmem>>
    %dma_wait3A_72 = arith.constant 0 : i32
    %dma_wait3A_73 = tpu.memref_slice %arg8[%dma_wait3A_69, %dma_wait3A_72] : memref<16x128xi32, #tpu.memory_space<vmem>> -> memref<1x128xi32, #tpu.memory_space<vmem>>
    %dma_wait3A_74 = tpu.memref_squeeze %dma_wait3A_73 : memref<1x128xi32, #tpu.memory_space<vmem>> -> memref<128xi32, #tpu.memory_space<vmem>>
    %dma_wait3A_75 = arith.constant 0 : i32
    %dma_wait3A_76 = tpu.memref_slice %arg2[%dma_wait3A_75] : memref<16777216xf32, #tpu.memory_space<hbm>> -> memref<16777216xf32, #tpu.memory_space<hbm>>
    tpu.wait_indirect_dma semaphore(%arg16 : memref<!tpu.dma_semaphore, #tpu.memory_space<semaphore_mem>>) src(%dma_wait3A_76 : memref<16777216xf32, #tpu.memory_space<hbm>>) dst(%dma_wait3A_71 : memref<128xf32, #tpu.memory_space<vmem>>)
    %dma_wait3A_77 = arith.constant 7 : i32
    %dma_wait3A_78 = arith.constant 896 : i32
    %dma_wait3A_79 = tpu.memref_slice %arg12[%dma_wait3A_78] : memref<2048xf32, #tpu.memory_space<vmem>> -> memref<128xf32, #tpu.memory_space<vmem>>
    %dma_wait3A_80 = arith.constant 0 : i32
    %dma_wait3A_81 = tpu.memref_slice %arg8[%dma_wait3A_77, %dma_wait3A_80] : memref<16x128xi32, #tpu.memory_space<vmem>> -> memref<1x128xi32, #tpu.memory_space<vmem>>
    %dma_wait3A_82 = tpu.memref_squeeze %dma_wait3A_81 : memref<1x128xi32, #tpu.memory_space<vmem>> -> memref<128xi32, #tpu.memory_space<vmem>>
    %dma_wait3A_83 = arith.constant 0 : i32
    %dma_wait3A_84 = tpu.memref_slice %arg2[%dma_wait3A_83] : memref<16777216xf32, #tpu.memory_space<hbm>> -> memref<16777216xf32, #tpu.memory_space<hbm>>
    tpu.wait_indirect_dma semaphore(%arg16 : memref<!tpu.dma_semaphore, #tpu.memory_space<semaphore_mem>>) src(%dma_wait3A_84 : memref<16777216xf32, #tpu.memory_space<hbm>>) dst(%dma_wait3A_79 : memref<128xf32, #tpu.memory_space<vmem>>)
    %dma_wait3A_85 = arith.constant 8 : i32
    %dma_wait3A_86 = arith.constant 1024 : i32
    %dma_wait3A_87 = tpu.memref_slice %arg12[%dma_wait3A_86] : memref<2048xf32, #tpu.memory_space<vmem>> -> memref<128xf32, #tpu.memory_space<vmem>>
    %dma_wait3A_88 = arith.constant 0 : i32
    %dma_wait3A_89 = tpu.memref_slice %arg8[%dma_wait3A_85, %dma_wait3A_88] : memref<16x128xi32, #tpu.memory_space<vmem>> -> memref<1x128xi32, #tpu.memory_space<vmem>>
    %dma_wait3A_90 = tpu.memref_squeeze %dma_wait3A_89 : memref<1x128xi32, #tpu.memory_space<vmem>> -> memref<128xi32, #tpu.memory_space<vmem>>
    %dma_wait3A_91 = arith.constant 0 : i32
    %dma_wait3A_92 = tpu.memref_slice %arg2[%dma_wait3A_91] : memref<16777216xf32, #tpu.memory_space<hbm>> -> memref<16777216xf32, #tpu.memory_space<hbm>>
    tpu.wait_indirect_dma semaphore(%arg16 : memref<!tpu.dma_semaphore, #tpu.memory_space<semaphore_mem>>) src(%dma_wait3A_92 : memref<16777216xf32, #tpu.memory_space<hbm>>) dst(%dma_wait3A_87 : memref<128xf32, #tpu.memory_space<vmem>>)
    %dma_wait3A_93 = arith.constant 9 : i32
    %dma_wait3A_94 = arith.constant 1152 : i32
    %dma_wait3A_95 = tpu.memref_slice %arg12[%dma_wait3A_94] : memref<2048xf32, #tpu.memory_space<vmem>> -> memref<128xf32, #tpu.memory_space<vmem>>
    %dma_wait3A_96 = arith.constant 0 : i32
    %dma_wait3A_97 = tpu.memref_slice %arg8[%dma_wait3A_93, %dma_wait3A_96] : memref<16x128xi32, #tpu.memory_space<vmem>> -> memref<1x128xi32, #tpu.memory_space<vmem>>
    %dma_wait3A_98 = tpu.memref_squeeze %dma_wait3A_97 : memref<1x128xi32, #tpu.memory_space<vmem>> -> memref<128xi32, #tpu.memory_space<vmem>>
    %dma_wait3A_99 = arith.constant 0 : i32
    %dma_wait3A_100 = tpu.memref_slice %arg2[%dma_wait3A_99] : memref<16777216xf32, #tpu.memory_space<hbm>> -> memref<16777216xf32, #tpu.memory_space<hbm>>
    tpu.wait_indirect_dma semaphore(%arg16 : memref<!tpu.dma_semaphore, #tpu.memory_space<semaphore_mem>>) src(%dma_wait3A_100 : memref<16777216xf32, #tpu.memory_space<hbm>>) dst(%dma_wait3A_95 : memref<128xf32, #tpu.memory_space<vmem>>)
    %dma_wait3A_101 = arith.constant 10 : i32
    %dma_wait3A_102 = arith.constant 1280 : i32
    %dma_wait3A_103 = tpu.memref_slice %arg12[%dma_wait3A_102] : memref<2048xf32, #tpu.memory_space<vmem>> -> memref<128xf32, #tpu.memory_space<vmem>>
    %dma_wait3A_104 = arith.constant 0 : i32
    %dma_wait3A_105 = tpu.memref_slice %arg8[%dma_wait3A_101, %dma_wait3A_104] : memref<16x128xi32, #tpu.memory_space<vmem>> -> memref<1x128xi32, #tpu.memory_space<vmem>>
    %dma_wait3A_106 = tpu.memref_squeeze %dma_wait3A_105 : memref<1x128xi32, #tpu.memory_space<vmem>> -> memref<128xi32, #tpu.memory_space<vmem>>
    %dma_wait3A_107 = arith.constant 0 : i32
    %dma_wait3A_108 = tpu.memref_slice %arg2[%dma_wait3A_107] : memref<16777216xf32, #tpu.memory_space<hbm>> -> memref<16777216xf32, #tpu.memory_space<hbm>>
    tpu.wait_indirect_dma semaphore(%arg16 : memref<!tpu.dma_semaphore, #tpu.memory_space<semaphore_mem>>) src(%dma_wait3A_108 : memref<16777216xf32, #tpu.memory_space<hbm>>) dst(%dma_wait3A_103 : memref<128xf32, #tpu.memory_space<vmem>>)
    %dma_wait3A_109 = arith.constant 11 : i32
    %dma_wait3A_110 = arith.constant 1408 : i32
    %dma_wait3A_111 = tpu.memref_slice %arg12[%dma_wait3A_110] : memref<2048xf32, #tpu.memory_space<vmem>> -> memref<128xf32, #tpu.memory_space<vmem>>
    %dma_wait3A_112 = arith.constant 0 : i32
    %dma_wait3A_113 = tpu.memref_slice %arg8[%dma_wait3A_109, %dma_wait3A_112] : memref<16x128xi32, #tpu.memory_space<vmem>> -> memref<1x128xi32, #tpu.memory_space<vmem>>
    %dma_wait3A_114 = tpu.memref_squeeze %dma_wait3A_113 : memref<1x128xi32, #tpu.memory_space<vmem>> -> memref<128xi32, #tpu.memory_space<vmem>>
    %dma_wait3A_115 = arith.constant 0 : i32
    %dma_wait3A_116 = tpu.memref_slice %arg2[%dma_wait3A_115] : memref<16777216xf32, #tpu.memory_space<hbm>> -> memref<16777216xf32, #tpu.memory_space<hbm>>
    tpu.wait_indirect_dma semaphore(%arg16 : memref<!tpu.dma_semaphore, #tpu.memory_space<semaphore_mem>>) src(%dma_wait3A_116 : memref<16777216xf32, #tpu.memory_space<hbm>>) dst(%dma_wait3A_111 : memref<128xf32, #tpu.memory_space<vmem>>)
    %dma_wait3A_117 = arith.constant 12 : i32
    %dma_wait3A_118 = arith.constant 1536 : i32
    %dma_wait3A_119 = tpu.memref_slice %arg12[%dma_wait3A_118] : memref<2048xf32, #tpu.memory_space<vmem>> -> memref<128xf32, #tpu.memory_space<vmem>>
    %dma_wait3A_120 = arith.constant 0 : i32
    %dma_wait3A_121 = tpu.memref_slice %arg8[%dma_wait3A_117, %dma_wait3A_120] : memref<16x128xi32, #tpu.memory_space<vmem>> -> memref<1x128xi32, #tpu.memory_space<vmem>>
    %dma_wait3A_122 = tpu.memref_squeeze %dma_wait3A_121 : memref<1x128xi32, #tpu.memory_space<vmem>> -> memref<128xi32, #tpu.memory_space<vmem>>
    %dma_wait3A_123 = arith.constant 0 : i32
    %dma_wait3A_124 = tpu.memref_slice %arg2[%dma_wait3A_123] : memref<16777216xf32, #tpu.memory_space<hbm>> -> memref<16777216xf32, #tpu.memory_space<hbm>>
    tpu.wait_indirect_dma semaphore(%arg16 : memref<!tpu.dma_semaphore, #tpu.memory_space<semaphore_mem>>) src(%dma_wait3A_124 : memref<16777216xf32, #tpu.memory_space<hbm>>) dst(%dma_wait3A_119 : memref<128xf32, #tpu.memory_space<vmem>>)
    %dma_wait3A_125 = arith.constant 13 : i32
    %dma_wait3A_126 = arith.constant 1664 : i32
    %dma_wait3A_127 = tpu.memref_slice %arg12[%dma_wait3A_126] : memref<2048xf32, #tpu.memory_space<vmem>> -> memref<128xf32, #tpu.memory_space<vmem>>
    %dma_wait3A_128 = arith.constant 0 : i32
    %dma_wait3A_129 = tpu.memref_slice %arg8[%dma_wait3A_125, %dma_wait3A_128] : memref<16x128xi32, #tpu.memory_space<vmem>> -> memref<1x128xi32, #tpu.memory_space<vmem>>
    %dma_wait3A_130 = tpu.memref_squeeze %dma_wait3A_129 : memref<1x128xi32, #tpu.memory_space<vmem>> -> memref<128xi32, #tpu.memory_space<vmem>>
    %dma_wait3A_131 = arith.constant 0 : i32
    %dma_wait3A_132 = tpu.memref_slice %arg2[%dma_wait3A_131] : memref<16777216xf32, #tpu.memory_space<hbm>> -> memref<16777216xf32, #tpu.memory_space<hbm>>
    tpu.wait_indirect_dma semaphore(%arg16 : memref<!tpu.dma_semaphore, #tpu.memory_space<semaphore_mem>>) src(%dma_wait3A_132 : memref<16777216xf32, #tpu.memory_space<hbm>>) dst(%dma_wait3A_127 : memref<128xf32, #tpu.memory_space<vmem>>)
    %dma_wait3A_133 = arith.constant 14 : i32
    %dma_wait3A_134 = arith.constant 1792 : i32
    %dma_wait3A_135 = tpu.memref_slice %arg12[%dma_wait3A_134] : memref<2048xf32, #tpu.memory_space<vmem>> -> memref<128xf32, #tpu.memory_space<vmem>>
    %dma_wait3A_136 = arith.constant 0 : i32
    %dma_wait3A_137 = tpu.memref_slice %arg8[%dma_wait3A_133, %dma_wait3A_136] : memref<16x128xi32, #tpu.memory_space<vmem>> -> memref<1x128xi32, #tpu.memory_space<vmem>>
    %dma_wait3A_138 = tpu.memref_squeeze %dma_wait3A_137 : memref<1x128xi32, #tpu.memory_space<vmem>> -> memref<128xi32, #tpu.memory_space<vmem>>
    %dma_wait3A_139 = arith.constant 0 : i32
    %dma_wait3A_140 = tpu.memref_slice %arg2[%dma_wait3A_139] : memref<16777216xf32, #tpu.memory_space<hbm>> -> memref<16777216xf32, #tpu.memory_space<hbm>>
    tpu.wait_indirect_dma semaphore(%arg16 : memref<!tpu.dma_semaphore, #tpu.memory_space<semaphore_mem>>) src(%dma_wait3A_140 : memref<16777216xf32, #tpu.memory_space<hbm>>) dst(%dma_wait3A_135 : memref<128xf32, #tpu.memory_space<vmem>>)
    %dma_wait3A_141 = arith.constant 15 : i32
    %dma_wait3A_142 = arith.constant 1920 : i32
    %dma_wait3A_143 = tpu.memref_slice %arg12[%dma_wait3A_142] : memref<2048xf32, #tpu.memory_space<vmem>> -> memref<128xf32, #tpu.memory_space<vmem>>
    %dma_wait3A_144 = arith.constant 0 : i32
    %dma_wait3A_145 = tpu.memref_slice %arg8[%dma_wait3A_141, %dma_wait3A_144] : memref<16x128xi32, #tpu.memory_space<vmem>> -> memref<1x128xi32, #tpu.memory_space<vmem>>
    %dma_wait3A_146 = tpu.memref_squeeze %dma_wait3A_145 : memref<1x128xi32, #tpu.memory_space<vmem>> -> memref<128xi32, #tpu.memory_space<vmem>>
    %dma_wait3A_147 = arith.constant 0 : i32
    %dma_wait3A_148 = tpu.memref_slice %arg2[%dma_wait3A_147] : memref<16777216xf32, #tpu.memory_space<hbm>> -> memref<16777216xf32, #tpu.memory_space<hbm>>
    tpu.wait_indirect_dma semaphore(%arg16 : memref<!tpu.dma_semaphore, #tpu.memory_space<semaphore_mem>>) src(%dma_wait3A_148 : memref<16777216xf32, #tpu.memory_space<hbm>>) dst(%dma_wait3A_143 : memref<128xf32, #tpu.memory_space<vmem>>)
    %add3A_149 = arith.constant 61440 : i32
    %add3A_150 = arith.addi %mul3A_2, %add3A_149 : i32
    %dma_start3A = tpu.memref_slice %arg4[%add3A_150] : memref<2097152xf32, #tpu.memory_space<hbm>> -> memref<2048xf32, #tpu.memory_space<hbm>>
    %dma_start3A_151 = tpu.memref_slice %arg4[%add3A_150] : memref<2097152xf32, #tpu.memory_space<hbm>> -> memref<2048xf32, #tpu.memory_space<hbm>>
    tpu.enqueue_dma source(%arg12 : memref<2048xf32, #tpu.memory_space<vmem>>) target(%dma_start3A_151 : memref<2048xf32, #tpu.memory_space<hbm>>) target_semaphore(%arg20 : memref<!tpu.dma_semaphore, #tpu.memory_space<semaphore_mem>>)
    %dma_wait3A_152 = arith.constant 0 : i32
    %dma_wait3A_153 = arith.constant 0 : i32
    %dma_wait3A_154 = tpu.memref_slice %arg13[%dma_wait3A_153] : memref<2048xf32, #tpu.memory_space<vmem>> -> memref<128xf32, #tpu.memory_space<vmem>>
    %dma_wait3A_155 = arith.constant 0 : i32
    %dma_wait3A_156 = tpu.memref_slice %arg9[%dma_wait3A_152, %dma_wait3A_155] : memref<16x128xi32, #tpu.memory_space<vmem>> -> memref<1x128xi32, #tpu.memory_space<vmem>>
    %dma_wait3A_157 = tpu.memref_squeeze %dma_wait3A_156 : memref<1x128xi32, #tpu.memory_space<vmem>> -> memref<128xi32, #tpu.memory_space<vmem>>
    %dma_wait3A_158 = arith.constant 0 : i32
    %dma_wait3A_159 = tpu.memref_slice %arg2[%dma_wait3A_158] : memref<16777216xf32, #tpu.memory_space<hbm>> -> memref<16777216xf32, #tpu.memory_space<hbm>>
    tpu.wait_indirect_dma semaphore(%arg17 : memref<!tpu.dma_semaphore, #tpu.memory_space<semaphore_mem>>) src(%dma_wait3A_159 : memref<16777216xf32, #tpu.memory_space<hbm>>) dst(%dma_wait3A_154 : memref<128xf32, #tpu.memory_space<vmem>>)
    %dma_wait3A_160 = arith.constant 1 : i32
    %dma_wait3A_161 = arith.constant 128 : i32
    %dma_wait3A_162 = tpu.memref_slice %arg13[%dma_wait3A_161] : memref<2048xf32, #tpu.memory_space<vmem>> -> memref<128xf32, #tpu.memory_space<vmem>>
    %dma_wait3A_163 = arith.constant 0 : i32
    %dma_wait3A_164 = tpu.memref_slice %arg9[%dma_wait3A_160, %dma_wait3A_163] : memref<16x128xi32, #tpu.memory_space<vmem>> -> memref<1x128xi32, #tpu.memory_space<vmem>>
    %dma_wait3A_165 = tpu.memref_squeeze %dma_wait3A_164 : memref<1x128xi32, #tpu.memory_space<vmem>> -> memref<128xi32, #tpu.memory_space<vmem>>
    %dma_wait3A_166 = arith.constant 0 : i32
    %dma_wait3A_167 = tpu.memref_slice %arg2[%dma_wait3A_166] : memref<16777216xf32, #tpu.memory_space<hbm>> -> memref<16777216xf32, #tpu.memory_space<hbm>>
    tpu.wait_indirect_dma semaphore(%arg17 : memref<!tpu.dma_semaphore, #tpu.memory_space<semaphore_mem>>) src(%dma_wait3A_167 : memref<16777216xf32, #tpu.memory_space<hbm>>) dst(%dma_wait3A_162 : memref<128xf32, #tpu.memory_space<vmem>>)
    %dma_wait3A_168 = arith.constant 2 : i32
    %dma_wait3A_169 = arith.constant 256 : i32
    %dma_wait3A_170 = tpu.memref_slice %arg13[%dma_wait3A_169] : memref<2048xf32, #tpu.memory_space<vmem>> -> memref<128xf32, #tpu.memory_space<vmem>>
    %dma_wait3A_171 = arith.constant 0 : i32
    %dma_wait3A_172 = tpu.memref_slice %arg9[%dma_wait3A_168, %dma_wait3A_171] : memref<16x128xi32, #tpu.memory_space<vmem>> -> memref<1x128xi32, #tpu.memory_space<vmem>>
    %dma_wait3A_173 = tpu.memref_squeeze %dma_wait3A_172 : memref<1x128xi32, #tpu.memory_space<vmem>> -> memref<128xi32, #tpu.memory_space<vmem>>
    %dma_wait3A_174 = arith.constant 0 : i32
    %dma_wait3A_175 = tpu.memref_slice %arg2[%dma_wait3A_174] : memref<16777216xf32, #tpu.memory_space<hbm>> -> memref<16777216xf32, #tpu.memory_space<hbm>>
    tpu.wait_indirect_dma semaphore(%arg17 : memref<!tpu.dma_semaphore, #tpu.memory_space<semaphore_mem>>) src(%dma_wait3A_175 : memref<16777216xf32, #tpu.memory_space<hbm>>) dst(%dma_wait3A_170 : memref<128xf32, #tpu.memory_space<vmem>>)
    %dma_wait3A_176 = arith.constant 3 : i32
    %dma_wait3A_177 = arith.constant 384 : i32
    %dma_wait3A_178 = tpu.memref_slice %arg13[%dma_wait3A_177] : memref<2048xf32, #tpu.memory_space<vmem>> -> memref<128xf32, #tpu.memory_space<vmem>>
    %dma_wait3A_179 = arith.constant 0 : i32
    %dma_wait3A_180 = tpu.memref_slice %arg9[%dma_wait3A_176, %dma_wait3A_179] : memref<16x128xi32, #tpu.memory_space<vmem>> -> memref<1x128xi32, #tpu.memory_space<vmem>>
    %dma_wait3A_181 = tpu.memref_squeeze %dma_wait3A_180 : memref<1x128xi32, #tpu.memory_space<vmem>> -> memref<128xi32, #tpu.memory_space<vmem>>
    %dma_wait3A_182 = arith.constant 0 : i32
    %dma_wait3A_183 = tpu.memref_slice %arg2[%dma_wait3A_182] : memref<16777216xf32, #tpu.memory_space<hbm>> -> memref<16777216xf32, #tpu.memory_space<hbm>>
    tpu.wait_indirect_dma semaphore(%arg17 : memref<!tpu.dma_semaphore, #tpu.memory_space<semaphore_mem>>) src(%dma_wait3A_183 : memref<16777216xf32, #tpu.memory_space<hbm>>) dst(%dma_wait3A_178 : memref<128xf32, #tpu.memory_space<vmem>>)
    %dma_wait3A_184 = arith.constant 4 : i32
    %dma_wait3A_185 = arith.constant 512 : i32
    %dma_wait3A_186 = tpu.memref_slice %arg13[%dma_wait3A_185] : memref<2048xf32, #tpu.memory_space<vmem>> -> memref<128xf32, #tpu.memory_space<vmem>>
    %dma_wait3A_187 = arith.constant 0 : i32
    %dma_wait3A_188 = tpu.memref_slice %arg9[%dma_wait3A_184, %dma_wait3A_187] : memref<16x128xi32, #tpu.memory_space<vmem>> -> memref<1x128xi32, #tpu.memory_space<vmem>>
    %dma_wait3A_189 = tpu.memref_squeeze %dma_wait3A_188 : memref<1x128xi32, #tpu.memory_space<vmem>> -> memref<128xi32, #tpu.memory_space<vmem>>
    %dma_wait3A_190 = arith.constant 0 : i32
    %dma_wait3A_191 = tpu.memref_slice %arg2[%dma_wait3A_190] : memref<16777216xf32, #tpu.memory_space<hbm>> -> memref<16777216xf32, #tpu.memory_space<hbm>>
    tpu.wait_indirect_dma semaphore(%arg17 : memref<!tpu.dma_semaphore, #tpu.memory_space<semaphore_mem>>) src(%dma_wait3A_191 : memref<16777216xf32, #tpu.memory_space<hbm>>) dst(%dma_wait3A_186 : memref<128xf32, #tpu.memory_space<vmem>>)
    %dma_wait3A_192 = arith.constant 5 : i32
    %dma_wait3A_193 = arith.constant 640 : i32
    %dma_wait3A_194 = tpu.memref_slice %arg13[%dma_wait3A_193] : memref<2048xf32, #tpu.memory_space<vmem>> -> memref<128xf32, #tpu.memory_space<vmem>>
    %dma_wait3A_195 = arith.constant 0 : i32
    %dma_wait3A_196 = tpu.memref_slice %arg9[%dma_wait3A_192, %dma_wait3A_195] : memref<16x128xi32, #tpu.memory_space<vmem>> -> memref<1x128xi32, #tpu.memory_space<vmem>>
    %dma_wait3A_197 = tpu.memref_squeeze %dma_wait3A_196 : memref<1x128xi32, #tpu.memory_space<vmem>> -> memref<128xi32, #tpu.memory_space<vmem>>
    %dma_wait3A_198 = arith.constant 0 : i32
    %dma_wait3A_199 = tpu.memref_slice %arg2[%dma_wait3A_198] : memref<16777216xf32, #tpu.memory_space<hbm>> -> memref<16777216xf32, #tpu.memory_space<hbm>>
    tpu.wait_indirect_dma semaphore(%arg17 : memref<!tpu.dma_semaphore, #tpu.memory_space<semaphore_mem>>) src(%dma_wait3A_199 : memref<16777216xf32, #tpu.memory_space<hbm>>) dst(%dma_wait3A_194 : memref<128xf32, #tpu.memory_space<vmem>>)
    %dma_wait3A_200 = arith.constant 6 : i32
    %dma_wait3A_201 = arith.constant 768 : i32
    %dma_wait3A_202 = tpu.memref_slice %arg13[%dma_wait3A_201] : memref<2048xf32, #tpu.memory_space<vmem>> -> memref<128xf32, #tpu.memory_space<vmem>>
    %dma_wait3A_203 = arith.constant 0 : i32
    %dma_wait3A_204 = tpu.memref_slice %arg9[%dma_wait3A_200, %dma_wait3A_203] : memref<16x128xi32, #tpu.memory_space<vmem>> -> memref<1x128xi32, #tpu.memory_space<vmem>>
    %dma_wait3A_205 = tpu.memref_squeeze %dma_wait3A_204 : memref<1x128xi32, #tpu.memory_space<vmem>> -> memref<128xi32, #tpu.memory_space<vmem>>
    %dma_wait3A_206 = arith.constant 0 : i32
    %dma_wait3A_207 = tpu.memref_slice %arg2[%dma_wait3A_206] : memref<16777216xf32, #tpu.memory_space<hbm>> -> memref<16777216xf32, #tpu.memory_space<hbm>>
    tpu.wait_indirect_dma semaphore(%arg17 : memref<!tpu.dma_semaphore, #tpu.memory_space<semaphore_mem>>) src(%dma_wait3A_207 : memref<16777216xf32, #tpu.memory_space<hbm>>) dst(%dma_wait3A_202 : memref<128xf32, #tpu.memory_space<vmem>>)
    %dma_wait3A_208 = arith.constant 7 : i32
    %dma_wait3A_209 = arith.constant 896 : i32
    %dma_wait3A_210 = tpu.memref_slice %arg13[%dma_wait3A_209] : memref<2048xf32, #tpu.memory_space<vmem>> -> memref<128xf32, #tpu.memory_space<vmem>>
    %dma_wait3A_211 = arith.constant 0 : i32
    %dma_wait3A_212 = tpu.memref_slice %arg9[%dma_wait3A_208, %dma_wait3A_211] : memref<16x128xi32, #tpu.memory_space<vmem>> -> memref<1x128xi32, #tpu.memory_space<vmem>>
    %dma_wait3A_213 = tpu.memref_squeeze %dma_wait3A_212 : memref<1x128xi32, #tpu.memory_space<vmem>> -> memref<128xi32, #tpu.memory_space<vmem>>
    %dma_wait3A_214 = arith.constant 0 : i32
    %dma_wait3A_215 = tpu.memref_slice %arg2[%dma_wait3A_214] : memref<16777216xf32, #tpu.memory_space<hbm>> -> memref<16777216xf32, #tpu.memory_space<hbm>>
    tpu.wait_indirect_dma semaphore(%arg17 : memref<!tpu.dma_semaphore, #tpu.memory_space<semaphore_mem>>) src(%dma_wait3A_215 : memref<16777216xf32, #tpu.memory_space<hbm>>) dst(%dma_wait3A_210 : memref<128xf32, #tpu.memory_space<vmem>>)
    %dma_wait3A_216 = arith.constant 8 : i32
    %dma_wait3A_217 = arith.constant 1024 : i32
    %dma_wait3A_218 = tpu.memref_slice %arg13[%dma_wait3A_217] : memref<2048xf32, #tpu.memory_space<vmem>> -> memref<128xf32, #tpu.memory_space<vmem>>
    %dma_wait3A_219 = arith.constant 0 : i32
    %dma_wait3A_220 = tpu.memref_slice %arg9[%dma_wait3A_216, %dma_wait3A_219] : memref<16x128xi32, #tpu.memory_space<vmem>> -> memref<1x128xi32, #tpu.memory_space<vmem>>
    %dma_wait3A_221 = tpu.memref_squeeze %dma_wait3A_220 : memref<1x128xi32, #tpu.memory_space<vmem>> -> memref<128xi32, #tpu.memory_space<vmem>>
    %dma_wait3A_222 = arith.constant 0 : i32
    %dma_wait3A_223 = tpu.memref_slice %arg2[%dma_wait3A_222] : memref<16777216xf32, #tpu.memory_space<hbm>> -> memref<16777216xf32, #tpu.memory_space<hbm>>
    tpu.wait_indirect_dma semaphore(%arg17 : memref<!tpu.dma_semaphore, #tpu.memory_space<semaphore_mem>>) src(%dma_wait3A_223 : memref<16777216xf32, #tpu.memory_space<hbm>>) dst(%dma_wait3A_218 : memref<128xf32, #tpu.memory_space<vmem>>)
    %dma_wait3A_224 = arith.constant 9 : i32
    %dma_wait3A_225 = arith.constant 1152 : i32
    %dma_wait3A_226 = tpu.memref_slice %arg13[%dma_wait3A_225] : memref<2048xf32, #tpu.memory_space<vmem>> -> memref<128xf32, #tpu.memory_space<vmem>>
    %dma_wait3A_227 = arith.constant 0 : i32
    %dma_wait3A_228 = tpu.memref_slice %arg9[%dma_wait3A_224, %dma_wait3A_227] : memref<16x128xi32, #tpu.memory_space<vmem>> -> memref<1x128xi32, #tpu.memory_space<vmem>>
    %dma_wait3A_229 = tpu.memref_squeeze %dma_wait3A_228 : memref<1x128xi32, #tpu.memory_space<vmem>> -> memref<128xi32, #tpu.memory_space<vmem>>
    %dma_wait3A_230 = arith.constant 0 : i32
    %dma_wait3A_231 = tpu.memref_slice %arg2[%dma_wait3A_230] : memref<16777216xf32, #tpu.memory_space<hbm>> -> memref<16777216xf32, #tpu.memory_space<hbm>>
    tpu.wait_indirect_dma semaphore(%arg17 : memref<!tpu.dma_semaphore, #tpu.memory_space<semaphore_mem>>) src(%dma_wait3A_231 : memref<16777216xf32, #tpu.memory_space<hbm>>) dst(%dma_wait3A_226 : memref<128xf32, #tpu.memory_space<vmem>>)
    %dma_wait3A_232 = arith.constant 10 : i32
    %dma_wait3A_233 = arith.constant 1280 : i32
    %dma_wait3A_234 = tpu.memref_slice %arg13[%dma_wait3A_233] : memref<2048xf32, #tpu.memory_space<vmem>> -> memref<128xf32, #tpu.memory_space<vmem>>
    %dma_wait3A_235 = arith.constant 0 : i32
    %dma_wait3A_236 = tpu.memref_slice %arg9[%dma_wait3A_232, %dma_wait3A_235] : memref<16x128xi32, #tpu.memory_space<vmem>> -> memref<1x128xi32, #tpu.memory_space<vmem>>
    %dma_wait3A_237 = tpu.memref_squeeze %dma_wait3A_236 : memref<1x128xi32, #tpu.memory_space<vmem>> -> memref<128xi32, #tpu.memory_space<vmem>>
    %dma_wait3A_238 = arith.constant 0 : i32
    %dma_wait3A_239 = tpu.memref_slice %arg2[%dma_wait3A_238] : memref<16777216xf32, #tpu.memory_space<hbm>> -> memref<16777216xf32, #tpu.memory_space<hbm>>
    tpu.wait_indirect_dma semaphore(%arg17 : memref<!tpu.dma_semaphore, #tpu.memory_space<semaphore_mem>>) src(%dma_wait3A_239 : memref<16777216xf32, #tpu.memory_space<hbm>>) dst(%dma_wait3A_234 : memref<128xf32, #tpu.memory_space<vmem>>)
    %dma_wait3A_240 = arith.constant 11 : i32
    %dma_wait3A_241 = arith.constant 1408 : i32
    %dma_wait3A_242 = tpu.memref_slice %arg13[%dma_wait3A_241] : memref<2048xf32, #tpu.memory_space<vmem>> -> memref<128xf32, #tpu.memory_space<vmem>>
    %dma_wait3A_243 = arith.constant 0 : i32
    %dma_wait3A_244 = tpu.memref_slice %arg9[%dma_wait3A_240, %dma_wait3A_243] : memref<16x128xi32, #tpu.memory_space<vmem>> -> memref<1x128xi32, #tpu.memory_space<vmem>>
    %dma_wait3A_245 = tpu.memref_squeeze %dma_wait3A_244 : memref<1x128xi32, #tpu.memory_space<vmem>> -> memref<128xi32, #tpu.memory_space<vmem>>
    %dma_wait3A_246 = arith.constant 0 : i32
    %dma_wait3A_247 = tpu.memref_slice %arg2[%dma_wait3A_246] : memref<16777216xf32, #tpu.memory_space<hbm>> -> memref<16777216xf32, #tpu.memory_space<hbm>>
    tpu.wait_indirect_dma semaphore(%arg17 : memref<!tpu.dma_semaphore, #tpu.memory_space<semaphore_mem>>) src(%dma_wait3A_247 : memref<16777216xf32, #tpu.memory_space<hbm>>) dst(%dma_wait3A_242 : memref<128xf32, #tpu.memory_space<vmem>>)
    %dma_wait3A_248 = arith.constant 12 : i32
    %dma_wait3A_249 = arith.constant 1536 : i32
    %dma_wait3A_250 = tpu.memref_slice %arg13[%dma_wait3A_249] : memref<2048xf32, #tpu.memory_space<vmem>> -> memref<128xf32, #tpu.memory_space<vmem>>
    %dma_wait3A_251 = arith.constant 0 : i32
    %dma_wait3A_252 = tpu.memref_slice %arg9[%dma_wait3A_248, %dma_wait3A_251] : memref<16x128xi32, #tpu.memory_space<vmem>> -> memref<1x128xi32, #tpu.memory_space<vmem>>
    %dma_wait3A_253 = tpu.memref_squeeze %dma_wait3A_252 : memref<1x128xi32, #tpu.memory_space<vmem>> -> memref<128xi32, #tpu.memory_space<vmem>>
    %dma_wait3A_254 = arith.constant 0 : i32
    %dma_wait3A_255 = tpu.memref_slice %arg2[%dma_wait3A_254] : memref<16777216xf32, #tpu.memory_space<hbm>> -> memref<16777216xf32, #tpu.memory_space<hbm>>
    tpu.wait_indirect_dma semaphore(%arg17 : memref<!tpu.dma_semaphore, #tpu.memory_space<semaphore_mem>>) src(%dma_wait3A_255 : memref<16777216xf32, #tpu.memory_space<hbm>>) dst(%dma_wait3A_250 : memref<128xf32, #tpu.memory_space<vmem>>)
    %dma_wait3A_256 = arith.constant 13 : i32
    %dma_wait3A_257 = arith.constant 1664 : i32
    %dma_wait3A_258 = tpu.memref_slice %arg13[%dma_wait3A_257] : memref<2048xf32, #tpu.memory_space<vmem>> -> memref<128xf32, #tpu.memory_space<vmem>>
    %dma_wait3A_259 = arith.constant 0 : i32
    %dma_wait3A_260 = tpu.memref_slice %arg9[%dma_wait3A_256, %dma_wait3A_259] : memref<16x128xi32, #tpu.memory_space<vmem>> -> memref<1x128xi32, #tpu.memory_space<vmem>>
    %dma_wait3A_261 = tpu.memref_squeeze %dma_wait3A_260 : memref<1x128xi32, #tpu.memory_space<vmem>> -> memref<128xi32, #tpu.memory_space<vmem>>
    %dma_wait3A_262 = arith.constant 0 : i32
    %dma_wait3A_263 = tpu.memref_slice %arg2[%dma_wait3A_262] : memref<16777216xf32, #tpu.memory_space<hbm>> -> memref<16777216xf32, #tpu.memory_space<hbm>>
    tpu.wait_indirect_dma semaphore(%arg17 : memref<!tpu.dma_semaphore, #tpu.memory_space<semaphore_mem>>) src(%dma_wait3A_263 : memref<16777216xf32, #tpu.memory_space<hbm>>) dst(%dma_wait3A_258 : memref<128xf32, #tpu.memory_space<vmem>>)
    %dma_wait3A_264 = arith.constant 14 : i32
    %dma_wait3A_265 = arith.constant 1792 : i32
    %dma_wait3A_266 = tpu.memref_slice %arg13[%dma_wait3A_265] : memref<2048xf32, #tpu.memory_space<vmem>> -> memref<128xf32, #tpu.memory_space<vmem>>
    %dma_wait3A_267 = arith.constant 0 : i32
    %dma_wait3A_268 = tpu.memref_slice %arg9[%dma_wait3A_264, %dma_wait3A_267] : memref<16x128xi32, #tpu.memory_space<vmem>> -> memref<1x128xi32, #tpu.memory_space<vmem>>
    %dma_wait3A_269 = tpu.memref_squeeze %dma_wait3A_268 : memref<1x128xi32, #tpu.memory_space<vmem>> -> memref<128xi32, #tpu.memory_space<vmem>>
    %dma_wait3A_270 = arith.constant 0 : i32
    %dma_wait3A_271 = tpu.memref_slice %arg2[%dma_wait3A_270] : memref<16777216xf32, #tpu.memory_space<hbm>> -> memref<16777216xf32, #tpu.memory_space<hbm>>
    tpu.wait_indirect_dma semaphore(%arg17 : memref<!tpu.dma_semaphore, #tpu.memory_space<semaphore_mem>>) src(%dma_wait3A_271 : memref<16777216xf32, #tpu.memory_space<hbm>>) dst(%dma_wait3A_266 : memref<128xf32, #tpu.memory_space<vmem>>)
    %dma_wait3A_272 = arith.constant 15 : i32
    %dma_wait3A_273 = arith.constant 1920 : i32
    %dma_wait3A_274 = tpu.memref_slice %arg13[%dma_wait3A_273] : memref<2048xf32, #tpu.memory_space<vmem>> -> memref<128xf32, #tpu.memory_space<vmem>>
    %dma_wait3A_275 = arith.constant 0 : i32
    %dma_wait3A_276 = tpu.memref_slice %arg9[%dma_wait3A_272, %dma_wait3A_275] : memref<16x128xi32, #tpu.memory_space<vmem>> -> memref<1x128xi32, #tpu.memory_space<vmem>>
    %dma_wait3A_277 = tpu.memref_squeeze %dma_wait3A_276 : memref<1x128xi32, #tpu.memory_space<vmem>> -> memref<128xi32, #tpu.memory_space<vmem>>
    %dma_wait3A_278 = arith.constant 0 : i32
    %dma_wait3A_279 = tpu.memref_slice %arg2[%dma_wait3A_278] : memref<16777216xf32, #tpu.memory_space<hbm>> -> memref<16777216xf32, #tpu.memory_space<hbm>>
    tpu.wait_indirect_dma semaphore(%arg17 : memref<!tpu.dma_semaphore, #tpu.memory_space<semaphore_mem>>) src(%dma_wait3A_279 : memref<16777216xf32, #tpu.memory_space<hbm>>) dst(%dma_wait3A_274 : memref<128xf32, #tpu.memory_space<vmem>>)
    %add3A_280 = arith.constant 63488 : i32
    %add3A_281 = arith.addi %mul3A_2, %add3A_280 : i32
    %dma_start3A_282 = tpu.memref_slice %arg4[%add3A_281] : memref<2097152xf32, #tpu.memory_space<hbm>> -> memref<2048xf32, #tpu.memory_space<hbm>>
    %dma_start3A_283 = tpu.memref_slice %arg4[%add3A_281] : memref<2097152xf32, #tpu.memory_space<hbm>> -> memref<2048xf32, #tpu.memory_space<hbm>>
    tpu.enqueue_dma source(%arg13 : memref<2048xf32, #tpu.memory_space<vmem>>) target(%dma_start3A_283 : memref<2048xf32, #tpu.memory_space<hbm>>) target_semaphore(%arg21 : memref<!tpu.dma_semaphore, #tpu.memory_space<semaphore_mem>>)
    %add3A_284 = arith.constant 57344 : i32
    %add3A_285 = arith.addi %mul3A_2, %add3A_284 : i32
    %dma_wait3A_286 = tpu.memref_slice %arg4[%add3A_285] : memref<2097152xf32, #tpu.memory_space<hbm>> -> memref<2048xf32, #tpu.memory_space<hbm>>
    %dma_wait3A_287 = tpu.memref_slice %arg4[%add3A_285] : memref<2097152xf32, #tpu.memory_space<hbm>> -> memref<2048xf32, #tpu.memory_space<hbm>>
    tpu.wait_dma2 semaphore(%arg18 : memref<!tpu.dma_semaphore, #tpu.memory_space<semaphore_mem>>) src(%arg10 : memref<2048xf32, #tpu.memory_space<vmem>>) dst(%dma_wait3A_287 : memref<2048xf32, #tpu.memory_space<hbm>>)
    %add3A_288 = arith.constant 59392 : i32
    %add3A_289 = arith.addi %mul3A_2, %add3A_288 : i32
    %dma_wait3A_290 = tpu.memref_slice %arg4[%add3A_289] : memref<2097152xf32, #tpu.memory_space<hbm>> -> memref<2048xf32, #tpu.memory_space<hbm>>
    %dma_wait3A_291 = tpu.memref_slice %arg4[%add3A_289] : memref<2097152xf32, #tpu.memory_space<hbm>> -> memref<2048xf32, #tpu.memory_space<hbm>>
    tpu.wait_dma2 semaphore(%arg19 : memref<!tpu.dma_semaphore, #tpu.memory_space<semaphore_mem>>) src(%arg11 : memref<2048xf32, #tpu.memory_space<vmem>>) dst(%dma_wait3A_291 : memref<2048xf32, #tpu.memory_space<hbm>>)
    %add3A_292 = arith.constant 61440 : i32
    %add3A_293 = arith.addi %mul3A_2, %add3A_292 : i32
    %dma_wait3A_294 = tpu.memref_slice %arg4[%add3A_293] : memref<2097152xf32, #tpu.memory_space<hbm>> -> memref<2048xf32, #tpu.memory_space<hbm>>
    %dma_wait3A_295 = tpu.memref_slice %arg4[%add3A_293] : memref<2097152xf32, #tpu.memory_space<hbm>> -> memref<2048xf32, #tpu.memory_space<hbm>>
    tpu.wait_dma2 semaphore(%arg20 : memref<!tpu.dma_semaphore, #tpu.memory_space<semaphore_mem>>) src(%arg12 : memref<2048xf32, #tpu.memory_space<vmem>>) dst(%dma_wait3A_295 : memref<2048xf32, #tpu.memory_space<hbm>>)
    %add3A_296 = arith.constant 63488 : i32
    %add3A_297 = arith.addi %mul3A_2, %add3A_296 : i32
    %dma_wait3A_298 = tpu.memref_slice %arg4[%add3A_297] : memref<2097152xf32, #tpu.memory_space<hbm>> -> memref<2048xf32, #tpu.memory_space<hbm>>
    %dma_wait3A_299 = tpu.memref_slice %arg4[%add3A_297] : memref<2097152xf32, #tpu.memory_space<hbm>> -> memref<2048xf32, #tpu.memory_space<hbm>>
    tpu.wait_dma2 semaphore(%arg21 : memref<!tpu.dma_semaphore, #tpu.memory_space<semaphore_mem>>) src(%arg13 : memref<2048xf32, #tpu.memory_space<vmem>>) dst(%dma_wait3A_299 : memref<2048xf32, #tpu.memory_space<hbm>>)
    return
  }
}

</mosaic_0001>

<sc_bundles>
// kernel: _ngram_lookup.3.cloned.1.call-start
scs
__scs_entry_jumppad:
0x0: {  	(pc) =	sbr.rel $0x88, $3  }
0x1: {  	(tag) =	ssettag $0x0;
	lr =	simm.s32 $0x1  }
0x2: {  	[smem:$0x3F9F] =	sst lr;
	_ =	strace $0xD0000000  }
0x3: {  	_ = 	snop  }
0x4: {  	_ = 	snop  }
0x5: {  	_ = 	snop  }
0x6: {  	_ = 	snop  }
0x7: {  	_ = 	snop  }
__scs_overlays_trampoline_lowered:
0x8: {  	[smem:$0x3FAE] =	sst s0  }
0x9: {  	[smem:$0x3FAF] =	sst s1  }
0xa: {  	[smem:$0x3FB0] =	sst s2  }
0xb: {  	[smem:$0x3FB1] =	sst s3  }
0xc: {  	[smem:$0x3FB2] =	sst s4  }
0xd: {  	[smem:$0x3FB3] =	sst s5  }
0xe: {  	[smem:$0x3FB4] =	sst s6  }
0xf: {  	[smem:$0x3FB5] =	sst s7  }
0x10: {  	[smem:$0x3FB6] =	sst s8  }
0x11: {  	[smem:$0x3FB7] =	sst s9;
	s0 =	simm.s32 @!p0 $0x0  }
0x12: {  	s1 =	sld [smem:$0x3F9D];
	s0 =	simm.s32 @p0 $0x1  }
0x13: {  	[smem:$0x3FB8] =	sst s0;
	s0 =	simm.s32 @!p1 $0x0  }
0x14: {  	s2 =	sld [smem:$0x3F9C];
	s0 =	simm.s32 @p1 $0x1  }
0x15: {  	[smem:$0x3FB9] =	sst s0;
	s0 =	simm.s32 @!p2 $0x0  }
0x16: {  	s3 =	sld [smem:$0x3FDB];
	s0 =	simm.s32 @p2 $0x1  }
0x17: {  	s4 =	simm.s32 $0x1BF5;
	[smem:$0x3FBB] =	sst s0  }
0x18: {  	s0 =	sld [smem:$0x3F9E];
	_ =	swait.ge [sflag:s4], $0x0  }
0x19: {  	s7 =	sld [smem:$0x3F9F]  }
0x1a: {  	s8 =	sadd.s32 $0xFFFFE003, lr  }
0x1b: {  	s9 =	sadd.s32 $0xFFFFFEF7, lr;
	s5 =	simm.s32 $0xFFFFFFFF;
	p2 =	slt.u32 s8, $0xFFFFF086  }
0x1c: {  	p1 =	slt.u32 s9, $0xF7A;
	s5 =	simm.s32 @!p2 $0x0  }
0x1d: {  	s5 =	simm.s32 @p1 $0x1;
	p0 =	seq.s32 s7, s2  }
0x1e: {  	s7 =	smul.u32 @!p0 $0xF7A, s2;
	p2 =	seq.s32 @!p0 s5, $0x0  }
0x1f: {  	s9 =	smul.u32 $0xF7A, s1;
	s8 =	simm.s32 @!p0 $0x1BF5;
	p2 =	por !p2, p0  }
0x20: {  	[sflag:s8] =	ssyncset.s32 @!p0 $0xFFFFF086;
	s6 =	sadd.s32 @!p0 s3, s7;
	s7 =	simm.s32 @!p0 $0x108  }
0x21: {  	s3 =	sadd.s32 s3, s9;
	s6 =	sadd.s32 @!p0 $0x88, s6;
	s7 =	simm.s32 @p2 $0x1082  }
0x22: {  	[simem:s7], [sflag:s8] =	dma.local @!p0 [hbm:s6], $0xF7A  }
0x23: {  	s9 =	sor.u32 $0xD0000000, s2;
	s6 =	simm.s32 $0x108;
	_ =	swait.ge @!p0 [sflag:s8], $0x0  }
0x24: {  	s3 =	sadd.s32 $0x88, s3;
	s6 =	simm.s32 @!p1 $0x1082;
	[sflag:s4] =	ssyncset.s32 $0xFFFFF086  }
0x25: {  	[simem:s6], [sflag:s4] =	dma.local [hbm:s3], $0xF7A  }
0x26: {  	[smem:$0x3F9F] =	sst s1;
	(tag) =	ssettag s2;
	_ =	strace s9  }
0x27: {  	s1 =	sld [smem:$0x3FAF]  }
0x28: {  	s2 =	sld [smem:$0x3FB0]  }
0x29: {  	s4 =	sld [smem:$0x3FB2]  }
0x2a: {  	p0 =	seq.s32 s5, $0x0;
	s5 =	sld [smem:$0x3FB3]  }
0x2b: {  	s6 =	sld [smem:$0x3FB4]  }
0x2c: {  	s7 =	sld [smem:$0x3FB5]  }
0x2d: {  	s3 =	simm.s32 $0x108;
	s8 =	sld [smem:$0x3FB6]  }
0x2e: {  	s3 =	simm.s32 @!p0 $0x1082;
	s9 =	sld [smem:$0x3FB7]  }
0x2f: {  	lr =	sadd.s32 s0, s3;
	s0 =	sld [smem:$0x3FAE]  }
0x30: {  	s3 =	sld [smem:$0x3FB1]  }
0x31: {  	[smem:$0x3FBA] =	sst s10  }
0x32: {  	s10 =	sld [smem:$0x3FB8];
	_ =	sdelay $0x3  }
0x33: {  	p0 =	seq.s32 s10, $0x1;
	s10 =	sld [smem:$0x3FBA];
	_ =	sdelay $0x3  }
0x34: {  	[smem:$0x3FBA] =	sst s10  }
0x35: {  	s10 =	sld [smem:$0x3FB9];
	_ =	sdelay $0x3  }
0x36: {  	p1 =	seq.s32 s10, $0x1;
	s10 =	sld [smem:$0x3FBA];
	_ =	sdelay $0x3  }
0x37: {  	[smem:$0x3FBA] =	sst s10  }
0x38: {  	s10 =	sld [smem:$0x3FBB]  }
0x39: {  	_ = 	snop;
	(pc) =	sbr.ind lr, $3  }
0x3a: {  	_ = 	snop  }
0x3b: {  	_ = 	snop  }
0x3c: {  	p2 =	seq.s32 s10, $0x1;
	s10 =	sld [smem:$0x3FBA]  }
0x3d: {  	_ =	shalt  }
0x3e: {  	_ =	shalt  }
0x3f: {  	_ =	shalt  }
0x40: {  	_ =	shalt  }
0x41: {  	_ =	shalt  }
0x42: {  	_ =	shalt  }
0x43: {  	_ =	shalt  }
0x44: {  	_ =	shalt  }
0x45: {  	_ =	shalt  }
0x46: {  	_ =	shalt  }
0x47: {  	_ =	shalt  }
0x48: {  	_ =	shalt  }
0x49: {  	_ =	shalt  }
0x4a: {  	_ =	shalt  }
0x4b: {  	_ =	shalt  }
0x4c: {  	_ =	shalt  }
0x4d: {  	_ =	shalt  }
0x4e: {  	_ =	shalt  }
0x4f: {  	_ =	shalt  }
0x50: {  	_ =	shalt  }
0x51: {  	_ =	shalt  }
0x52: {  	_ =	shalt  }
0x53: {  	_ =	shalt  }
0x54: {  	_ =	shalt  }
0x55: {  	_ =	shalt  }
0x56: {  	_ =	shalt  }
0x57: {  	_ =	shalt  }
0x58: {  	_ =	shalt  }
0x59: {  	_ =	shalt  }
0x5a: {  	_ =	shalt  }
0x5b: {  	_ =	shalt  }
0x5c: {  	_ =	shalt  }
0x5d: {  	_ =	shalt  }
0x5e: {  	_ =	shalt  }
0x5f: {  	_ =	shalt  }
0x60: {  	_ =	shalt  }
0x61: {  	_ =	shalt  }
0x62: {  	_ =	shalt  }
0x63: {  	_ =	shalt  }
0x64: {  	_ =	shalt  }
0x65: {  	_ =	shalt  }
0x66: {  	_ =	shalt  }
0x67: {  	_ =	shalt  }
0x68: {  	_ =	shalt  }
0x69: {  	_ =	shalt  }
0x6a: {  	_ =	shalt  }
0x6b: {  	_ =	shalt  }
0x6c: {  	_ =	shalt  }
0x6d: {  	_ =	shalt  }
0x6e: {  	_ =	shalt  }
0x6f: {  	_ =	shalt  }
0x70: {  	_ =	shalt  }
0x71: {  	_ =	shalt  }
0x72: {  	_ =	shalt  }
0x73: {  	_ =	shalt  }
0x74: {  	_ =	shalt  }
0x75: {  	_ =	shalt  }
0x76: {  	_ =	shalt  }
0x77: {  	_ =	shalt  }
0x78: {  	_ =	shalt  }
0x79: {  	_ =	shalt  }
0x7a: {  	_ =	shalt  }
0x7b: {  	_ =	shalt  }
0x7c: {  	_ =	shalt  }
0x7d: {  	_ =	shalt  }
0x7e: {  	_ =	shalt  }
0x7f: {  	_ =	shalt  }
0x80: {  	_ =	shalt  }
0x81: {  	_ =	shalt  }
0x82: {  	_ =	shalt  }
0x83: {  	_ =	shalt  }
0x84: {  	_ =	shalt  }
0x85: {  	_ =	shalt  }
0x86: {  	_ =	shalt  }
0x87: {  	_ =	shalt  }
.Lfunc_end0:
.L_simem_size_0:
called_computation_lowered:
.L_overlay_start_0:
0x88: {  	s2 =	sld [smem:$0x3FD9]  }
0x89: {  	s3 =	sld [smem:$0x3FFE];
	_ =	sdelay $0x1  }
0x8a: {  	s1 =	srdreg.scid  }
0x8b: {  	s0 =	sand.u32 $0x1, s1  }
0x8c: {  	s18 =	sshll.u32 s0, $0xA;
	s2 =	sadd.s32 s3, s2  }
0x8d: {  	s2 =	sadd.s32 s2, s18  }
0x8e: {  	[smem:$0x3FC6] =	sst s2  }
0x8f: {  	_ = 	snop  }
0x90: {  	s2 =	sld [smem:$0x3FC9]  }
0x91: {  	s19 =	sld [smem:$0x3FC8]  }
0x92: {  	s4 =	sld [smem:$0x3FD0];
	(tm) =	ssettm $0x1  }
0x93: {  	s5 =	sld [smem:$0x3FFB];
	_ =	sdelay $0x3  }
0x94: {  	_ =	strace s5  }
0x95: {  	s5 =	sld [smem:$0x3FFC];
	_ =	sdelay $0x3  }
0x96: {  	_ =	strace s5  }
0x97: {  	s5 =	sld [smem:$0x3FFD];
	_ =	sdelay $0x3  }
0x98: {  	_ =	strace s5  }
0x99: {  	_ =	strace $0x8FFFFFFF  }
0x9a: {  	s20 =	sld [smem:$0x3FDB];
	_ =	sdelay $0x1  }
0x9b: {  	s6 =	simm.s32 $_scs_section_size  }
0x9c: {  	s7 =	simm.s32 $_size__tile_overlayer_lowered;
	s8 =	simm.s32 $_tile_overlayer_lowered  }
0x9d: {  	s23 =	simm.s32 $0x1BFF;
	s22 =	sshll.u32 s8, $0x1;
	s5 =	sadd.s32 s6, s20  }
0x9e: {  	s9 =	simm.s32 $0x0;
	s21 =	sshll.u32 s7, $0x1;
	s7 =	sadd.s32 s22, s5  }
0x9f: {  	[timem:s9], [sflag:s23] =	dma.local [hbm:s7], s21  }
0xa0: {  	_ =	swait.ge [sflag:s23], s21  }
0xa1: {  	s6 =	ssub.s32 $0x0, s21;
	[sflag:s23] =	ssyncset.done $0x0  }
0xa2: {  	[sflag:s23] =	ssyncadd.s32 s6;
	_ =	sdelay $0x1  }
0xa3: {  	s24 =	simm.s32 $0x1B8B  }
0xa4: {  	_ =	swait.ge [sflag:s24], $0x1  }
0xa5: {  	[sflag:s24] =	ssyncset.done $0x0  }
0xa6: {  	s25 =	simm.s32 $0x1B8E;
	[sflag:s24] =	ssyncadd.s32 $0xFFFFFFFF  }
0xa7: {  	s26 =	simm.s32 $execute0_lowered;
	[smem:$0x3FD2] =	sst s25  }
0xa8: {  	s6 =	sshll.u32 s26, $0x1;
	_ =	strace $0x80000046;
	[dreg:$0x1] =	wrdreg $0xFFFFFFFF  }
0xa9: {  	s28 =	simm.s32 $_size_execute0_lowered;
	s5 =	sadd.s32 s5, s6;
	[dreg:$0x0] =	wrdreg $0x0  }
0xaa: {  	s6 =	sshll.u32 s28, $0x1;
	[dreg:$0x2] =	wrdreg s5  }
0xab: {  	[dreg:$0x3] =	wrdreg s6  }
0xac: {  	[dreg:$0x4] =	wrdreg $0xC0  }
0xad: {  	_ =	task [dreg:s9], $0x5FFFF  }
0xae: {  	[dreg:$0x1] =	wrdreg $0xFFFFFFFF  }
0xaf: {  	[dreg:$0x0] =	wrdreg $0x60  }
0xb0: {  	[dreg:$0x2] =	wrdreg s2  }
0xb1: {  	[dreg:$0x3] =	wrdreg s19  }
0xb2: {  	[dreg:$0x4] =	wrdreg s4  }
0xb3: {  	[dreg:$0x5] =	wrdreg $0x9  }
0xb4: {  	_ =	task.clear_ibuf [dreg:s9], $0x6FFFF;
	_ =	strace $0x90000046  }
0xb5: {  	s29 =	simm.s32 $0x9;
	_ =	strace $0x80000048  }
0xb6: {  	_ =	swait.ge [sflag:s29], $0x1  }
0xb7: {  	[sflag:s29] =	ssyncadd.s32 $0xFFFFFFFF  }
0xb8: {  	_ =	strace $0x90000048  }
0xb9: {  	_ =	sfence  }
0xba: {  	s30 =	sld [smem:$0x0];
	_ =	sdelay $0x2  }
0xbb: {  	s31 =	sshll.u32 s1, $0xD;
	s1 =	sshrl.u32 s1, $0x2  }
0xbc: {  	s3 =	sand.u32 $0x4000, s31;
	s1 =	sadd.s32 s1, s30  }
0xbd: {  	s0 =	sor.u32 s3, s0;
	s1 =	sshll.u32 s1, $0x11  }
0xbe: {  	s0 =	sor.u32 s1, s0  }
0xbf: {  	s0 =	sadd.s32 $0x8F2B, s0  }
0xc0: {  	[sflag:s0] =	ssyncadd.remote.s32 $0x1  }
0xc1: {  	_ =	sfence.sel $0xFFFF  }
0xc2: {  	[dreg:$0x0] =	wrdreg $0xFFFFFFFF;
	(pc) =	sbr.abs _section_cstart, $3  }
0xc3: {  	[dreg:$0x1] =	wrdreg $0xFFFFFFFF  }
0xc4: {  	_ =	task.clear_ibuf [dreg:s9], $0x2FFFF;
	_ =	strace $0x9FFFFFFF  }
0xc5: {  	(tm) =	ssettm $0x7FFFFFFF  }
tec
execute0_lowered:
.L_overlay_start_1:
0x0: {  	(tag) =	ssettag $0x1  }
0x1: {  	s1 =	rddreg [dreg:$0x0]  }
0x2: {  	s0 =	rddreg [dreg:$0x1];
	s2 =	srdreg.scid  }
0x3: {  	s4 =	stileid.u32;
	s3 =	rddreg [dreg:$0x2];
	s15 =	simm.s32 $0x80  }
0x4: {  	s17 =	simm.s32 $0x12080;
	s26 =	simm.s32 $0x12880;
	s25 =	simm.s32 $0x2  }
0x5: {  	s20 =	simm.s32 $0x3;
	s21 =	simm.s32 $0x4;
	s22 =	simm.s32 $0x0  }
0x6: {  	s2 =	sand.u32 $0x1, s2;
	s5 =	sshll.u32 s4, $0x1;
	s4 =	simm.s32 $0x0  }
0x7: {  	s6 =	sor.u32 s2, s5;
	[smem:$0x7FF] =	sst s4;
	s2 =	ssub.s32 $0x2, s2  }
0x8: {  	s5 =	sshll.u32 s6, $0x10;
	_ =	strace $0x80000047;
	s8 =	sshrl.u32 s2, $0x1  }
0x9: {  	s10 =	sshll.u32 s6, $0xD;
	p0 =	seq.s32 s6, $0x0;
	s7 =	sadd.s32 $0xFFFFFFF0, s5  }
0xa: {  	s2 =	ssub.s32 s2, s8;
	s28 =	sadd.s32 s0, s10;
	s29 =	sadd.s32 s10, s3  }
.Ltmp0:
0xb: {  	[dreg:$0x4] =	wrdreg s28;
	s30 =	sadd.s32 $0x1E00, s29;
	(pc) =	sbr.rel .LBB2_1-.Ltmp0, $4  }
0xc: {  	s7 =	sshrl.u32 s7, $0x3;
	s31 =	smax.u32 s2, $0x1;
	[dreg:$0x6] =	wrdreg s30  }
0xd: {  	s6 =	simm.s32 $0x0;
	s0 =	sadd.s32 s0, s7;
	[dreg:$0x8] =	wrdreg s31  }
0xe: {  	s8 =	sadd.s32 $0xFFFFF000, s5;
	[dreg:$0x5] =	wrdreg s0;
	s0 =	sadd.s32 $0x1F00, s29  }
0xf: {  	s9 =	sadd.s32 $0xFFFFF800, s5;
	s7 =	simm.s32 $0x1;
	[dreg:$0x7] =	wrdreg s0  }
.LBB2_18:
0x10: {  	_ =	swait.ge [sflag:s20], $0x80  }
0x11: {  	[sflag:s20] =	ssyncset.done $0x0  }
0x12: {  	[sflag:s20] =	ssyncadd.s32 $0xFFFFFF80  }
0x13: {  	_ =	swait.ge [sflag:s20], $0x80  }
0x14: {  	[sflag:s20] =	ssyncset.done $0x0  }
0x15: {  	[sflag:s20] =	ssyncadd.s32 $0xFFFFFF80  }
0x16: {  	_ =	swait.ge [sflag:s20], $0x80  }
0x17: {  	[sflag:s20] =	ssyncset.done $0x0  }
0x18: {  	[sflag:s20] =	ssyncadd.s32 $0xFFFFFF80  }
0x19: {  	_ =	swait.ge [sflag:s20], $0x80  }
0x1a: {  	[sflag:s20] =	ssyncset.done $0x0  }
0x1b: {  	[sflag:s20] =	ssyncadd.s32 $0xFFFFFF80  }
0x1c: {  	_ =	swait.ge [sflag:s20], $0x80  }
0x1d: {  	[sflag:s20] =	ssyncset.done $0x0  }
0x1e: {  	[sflag:s20] =	ssyncadd.s32 $0xFFFFFF80  }
0x1f: {  	_ =	swait.ge [sflag:s20], $0x80  }
0x20: {  	[sflag:s20] =	ssyncset.done $0x0  }
0x21: {  	[sflag:s20] =	ssyncadd.s32 $0xFFFFFF80  }
0x22: {  	_ =	swait.ge [sflag:s20], $0x80  }
0x23: {  	[sflag:s20] =	ssyncset.done $0x0  }
0x24: {  	[sflag:s20] =	ssyncadd.s32 $0xFFFFFF80  }
0x25: {  	_ =	swait.ge [sflag:s20], $0x80  }
0x26: {  	[sflag:s20] =	ssyncset.done $0x0  }
0x27: {  	[sflag:s20] =	ssyncadd.s32 $0xFFFFFF80  }
0x28: {  	_ =	swait.ge [sflag:s20], $0x80  }
0x29: {  	[sflag:s20] =	ssyncset.done $0x0  }
0x2a: {  	[sflag:s20] =	ssyncadd.s32 $0xFFFFFF80  }
0x2b: {  	_ =	swait.ge [sflag:s20], $0x80  }
0x2c: {  	[sflag:s20] =	ssyncset.done $0x0  }
0x2d: {  	[sflag:s20] =	ssyncadd.s32 $0xFFFFFF80  }
0x2e: {  	_ =	swait.ge [sflag:s20], $0x80  }
0x2f: {  	[sflag:s20] =	ssyncset.done $0x0  }
0x30: {  	[sflag:s20] =	ssyncadd.s32 $0xFFFFFF80  }
0x31: {  	_ =	swait.ge [sflag:s20], $0x80  }
0x32: {  	[sflag:s20] =	ssyncset.done $0x0  }
0x33: {  	[sflag:s20] =	ssyncadd.s32 $0xFFFFFF80  }
0x34: {  	_ =	swait.ge [sflag:s20], $0x80  }
0x35: {  	[sflag:s20] =	ssyncset.done $0x0  }
0x36: {  	[sflag:s20] =	ssyncadd.s32 $0xFFFFFF80  }
0x37: {  	_ =	swait.ge [sflag:s20], $0x80  }
0x38: {  	[sflag:s20] =	ssyncset.done $0x0  }
0x39: {  	[sflag:s20] =	ssyncadd.s32 $0xFFFFFF80  }
0x3a: {  	_ =	swait.ge [sflag:s20], $0x80  }
0x3b: {  	[sflag:s20] =	ssyncset.done $0x0  }
0x3c: {  	[sflag:s20] =	ssyncadd.s32 $0xFFFFFF80  }
0x3d: {  	_ =	swait.ge [sflag:s20], $0x80  }
0x3e: {  	[sflag:s20] =	ssyncset.done $0x0  }
0x3f: {  	s2 =	simm.s32 $0x13080;
	s0 =	rddreg [dreg:$0x6];
	[sflag:s20] =	ssyncadd.s32 $0xFFFFFF80  }
0x40: {  	[hbm4b:s0+s4] =	stream.linear.scatter [tilespmem:s2], [sflag:$0x7], $0x800, $0x38;
	[tilespmem:$0x14080] =	vst v63  }
0x41: {  	_ =	swait.ge [sflag:s21], $0x80  }
0x42: {  	[sflag:s21] =	ssyncset.done $0x0  }
0x43: {  	[sflag:s21] =	ssyncadd.s32 $0xFFFFFF80  }
0x44: {  	_ =	swait.ge [sflag:s21], $0x80  }
0x45: {  	[sflag:s21] =	ssyncset.done $0x0  }
0x46: {  	[sflag:s21] =	ssyncadd.s32 $0xFFFFFF80  }
0x47: {  	_ =	swait.ge [sflag:s21], $0x80  }
0x48: {  	[sflag:s21] =	ssyncset.done $0x0  }
0x49: {  	[sflag:s21] =	ssyncadd.s32 $0xFFFFFF80  }
0x4a: {  	_ =	swait.ge [sflag:s21], $0x80  }
0x4b: {  	[sflag:s21] =	ssyncset.done $0x0  }
0x4c: {  	[sflag:s21] =	ssyncadd.s32 $0xFFFFFF80  }
0x4d: {  	_ =	swait.ge [sflag:s21], $0x80  }
0x4e: {  	[sflag:s21] =	ssyncset.done $0x0  }
0x4f: {  	[sflag:s21] =	ssyncadd.s32 $0xFFFFFF80  }
0x50: {  	_ =	swait.ge [sflag:s21], $0x80  }
0x51: {  	[sflag:s21] =	ssyncset.done $0x0  }
0x52: {  	[sflag:s21] =	ssyncadd.s32 $0xFFFFFF80  }
0x53: {  	_ =	swait.ge [sflag:s21], $0x80  }
0x54: {  	[sflag:s21] =	ssyncset.done $0x0  }
0x55: {  	[sflag:s21] =	ssyncadd.s32 $0xFFFFFF80  }
0x56: {  	_ =	swait.ge [sflag:s21], $0x80  }
0x57: {  	[sflag:s21] =	ssyncset.done $0x0  }
0x58: {  	[sflag:s21] =	ssyncadd.s32 $0xFFFFFF80  }
0x59: {  	_ =	swait.ge [sflag:s21], $0x80  }
0x5a: {  	[sflag:s21] =	ssyncset.done $0x0  }
0x5b: {  	[sflag:s21] =	ssyncadd.s32 $0xFFFFFF80  }
0x5c: {  	_ =	swait.ge [sflag:s21], $0x80  }
0x5d: {  	[sflag:s21] =	ssyncset.done $0x0  }
0x5e: {  	[sflag:s21] =	ssyncadd.s32 $0xFFFFFF80  }
0x5f: {  	_ =	swait.ge [sflag:s21], $0x80  }
0x60: {  	[sflag:s21] =	ssyncset.done $0x0  }
0x61: {  	[sflag:s21] =	ssyncadd.s32 $0xFFFFFF80  }
0x62: {  	_ =	swait.ge [sflag:s21], $0x80  }
0x63: {  	[sflag:s21] =	ssyncset.done $0x0  }
0x64: {  	[sflag:s21] =	ssyncadd.s32 $0xFFFFFF80  }
0x65: {  	_ =	swait.ge [sflag:s21], $0x80  }
0x66: {  	[sflag:s21] =	ssyncset.done $0x0  }
0x67: {  	[sflag:s21] =	ssyncadd.s32 $0xFFFFFF80  }
0x68: {  	_ =	swait.ge [sflag:s21], $0x80  }
0x69: {  	[sflag:s21] =	ssyncset.done $0x0  }
0x6a: {  	[sflag:s21] =	ssyncadd.s32 $0xFFFFFF80  }
0x6b: {  	_ =	swait.ge [sflag:s21], $0x80  }
0x6c: {  	[sflag:s21] =	ssyncset.done $0x0  }
0x6d: {  	[sflag:s21] =	ssyncadd.s32 $0xFFFFFF80  }
0x6e: {  	_ =	swait.ge [sflag:s21], $0x80  }
0x6f: {  	s23 =	simm.s32 $0x13880;
	[sflag:s21] =	ssyncset.done $0x0  }
0x70: {  	s24 =	simm.s32 $0x5;
	s19 =	rddreg [dreg:$0x7];
	[sflag:s21] =	ssyncadd.s32 $0xFFFFFF80  }
0x71: {  	[hbm4b:s19+s4] =	stream.linear.scatter [tilespmem:s23], [sflag:$0x8], $0x800, $0x38;
	[tilespmem:$0x14080] =	vst v63  }
0x72: {  	_ =	swait.ge [sflag:s24], $0x800  }
0x73: {  	[sflag:s24] =	ssyncset.done $0x0  }
0x74: {  	s28 =	simm.s32 $0x6;
	[sflag:s24] =	ssyncadd.s32 $0xFFFFF800  }
0x75: {  	_ =	swait.ge [sflag:s28], $0x800  }
0x76: {  	[sflag:s28] =	ssyncset.done $0x0  }
0x77: {  	s29 =	simm.s32 $0x7;
	[sflag:s28] =	ssyncadd.s32 $0xFFFFF800  }
0x78: {  	_ =	swait.ge [sflag:s29], $0x800  }
0x79: {  	[sflag:s29] =	ssyncset.done $0x0  }
0x7a: {  	s30 =	simm.s32 $0x8;
	[sflag:s29] =	ssyncadd.s32 $0xFFFFF800  }
0x7b: {  	_ =	swait.ge [sflag:s30], $0x800  }
0x7c: {  	s6 =	rddreg [dreg:$0x9]  }
0x7d: {  	s31 =	rddreg [dreg:$0x8];
	s6 =	sadd.s32 $0x1, s6  }
0x7e: {  	p1 =	sne.s32 s6, s31  }
.Ltmp1:
0x7f: {  	_ = 	snop;
	(pc) =	sbr.rel @!p1 .LBB2_19-.Ltmp1, $3  }
0x80: {  	_ =	sdelay $0x1  }
0x81: {  	[sflag:s30] =	ssyncset.done $0x0  }
0x82: {  	[sflag:s30] =	ssyncadd.s32 $0xFFFFF800  }
.LBB2_1:
0x83: {  	[dreg:$0x9] =	wrdreg s6  }
0x84: {  	s0 =	rddreg [dreg:$0x4];
	s2 =	simm.s32 $0x10;
	s19 =	simm.s32 $0x9  }
0x85: {  	[tilespmem:s2], [sflag:$0x9] =	stream.linear.gather [hbm4b:s0+s4], $0x10000, $0x38;
	[tilespmem:$0x14080] =	vst v63  }
0x86: {  	_ =	swait.ge [sflag:s19], $0x10000  }
0x87: {  	[sflag:s19] =	ssyncset.done $0x0  }
0x88: {  	[sflag:s19] =	ssyncadd.s32 $0xFFFF0000  }
0x89: {  	v0 =	vld.msk @p0 [tilespmem:$0x10 ss:$0x0], $0xffff;
	_ =	sdelay $0x4  }
0x8a: {  	s0 =	simm.s32 @!p0 $0x0;
	s2 =	rddreg [dreg:$0x5];
	[tilespmem:$0x0] =	vst @p0 v0  }
0x8b: {  	[tilespmem:s0], [sflag:$0x9] =	stream.linear.gather @!p0 [hbm4b:s2+s0], $0x10, $0x38;
	[tilespmem:$0x14080] =	vst v63  }
0x8c: {  	s0 =	simm.s32 @!p0 $0x9  }
0x8d: {  	_ =	swait.ge @!p0 [sflag:s0], $0x10  }
0x8e: {  	[sflag:s0] =	ssyncset.done @!p0 $0x0  }
0x8f: {  	s23 =	simm.s32 $0x0;
	[sflag:s0] =	ssyncadd.s32 @!p0 $0xFFFFFFF0  }
0x90: {  	v0 =	vld [tilespmem:s23+$0xF]  }
0x91: {  	v1 =	vld [tilespmem:s23+$0xE];
	_ =	sdelay $0x1  }
0x92: {  	v2 =	vld [tilespmem:s23+$0x10];
	_ =	sdelay $0x1  }
0x93: {  	v3 =	vshll.u32 v0, $0x8  }
0x94: {  	v0 =	vshll.u32 v0, $0x7;
	v1 =	vshll.u32 v1, $0x10;
	v3 =	vand.u32 $0xFFFFF800, v3  }
0x95: {  	s24 =	sand.u32 $0x1E00, s4;
	v0 =	vand.u32 $0x380, v0;
	v1 =	vor.u32 v1, v3  }
0x96: {  	s2 =	sshrl.u32 s24, $0x2;
	v3 =	vshll.u32 v2, $0x3;
	v2 =	vand.u32 $0x7F, v2;
	v0 =	vor.u32 v0, v1  }
0x97: {  	s28 =	sand.u32 $0x40, s4;
	s2 =	sadd.s32 $0x10080, s2;
	v1 =	vand.u32 $0xFFFFFC00, v3;
	v0 =	vor.u32 v2, v0  }
0x98: {  	s6 =	sor.u32 s28, s2;
	v0 =	vor.u32 v1, v0  }
0x99: {  	[tilespmem:s6+$0x0] =	vst v0  }
0x9a: {  	v0 =	vld [tilespmem:s23+$0x1F]  }
0x9b: {  	v1 =	vld [tilespmem:s23+$0x1E];
	_ =	sdelay $0x1  }
0x9c: {  	v2 =	vld [tilespmem:s23+$0x20];
	_ =	sdelay $0x1  }
0x9d: {  	v3 =	vshll.u32 v0, $0x8  }
0x9e: {  	v0 =	vshll.u32 v0, $0x7;
	v1 =	vshll.u32 v1, $0x10;
	v3 =	vand.u32 $0xFFFFF800, v3  }
0x9f: {  	v0 =	vand.u32 $0x380, v0;
	v1 =	vor.u32 v1, v3  }
0xa0: {  	s29 =	simm.s32 $0x10;
	v3 =	vshll.u32 v2, $0x3;
	v2 =	vand.u32 $0x7F, v2;
	v0 =	vor.u32 v0, v1  }
0xa1: {  	s6 =	sand.u32 $0x50, s29;
	v1 =	vand.u32 $0xFFFFFC00, v3;
	v0 =	vor.u32 v2, v0  }
0xa2: {  	s6 =	sor.u32 s6, s2;
	v0 =	vor.u32 v1, v0  }
0xa3: {  	[tilespmem:s6+$0x0] =	vst v0  }
0xa4: {  	v0 =	vld [tilespmem:s23+$0x2F]  }
0xa5: {  	v1 =	vld [tilespmem:s23+$0x2E];
	_ =	sdelay $0x1  }
0xa6: {  	v2 =	vld [tilespmem:s23+$0x30];
	_ =	sdelay $0x1  }
0xa7: {  	v3 =	vshll.u32 v0, $0x8  }
0xa8: {  	v0 =	vshll.u32 v0, $0x7;
	v1 =	vshll.u32 v1, $0x10;
	v3 =	vand.u32 $0xFFFFF800, v3  }
0xa9: {  	v0 =	vand.u32 $0x380, v0;
	v1 =	vor.u32 v1, v3  }
0xaa: {  	s30 =	simm.s32 $0x20;
	v3 =	vshll.u32 v2, $0x3;
	v2 =	vand.u32 $0x7F, v2;
	v0 =	vor.u32 v0, v1  }
0xab: {  	s6 =	sand.u32 $0x60, s30;
	v1 =	vand.u32 $0xFFFFFC00, v3;
	v0 =	vor.u32 v2, v0  }
0xac: {  	s6 =	sor.u32 s6, s2;
	v0 =	vor.u32 v1, v0  }
0xad: {  	[tilespmem:s6+$0x0] =	vst v0  }
0xae: {  	v0 =	vld [tilespmem:s23+$0x3F]  }
0xaf: {  	v1 =	vld [tilespmem:s23+$0x3E];
	_ =	sdelay $0x1  }
0xb0: {  	v2 =	vld [tilespmem:s23+$0x40];
	_ =	sdelay $0x1  }
0xb1: {  	v3 =	vshll.u32 v0, $0x8  }
0xb2: {  	v0 =	vshll.u32 v0, $0x7;
	v1 =	vshll.u32 v1, $0x10;
	v3 =	vand.u32 $0xFFFFF800, v3  }
0xb3: {  	s31 =	simm.s32 $0x30;
	v0 =	vand.u32 $0x380, v0;
	v1 =	vor.u32 v1, v3  }
0xb4: {  	s10 =	sand.u32 $0x70, s31;
	v3 =	vshll.u32 v2, $0x3;
	v2 =	vand.u32 $0x7F, v2;
	v0 =	vor.u32 v0, v1  }
0xb5: {  	s10 =	sor.u32 s10, s2;
	v1 =	vand.u32 $0xFFFFFC00, v3;
	v0 =	vor.u32 v2, v0  }
0xb6: {  	s0 =	simm.s32 $0x40;
	s2 =	simm.s32 $0x100;
	s6 =	simm.s32 $0x80;
	v0 =	vor.u32 v1, v0  }
.LBB2_2:
0xb7: {  	p1 =	sne.s32 s6, $0x7C0  }
0xb8: {  	s12 =	sshra.s32 s2, $0x2;
	[tilespmem:s10+$0x0] =	vst v0;
	s10 =	smov.u32 s6;
	s6 =	sadd.s32 $0x40, s6  }
0xb9: {  	v0 =	vld [tilespmem:s12+$0xF]  }
0xba: {  	v1 =	vld [tilespmem:s12+$0xE];
	_ =	sdelay $0x1  }
0xbb: {  	v2 =	vld [tilespmem:s12+$0x10];
	_ =	sdelay $0x1  }
0xbc: {  	v3 =	vshll.u32 v0, $0x8;
	v0 =	vshll.u32 v0, $0x7  }
0xbd: {  	v1 =	vshll.u32 v1, $0x10;
	v3 =	vand.u32 $0xFFFFF800, v3  }
0xbe: {  	s13 =	sand.u32 $0x1E00, s2;
	v0 =	vand.u32 $0x380, v0;
	v1 =	vor.u32 v1, v3  }
0xbf: {  	s13 =	sshrl.u32 s13, $0x2;
	v3 =	vshll.u32 v2, $0x3;
	v2 =	vand.u32 $0x7F, v2;
	v0 =	vor.u32 v0, v1  }
0xc0: {  	s14 =	sand.u32 $0x40, s0;
	s13 =	sadd.s32 $0x10080, s13;
	v1 =	vand.u32 $0xFFFFFC00, v3;
	v0 =	vor.u32 v2, v0  }
0xc1: {  	s14 =	sor.u32 s14, s13;
	v0 =	vor.u32 v1, v0  }
0xc2: {  	[tilespmem:s14+$0x0] =	vst v0  }
0xc3: {  	v0 =	vld [tilespmem:s12+$0x1F]  }
0xc4: {  	v1 =	vld [tilespmem:s12+$0x1E];
	_ =	sdelay $0x1  }
0xc5: {  	v2 =	vld [tilespmem:s12+$0x20];
	_ =	sdelay $0x1  }
0xc6: {  	v3 =	vshll.u32 v0, $0x8;
	v0 =	vshll.u32 v0, $0x7  }
0xc7: {  	v1 =	vshll.u32 v1, $0x10;
	v3 =	vand.u32 $0xFFFFF800, v3  }
0xc8: {  	v0 =	vand.u32 $0x380, v0;
	v1 =	vor.u32 v1, v3  }
0xc9: {  	s14 =	sadd.s32 $0x10, s0;
	v3 =	vshll.u32 v2, $0x3;
	v2 =	vand.u32 $0x7F, v2;
	v0 =	vor.u32 v0, v1  }
0xca: {  	s14 =	sand.u32 $0x50, s14;
	v1 =	vand.u32 $0xFFFFFC00, v3;
	v0 =	vor.u32 v2, v0  }
0xcb: {  	s14 =	sor.u32 s14, s13;
	v0 =	vor.u32 v1, v0  }
0xcc: {  	[tilespmem:s14+$0x0] =	vst v0  }
0xcd: {  	v0 =	vld [tilespmem:s12+$0x2F]  }
0xce: {  	v1 =	vld [tilespmem:s12+$0x2E]  }
0xcf: {  	v2 =	vld [tilespmem:s12+$0x30];
	_ =	sdelay $0x2  }
0xd0: {  	v3 =	vshll.u32 v0, $0x8;
	v0 =	vshll.u32 v0, $0x7  }
0xd1: {  	v1 =	vshll.u32 v1, $0x10;
	v3 =	vand.u32 $0xFFFFF800, v3  }
0xd2: {  	v0 =	vand.u32 $0x380, v0;
	v1 =	vor.u32 v1, v3;
	v3 =	vshll.u32 v2, $0x3  }
0xd3: {  	s14 =	sadd.s32 $0x20, s0;
	v2 =	vand.u32 $0x7F, v2;
	v0 =	vor.u32 v0, v1  }
0xd4: {  	s14 =	sand.u32 $0x60, s14;
	v1 =	vand.u32 $0xFFFFFC00, v3;
	v0 =	vor.u32 v2, v0  }
0xd5: {  	s14 =	sor.u32 s14, s13;
	v0 =	vor.u32 v1, v0  }
0xd6: {  	[tilespmem:s14+$0x0] =	vst v0  }
0xd7: {  	v0 =	vld [tilespmem:s12+$0x3F]  }
0xd8: {  	v1 =	vld [tilespmem:s12+$0x3E]  }
0xd9: {  	v2 =	vld [tilespmem:s12+$0x40];
	_ =	sdelay $0x2  }
0xda: {  	v3 =	vshll.u32 v0, $0x8;
	v0 =	vshll.u32 v0, $0x7  }
.Ltmp2:
0xdb: {  	v1 =	vshll.u32 v1, $0x10;
	v3 =	vand.u32 $0xFFFFF800, v3;
	(pc) =	sbr.rel @p1 .LBB2_2-.Ltmp2, $4  }
0xdc: {  	v0 =	vand.u32 $0x380, v0;
	v1 =	vor.u32 v1, v3;
	v3 =	vshll.u32 v2, $0x3  }
0xdd: {  	s12 =	sadd.s32 $0x30, s0;
	s0 =	smov.u32 s10;
	v2 =	vand.u32 $0x7F, v2;
	v0 =	vor.u32 v0, v1  }
0xde: {  	s10 =	sand.u32 $0x70, s12;
	v1 =	vand.u32 $0xFFFFFC00, v3;
	v0 =	vor.u32 v2, v0  }
0xdf: {  	s2 =	sadd.s32 $0x100, s2;
	s10 =	sor.u32 s10, s13;
	v0 =	vor.u32 v1, v0  }
0xe0: {  	s6 =	sshra.s32 s2, $0x2;
	[tilespmem:s10+$0x0] =	vst v0  }
0xe1: {  	v0 =	vld [tilespmem:s6+$0xF]  }
0xe2: {  	v1 =	vld [tilespmem:s6+$0xE];
	_ =	sdelay $0x1  }
0xe3: {  	v2 =	vld [tilespmem:s6+$0x10];
	_ =	sdelay $0x1  }
0xe4: {  	v3 =	vshll.u32 v0, $0x8  }
0xe5: {  	v0 =	vshll.u32 v0, $0x7;
	v1 =	vshll.u32 v1, $0x10;
	v3 =	vand.u32 $0xFFFFF800, v3  }
0xe6: {  	s24 =	sand.u32 $0x1E00, s2;
	v0 =	vand.u32 $0x380, v0;
	v1 =	vor.u32 v1, v3  }
0xe7: {  	s2 =	sshrl.u32 s24, $0x2;
	v47 =	vshll.u32 v2, $0x3;
	v2 =	vand.u32 $0x7F, v2;
	v0 =	vor.u32 v0, v1  }
0xe8: {  	s28 =	sand.u32 $0x40, s0;
	s2 =	sadd.s32 $0x10080, s2;
	v48 =	vand.u32 $0xFFFFFC00, v47;
	v0 =	vor.u32 v2, v0  }
0xe9: {  	s10 =	sor.u32 s28, s2;
	v0 =	vor.u32 v48, v0  }
0xea: {  	[tilespmem:s10+$0x0] =	vst v0  }
0xeb: {  	v0 =	vld [tilespmem:s6+$0x1F]  }
0xec: {  	v49 =	vld [tilespmem:s6+$0x1E];
	_ =	sdelay $0x1  }
0xed: {  	v50 =	vld [tilespmem:s6+$0x20];
	_ =	sdelay $0x1  }
0xee: {  	v51 =	vshll.u32 v0, $0x8  }
0xef: {  	v0 =	vshll.u32 v0, $0x7;
	v1 =	vshll.u32 v49, $0x10;
	v3 =	vand.u32 $0xFFFFF800, v51  }
0xf0: {  	v0 =	vand.u32 $0x380, v0;
	v1 =	vor.u32 v1, v3  }
0xf1: {  	s29 =	sadd.s32 $0x10, s0;
	v52 =	vshll.u32 v50, $0x3;
	v2 =	vand.u32 $0x7F, v50;
	v0 =	vor.u32 v0, v1  }
0xf2: {  	s10 =	sand.u32 $0x50, s29;
	v53 =	vand.u32 $0xFFFFFC00, v52;
	v0 =	vor.u32 v2, v0  }
0xf3: {  	s10 =	sor.u32 s10, s2;
	v0 =	vor.u32 v53, v0  }
0xf4: {  	[tilespmem:s10+$0x0] =	vst v0  }
0xf5: {  	v0 =	vld [tilespmem:s6+$0x2F]  }
0xf6: {  	v54 =	vld [tilespmem:s6+$0x2E];
	_ =	sdelay $0x1  }
0xf7: {  	v55 =	vld [tilespmem:s6+$0x30];
	_ =	sdelay $0x1  }
0xf8: {  	v56 =	vshll.u32 v0, $0x8  }
0xf9: {  	v0 =	vshll.u32 v0, $0x7;
	v1 =	vshll.u32 v54, $0x10;
	v3 =	vand.u32 $0xFFFFF800, v56  }
0xfa: {  	v0 =	vand.u32 $0x380, v0;
	v1 =	vor.u32 v1, v3  }
0xfb: {  	s30 =	sadd.s32 $0x20, s0;
	v57 =	vshll.u32 v55, $0x3;
	v2 =	vand.u32 $0x7F, v55;
	v0 =	vor.u32 v0, v1  }
0xfc: {  	s10 =	sand.u32 $0x60, s30;
	v58 =	vand.u32 $0xFFFFFC00, v57;
	v0 =	vor.u32 v2, v0  }
0xfd: {  	s10 =	sor.u32 s10, s2;
	v0 =	vor.u32 v58, v0  }
0xfe: {  	[tilespmem:s10+$0x0] =	vst v0  }
0xff: {  	v0 =	vld [tilespmem:s6+$0x3F]  }
0x100: {  	v59 =	vld [tilespmem:s6+$0x3E];
	_ =	sdelay $0x1  }
0x101: {  	v60 =	vld [tilespmem:s6+$0x40];
	_ =	sdelay $0x1  }
0x102: {  	v61 =	vshll.u32 v0, $0x8  }
0x103: {  	v0 =	vshll.u32 v0, $0x7;
	v1 =	vshll.u32 v59, $0x10;
	v3 =	vand.u32 $0xFFFFF800, v61  }
.Ltmp3:
0x104: {  	v0 =	vand.u32 $0x380, v0;
	v1 =	vor.u32 v1, v3;
	(pc) =	sbr.rel .LBB2_4-.Ltmp3, $4  }
0x105: {  	s31 =	sadd.s32 $0x30, s0;
	v62 =	vshll.u32 v60, $0x3;
	v2 =	vand.u32 $0x7F, v60;
	v0 =	vor.u32 v0, v1  }
0x106: {  	s0 =	sand.u32 $0x70, s31;
	v63 =	vand.u32 $0xFFFFFC00, v62;
	v0 =	vor.u32 v2, v0  }
0x107: {  	s0 =	sor.u32 s0, s2;
	v0 =	vor.u32 v63, v0  }
0x108: {  	s23 =	simm.s32 $0x0;
	[tilespmem:s0+$0x0] =	vst v0  }
.LBB2_17:
0x109: {  	s23 =	sadd.s32 $0x1, s23  }
0x10a: {  	p1 =	sne.s32 s23, $0x8  }
.Ltmp4:
0x10b: {  	_ = 	snop;
	(pc) =	sbr.rel @!p1 .LBB2_18-.Ltmp4, $1  }
0x10c: {  	_ =	sdelay $0x3  }
.LBB2_4:
0x10d: {  	p1 =	seq.s32 s23, $0x0  }
0x10e: {  	s0 =	simm.s32 @!p1 $0x3  }
0x10f: {  	_ =	swait.ge @!p1 [sflag:s0], $0x80  }
0x110: {  	[sflag:s0] =	ssyncset.done @!p1 $0x0  }
0x111: {  	[sflag:s0] =	ssyncadd.s32 @!p1 $0xFFFFFF80  }
0x112: {  	_ =	swait.ge @!p1 [sflag:s0], $0x80  }
0x113: {  	[sflag:s0] =	ssyncset.done @!p1 $0x0  }
0x114: {  	[sflag:s0] =	ssyncadd.s32 @!p1 $0xFFFFFF80  }
0x115: {  	_ =	swait.ge @!p1 [sflag:s0], $0x80  }
0x116: {  	[sflag:s0] =	ssyncset.done @!p1 $0x0  }
0x117: {  	[sflag:s0] =	ssyncadd.s32 @!p1 $0xFFFFFF80  }
0x118: {  	_ =	swait.ge @!p1 [sflag:s0], $0x80  }
0x119: {  	[sflag:s0] =	ssyncset.done @!p1 $0x0  }
0x11a: {  	[sflag:s0] =	ssyncadd.s32 @!p1 $0xFFFFFF80  }
0x11b: {  	_ =	swait.ge @!p1 [sflag:s0], $0x80  }
0x11c: {  	[sflag:s0] =	ssyncset.done @!p1 $0x0  }
0x11d: {  	[sflag:s0] =	ssyncadd.s32 @!p1 $0xFFFFFF80  }
0x11e: {  	_ =	swait.ge @!p1 [sflag:s0], $0x80  }
0x11f: {  	[sflag:s0] =	ssyncset.done @!p1 $0x0  }
0x120: {  	[sflag:s0] =	ssyncadd.s32 @!p1 $0xFFFFFF80  }
0x121: {  	_ =	swait.ge @!p1 [sflag:s0], $0x80  }
0x122: {  	[sflag:s0] =	ssyncset.done @!p1 $0x0  }
0x123: {  	[sflag:s0] =	ssyncadd.s32 @!p1 $0xFFFFFF80  }
0x124: {  	_ =	swait.ge @!p1 [sflag:s0], $0x80  }
0x125: {  	[sflag:s0] =	ssyncset.done @!p1 $0x0  }
0x126: {  	[sflag:s0] =	ssyncadd.s32 @!p1 $0xFFFFFF80  }
0x127: {  	_ =	swait.ge @!p1 [sflag:s0], $0x80  }
0x128: {  	[sflag:s0] =	ssyncset.done @!p1 $0x0  }
0x129: {  	[sflag:s0] =	ssyncadd.s32 @!p1 $0xFFFFFF80  }
0x12a: {  	_ =	swait.ge @!p1 [sflag:s0], $0x80  }
0x12b: {  	[sflag:s0] =	ssyncset.done @!p1 $0x0  }
0x12c: {  	[sflag:s0] =	ssyncadd.s32 @!p1 $0xFFFFFF80  }
0x12d: {  	_ =	swait.ge @!p1 [sflag:s0], $0x80  }
0x12e: {  	[sflag:s0] =	ssyncset.done @!p1 $0x0  }
0x12f: {  	[sflag:s0] =	ssyncadd.s32 @!p1 $0xFFFFFF80  }
0x130: {  	_ =	swait.ge @!p1 [sflag:s0], $0x80  }
0x131: {  	[sflag:s0] =	ssyncset.done @!p1 $0x0  }
0x132: {  	[sflag:s0] =	ssyncadd.s32 @!p1 $0xFFFFFF80  }
0x133: {  	_ =	swait.ge @!p1 [sflag:s0], $0x80  }
0x134: {  	[sflag:s0] =	ssyncset.done @!p1 $0x0  }
0x135: {  	[sflag:s0] =	ssyncadd.s32 @!p1 $0xFFFFFF80  }
0x136: {  	_ =	swait.ge @!p1 [sflag:s0], $0x80  }
0x137: {  	[sflag:s0] =	ssyncset.done @!p1 $0x0  }
0x138: {  	[sflag:s0] =	ssyncadd.s32 @!p1 $0xFFFFFF80  }
0x139: {  	_ =	swait.ge @!p1 [sflag:s0], $0x80  }
0x13a: {  	[sflag:s0] =	ssyncset.done @!p1 $0x0  }
0x13b: {  	[sflag:s0] =	ssyncadd.s32 @!p1 $0xFFFFFF80  }
0x13c: {  	s24 =	sshll.u32 @!p1 s23, $0xD;
	_ =	swait.ge @!p1 [sflag:s0], $0x80  }
0x13d: {  	s2 =	sadd.s32 @!p1 s24, s8;
	[sflag:s0] =	ssyncset.done @!p1 $0x0  }
0x13e: {  	[sflag:s0] =	ssyncadd.s32 @!p1 $0xFFFFFF80;
	s0 =	sshrl.u32 @!p1 s2, $0x3  }
0x13f: {  	s31 =	simm.s32 @!p1 $0x0;
	s2 =	simm.s32 @!p1 $0x13080;
	s0 =	sadd.s32 @!p1 s3, s0  }
0x140: {  	[hbm4b:s0+s31] =	stream.linear.scatter @!p1 [tilespmem:s2], [sflag:$0x7], $0x800, $0x38;
	[tilespmem:$0x14080] =	vst v63  }
0x141: {  	s0 =	simm.s32 @!p1 $0x5  }
0x142: {  	_ =	swait.ge @!p1 [sflag:s0], $0x800  }
0x143: {  	[sflag:s0] =	ssyncset.done @!p1 $0x0  }
0x144: {  	s2 =	simm.s32 $0x10080;
	[sflag:s0] =	ssyncadd.s32 @!p1 $0xFFFFF800  }
0x145: {  	[tilespmem:s17], [sflag:$0x1] =	stream.indirect.gather [hbm4b:s1+s15], $0x1, s2, s15, $0xb8;
	[tilespmem:$0x14080] =	vst v63  }
0x146: {  	s6 =	simm.s32 $0x10100;
	s10 =	simm.s32 $0x12100  }
0x147: {  	[tilespmem:s10], [sflag:$0x1] =	stream.indirect.gather [hbm4b:s1+s15], $0x1, s6, s15, $0xb8;
	[tilespmem:$0x14080] =	vst v63  }
0x148: {  	s11 =	simm.s32 $0x10180;
	s12 =	simm.s32 $0x12180  }
0x149: {  	[tilespmem:s12], [sflag:$0x1] =	stream.indirect.gather [hbm4b:s1+s15], $0x1, s11, s15, $0xb8;
	[tilespmem:$0x14080] =	vst v63  }
0x14a: {  	s13 =	simm.s32 $0x10200;
	s14 =	simm.s32 $0x12200  }
0x14b: {  	[tilespmem:s14], [sflag:$0x1] =	stream.indirect.gather [hbm4b:s1+s15], $0x1, s13, s15, $0xb8;
	[tilespmem:$0x14080] =	vst v63  }
0x14c: {  	s16 =	simm.s32 $0x10280;
	s18 =	simm.s32 $0x12280  }
0x14d: {  	[tilespmem:s18], [sflag:$0x1] =	stream.indirect.gather [hbm4b:s1+s15], $0x1, s16, s15, $0xb8;
	[tilespmem:$0x14080] =	vst v63  }
0x14e: {  	s19 =	simm.s32 $0x10300;
	s29 =	simm.s32 $0x12300  }
0x14f: {  	[tilespmem:s29], [sflag:$0x1] =	stream.indirect.gather [hbm4b:s1+s15], $0x1, s19, s15, $0xb8;
	[tilespmem:$0x14080] =	vst v63  }
0x150: {  	s6 =	simm.s32 $0x10380;
	s10 =	simm.s32 $0x12380  }
0x151: {  	[tilespmem:s10], [sflag:$0x1] =	stream.indirect.gather [hbm4b:s1+s15], $0x1, s6, s15, $0xb8;
	[tilespmem:$0x14080] =	vst v63  }
0x152: {  	p3 =	por $0x1, $0x1;
	s11 =	simm.s32 $0x10400;
	s12 =	simm.s32 $0x12400  }
0x153: {  	[tilespmem:s12], [sflag:$0x1] =	stream.indirect.gather [hbm4b:s1+s15], $0x1, s11, s15, $0xb8;
	[tilespmem:$0x14080] =	vst v63  }
0x154: {  	p2 =	por $0x0, $0x0;
	s13 =	simm.s32 $0x10480;
	s14 =	simm.s32 $0x12480  }
0x155: {  	[tilespmem:s14], [sflag:$0x1] =	stream.indirect.gather [hbm4b:s1+s15], $0x1, s13, s15, $0xb8;
	[tilespmem:$0x14080] =	vst v63  }
0x156: {  	s24 =	simm.s32 @p1 $0x0;
	s16 =	simm.s32 $0x10500;
	s18 =	simm.s32 $0x12500  }
0x157: {  	[tilespmem:s18], [sflag:$0x1] =	stream.indirect.gather [hbm4b:s1+s15], $0x1, s16, s15, $0xb8;
	[tilespmem:$0x14080] =	vst v63  }
0x158: {  	s30 =	sor.u32 $0x800, s24;
	s19 =	simm.s32 $0x10580;
	s29 =	simm.s32 $0x12580  }
0x159: {  	[tilespmem:s29], [sflag:$0x1] =	stream.indirect.gather [hbm4b:s1+s15], $0x1, s19, s15, $0xb8;
	[tilespmem:$0x14080] =	vst v63  }
0x15a: {  	s2 =	simm.s32 $0x10600;
	s6 =	simm.s32 $0x12600;
	s10 =	simm.s32 $0x10680  }
0x15b: {  	[tilespmem:s6], [sflag:$0x1] =	stream.indirect.gather [hbm4b:s1+s15], $0x1, s2, s15, $0xb8;
	[tilespmem:$0x14080] =	vst v63  }
0x15c: {  	s11 =	simm.s32 $0x12680;
	s12 =	simm.s32 $0x10700;
	s13 =	simm.s32 $0x12700  }
0x15d: {  	[tilespmem:s11], [sflag:$0x1] =	stream.indirect.gather [hbm4b:s1+s15], $0x1, s10, s15, $0xb8;
	[tilespmem:$0x14080] =	vst v63  }
0x15e: {  	s14 =	simm.s32 $0x10780;
	s16 =	simm.s32 $0x12780;
	s29 =	sshll.u32 s24, $0x2  }
0x15f: {  	[tilespmem:s13], [sflag:$0x1] =	stream.indirect.gather [hbm4b:s1+s15], $0x1, s12, s15, $0xb8;
	[tilespmem:$0x14080] =	vst v63  }
.Ltmp5:
0x160: {  	s18 =	simm.s32 $0x10800;
	s28 =	sshra.s32 s29, $0x2;
	(pc) =	sbr.rel @!p3 .LBB2_5-.Ltmp5, $4  }
0x161: {  	s19 =	simm.s32 $0x12800;
	s0 =	sadd.s32 $0x840, s28;
	s6 =	sand.u32 $0x780, s22  }
0x162: {  	[tilespmem:s16], [sflag:$0x1] =	stream.indirect.gather [hbm4b:s1+s15], $0x1, s14, s15, $0xb8;
	[tilespmem:$0x14080] =	vst v63  }
0x163: {  	s2 =	simm.s32 $0x40;
	v0 =	vmov s0;
	s0 =	sadd.s32 s6, s30;
	s13 =	sand.u32 $0x40, s22  }
0x164: {  	[tilespmem:s19], [sflag:$0x1] =	stream.indirect.gather [hbm4b:s1+s15], $0x1, s18, s15, $0xb8;
	[tilespmem:$0x14080] =	vst v63  }
0x165: {  	s6 =	sadd.s32 s13, s0  }
0x166: {  	v1 =	vld [tilespmem:s6+$0xF]  }
0x167: {  	v2 =	vld [tilespmem:s6+$0xE];
	_ =	sdelay $0x1  }
0x168: {  	v3 =	vld [tilespmem:s6+$0x10];
	_ =	sdelay $0x1  }
0x169: {  	v4 =	vshll.u32 v1, $0x8  }
0x16a: {  	v1 =	vshll.u32 v1, $0x7;
	v2 =	vshll.u32 v2, $0x10;
	v4 =	vand.u32 $0xFFFFF800, v4  }
0x16b: {  	s19 =	sand.u32 $0x1E00, s22;
	v1 =	vand.u32 $0x380, v1;
	v2 =	vor.u32 v2, v4  }
0x16c: {  	s10 =	sadd.s32 $0x0, s24;
	s6 =	sshrl.u32 s19, $0x2;
	v57 =	vshll.u32 v3, $0x3;
	v3 =	vand.u32 $0x7F, v3;
	v1 =	vor.u32 v1, v2  }
0x16d: {  	s12 =	simm.s32 $0x10;
	s14 =	sadd.s32 $0x810, s10;
	s6 =	sadd.s32 $0x10880, s6;
	v2 =	vand.u32 $0xFFFFFC00, v57;
	v1 =	vor.u32 v3, v1  }
0x16e: {  	s12 =	sand.u32 $0x50, s12;
	s14 =	sand.u32 $0xEF80, s14;
	s16 =	sor.u32 s13, s6;
	v1 =	vor.u32 v2, v1  }
0x16f: {  	s14 =	sor.u32 s12, s14;
	[tilespmem:s16+$0x0] =	vst v1  }
0x170: {  	v1 =	vld [tilespmem:s14+$0xF]  }
0x171: {  	v2 =	vld [tilespmem:s14+$0xE]  }
0x172: {  	s29 =	simm.s32 $0x0  }
0x173: {  	v3 =	vld.idx.msk [tilespmem:v0+s29+$0xFFFFFFE0 ss:$0x1], $0xffff;
	_ =	sdelay $0x1  }
0x174: {  	v58 =	vshll.u32 v1, $0x8  }
0x175: {  	v1 =	vshll.u32 v1, $0x7;
	v2 =	vshll.u32 v2, $0x10;
	v4 =	vand.u32 $0xFFFFF800, v58  }
0x176: {  	v1 =	vand.u32 $0x380, v1;
	v2 =	vor.u32 v2, v4  }
0x177: {  	v59 =	vshll.u32 v3, $0x3;
	v3 =	vand.u32 $0x7F, v3;
	v1 =	vor.u32 v1, v2  }
0x178: {  	v2 =	vand.u32 $0xFFFFFC00, v59;
	v1 =	vor.u32 v3, v1  }
0x179: {  	s11 =	sor.u32 $0x20, s13;
	s12 =	sor.u32 s12, s6;
	v1 =	vor.u32 v2, v1  }
0x17a: {  	[tilespmem:s12+$0x0] =	vst v1;
	s12 =	sadd.s32 s11, s0  }
0x17b: {  	v1 =	vld [tilespmem:s12+$0xF]  }
0x17c: {  	v2 =	vld [tilespmem:s12+$0xE];
	_ =	sdelay $0x1  }
0x17d: {  	v3 =	vld [tilespmem:s12+$0x10];
	_ =	sdelay $0x1  }
0x17e: {  	v60 =	vshll.u32 v1, $0x8  }
0x17f: {  	v1 =	vshll.u32 v1, $0x7;
	v2 =	vshll.u32 v2, $0x10;
	v4 =	vand.u32 $0xFFFFF800, v60  }
0x180: {  	v1 =	vand.u32 $0x380, v1;
	v2 =	vor.u32 v2, v4  }
0x181: {  	v61 =	vshll.u32 v3, $0x3;
	v3 =	vand.u32 $0x7F, v3;
	v1 =	vor.u32 v1, v2  }
0x182: {  	s18 =	simm.s32 $0x30;
	s16 =	sadd.s32 $0x830, s10;
	v2 =	vand.u32 $0xFFFFFC00, v61;
	v1 =	vor.u32 v3, v1  }
0x183: {  	s19 =	sor.u32 s11, s6;
	s10 =	sand.u32 $0x70, s18;
	s0 =	sand.u32 $0xEF80, s16;
	v1 =	vor.u32 v2, v1  }
0x184: {  	s0 =	sor.u32 s10, s0;
	[tilespmem:s19+$0x0] =	vst v1  }
0x185: {  	v1 =	vld [tilespmem:s0+$0xF]  }
0x186: {  	v2 =	vld [tilespmem:s0+$0xE];
	_ =	sdelay $0x1  }
0x187: {  	v3 =	vld.idx.msk [tilespmem:v0+s29+$0x0 ss:$0x1], $0xffff;
	_ =	sdelay $0x1  }
0x188: {  	p3 =	por $0x1, $0x1;
	v62 =	vshll.u32 v1, $0x8  }
.Ltmp6:
0x189: {  	v1 =	vshll.u32 v1, $0x7;
	v2 =	vshll.u32 v2, $0x10;
	v4 =	vand.u32 $0xFFFFF800, v62;
	(pc) =	sbr.rel @!p3 .LBB2_7-.Ltmp6, $4  }
0x18a: {  	v1 =	vand.u32 $0x380, v1;
	v2 =	vor.u32 v2, v4  }
0x18b: {  	p2 =	por $0x1, $0x1;
	v63 =	vshll.u32 v3, $0x3;
	v3 =	vand.u32 $0x7F, v3;
	v1 =	vor.u32 v1, v2  }
0x18c: {  	s13 =	sand.u32 $0x40, s2;
	s14 =	sor.u32 s10, s6;
	s29 =	sand.u32 $0x780, s2;
	v2 =	vand.u32 $0xFFFFFC00, v63;
	v1 =	vor.u32 v3, v1  }
0x18d: {  	s6 =	simm.s32 $0x0;
	s12 =	simm.s32 $0x80;
	s0 =	sadd.s32 s29, s30;
	v1 =	vor.u32 v2, v1  }
.LBB2_8:
0x18e: {  	s16 =	sadd.s32 s13, s0  }
0x18f: {  	[tilespmem:s14+$0x0] =	vst v1;
	s6 =	sadd.s32 $0x100, s6;
	s14 =	smov.u32 s12;
	s10 =	sadd.s32 $0x40, s12  }
0x190: {  	p3 =	sne.s32 s12, $0x7C0;
	v1 =	vld [tilespmem:s16+$0xF]  }
0x191: {  	v2 =	vld [tilespmem:s16+$0xE];
	_ =	sdelay $0x1  }
0x192: {  	v3 =	vld [tilespmem:s16+$0x10];
	_ =	sdelay $0x1  }
0x193: {  	v4 =	vshll.u32 v1, $0x8;
	v1 =	vshll.u32 v1, $0x7  }
0x194: {  	v2 =	vshll.u32 v2, $0x10;
	v4 =	vand.u32 $0xFFFFF800, v4  }
0x195: {  	s12 =	sand.u32 $0x1E00, s6;
	v1 =	vand.u32 $0x380, v1;
	v2 =	vor.u32 v2, v4  }
0x196: {  	s18 =	sadd.s32 s2, s24;
	s12 =	sshrl.u32 s12, $0x2;
	s16 =	sadd.s32 $0x10, s2;
	v4 =	vshll.u32 v3, $0x3;
	v3 =	vand.u32 $0x7F, v3;
	v1 =	vor.u32 v1, v2  }
0x197: {  	s19 =	sadd.s32 $0x810, s18;
	s18 =	sadd.s32 $0x830, s18;
	s12 =	sadd.s32 $0x10880, s12;
	v2 =	vand.u32 $0xFFFFFC00, v4;
	v1 =	vor.u32 v3, v1  }
0x198: {  	s19 =	sand.u32 $0xEF80, s19;
	s11 =	sor.u32 s13, s12;
	s29 =	sand.u32 $0x50, s16;
	v1 =	vor.u32 v2, v1  }
0x199: {  	s18 =	sand.u32 $0xEF80, s18;
	[tilespmem:s11+$0x0] =	vst v1;
	s11 =	sor.u32 s29, s19  }
0x19a: {  	v1 =	vld [tilespmem:s11+$0xF]  }
0x19b: {  	s16 =	sshra.s32 s6, $0x2;
	v2 =	vld [tilespmem:s11+$0xE]  }
0x19c: {  	v3 =	vld.idx.msk [tilespmem:v0+s16+$0xFFFFFFE0 ss:$0x1], $0xffff;
	_ =	sdelay $0x2  }
0x19d: {  	v4 =	vshll.u32 v1, $0x8;
	v1 =	vshll.u32 v1, $0x7  }
0x19e: {  	v2 =	vshll.u32 v2, $0x10;
	v4 =	vand.u32 $0xFFFFF800, v4  }
0x19f: {  	v1 =	vand.u32 $0x380, v1;
	v2 =	vor.u32 v2, v4  }
0x1a0: {  	v4 =	vshll.u32 v3, $0x3;
	v3 =	vand.u32 $0x7F, v3;
	v1 =	vor.u32 v1, v2  }
0x1a1: {  	v2 =	vand.u32 $0xFFFFFC00, v4;
	v1 =	vor.u32 v3, v1  }
0x1a2: {  	s13 =	sor.u32 $0x20, s13;
	s11 =	sor.u32 s29, s12;
	v1 =	vor.u32 v2, v1  }
0x1a3: {  	s0 =	sadd.s32 s13, s0;
	[tilespmem:s11+$0x0] =	vst v1  }
0x1a4: {  	v1 =	vld [tilespmem:s0+$0xF]  }
0x1a5: {  	v2 =	vld [tilespmem:s0+$0xE];
	_ =	sdelay $0x1  }
0x1a6: {  	v3 =	vld [tilespmem:s0+$0x10];
	_ =	sdelay $0x1  }
0x1a7: {  	v4 =	vshll.u32 v1, $0x8;
	v1 =	vshll.u32 v1, $0x7  }
0x1a8: {  	v2 =	vshll.u32 v2, $0x10;
	v4 =	vand.u32 $0xFFFFF800, v4  }
0x1a9: {  	v1 =	vand.u32 $0x380, v1;
	v2 =	vor.u32 v2, v4  }
0x1aa: {  	v4 =	vshll.u32 v3, $0x3;
	v3 =	vand.u32 $0x7F, v3;
	v1 =	vor.u32 v1, v2  }
0x1ab: {  	s0 =	sadd.s32 $0x30, s2;
	s2 =	smov.u32 s14;
	v2 =	vand.u32 $0xFFFFFC00, v4;
	v1 =	vor.u32 v3, v1  }
0x1ac: {  	s11 =	sor.u32 s13, s12;
	s14 =	sand.u32 $0x70, s0;
	v1 =	vor.u32 v2, v1  }
0x1ad: {  	s0 =	sor.u32 s14, s18;
	[tilespmem:s11+$0x0] =	vst v1  }
0x1ae: {  	v1 =	vld [tilespmem:s0+$0xF]  }
0x1af: {  	v2 =	vld [tilespmem:s0+$0xE]  }
0x1b0: {  	v3 =	vld.idx.msk [tilespmem:v0+s16+$0x0 ss:$0x1], $0xffff;
	_ =	sdelay $0x2  }
0x1b1: {  	v4 =	vshll.u32 v1, $0x8;
	v1 =	vshll.u32 v1, $0x7  }
.Ltmp7:
0x1b2: {  	v2 =	vshll.u32 v2, $0x10;
	v4 =	vand.u32 $0xFFFFF800, v4;
	(pc) =	sbr.rel @p3 .LBB2_8-.Ltmp7, $4  }
0x1b3: {  	v1 =	vand.u32 $0x380, v1;
	v2 =	vor.u32 v2, v4  }
0x1b4: {  	v4 =	vshll.u32 v3, $0x3;
	v3 =	vand.u32 $0x7F, v3;
	v1 =	vor.u32 v1, v2  }
0x1b5: {  	s13 =	sand.u32 $0x40, s2;
	s0 =	sand.u32 $0x780, s2;
	v2 =	vand.u32 $0xFFFFFC00, v4;
	v1 =	vor.u32 v3, v1  }
0x1b6: {  	s14 =	sor.u32 s14, s12;
	s12 =	smov.u32 s10;
	s0 =	sadd.s32 s0, s30;
	v1 =	vor.u32 v2, v1  }
.LBB2_9:
0x1b7: {  	s10 =	sadd.s32 s13, s0;
	[tilespmem:s14+$0x0] =	vst @p2 v1  }
0x1b8: {  	v1 =	vld [tilespmem:s10+$0xF]  }
0x1b9: {  	v2 =	vld [tilespmem:s10+$0xE];
	_ =	sdelay $0x1  }
0x1ba: {  	v3 =	vld [tilespmem:s10+$0x10];
	_ =	sdelay $0x1  }
0x1bb: {  	s6 =	sadd.s32 @p2 $0x100, s6;
	s10 =	simm.s32 $0x0;
	v4 =	vshll.u32 v1, $0x8  }
0x1bc: {  	s10 =	smov.u32 @p2 s6;
	v1 =	vshll.u32 v1, $0x7;
	v2 =	vshll.u32 v2, $0x10;
	v4 =	vand.u32 $0xFFFFF800, v4  }
0x1bd: {  	s6 =	sand.u32 $0x1E00, s10;
	v1 =	vand.u32 $0x380, v1;
	v2 =	vor.u32 v2, v4  }
0x1be: {  	s11 =	sadd.s32 s2, s24;
	s6 =	sshrl.u32 s6, $0x2;
	v53 =	vshll.u32 v3, $0x3;
	v3 =	vand.u32 $0x7F, v3;
	v1 =	vor.u32 v1, v2  }
0x1bf: {  	s12 =	sadd.s32 $0x10, s2;
	s29 =	sadd.s32 $0x810, s11;
	s6 =	sadd.s32 $0x10880, s6;
	v2 =	vand.u32 $0xFFFFFC00, v53;
	v1 =	vor.u32 v3, v1  }
0x1c0: {  	s12 =	sand.u32 $0x50, s12;
	s14 =	sand.u32 $0xEF80, s29;
	s16 =	sor.u32 s13, s6;
	v1 =	vor.u32 v2, v1  }
0x1c1: {  	s14 =	sor.u32 s12, s14;
	[tilespmem:s16+$0x0] =	vst v1  }
0x1c2: {  	v1 =	vld [tilespmem:s14+$0xF]  }
0x1c3: {  	v2 =	vld [tilespmem:s14+$0xE]  }
0x1c4: {  	s10 =	sshra.s32 s10, $0x2  }
0x1c5: {  	v3 =	vld.idx.msk [tilespmem:v0+s10+$0xFFFFFFE0 ss:$0x1], $0xffff;
	_ =	sdelay $0x1  }
0x1c6: {  	v54 =	vshll.u32 v1, $0x8  }
0x1c7: {  	v1 =	vshll.u32 v1, $0x7;
	v2 =	vshll.u32 v2, $0x10;
	v4 =	vand.u32 $0xFFFFF800, v54  }
0x1c8: {  	v1 =	vand.u32 $0x380, v1;
	v2 =	vor.u32 v2, v4  }
0x1c9: {  	v55 =	vshll.u32 v3, $0x3;
	v3 =	vand.u32 $0x7F, v3;
	v1 =	vor.u32 v1, v2  }
0x1ca: {  	v2 =	vand.u32 $0xFFFFFC00, v55;
	v1 =	vor.u32 v3, v1  }
0x1cb: {  	s12 =	sor.u32 s12, s6;
	s14 =	sor.u32 $0x20, s13;
	v1 =	vor.u32 v2, v1  }
0x1cc: {  	s16 =	sadd.s32 s14, s0;
	[tilespmem:s12+$0x0] =	vst v1  }
0x1cd: {  	v1 =	vld [tilespmem:s16+$0xF]  }
0x1ce: {  	v2 =	vld [tilespmem:s16+$0xE];
	_ =	sdelay $0x1  }
0x1cf: {  	v3 =	vld [tilespmem:s16+$0x10];
	_ =	sdelay $0x1  }
0x1d0: {  	v56 =	vshll.u32 v1, $0x8  }
0x1d1: {  	v1 =	vshll.u32 v1, $0x7;
	v2 =	vshll.u32 v2, $0x10;
	v4 =	vand.u32 $0xFFFFF800, v56  }
0x1d2: {  	v1 =	vand.u32 $0x380, v1;
	v2 =	vor.u32 v2, v4  }
0x1d3: {  	v57 =	vshll.u32 v3, $0x3;
	v3 =	vand.u32 $0x7F, v3;
	v1 =	vor.u32 v1, v2  }
0x1d4: {  	s19 =	sadd.s32 $0x30, s2;
	s18 =	sadd.s32 $0x830, s11;
	v2 =	vand.u32 $0xFFFFFC00, v57;
	v1 =	vor.u32 v3, v1  }
0x1d5: {  	s2 =	sand.u32 $0x70, s19;
	s0 =	sand.u32 $0xEF80, s18;
	s29 =	sor.u32 s14, s6;
	v1 =	vor.u32 v2, v1  }
0x1d6: {  	s0 =	sor.u32 s2, s0;
	[tilespmem:s29+$0x0] =	vst v1  }
0x1d7: {  	v1 =	vld [tilespmem:s0+$0xF]  }
0x1d8: {  	v2 =	vld [tilespmem:s0+$0xE];
	_ =	sdelay $0x1  }
0x1d9: {  	v0 =	vld.idx.msk [tilespmem:v0+s10+$0x0 ss:$0x1], $0xffff;
	_ =	sdelay $0x1  }
0x1da: {  	v3 =	vshll.u32 v1, $0x8  }
0x1db: {  	v1 =	vshll.u32 v1, $0x7;
	v2 =	vshll.u32 v2, $0x10;
	v3 =	vand.u32 $0xFFFFF800, v3  }
0x1dc: {  	v1 =	vand.u32 $0x380, v1;
	v2 =	vor.u32 v2, v3  }
0x1dd: {  	v3 =	vshll.u32 v0, $0x3;
	v0 =	vand.u32 $0x7F, v0;
	v1 =	vor.u32 v1, v2  }
0x1de: {  	v2 =	vand.u32 $0xFFFFFC00, v3;
	v0 =	vor.u32 v0, v1  }
0x1df: {  	s6 =	sor.u32 s2, s6;
	v0 =	vor.u32 v2, v0  }
0x1e0: {  	s0 =	simm.s32 @!p1 $0x4;
	[tilespmem:s6+$0x0] =	vst v0  }
0x1e1: {  	_ =	swait.ge @!p1 [sflag:s0], $0x80  }
0x1e2: {  	[sflag:s0] =	ssyncset.done @!p1 $0x0  }
0x1e3: {  	[sflag:s0] =	ssyncadd.s32 @!p1 $0xFFFFFF80  }
0x1e4: {  	_ =	swait.ge @!p1 [sflag:s0], $0x80  }
0x1e5: {  	[sflag:s0] =	ssyncset.done @!p1 $0x0  }
0x1e6: {  	[sflag:s0] =	ssyncadd.s32 @!p1 $0xFFFFFF80  }
0x1e7: {  	_ =	swait.ge @!p1 [sflag:s0], $0x80  }
0x1e8: {  	[sflag:s0] =	ssyncset.done @!p1 $0x0  }
0x1e9: {  	[sflag:s0] =	ssyncadd.s32 @!p1 $0xFFFFFF80  }
0x1ea: {  	_ =	swait.ge @!p1 [sflag:s0], $0x80  }
0x1eb: {  	[sflag:s0] =	ssyncset.done @!p1 $0x0  }
0x1ec: {  	[sflag:s0] =	ssyncadd.s32 @!p1 $0xFFFFFF80  }
0x1ed: {  	_ =	swait.ge @!p1 [sflag:s0], $0x80  }
0x1ee: {  	[sflag:s0] =	ssyncset.done @!p1 $0x0  }
0x1ef: {  	[sflag:s0] =	ssyncadd.s32 @!p1 $0xFFFFFF80  }
0x1f0: {  	_ =	swait.ge @!p1 [sflag:s0], $0x80  }
0x1f1: {  	[sflag:s0] =	ssyncset.done @!p1 $0x0  }
0x1f2: {  	[sflag:s0] =	ssyncadd.s32 @!p1 $0xFFFFFF80  }
0x1f3: {  	_ =	swait.ge @!p1 [sflag:s0], $0x80  }
0x1f4: {  	[sflag:s0] =	ssyncset.done @!p1 $0x0  }
0x1f5: {  	[sflag:s0] =	ssyncadd.s32 @!p1 $0xFFFFFF80  }
0x1f6: {  	_ =	swait.ge @!p1 [sflag:s0], $0x80  }
0x1f7: {  	[sflag:s0] =	ssyncset.done @!p1 $0x0  }
0x1f8: {  	[sflag:s0] =	ssyncadd.s32 @!p1 $0xFFFFFF80  }
0x1f9: {  	_ =	swait.ge @!p1 [sflag:s0], $0x80  }
0x1fa: {  	[sflag:s0] =	ssyncset.done @!p1 $0x0  }
0x1fb: {  	[sflag:s0] =	ssyncadd.s32 @!p1 $0xFFFFFF80  }
0x1fc: {  	_ =	swait.ge @!p1 [sflag:s0], $0x80  }
0x1fd: {  	[sflag:s0] =	ssyncset.done @!p1 $0x0  }
0x1fe: {  	[sflag:s0] =	ssyncadd.s32 @!p1 $0xFFFFFF80  }
0x1ff: {  	_ =	swait.ge @!p1 [sflag:s0], $0x80  }
0x200: {  	[sflag:s0] =	ssyncset.done @!p1 $0x0  }
0x201: {  	[sflag:s0] =	ssyncadd.s32 @!p1 $0xFFFFFF80  }
0x202: {  	_ =	swait.ge @!p1 [sflag:s0], $0x80  }
0x203: {  	[sflag:s0] =	ssyncset.done @!p1 $0x0  }
0x204: {  	[sflag:s0] =	ssyncadd.s32 @!p1 $0xFFFFFF80  }
0x205: {  	_ =	swait.ge @!p1 [sflag:s0], $0x80  }
0x206: {  	[sflag:s0] =	ssyncset.done @!p1 $0x0  }
0x207: {  	[sflag:s0] =	ssyncadd.s32 @!p1 $0xFFFFFF80  }
0x208: {  	_ =	swait.ge @!p1 [sflag:s0], $0x80  }
0x209: {  	[sflag:s0] =	ssyncset.done @!p1 $0x0  }
0x20a: {  	[sflag:s0] =	ssyncadd.s32 @!p1 $0xFFFFFF80  }
0x20b: {  	_ =	swait.ge @!p1 [sflag:s0], $0x80  }
0x20c: {  	[sflag:s0] =	ssyncset.done @!p1 $0x0  }
0x20d: {  	[sflag:s0] =	ssyncadd.s32 @!p1 $0xFFFFFF80  }
0x20e: {  	s2 =	sadd.s32 @!p1 s24, s9;
	_ =	swait.ge @!p1 [sflag:s0], $0x80  }
0x20f: {  	s2 =	sshrl.u32 @!p1 s2, $0x3;
	[sflag:s0] =	ssyncset.done @!p1 $0x0  }
0x210: {  	[sflag:s0] =	ssyncadd.s32 @!p1 $0xFFFFFF80;
	s0 =	sadd.s32 @!p1 s3, s2;
	s2 =	simm.s32 @!p1 $0x13880  }
0x211: {  	[hbm4b:s0+s31] =	stream.linear.scatter @!p1 [tilespmem:s2], [sflag:$0x8], $0x800, $0x38;
	[tilespmem:$0x14080] =	vst v63  }
0x212: {  	s0 =	simm.s32 @!p1 $0x6  }
0x213: {  	_ =	swait.ge @!p1 [sflag:s0], $0x800  }
0x214: {  	[sflag:s0] =	ssyncset.done @!p1 $0x0  }
0x215: {  	s10 =	simm.s32 $0x10880;
	[sflag:s0] =	ssyncadd.s32 @!p1 $0xFFFFF800  }
0x216: {  	[tilespmem:s26], [sflag:$0x2] =	stream.indirect.gather [hbm4b:s1+s15], $0x1, s10, s15, $0xb8;
	[tilespmem:$0x14080] =	vst v63  }
0x217: {  	s11 =	simm.s32 $0x10900;
	s12 =	simm.s32 $0x12900  }
0x218: {  	[tilespmem:s12], [sflag:$0x2] =	stream.indirect.gather [hbm4b:s1+s15], $0x1, s11, s15, $0xb8;
	[tilespmem:$0x14080] =	vst v63  }
0x219: {  	s13 =	simm.s32 $0x10980;
	s14 =	simm.s32 $0x12980  }
0x21a: {  	[tilespmem:s14], [sflag:$0x2] =	stream.indirect.gather [hbm4b:s1+s15], $0x1, s13, s15, $0xb8;
	[tilespmem:$0x14080] =	vst v63  }
0x21b: {  	s18 =	simm.s32 $0x12A00;
	s16 =	simm.s32 $0x10A00  }
0x21c: {  	[tilespmem:s18], [sflag:$0x2] =	stream.indirect.gather [hbm4b:s1+s15], $0x1, s16, s15, $0xb8;
	[tilespmem:$0x14080] =	vst v63  }
0x21d: {  	s19 =	simm.s32 $0x10A80;
	s29 =	simm.s32 $0x12A80  }
0x21e: {  	[tilespmem:s29], [sflag:$0x2] =	stream.indirect.gather [hbm4b:s1+s15], $0x1, s19, s15, $0xb8;
	[tilespmem:$0x14080] =	vst v63  }
0x21f: {  	s6 =	simm.s32 $0x10B00;
	s10 =	simm.s32 $0x12B00  }
0x220: {  	[tilespmem:s10], [sflag:$0x2] =	stream.indirect.gather [hbm4b:s1+s15], $0x1, s6, s15, $0xb8;
	[tilespmem:$0x14080] =	vst v63  }
0x221: {  	s11 =	simm.s32 $0x10B80;
	s12 =	simm.s32 $0x12B80  }
0x222: {  	[tilespmem:s12], [sflag:$0x2] =	stream.indirect.gather [hbm4b:s1+s15], $0x1, s11, s15, $0xb8;
	[tilespmem:$0x14080] =	vst v63  }
0x223: {  	s13 =	simm.s32 $0x10C00;
	s14 =	simm.s32 $0x12C00  }
0x224: {  	[tilespmem:s14], [sflag:$0x2] =	stream.indirect.gather [hbm4b:s1+s15], $0x1, s13, s15, $0xb8;
	[tilespmem:$0x14080] =	vst v63  }
0x225: {  	s16 =	simm.s32 $0x10C80;
	s18 =	simm.s32 $0x12C80  }
0x226: {  	[tilespmem:s18], [sflag:$0x2] =	stream.indirect.gather [hbm4b:s1+s15], $0x1, s16, s15, $0xb8;
	[tilespmem:$0x14080] =	vst v63  }
0x227: {  	s19 =	simm.s32 $0x10D00;
	s29 =	simm.s32 $0x12D00  }
0x228: {  	[tilespmem:s29], [sflag:$0x2] =	stream.indirect.gather [hbm4b:s1+s15], $0x1, s19, s15, $0xb8;
	[tilespmem:$0x14080] =	vst v63  }
0x229: {  	s6 =	simm.s32 $0x10D80;
	s10 =	simm.s32 $0x12D80  }
0x22a: {  	[tilespmem:s10], [sflag:$0x2] =	stream.indirect.gather [hbm4b:s1+s15], $0x1, s6, s15, $0xb8;
	[tilespmem:$0x14080] =	vst v63  }
0x22b: {  	s11 =	simm.s32 $0x10E00;
	s12 =	simm.s32 $0x12E00  }
0x22c: {  	[tilespmem:s12], [sflag:$0x2] =	stream.indirect.gather [hbm4b:s1+s15], $0x1, s11, s15, $0xb8;
	[tilespmem:$0x14080] =	vst v63  }
0x22d: {  	s13 =	simm.s32 $0x10E80;
	s14 =	simm.s32 $0x12E80  }
0x22e: {  	[tilespmem:s14], [sflag:$0x2] =	stream.indirect.gather [hbm4b:s1+s15], $0x1, s13, s15, $0xb8;
	[tilespmem:$0x14080] =	vst v63  }
0x22f: {  	s2 =	simm.s32 $0x0;
	s16 =	simm.s32 $0x10F00;
	s18 =	simm.s32 $0x12F00  }
0x230: {  	[tilespmem:s18], [sflag:$0x2] =	stream.indirect.gather [hbm4b:s1+s15], $0x1, s16, s15, $0xb8;
	[tilespmem:$0x14080] =	vst v63  }
0x231: {  	s31 =	sor.u32 $0x1000, s24;
	s19 =	simm.s32 $0x10F80;
	s29 =	simm.s32 $0x12F80  }
0x232: {  	[tilespmem:s29], [sflag:$0x2] =	stream.indirect.gather [hbm4b:s1+s15], $0x1, s19, s15, $0xb8;
	[tilespmem:$0x14080] =	vst v63  }
0x233: {  	s6 =	simm.s32 $0x11000;
	s10 =	simm.s32 $0x13000;
	s11 =	sand.u32 $0x780, s2  }
0x234: {  	[tilespmem:s10], [sflag:$0x2] =	stream.indirect.gather [hbm4b:s1+s15], $0x1, s6, s15, $0xb8;
	[tilespmem:$0x14080] =	vst v63  }
0x235: {  	s0 =	sadd.s32 s11, s31;
	s10 =	sand.u32 $0x40, s2  }
0x236: {  	s12 =	sadd.s32 s10, s0  }
0x237: {  	v0 =	vld [tilespmem:s12+$0xF]  }
0x238: {  	v1 =	vld [tilespmem:s12+$0xE];
	_ =	sdelay $0x1  }
0x239: {  	v2 =	vld [tilespmem:s12+$0x10];
	_ =	sdelay $0x1  }
0x23a: {  	v3 =	vshll.u32 v0, $0x8  }
0x23b: {  	v0 =	vshll.u32 v0, $0x7;
	v1 =	vshll.u32 v1, $0x10;
	v3 =	vand.u32 $0xFFFFF800, v3  }
0x23c: {  	s13 =	sand.u32 $0x1E00, s2;
	v0 =	vand.u32 $0x380, v0;
	v1 =	vor.u32 v1, v3  }
0x23d: {  	s14 =	sadd.s32 $0x1040, s28;
	s6 =	sshrl.u32 s13, $0x2;
	s12 =	sadd.s32 $0x0, s24;
	v3 =	vshll.u32 v2, $0x3;
	v2 =	vand.u32 $0x7F, v2;
	v0 =	vor.u32 v0, v1  }
0x23e: {  	s16 =	simm.s32 $0x10;
	s6 =	sadd.s32 $0x11080, s6;
	s18 =	sadd.s32 $0x1010, s12;
	v1 =	vand.u32 $0xFFFFFC00, v3;
	v2 =	vor.u32 v2, v0  }
0x23f: {  	s13 =	sand.u32 $0x50, s16;
	s19 =	sor.u32 s10, s6;
	v0 =	vmov s14;
	s14 =	sand.u32 $0xF780, s18;
	v1 =	vor.u32 v1, v2  }
0x240: {  	s29 =	sor.u32 s13, s14;
	[tilespmem:s19+$0x0] =	vst v1  }
0x241: {  	v1 =	vld [tilespmem:s29+$0xF]  }
0x242: {  	v2 =	vld [tilespmem:s29+$0xE]  }
0x243: {  	s14 =	simm.s32 $0x0  }
0x244: {  	v3 =	vld.idx.msk [tilespmem:v0+s14+$0xFFFFFFE0 ss:$0x1], $0xffff;
	_ =	sdelay $0x1  }
0x245: {  	v58 =	vshll.u32 v1, $0x8  }
0x246: {  	v1 =	vshll.u32 v1, $0x7;
	v2 =	vshll.u32 v2, $0x10;
	v4 =	vand.u32 $0xFFFFF800, v58  }
0x247: {  	v1 =	vand.u32 $0x380, v1;
	v2 =	vor.u32 v2, v4  }
0x248: {  	v59 =	vshll.u32 v3, $0x3;
	v3 =	vand.u32 $0x7F, v3;
	v1 =	vor.u32 v1, v2  }
0x249: {  	v2 =	vand.u32 $0xFFFFFC00, v59;
	v1 =	vor.u32 v3, v1  }
0x24a: {  	s10 =	sor.u32 $0x20, s10;
	s13 =	sor.u32 s13, s6;
	v1 =	vor.u32 v2, v1  }
0x24b: {  	s0 =	sadd.s32 s10, s0;
	[tilespmem:s13+$0x0] =	vst v1  }
0x24c: {  	v1 =	vld [tilespmem:s0+$0xF]  }
0x24d: {  	v2 =	vld [tilespmem:s0+$0xE];
	_ =	sdelay $0x1  }
0x24e: {  	v3 =	vld [tilespmem:s0+$0x10];
	_ =	sdelay $0x1  }
0x24f: {  	v60 =	vshll.u32 v1, $0x8  }
0x250: {  	v1 =	vshll.u32 v1, $0x7;
	v2 =	vshll.u32 v2, $0x10;
	v4 =	vand.u32 $0xFFFFF800, v60  }
0x251: {  	v1 =	vand.u32 $0x380, v1;
	v2 =	vor.u32 v2, v4  }
0x252: {  	v61 =	vshll.u32 v3, $0x3;
	v3 =	vand.u32 $0x7F, v3;
	v1 =	vor.u32 v1, v2  }
0x253: {  	s16 =	sadd.s32 $0x1030, s12;
	s18 =	simm.s32 $0x30;
	v2 =	vand.u32 $0xFFFFFC00, v61;
	v1 =	vor.u32 v3, v1  }
0x254: {  	s10 =	sor.u32 s10, s6;
	s19 =	sand.u32 $0x70, s18;
	s0 =	sand.u32 $0xF780, s16;
	v1 =	vor.u32 v2, v1  }
0x255: {  	s0 =	sor.u32 s19, s0;
	[tilespmem:s10+$0x0] =	vst v1  }
0x256: {  	v1 =	vld [tilespmem:s0+$0xF]  }
0x257: {  	v2 =	vld [tilespmem:s0+$0xE];
	_ =	sdelay $0x1  }
0x258: {  	v3 =	vld.idx.msk [tilespmem:v0+s14+$0x0 ss:$0x1], $0xffff;
	_ =	sdelay $0x1  }
0x259: {  	v62 =	vshll.u32 v1, $0x8  }
0x25a: {  	v1 =	vshll.u32 v1, $0x7;
	v2 =	vshll.u32 v2, $0x10;
	v4 =	vand.u32 $0xFFFFF800, v62  }
0x25b: {  	v1 =	vand.u32 $0x380, v1;
	v2 =	vor.u32 v2, v4  }
0x25c: {  	s0 =	simm.s32 $0x40;
	v63 =	vshll.u32 v3, $0x3;
	v3 =	vand.u32 $0x7F, v3;
	v1 =	vor.u32 v1, v2  }
0x25d: {  	s12 =	simm.s32 $0x80;
	s29 =	sand.u32 $0x780, s0;
	v2 =	vand.u32 $0xFFFFFC00, v63;
	v1 =	vor.u32 v3, v1  }
0x25e: {  	s14 =	sor.u32 s19, s6;
	s13 =	sand.u32 $0x40, s0;
	s10 =	sadd.s32 s29, s31;
	v1 =	vor.u32 v2, v1  }
.LBB2_10:
0x25f: {  	s11 =	sadd.s32 s13, s10  }
0x260: {  	[tilespmem:s14+$0x0] =	vst v1;
	s2 =	sadd.s32 $0x100, s2;
	s14 =	smov.u32 s12;
	s6 =	sadd.s32 $0x40, s12  }
0x261: {  	p2 =	sne.s32 s12, $0x7C0;
	v1 =	vld [tilespmem:s11+$0xF]  }
0x262: {  	v2 =	vld [tilespmem:s11+$0xE];
	_ =	sdelay $0x1  }
0x263: {  	v3 =	vld [tilespmem:s11+$0x10];
	_ =	sdelay $0x1  }
0x264: {  	v4 =	vshll.u32 v1, $0x8;
	v1 =	vshll.u32 v1, $0x7  }
0x265: {  	v2 =	vshll.u32 v2, $0x10;
	v4 =	vand.u32 $0xFFFFF800, v4  }
0x266: {  	s11 =	sand.u32 $0x1E00, s2;
	v1 =	vand.u32 $0x380, v1;
	v2 =	vor.u32 v2, v4  }
0x267: {  	s16 =	sadd.s32 $0x10, s0;
	s18 =	sadd.s32 s0, s24;
	s11 =	sshrl.u32 s11, $0x2;
	v4 =	vshll.u32 v3, $0x3;
	v3 =	vand.u32 $0x7F, v3;
	v1 =	vor.u32 v1, v2  }
0x268: {  	s12 =	sadd.s32 $0x11080, s11;
	s11 =	sadd.s32 $0x1010, s18;
	s18 =	sadd.s32 $0x1030, s18;
	v2 =	vand.u32 $0xFFFFFC00, v4;
	v1 =	vor.u32 v3, v1  }
0x269: {  	s29 =	sand.u32 $0x50, s16;
	s19 =	sor.u32 s13, s12;
	s11 =	sand.u32 $0xF780, s11;
	v1 =	vor.u32 v2, v1  }
0x26a: {  	s18 =	sand.u32 $0xF780, s18;
	s11 =	sor.u32 s29, s11;
	[tilespmem:s19+$0x0] =	vst v1  }
0x26b: {  	v1 =	vld [tilespmem:s11+$0xF]  }
0x26c: {  	s16 =	sshra.s32 s2, $0x2;
	v2 =	vld [tilespmem:s11+$0xE]  }
0x26d: {  	v3 =	vld.idx.msk [tilespmem:v0+s16+$0xFFFFFFE0 ss:$0x1], $0xffff;
	_ =	sdelay $0x2  }
0x26e: {  	v4 =	vshll.u32 v1, $0x8;
	v1 =	vshll.u32 v1, $0x7  }
0x26f: {  	v2 =	vshll.u32 v2, $0x10;
	v4 =	vand.u32 $0xFFFFF800, v4  }
0x270: {  	v1 =	vand.u32 $0x380, v1;
	v2 =	vor.u32 v2, v4  }
0x271: {  	v4 =	vshll.u32 v3, $0x3;
	v3 =	vand.u32 $0x7F, v3;
	v1 =	vor.u32 v1, v2  }
0x272: {  	v2 =	vand.u32 $0xFFFFFC00, v4;
	v1 =	vor.u32 v3, v1  }
0x273: {  	s13 =	sor.u32 $0x20, s13;
	s11 =	sor.u32 s29, s12;
	v1 =	vor.u32 v2, v1  }
0x274: {  	s10 =	sadd.s32 s13, s10;
	[tilespmem:s11+$0x0] =	vst v1  }
0x275: {  	v1 =	vld [tilespmem:s10+$0xF]  }
0x276: {  	v2 =	vld [tilespmem:s10+$0xE];
	_ =	sdelay $0x1  }
0x277: {  	v3 =	vld [tilespmem:s10+$0x10];
	_ =	sdelay $0x1  }
0x278: {  	v4 =	vshll.u32 v1, $0x8;
	v1 =	vshll.u32 v1, $0x7  }
0x279: {  	v2 =	vshll.u32 v2, $0x10;
	v4 =	vand.u32 $0xFFFFF800, v4  }
0x27a: {  	v1 =	vand.u32 $0x380, v1;
	v2 =	vor.u32 v2, v4  }
0x27b: {  	v4 =	vshll.u32 v3, $0x3;
	v3 =	vand.u32 $0x7F, v3;
	v1 =	vor.u32 v1, v2  }
0x27c: {  	s10 =	sadd.s32 $0x30, s0;
	s0 =	smov.u32 s14;
	v2 =	vand.u32 $0xFFFFFC00, v4;
	v1 =	vor.u32 v3, v1  }
0x27d: {  	s11 =	sor.u32 s13, s12;
	s14 =	sand.u32 $0x70, s10;
	v1 =	vor.u32 v2, v1  }
0x27e: {  	s10 =	sor.u32 s14, s18;
	[tilespmem:s11+$0x0] =	vst v1  }
0x27f: {  	v1 =	vld [tilespmem:s10+$0xF]  }
0x280: {  	v2 =	vld [tilespmem:s10+$0xE]  }
0x281: {  	v3 =	vld.idx.msk [tilespmem:v0+s16+$0x0 ss:$0x1], $0xffff;
	_ =	sdelay $0x2  }
0x282: {  	v4 =	vshll.u32 v1, $0x8;
	v1 =	vshll.u32 v1, $0x7  }
.Ltmp8:
0x283: {  	v2 =	vshll.u32 v2, $0x10;
	v4 =	vand.u32 $0xFFFFF800, v4;
	(pc) =	sbr.rel @p2 .LBB2_10-.Ltmp8, $4  }
0x284: {  	v1 =	vand.u32 $0x380, v1;
	v2 =	vor.u32 v2, v4  }
0x285: {  	v4 =	vshll.u32 v3, $0x3;
	v3 =	vand.u32 $0x7F, v3;
	v1 =	vor.u32 v1, v2  }
0x286: {  	s13 =	sand.u32 $0x40, s0;
	s10 =	sand.u32 $0x780, s0;
	v2 =	vand.u32 $0xFFFFFC00, v4;
	v1 =	vor.u32 v3, v1  }
0x287: {  	s14 =	sor.u32 s14, s12;
	s12 =	smov.u32 s6;
	s10 =	sadd.s32 s10, s31;
	v1 =	vor.u32 v2, v1  }
0x288: {  	s6 =	sadd.s32 s13, s10;
	[tilespmem:s14+$0x0] =	vst v1  }
0x289: {  	v1 =	vld [tilespmem:s6+$0xF]  }
0x28a: {  	v2 =	vld [tilespmem:s6+$0xE];
	_ =	sdelay $0x1  }
0x28b: {  	v3 =	vld [tilespmem:s6+$0x10];
	_ =	sdelay $0x1  }
0x28c: {  	v4 =	vshll.u32 v1, $0x8  }
0x28d: {  	s19 =	sadd.s32 $0x100, s2;
	v1 =	vshll.u32 v1, $0x7;
	v2 =	vshll.u32 v2, $0x10;
	v4 =	vand.u32 $0xFFFFF800, v4  }
0x28e: {  	s2 =	sand.u32 $0x1E00, s19;
	v1 =	vand.u32 $0x380, v1;
	v2 =	vor.u32 v2, v4  }
0x28f: {  	s11 =	sadd.s32 s0, s24;
	s2 =	sshrl.u32 s2, $0x2;
	v53 =	vshll.u32 v3, $0x3;
	v3 =	vand.u32 $0x7F, v3;
	v1 =	vor.u32 v1, v2  }
0x290: {  	s12 =	sadd.s32 $0x10, s0;
	s29 =	sadd.s32 $0x1010, s11;
	s2 =	sadd.s32 $0x11080, s2;
	v2 =	vand.u32 $0xFFFFFC00, v53;
	v1 =	vor.u32 v3, v1  }
0x291: {  	s12 =	sand.u32 $0x50, s12;
	s14 =	sand.u32 $0xF780, s29;
	s16 =	sor.u32 s13, s2;
	v1 =	vor.u32 v2, v1  }
0x292: {  	s14 =	sor.u32 s12, s14;
	[tilespmem:s16+$0x0] =	vst v1  }
0x293: {  	v1 =	vld [tilespmem:s14+$0xF]  }
0x294: {  	v2 =	vld [tilespmem:s14+$0xE]  }
0x295: {  	s6 =	sshra.s32 s19, $0x2  }
0x296: {  	v3 =	vld.idx.msk [tilespmem:v0+s6+$0xFFFFFFE0 ss:$0x1], $0xffff;
	_ =	sdelay $0x1  }
0x297: {  	v54 =	vshll.u32 v1, $0x8  }
0x298: {  	v1 =	vshll.u32 v1, $0x7;
	v2 =	vshll.u32 v2, $0x10;
	v4 =	vand.u32 $0xFFFFF800, v54  }
0x299: {  	v1 =	vand.u32 $0x380, v1;
	v2 =	vor.u32 v2, v4  }
0x29a: {  	v55 =	vshll.u32 v3, $0x3;
	v3 =	vand.u32 $0x7F, v3;
	v1 =	vor.u32 v1, v2  }
0x29b: {  	v2 =	vand.u32 $0xFFFFFC00, v55;
	v1 =	vor.u32 v3, v1  }
0x29c: {  	s12 =	sor.u32 s12, s2;
	s14 =	sor.u32 $0x20, s13;
	v1 =	vor.u32 v2, v1  }
0x29d: {  	s16 =	sadd.s32 s14, s10;
	[tilespmem:s12+$0x0] =	vst v1  }
0x29e: {  	v1 =	vld [tilespmem:s16+$0xF]  }
0x29f: {  	v2 =	vld [tilespmem:s16+$0xE];
	_ =	sdelay $0x1  }
0x2a0: {  	v3 =	vld [tilespmem:s16+$0x10];
	_ =	sdelay $0x1  }
0x2a1: {  	v56 =	vshll.u32 v1, $0x8  }
0x2a2: {  	v1 =	vshll.u32 v1, $0x7;
	v2 =	vshll.u32 v2, $0x10;
	v4 =	vand.u32 $0xFFFFF800, v56  }
0x2a3: {  	v1 =	vand.u32 $0x380, v1;
	v2 =	vor.u32 v2, v4  }
0x2a4: {  	v57 =	vshll.u32 v3, $0x3;
	v3 =	vand.u32 $0x7F, v3;
	v1 =	vor.u32 v1, v2  }
0x2a5: {  	s18 =	sadd.s32 $0x1030, s11;
	s19 =	sadd.s32 $0x30, s0;
	v2 =	vand.u32 $0xFFFFFC00, v57;
	v1 =	vor.u32 v3, v1  }
0x2a6: {  	s0 =	sand.u32 $0x70, s19;
	s10 =	sand.u32 $0xF780, s18;
	s29 =	sor.u32 s14, s2;
	v1 =	vor.u32 v2, v1  }
0x2a7: {  	s10 =	sor.u32 s0, s10;
	[tilespmem:s29+$0x0] =	vst v1  }
0x2a8: {  	v1 =	vld [tilespmem:s10+$0xF]  }
0x2a9: {  	v2 =	vld [tilespmem:s10+$0xE];
	_ =	sdelay $0x1  }
0x2aa: {  	v0 =	vld.idx.msk [tilespmem:v0+s6+$0x0 ss:$0x1], $0xffff;
	_ =	sdelay $0x1  }
0x2ab: {  	v3 =	vshll.u32 v1, $0x8  }
0x2ac: {  	v1 =	vshll.u32 v1, $0x7;
	v2 =	vshll.u32 v2, $0x10;
	v3 =	vand.u32 $0xFFFFF800, v3  }
0x2ad: {  	v1 =	vand.u32 $0x380, v1;
	v2 =	vor.u32 v2, v3  }
0x2ae: {  	v3 =	vshll.u32 v0, $0x3;
	v0 =	vand.u32 $0x7F, v0;
	v1 =	vor.u32 v1, v2  }
0x2af: {  	v2 =	vand.u32 $0xFFFFFC00, v3;
	v0 =	vor.u32 v0, v1  }
0x2b0: {  	s0 =	sor.u32 s0, s2;
	v0 =	vor.u32 v2, v0  }
0x2b1: {  	[tilespmem:s0+$0x0] =	vst v0  }
0x2b2: {  	_ =	swait.ge [sflag:s7], $0x80  }
0x2b3: {  	[sflag:s7] =	ssyncset.done $0x0  }
0x2b4: {  	[sflag:s7] =	ssyncadd.s32 $0xFFFFFF80  }
0x2b5: {  	_ =	swait.ge [sflag:s7], $0x80  }
0x2b6: {  	[sflag:s7] =	ssyncset.done $0x0  }
0x2b7: {  	[sflag:s7] =	ssyncadd.s32 $0xFFFFFF80  }
0x2b8: {  	_ =	swait.ge [sflag:s7], $0x80  }
0x2b9: {  	[sflag:s7] =	ssyncset.done $0x0  }
0x2ba: {  	[sflag:s7] =	ssyncadd.s32 $0xFFFFFF80  }
0x2bb: {  	_ =	swait.ge [sflag:s7], $0x80  }
0x2bc: {  	[sflag:s7] =	ssyncset.done $0x0  }
0x2bd: {  	[sflag:s7] =	ssyncadd.s32 $0xFFFFFF80  }
0x2be: {  	_ =	swait.ge [sflag:s7], $0x80  }
0x2bf: {  	[sflag:s7] =	ssyncset.done $0x0  }
0x2c0: {  	[sflag:s7] =	ssyncadd.s32 $0xFFFFFF80  }
0x2c1: {  	_ =	swait.ge [sflag:s7], $0x80  }
0x2c2: {  	[sflag:s7] =	ssyncset.done $0x0  }
0x2c3: {  	[sflag:s7] =	ssyncadd.s32 $0xFFFFFF80  }
0x2c4: {  	_ =	swait.ge [sflag:s7], $0x80  }
0x2c5: {  	[sflag:s7] =	ssyncset.done $0x0  }
0x2c6: {  	[sflag:s7] =	ssyncadd.s32 $0xFFFFFF80  }
0x2c7: {  	_ =	swait.ge [sflag:s7], $0x80  }
0x2c8: {  	[sflag:s7] =	ssyncset.done $0x0  }
0x2c9: {  	[sflag:s7] =	ssyncadd.s32 $0xFFFFFF80  }
0x2ca: {  	_ =	swait.ge [sflag:s7], $0x80  }
0x2cb: {  	[sflag:s7] =	ssyncset.done $0x0  }
0x2cc: {  	[sflag:s7] =	ssyncadd.s32 $0xFFFFFF80  }
0x2cd: {  	_ =	swait.ge [sflag:s7], $0x80  }
0x2ce: {  	[sflag:s7] =	ssyncset.done $0x0  }
0x2cf: {  	[sflag:s7] =	ssyncadd.s32 $0xFFFFFF80  }
0x2d0: {  	_ =	swait.ge [sflag:s7], $0x80  }
0x2d1: {  	[sflag:s7] =	ssyncset.done $0x0  }
0x2d2: {  	[sflag:s7] =	ssyncadd.s32 $0xFFFFFF80  }
0x2d3: {  	_ =	swait.ge [sflag:s7], $0x80  }
0x2d4: {  	[sflag:s7] =	ssyncset.done $0x0  }
0x2d5: {  	[sflag:s7] =	ssyncadd.s32 $0xFFFFFF80  }
0x2d6: {  	_ =	swait.ge [sflag:s7], $0x80  }
0x2d7: {  	[sflag:s7] =	ssyncset.done $0x0  }
0x2d8: {  	[sflag:s7] =	ssyncadd.s32 $0xFFFFFF80  }
0x2d9: {  	_ =	swait.ge [sflag:s7], $0x80  }
0x2da: {  	[sflag:s7] =	ssyncset.done $0x0  }
0x2db: {  	[sflag:s7] =	ssyncadd.s32 $0xFFFFFF80  }
0x2dc: {  	_ =	swait.ge [sflag:s7], $0x80  }
0x2dd: {  	[sflag:s7] =	ssyncset.done $0x0  }
0x2de: {  	[sflag:s7] =	ssyncadd.s32 $0xFFFFFF80  }
0x2df: {  	s2 =	sor.u32 s5, s24;
	_ =	swait.ge [sflag:s7], $0x80  }
0x2e0: {  	s0 =	sshrl.u32 s2, $0x3;
	[sflag:s7] =	ssyncset.done $0x0  }
0x2e1: {  	s0 =	sadd.s32 s3, s0;
	[sflag:s7] =	ssyncadd.s32 $0xFFFFFF80  }
0x2e2: {  	[hbm4b:s0+s4] =	stream.linear.scatter [tilespmem:s17], [sflag:$0x5], $0x800, $0x38;
	[tilespmem:$0x14080] =	vst v63  }
0x2e3: {  	s0 =	simm.s32 @!p1 $0x7  }
0x2e4: {  	_ =	swait.ge @!p1 [sflag:s0], $0x800  }
0x2e5: {  	[sflag:s0] =	ssyncset.done @!p1 $0x0  }
0x2e6: {  	s6 =	simm.s32 $0x11080;
	s10 =	simm.s32 $0x13080;
	[sflag:s0] =	ssyncadd.s32 @!p1 $0xFFFFF800  }
0x2e7: {  	[tilespmem:s10], [sflag:$0x3] =	stream.indirect.gather [hbm4b:s1+s15], $0x1, s6, s15, $0xb8;
	[tilespmem:$0x14080] =	vst v63  }
0x2e8: {  	s11 =	simm.s32 $0x11100;
	s12 =	simm.s32 $0x13100  }
0x2e9: {  	[tilespmem:s12], [sflag:$0x3] =	stream.indirect.gather [hbm4b:s1+s15], $0x1, s11, s15, $0xb8;
	[tilespmem:$0x14080] =	vst v63  }
0x2ea: {  	s13 =	simm.s32 $0x11180;
	s14 =	simm.s32 $0x13180  }
0x2eb: {  	[tilespmem:s14], [sflag:$0x3] =	stream.indirect.gather [hbm4b:s1+s15], $0x1, s13, s15, $0xb8;
	[tilespmem:$0x14080] =	vst v63  }
0x2ec: {  	s18 =	simm.s32 $0x13200;
	s16 =	simm.s32 $0x11200  }
0x2ed: {  	[tilespmem:s18], [sflag:$0x3] =	stream.indirect.gather [hbm4b:s1+s15], $0x1, s16, s15, $0xb8;
	[tilespmem:$0x14080] =	vst v63  }
0x2ee: {  	s19 =	simm.s32 $0x11280;
	s29 =	simm.s32 $0x13280  }
0x2ef: {  	[tilespmem:s29], [sflag:$0x3] =	stream.indirect.gather [hbm4b:s1+s15], $0x1, s19, s15, $0xb8;
	[tilespmem:$0x14080] =	vst v63  }
0x2f0: {  	s6 =	simm.s32 $0x11300;
	s10 =	simm.s32 $0x13300  }
0x2f1: {  	[tilespmem:s10], [sflag:$0x3] =	stream.indirect.gather [hbm4b:s1+s15], $0x1, s6, s15, $0xb8;
	[tilespmem:$0x14080] =	vst v63  }
0x2f2: {  	s11 =	simm.s32 $0x11380;
	s12 =	simm.s32 $0x13380  }
0x2f3: {  	[tilespmem:s12], [sflag:$0x3] =	stream.indirect.gather [hbm4b:s1+s15], $0x1, s11, s15, $0xb8;
	[tilespmem:$0x14080] =	vst v63  }
0x2f4: {  	s13 =	simm.s32 $0x11400;
	s14 =	simm.s32 $0x13400  }
0x2f5: {  	[tilespmem:s14], [sflag:$0x3] =	stream.indirect.gather [hbm4b:s1+s15], $0x1, s13, s15, $0xb8;
	[tilespmem:$0x14080] =	vst v63  }
0x2f6: {  	s16 =	simm.s32 $0x11480;
	s18 =	simm.s32 $0x13480  }
0x2f7: {  	[tilespmem:s18], [sflag:$0x3] =	stream.indirect.gather [hbm4b:s1+s15], $0x1, s16, s15, $0xb8;
	[tilespmem:$0x14080] =	vst v63  }
0x2f8: {  	s19 =	simm.s32 $0x11500;
	s29 =	simm.s32 $0x13500  }
0x2f9: {  	[tilespmem:s29], [sflag:$0x3] =	stream.indirect.gather [hbm4b:s1+s15], $0x1, s19, s15, $0xb8;
	[tilespmem:$0x14080] =	vst v63  }
0x2fa: {  	s6 =	simm.s32 $0x11580;
	s10 =	simm.s32 $0x13580  }
0x2fb: {  	[tilespmem:s10], [sflag:$0x3] =	stream.indirect.gather [hbm4b:s1+s15], $0x1, s6, s15, $0xb8;
	[tilespmem:$0x14080] =	vst v63  }
0x2fc: {  	s11 =	simm.s32 $0x11600;
	s12 =	simm.s32 $0x13600  }
0x2fd: {  	[tilespmem:s12], [sflag:$0x3] =	stream.indirect.gather [hbm4b:s1+s15], $0x1, s11, s15, $0xb8;
	[tilespmem:$0x14080] =	vst v63  }
0x2fe: {  	s13 =	simm.s32 $0x11680;
	s14 =	simm.s32 $0x13680  }
0x2ff: {  	[tilespmem:s14], [sflag:$0x3] =	stream.indirect.gather [hbm4b:s1+s15], $0x1, s13, s15, $0xb8;
	[tilespmem:$0x14080] =	vst v63  }
0x300: {  	s31 =	sor.u32 $0x1800, s24;
	s16 =	simm.s32 $0x11700;
	s18 =	simm.s32 $0x13700  }
0x301: {  	[tilespmem:s18], [sflag:$0x3] =	stream.indirect.gather [hbm4b:s1+s15], $0x1, s16, s15, $0xb8;
	[tilespmem:$0x14080] =	vst v63  }
0x302: {  	s2 =	simm.s32 $0x0;
	s19 =	simm.s32 $0x11780;
	s29 =	simm.s32 $0x13780  }
0x303: {  	[tilespmem:s29], [sflag:$0x3] =	stream.indirect.gather [hbm4b:s1+s15], $0x1, s19, s15, $0xb8;
	[tilespmem:$0x14080] =	vst v63  }
0x304: {  	s6 =	simm.s32 $0x11800;
	s10 =	simm.s32 $0x13800;
	s11 =	sand.u32 $0x780, s2  }
0x305: {  	[tilespmem:s10], [sflag:$0x3] =	stream.indirect.gather [hbm4b:s1+s15], $0x1, s6, s15, $0xb8;
	[tilespmem:$0x14080] =	vst v63  }
0x306: {  	s0 =	sadd.s32 s11, s31;
	s10 =	sand.u32 $0x40, s2  }
0x307: {  	s12 =	sadd.s32 s10, s0  }
0x308: {  	v0 =	vld [tilespmem:s12+$0xF]  }
0x309: {  	v1 =	vld [tilespmem:s12+$0xE];
	_ =	sdelay $0x1  }
0x30a: {  	v2 =	vld [tilespmem:s12+$0x10];
	_ =	sdelay $0x1  }
0x30b: {  	v3 =	vshll.u32 v0, $0x8  }
0x30c: {  	v0 =	vshll.u32 v0, $0x7;
	v1 =	vshll.u32 v1, $0x10;
	v3 =	vand.u32 $0xFFFFF800, v3  }
0x30d: {  	s13 =	sand.u32 $0x1E00, s2;
	v0 =	vand.u32 $0x380, v0;
	v1 =	vor.u32 v1, v3  }
0x30e: {  	s14 =	sadd.s32 $0x1840, s28;
	s6 =	sshrl.u32 s13, $0x2;
	s12 =	sadd.s32 $0x0, s24;
	v3 =	vshll.u32 v2, $0x3;
	v2 =	vand.u32 $0x7F, v2;
	v0 =	vor.u32 v0, v1  }
0x30f: {  	s16 =	simm.s32 $0x10;
	s6 =	sadd.s32 $0x11880, s6;
	s18 =	sadd.s32 $0x1810, s12;
	v1 =	vand.u32 $0xFFFFFC00, v3;
	v2 =	vor.u32 v2, v0  }
0x310: {  	s13 =	sand.u32 $0x50, s16;
	s19 =	sor.u32 s10, s6;
	v0 =	vmov s14;
	s14 =	sand.u32 $0xFF80, s18;
	v1 =	vor.u32 v1, v2  }
0x311: {  	s29 =	sor.u32 s13, s14;
	[tilespmem:s19+$0x0] =	vst v1  }
0x312: {  	v1 =	vld [tilespmem:s29+$0xF]  }
0x313: {  	v2 =	vld [tilespmem:s29+$0xE]  }
0x314: {  	s14 =	simm.s32 $0x0  }
0x315: {  	v3 =	vld.idx.msk [tilespmem:v0+s14+$0xFFFFFFE0 ss:$0x1], $0xffff;
	_ =	sdelay $0x1  }
0x316: {  	v58 =	vshll.u32 v1, $0x8  }
0x317: {  	v1 =	vshll.u32 v1, $0x7;
	v2 =	vshll.u32 v2, $0x10;
	v4 =	vand.u32 $0xFFFFF800, v58  }
0x318: {  	v1 =	vand.u32 $0x380, v1;
	v2 =	vor.u32 v2, v4  }
0x319: {  	v59 =	vshll.u32 v3, $0x3;
	v3 =	vand.u32 $0x7F, v3;
	v1 =	vor.u32 v1, v2  }
0x31a: {  	v2 =	vand.u32 $0xFFFFFC00, v59;
	v1 =	vor.u32 v3, v1  }
0x31b: {  	s10 =	sor.u32 $0x20, s10;
	s13 =	sor.u32 s13, s6;
	v1 =	vor.u32 v2, v1  }
0x31c: {  	s0 =	sadd.s32 s10, s0;
	[tilespmem:s13+$0x0] =	vst v1  }
0x31d: {  	v1 =	vld [tilespmem:s0+$0xF]  }
0x31e: {  	v2 =	vld [tilespmem:s0+$0xE];
	_ =	sdelay $0x1  }
0x31f: {  	v3 =	vld [tilespmem:s0+$0x10];
	_ =	sdelay $0x1  }
0x320: {  	v60 =	vshll.u32 v1, $0x8  }
0x321: {  	v1 =	vshll.u32 v1, $0x7;
	v2 =	vshll.u32 v2, $0x10;
	v4 =	vand.u32 $0xFFFFF800, v60  }
0x322: {  	v1 =	vand.u32 $0x380, v1;
	v2 =	vor.u32 v2, v4  }
0x323: {  	v61 =	vshll.u32 v3, $0x3;
	v3 =	vand.u32 $0x7F, v3;
	v1 =	vor.u32 v1, v2  }
0x324: {  	s16 =	sadd.s32 $0x1830, s12;
	s18 =	simm.s32 $0x30;
	v2 =	vand.u32 $0xFFFFFC00, v61;
	v1 =	vor.u32 v3, v1  }
0x325: {  	s10 =	sor.u32 s10, s6;
	s19 =	sand.u32 $0x70, s18;
	s0 =	sand.u32 $0xFF80, s16;
	v1 =	vor.u32 v2, v1  }
0x326: {  	s0 =	sor.u32 s19, s0;
	[tilespmem:s10+$0x0] =	vst v1  }
0x327: {  	v1 =	vld [tilespmem:s0+$0xF]  }
0x328: {  	v2 =	vld [tilespmem:s0+$0xE];
	_ =	sdelay $0x1  }
0x329: {  	v3 =	vld.idx.msk [tilespmem:v0+s14+$0x0 ss:$0x1], $0xffff;
	_ =	sdelay $0x1  }
0x32a: {  	v62 =	vshll.u32 v1, $0x8  }
0x32b: {  	v1 =	vshll.u32 v1, $0x7;
	v2 =	vshll.u32 v2, $0x10;
	v4 =	vand.u32 $0xFFFFF800, v62  }
0x32c: {  	v1 =	vand.u32 $0x380, v1;
	v2 =	vor.u32 v2, v4  }
0x32d: {  	s0 =	simm.s32 $0x40;
	v63 =	vshll.u32 v3, $0x3;
	v3 =	vand.u32 $0x7F, v3;
	v1 =	vor.u32 v1, v2  }
0x32e: {  	s12 =	simm.s32 $0x80;
	s29 =	sand.u32 $0x780, s0;
	v2 =	vand.u32 $0xFFFFFC00, v63;
	v1 =	vor.u32 v3, v1  }
0x32f: {  	s14 =	sor.u32 s19, s6;
	s13 =	sand.u32 $0x40, s0;
	s10 =	sadd.s32 s29, s31;
	v1 =	vor.u32 v2, v1  }
.LBB2_12:
0x330: {  	s11 =	sadd.s32 s13, s10  }
0x331: {  	[tilespmem:s14+$0x0] =	vst v1;
	s2 =	sadd.s32 $0x100, s2;
	s14 =	smov.u32 s12;
	s6 =	sadd.s32 $0x40, s12  }
0x332: {  	p2 =	sne.s32 s12, $0x7C0;
	v1 =	vld [tilespmem:s11+$0xF]  }
0x333: {  	v2 =	vld [tilespmem:s11+$0xE];
	_ =	sdelay $0x1  }
0x334: {  	v3 =	vld [tilespmem:s11+$0x10];
	_ =	sdelay $0x1  }
0x335: {  	v4 =	vshll.u32 v1, $0x8;
	v1 =	vshll.u32 v1, $0x7  }
0x336: {  	v2 =	vshll.u32 v2, $0x10;
	v4 =	vand.u32 $0xFFFFF800, v4  }
0x337: {  	s11 =	sand.u32 $0x1E00, s2;
	v1 =	vand.u32 $0x380, v1;
	v2 =	vor.u32 v2, v4  }
0x338: {  	s16 =	sadd.s32 $0x10, s0;
	s18 =	sadd.s32 s0, s24;
	s11 =	sshrl.u32 s11, $0x2;
	v4 =	vshll.u32 v3, $0x3;
	v3 =	vand.u32 $0x7F, v3;
	v1 =	vor.u32 v1, v2  }
0x339: {  	s12 =	sadd.s32 $0x11880, s11;
	s11 =	sadd.s32 $0x1810, s18;
	s18 =	sadd.s32 $0x1830, s18;
	v2 =	vand.u32 $0xFFFFFC00, v4;
	v1 =	vor.u32 v3, v1  }
0x33a: {  	s29 =	sand.u32 $0x50, s16;
	s19 =	sor.u32 s13, s12;
	s11 =	sand.u32 $0xFF80, s11;
	v1 =	vor.u32 v2, v1  }
0x33b: {  	s18 =	sand.u32 $0xFF80, s18;
	s11 =	sor.u32 s29, s11;
	[tilespmem:s19+$0x0] =	vst v1  }
0x33c: {  	v1 =	vld [tilespmem:s11+$0xF]  }
0x33d: {  	s16 =	sshra.s32 s2, $0x2;
	v2 =	vld [tilespmem:s11+$0xE]  }
0x33e: {  	v3 =	vld.idx.msk [tilespmem:v0+s16+$0xFFFFFFE0 ss:$0x1], $0xffff;
	_ =	sdelay $0x2  }
0x33f: {  	v4 =	vshll.u32 v1, $0x8;
	v1 =	vshll.u32 v1, $0x7  }
0x340: {  	v2 =	vshll.u32 v2, $0x10;
	v4 =	vand.u32 $0xFFFFF800, v4  }
0x341: {  	v1 =	vand.u32 $0x380, v1;
	v2 =	vor.u32 v2, v4  }
0x342: {  	v4 =	vshll.u32 v3, $0x3;
	v3 =	vand.u32 $0x7F, v3;
	v1 =	vor.u32 v1, v2  }
0x343: {  	v2 =	vand.u32 $0xFFFFFC00, v4;
	v1 =	vor.u32 v3, v1  }
0x344: {  	s13 =	sor.u32 $0x20, s13;
	s11 =	sor.u32 s29, s12;
	v1 =	vor.u32 v2, v1  }
0x345: {  	s10 =	sadd.s32 s13, s10;
	[tilespmem:s11+$0x0] =	vst v1  }
0x346: {  	v1 =	vld [tilespmem:s10+$0xF]  }
0x347: {  	v2 =	vld [tilespmem:s10+$0xE];
	_ =	sdelay $0x1  }
0x348: {  	v3 =	vld [tilespmem:s10+$0x10];
	_ =	sdelay $0x1  }
0x349: {  	v4 =	vshll.u32 v1, $0x8;
	v1 =	vshll.u32 v1, $0x7  }
0x34a: {  	v2 =	vshll.u32 v2, $0x10;
	v4 =	vand.u32 $0xFFFFF800, v4  }
0x34b: {  	v1 =	vand.u32 $0x380, v1;
	v2 =	vor.u32 v2, v4  }
0x34c: {  	v4 =	vshll.u32 v3, $0x3;
	v3 =	vand.u32 $0x7F, v3;
	v1 =	vor.u32 v1, v2  }
0x34d: {  	s10 =	sadd.s32 $0x30, s0;
	s0 =	smov.u32 s14;
	v2 =	vand.u32 $0xFFFFFC00, v4;
	v1 =	vor.u32 v3, v1  }
0x34e: {  	s11 =	sor.u32 s13, s12;
	s14 =	sand.u32 $0x70, s10;
	v1 =	vor.u32 v2, v1  }
0x34f: {  	s10 =	sor.u32 s14, s18;
	[tilespmem:s11+$0x0] =	vst v1  }
0x350: {  	v1 =	vld [tilespmem:s10+$0xF]  }
0x351: {  	v2 =	vld [tilespmem:s10+$0xE]  }
0x352: {  	v3 =	vld.idx.msk [tilespmem:v0+s16+$0x0 ss:$0x1], $0xffff;
	_ =	sdelay $0x2  }
0x353: {  	v4 =	vshll.u32 v1, $0x8;
	v1 =	vshll.u32 v1, $0x7  }
.Ltmp9:
0x354: {  	v2 =	vshll.u32 v2, $0x10;
	v4 =	vand.u32 $0xFFFFF800, v4;
	(pc) =	sbr.rel @p2 .LBB2_12-.Ltmp9, $4  }
0x355: {  	v1 =	vand.u32 $0x380, v1;
	v2 =	vor.u32 v2, v4  }
0x356: {  	v4 =	vshll.u32 v3, $0x3;
	v3 =	vand.u32 $0x7F, v3;
	v1 =	vor.u32 v1, v2  }
0x357: {  	s13 =	sand.u32 $0x40, s0;
	s10 =	sand.u32 $0x780, s0;
	v2 =	vand.u32 $0xFFFFFC00, v4;
	v1 =	vor.u32 v3, v1  }
0x358: {  	s14 =	sor.u32 s14, s12;
	s12 =	smov.u32 s6;
	s10 =	sadd.s32 s10, s31;
	v1 =	vor.u32 v2, v1  }
0x359: {  	s6 =	sadd.s32 s13, s10;
	[tilespmem:s14+$0x0] =	vst v1  }
0x35a: {  	v1 =	vld [tilespmem:s6+$0xF]  }
0x35b: {  	v2 =	vld [tilespmem:s6+$0xE];
	_ =	sdelay $0x1  }
0x35c: {  	v3 =	vld [tilespmem:s6+$0x10];
	_ =	sdelay $0x1  }
0x35d: {  	v4 =	vshll.u32 v1, $0x8  }
0x35e: {  	s29 =	sadd.s32 $0x100, s2;
	v1 =	vshll.u32 v1, $0x7;
	v2 =	vshll.u32 v2, $0x10;
	v4 =	vand.u32 $0xFFFFF800, v4  }
0x35f: {  	s2 =	sand.u32 $0x1E00, s29;
	v1 =	vand.u32 $0x380, v1;
	v2 =	vor.u32 v2, v4  }
0x360: {  	s11 =	sadd.s32 s0, s24;
	s2 =	sshrl.u32 s2, $0x2;
	v47 =	vshll.u32 v3, $0x3;
	v3 =	vand.u32 $0x7F, v3;
	v1 =	vor.u32 v1, v2  }
0x361: {  	s12 =	sadd.s32 $0x10, s0;
	s31 =	sadd.s32 $0x1810, s11;
	s2 =	sadd.s32 $0x11880, s2;
	v48 =	vand.u32 $0xFFFFFC00, v47;
	v1 =	vor.u32 v3, v1  }
0x362: {  	s12 =	sand.u32 $0x50, s12;
	s14 =	sand.u32 $0xFF80, s31;
	s16 =	sor.u32 s13, s2;
	v1 =	vor.u32 v48, v1  }
0x363: {  	s14 =	sor.u32 s12, s14;
	[tilespmem:s16+$0x0] =	vst v1  }
0x364: {  	v1 =	vld [tilespmem:s14+$0xF]  }
0x365: {  	v49 =	vld [tilespmem:s14+$0xE]  }
0x366: {  	s6 =	sshra.s32 s29, $0x2  }
0x367: {  	v50 =	vld.idx.msk [tilespmem:v0+s6+$0xFFFFFFE0 ss:$0x1], $0xffff;
	_ =	sdelay $0x1  }
0x368: {  	v51 =	vshll.u32 v1, $0x8  }
0x369: {  	v1 =	vshll.u32 v1, $0x7;
	v2 =	vshll.u32 v49, $0x10;
	v4 =	vand.u32 $0xFFFFF800, v51  }
0x36a: {  	v1 =	vand.u32 $0x380, v1;
	v2 =	vor.u32 v2, v4  }
0x36b: {  	v52 =	vshll.u32 v50, $0x3;
	v3 =	vand.u32 $0x7F, v50;
	v1 =	vor.u32 v1, v2  }
0x36c: {  	v53 =	vand.u32 $0xFFFFFC00, v52;
	v1 =	vor.u32 v3, v1  }
0x36d: {  	s12 =	sor.u32 s12, s2;
	s16 =	sor.u32 $0x20, s13;
	v1 =	vor.u32 v53, v1  }
0x36e: {  	s18 =	sadd.s32 s16, s10;
	[tilespmem:s12+$0x0] =	vst v1  }
0x36f: {  	v1 =	vld [tilespmem:s18+$0xF]  }
0x370: {  	v54 =	vld [tilespmem:s18+$0xE];
	_ =	sdelay $0x1  }
0x371: {  	v55 =	vld [tilespmem:s18+$0x10];
	_ =	sdelay $0x1  }
0x372: {  	v56 =	vshll.u32 v1, $0x8  }
0x373: {  	v1 =	vshll.u32 v1, $0x7;
	v2 =	vshll.u32 v54, $0x10;
	v4 =	vand.u32 $0xFFFFF800, v56  }
0x374: {  	v1 =	vand.u32 $0x380, v1;
	v2 =	vor.u32 v2, v4  }
0x375: {  	v57 =	vshll.u32 v55, $0x3;
	v3 =	vand.u32 $0x7F, v55;
	v1 =	vor.u32 v1, v2  }
0x376: {  	s19 =	sadd.s32 $0x1830, s11;
	s29 =	sadd.s32 $0x30, s0;
	v58 =	vand.u32 $0xFFFFFC00, v57;
	v1 =	vor.u32 v3, v1  }
0x377: {  	s0 =	sand.u32 $0x70, s29;
	s10 =	sand.u32 $0xFF80, s19;
	s31 =	sor.u32 s16, s2;
	v1 =	vor.u32 v58, v1  }
0x378: {  	s10 =	sor.u32 s0, s10;
	[tilespmem:s31+$0x0] =	vst v1  }
0x379: {  	v1 =	vld [tilespmem:s10+$0xF]  }
0x37a: {  	v59 =	vld [tilespmem:s10+$0xE];
	_ =	sdelay $0x1  }
0x37b: {  	v60 =	vld.idx.msk [tilespmem:v0+s6+$0x0 ss:$0x1], $0xffff;
	_ =	sdelay $0x1  }
0x37c: {  	v61 =	vshll.u32 v1, $0x8  }
0x37d: {  	v1 =	vshll.u32 v1, $0x7;
	v2 =	vshll.u32 v59, $0x10;
	v3 =	vand.u32 $0xFFFFF800, v61  }
0x37e: {  	v1 =	vand.u32 $0x380, v1;
	v2 =	vor.u32 v2, v3  }
0x37f: {  	v62 =	vshll.u32 v60, $0x3;
	v0 =	vand.u32 $0x7F, v60;
	v1 =	vor.u32 v1, v2  }
0x380: {  	v63 =	vand.u32 $0xFFFFFC00, v62;
	v0 =	vor.u32 v0, v1  }
0x381: {  	s0 =	sor.u32 s0, s2;
	v0 =	vor.u32 v63, v0  }
0x382: {  	[tilespmem:s0+$0x0] =	vst v0  }
0x383: {  	_ =	swait.ge [sflag:s25], $0x80  }
0x384: {  	[sflag:s25] =	ssyncset.done $0x0  }
0x385: {  	[sflag:s25] =	ssyncadd.s32 $0xFFFFFF80  }
0x386: {  	_ =	swait.ge [sflag:s25], $0x80  }
0x387: {  	[sflag:s25] =	ssyncset.done $0x0  }
0x388: {  	[sflag:s25] =	ssyncadd.s32 $0xFFFFFF80  }
0x389: {  	_ =	swait.ge [sflag:s25], $0x80  }
0x38a: {  	[sflag:s25] =	ssyncset.done $0x0  }
0x38b: {  	[sflag:s25] =	ssyncadd.s32 $0xFFFFFF80  }
0x38c: {  	_ =	swait.ge [sflag:s25], $0x80  }
0x38d: {  	[sflag:s25] =	ssyncset.done $0x0  }
0x38e: {  	[sflag:s25] =	ssyncadd.s32 $0xFFFFFF80  }
0x38f: {  	_ =	swait.ge [sflag:s25], $0x80  }
0x390: {  	[sflag:s25] =	ssyncset.done $0x0  }
0x391: {  	[sflag:s25] =	ssyncadd.s32 $0xFFFFFF80  }
0x392: {  	_ =	swait.ge [sflag:s25], $0x80  }
0x393: {  	[sflag:s25] =	ssyncset.done $0x0  }
0x394: {  	[sflag:s25] =	ssyncadd.s32 $0xFFFFFF80  }
0x395: {  	_ =	swait.ge [sflag:s25], $0x80  }
0x396: {  	[sflag:s25] =	ssyncset.done $0x0  }
0x397: {  	[sflag:s25] =	ssyncadd.s32 $0xFFFFFF80  }
0x398: {  	_ =	swait.ge [sflag:s25], $0x80  }
0x399: {  	[sflag:s25] =	ssyncset.done $0x0  }
0x39a: {  	[sflag:s25] =	ssyncadd.s32 $0xFFFFFF80  }
0x39b: {  	_ =	swait.ge [sflag:s25], $0x80  }
0x39c: {  	[sflag:s25] =	ssyncset.done $0x0  }
0x39d: {  	[sflag:s25] =	ssyncadd.s32 $0xFFFFFF80  }
0x39e: {  	_ =	swait.ge [sflag:s25], $0x80  }
0x39f: {  	[sflag:s25] =	ssyncset.done $0x0  }
0x3a0: {  	[sflag:s25] =	ssyncadd.s32 $0xFFFFFF80  }
0x3a1: {  	_ =	swait.ge [sflag:s25], $0x80  }
0x3a2: {  	[sflag:s25] =	ssyncset.done $0x0  }
0x3a3: {  	[sflag:s25] =	ssyncadd.s32 $0xFFFFFF80  }
0x3a4: {  	_ =	swait.ge [sflag:s25], $0x80  }
0x3a5: {  	[sflag:s25] =	ssyncset.done $0x0  }
0x3a6: {  	[sflag:s25] =	ssyncadd.s32 $0xFFFFFF80  }
0x3a7: {  	_ =	swait.ge [sflag:s25], $0x80  }
0x3a8: {  	[sflag:s25] =	ssyncset.done $0x0  }
0x3a9: {  	[sflag:s25] =	ssyncadd.s32 $0xFFFFFF80  }
0x3aa: {  	_ =	swait.ge [sflag:s25], $0x80  }
0x3ab: {  	[sflag:s25] =	ssyncset.done $0x0  }
0x3ac: {  	[sflag:s25] =	ssyncadd.s32 $0xFFFFFF80  }
0x3ad: {  	_ =	swait.ge [sflag:s25], $0x80  }
0x3ae: {  	[sflag:s25] =	ssyncset.done $0x0  }
0x3af: {  	[sflag:s25] =	ssyncadd.s32 $0xFFFFFF80  }
0x3b0: {  	s12 =	sadd.s32 s5, s30;
	_ =	swait.ge [sflag:s25], $0x80  }
0x3b1: {  	s0 =	sshrl.u32 s12, $0x3;
	[sflag:s25] =	ssyncset.done $0x0  }
0x3b2: {  	s0 =	sadd.s32 s3, s0;
	[sflag:s25] =	ssyncadd.s32 $0xFFFFFF80  }
0x3b3: {  	[hbm4b:s0+s4] =	stream.linear.scatter [tilespmem:s26], [sflag:$0x6], $0x800, $0x38;
	[tilespmem:$0x14080] =	vst v63  }
0x3b4: {  	s0 =	simm.s32 @!p1 $0x8  }
0x3b5: {  	_ =	swait.ge @!p1 [sflag:s0], $0x800  }
0x3b6: {  	[sflag:s0] =	ssyncset.done @!p1 $0x0  }
0x3b7: {  	s13 =	simm.s32 $0x11880;
	s14 =	simm.s32 $0x13880;
	[sflag:s0] =	ssyncadd.s32 @!p1 $0xFFFFF800  }
0x3b8: {  	[tilespmem:s14], [sflag:$0x4] =	stream.indirect.gather [hbm4b:s1+s15], $0x1, s13, s15, $0xb8;
	[tilespmem:$0x14080] =	vst v63  }
0x3b9: {  	s16 =	simm.s32 $0x11900;
	s18 =	simm.s32 $0x13900  }
0x3ba: {  	[tilespmem:s18], [sflag:$0x4] =	stream.indirect.gather [hbm4b:s1+s15], $0x1, s16, s15, $0xb8;
	[tilespmem:$0x14080] =	vst v63  }
0x3bb: {  	s29 =	simm.s32 $0x13980;
	s19 =	simm.s32 $0x11980  }
0x3bc: {  	[tilespmem:s29], [sflag:$0x4] =	stream.indirect.gather [hbm4b:s1+s15], $0x1, s19, s15, $0xb8;
	[tilespmem:$0x14080] =	vst v63  }
0x3bd: {  	s30 =	simm.s32 $0x11A00;
	s31 =	simm.s32 $0x13A00  }
0x3be: {  	[tilespmem:s31], [sflag:$0x4] =	stream.indirect.gather [hbm4b:s1+s15], $0x1, s30, s15, $0xb8;
	[tilespmem:$0x14080] =	vst v63  }
0x3bf: {  	s6 =	simm.s32 $0x11A80;
	s10 =	simm.s32 $0x13A80  }
0x3c0: {  	[tilespmem:s10], [sflag:$0x4] =	stream.indirect.gather [hbm4b:s1+s15], $0x1, s6, s15, $0xb8;
	[tilespmem:$0x14080] =	vst v63  }
0x3c1: {  	s11 =	simm.s32 $0x11B00;
	s12 =	simm.s32 $0x13B00  }
0x3c2: {  	[tilespmem:s12], [sflag:$0x4] =	stream.indirect.gather [hbm4b:s1+s15], $0x1, s11, s15, $0xb8;
	[tilespmem:$0x14080] =	vst v63  }
0x3c3: {  	s13 =	simm.s32 $0x11B80;
	s14 =	simm.s32 $0x13B80  }
0x3c4: {  	[tilespmem:s14], [sflag:$0x4] =	stream.indirect.gather [hbm4b:s1+s15], $0x1, s13, s15, $0xb8;
	[tilespmem:$0x14080] =	vst v63  }
0x3c5: {  	s16 =	simm.s32 $0x11C00;
	s18 =	simm.s32 $0x13C00  }
0x3c6: {  	[tilespmem:s18], [sflag:$0x4] =	stream.indirect.gather [hbm4b:s1+s15], $0x1, s16, s15, $0xb8;
	[tilespmem:$0x14080] =	vst v63  }
0x3c7: {  	s19 =	simm.s32 $0x11C80;
	s29 =	simm.s32 $0x13C80  }
0x3c8: {  	[tilespmem:s29], [sflag:$0x4] =	stream.indirect.gather [hbm4b:s1+s15], $0x1, s19, s15, $0xb8;
	[tilespmem:$0x14080] =	vst v63  }
0x3c9: {  	s30 =	simm.s32 $0x11D00;
	s31 =	simm.s32 $0x13D00  }
0x3ca: {  	[tilespmem:s31], [sflag:$0x4] =	stream.indirect.gather [hbm4b:s1+s15], $0x1, s30, s15, $0xb8;
	[tilespmem:$0x14080] =	vst v63  }
0x3cb: {  	s6 =	simm.s32 $0x11D80;
	s10 =	simm.s32 $0x13D80  }
0x3cc: {  	[tilespmem:s10], [sflag:$0x4] =	stream.indirect.gather [hbm4b:s1+s15], $0x1, s6, s15, $0xb8;
	[tilespmem:$0x14080] =	vst v63  }
0x3cd: {  	s11 =	simm.s32 $0x11E00;
	s12 =	simm.s32 $0x13E00  }
0x3ce: {  	[tilespmem:s12], [sflag:$0x4] =	stream.indirect.gather [hbm4b:s1+s15], $0x1, s11, s15, $0xb8;
	[tilespmem:$0x14080] =	vst v63  }
0x3cf: {  	s13 =	simm.s32 $0x11E80;
	s14 =	simm.s32 $0x13E80  }
0x3d0: {  	[tilespmem:s14], [sflag:$0x4] =	stream.indirect.gather [hbm4b:s1+s15], $0x1, s13, s15, $0xb8;
	[tilespmem:$0x14080] =	vst v63  }
0x3d1: {  	p1 =	sgt.u32 s23, $0x6;
	s16 =	simm.s32 $0x11F00;
	s18 =	simm.s32 $0x13F00  }
0x3d2: {  	[tilespmem:s18], [sflag:$0x4] =	stream.indirect.gather [hbm4b:s1+s15], $0x1, s16, s15, $0xb8;
	[tilespmem:$0x14080] =	vst v63  }
.Ltmp10:
0x3d3: {  	_ = 	snop;
	(pc) =	sbr.rel @p1 .LBB2_17-.Ltmp10, $4  }
0x3d4: {  	s19 =	simm.s32 $0x11F80;
	s29 =	simm.s32 $0x13F80  }
0x3d5: {  	[tilespmem:s29], [sflag:$0x4] =	stream.indirect.gather [hbm4b:s1+s15], $0x1, s19, s15, $0xb8;
	[tilespmem:$0x14080] =	vst v63  }
0x3d6: {  	s30 =	simm.s32 $0x12000;
	s31 =	simm.s32 $0x14000  }
0x3d7: {  	[tilespmem:s31], [sflag:$0x4] =	stream.indirect.gather [hbm4b:s1+s15], $0x1, s30, s15, $0xb8;
	[tilespmem:$0x14080] =	vst v63  }
0x3d8: {  	s2 =	simm.s32 $0x0  }
0x3d9: {  	s30 =	sadd.s32 $0x2000, s24;
	s0 =	sand.u32 $0x780, s2  }
0x3da: {  	s10 =	sand.u32 $0x40, s2;
	s0 =	sadd.s32 s0, s30  }
0x3db: {  	s6 =	sadd.s32 s10, s0  }
0x3dc: {  	v0 =	vld [tilespmem:s6+$0xF]  }
0x3dd: {  	v1 =	vld [tilespmem:s6+$0xE];
	_ =	sdelay $0x1  }
0x3de: {  	v2 =	vld [tilespmem:s6+$0x10];
	_ =	sdelay $0x1  }
0x3df: {  	v3 =	vshll.u32 v0, $0x8  }
0x3e0: {  	v0 =	vshll.u32 v0, $0x7;
	v1 =	vshll.u32 v1, $0x10;
	v3 =	vand.u32 $0xFFFFF800, v3  }
0x3e1: {  	s29 =	sand.u32 $0x1E00, s2;
	v0 =	vand.u32 $0x380, v0;
	v1 =	vor.u32 v1, v3  }
0x3e2: {  	s11 =	sadd.s32 $0x2040, s28;
	s12 =	sadd.s32 $0x0, s24;
	s6 =	sshrl.u32 s29, $0x2;
	v3 =	vshll.u32 v2, $0x3;
	v2 =	vand.u32 $0x7F, v2;
	v0 =	vor.u32 v0, v1  }
0x3e3: {  	s13 =	simm.s32 $0x10;
	s14 =	sadd.s32 $0x2010, s12;
	s6 =	sadd.s32 $0x10080, s6;
	v1 =	vand.u32 $0xFFFFFC00, v3;
	v2 =	vor.u32 v2, v0  }
0x3e4: {  	s13 =	sand.u32 $0x50, s13;
	s14 =	sand.u32 $0x1E780, s14;
	s31 =	sor.u32 s10, s6;
	v0 =	vmov s11;
	v1 =	vor.u32 v1, v2  }
0x3e5: {  	s16 =	sor.u32 s13, s14;
	[tilespmem:s31+$0x0] =	vst v1  }
0x3e6: {  	v1 =	vld [tilespmem:s16+$0xF]  }
0x3e7: {  	v2 =	vld [tilespmem:s16+$0xE]  }
0x3e8: {  	s18 =	simm.s32 $0x0  }
0x3e9: {  	v3 =	vld.idx.msk [tilespmem:v0+s18+$0xFFFFFFE0 ss:$0x1], $0xffff;
	_ =	sdelay $0x1  }
0x3ea: {  	v4 =	vshll.u32 v1, $0x8  }
0x3eb: {  	v1 =	vshll.u32 v1, $0x7;
	v2 =	vshll.u32 v2, $0x10;
	v4 =	vand.u32 $0xFFFFF800, v4  }
0x3ec: {  	v1 =	vand.u32 $0x380, v1;
	v2 =	vor.u32 v2, v4  }
0x3ed: {  	v59 =	vshll.u32 v3, $0x3;
	v3 =	vand.u32 $0x7F, v3;
	v1 =	vor.u32 v1, v2  }
0x3ee: {  	v2 =	vand.u32 $0xFFFFFC00, v59;
	v1 =	vor.u32 v3, v1  }
0x3ef: {  	s13 =	sor.u32 s13, s6;
	s10 =	sor.u32 $0x20, s10;
	v1 =	vor.u32 v2, v1  }
0x3f0: {  	s0 =	sadd.s32 s10, s0;
	[tilespmem:s13+$0x0] =	vst v1  }
0x3f1: {  	v1 =	vld [tilespmem:s0+$0xF]  }
0x3f2: {  	v2 =	vld [tilespmem:s0+$0xE];
	_ =	sdelay $0x1  }
0x3f3: {  	v3 =	vld [tilespmem:s0+$0x10];
	_ =	sdelay $0x1  }
0x3f4: {  	v60 =	vshll.u32 v1, $0x8  }
0x3f5: {  	v1 =	vshll.u32 v1, $0x7;
	v2 =	vshll.u32 v2, $0x10;
	v4 =	vand.u32 $0xFFFFF800, v60  }
0x3f6: {  	v1 =	vand.u32 $0x380, v1;
	v2 =	vor.u32 v2, v4  }
0x3f7: {  	v61 =	vshll.u32 v3, $0x3;
	v3 =	vand.u32 $0x7F, v3;
	v1 =	vor.u32 v1, v2  }
0x3f8: {  	s28 =	simm.s32 $0x30;
	s19 =	sadd.s32 $0x2030, s12;
	v2 =	vand.u32 $0xFFFFFC00, v61;
	v1 =	vor.u32 v3, v1  }
0x3f9: {  	s29 =	sand.u32 $0x70, s28;
	s10 =	sor.u32 s10, s6;
	s0 =	sand.u32 $0x1E780, s19;
	v1 =	vor.u32 v2, v1  }
0x3fa: {  	s0 =	sor.u32 s29, s0;
	[tilespmem:s10+$0x0] =	vst v1  }
0x3fb: {  	v1 =	vld [tilespmem:s0+$0xF]  }
0x3fc: {  	v2 =	vld [tilespmem:s0+$0xE];
	_ =	sdelay $0x1  }
0x3fd: {  	v3 =	vld.idx.msk [tilespmem:v0+s18+$0x0 ss:$0x1], $0xffff;
	_ =	sdelay $0x1  }
0x3fe: {  	v62 =	vshll.u32 v1, $0x8  }
0x3ff: {  	v1 =	vshll.u32 v1, $0x7;
	v2 =	vshll.u32 v2, $0x10;
	v4 =	vand.u32 $0xFFFFF800, v62  }
0x400: {  	v1 =	vand.u32 $0x380, v1;
	v2 =	vor.u32 v2, v4  }
0x401: {  	s0 =	simm.s32 $0x40;
	v63 =	vshll.u32 v3, $0x3;
	v3 =	vand.u32 $0x7F, v3;
	v1 =	vor.u32 v1, v2  }
0x402: {  	s12 =	simm.s32 $0x80;
	s31 =	sand.u32 $0x780, s0;
	v2 =	vand.u32 $0xFFFFFC00, v63;
	v1 =	vor.u32 v3, v1  }
0x403: {  	s14 =	sor.u32 s29, s6;
	s13 =	sand.u32 $0x40, s0;
	s10 =	sadd.s32 s31, s30;
	v1 =	vor.u32 v2, v1  }
.LBB2_15:
0x404: {  	s11 =	sadd.s32 s13, s10  }
0x405: {  	[tilespmem:s14+$0x0] =	vst v1;
	s2 =	sadd.s32 $0x100, s2;
	s14 =	smov.u32 s12;
	s6 =	sadd.s32 $0x40, s12  }
0x406: {  	p1 =	sne.s32 s12, $0x7C0;
	v1 =	vld [tilespmem:s11+$0xF]  }
0x407: {  	v2 =	vld [tilespmem:s11+$0xE];
	_ =	sdelay $0x1  }
0x408: {  	v3 =	vld [tilespmem:s11+$0x10];
	_ =	sdelay $0x1  }
0x409: {  	v4 =	vshll.u32 v1, $0x8;
	v1 =	vshll.u32 v1, $0x7  }
0x40a: {  	v2 =	vshll.u32 v2, $0x10;
	v4 =	vand.u32 $0xFFFFF800, v4  }
0x40b: {  	s11 =	sand.u32 $0x1E00, s2;
	v1 =	vand.u32 $0x380, v1;
	v2 =	vor.u32 v2, v4  }
0x40c: {  	s16 =	sadd.s32 $0x10, s0;
	s18 =	sadd.s32 s0, s24;
	s11 =	sshrl.u32 s11, $0x2;
	v4 =	vshll.u32 v3, $0x3;
	v3 =	vand.u32 $0x7F, v3;
	v1 =	vor.u32 v1, v2  }
0x40d: {  	s12 =	sadd.s32 $0x10080, s11;
	s11 =	sadd.s32 $0x2010, s18;
	s18 =	sadd.s32 $0x2030, s18;
	v2 =	vand.u32 $0xFFFFFC00, v4;
	v1 =	vor.u32 v3, v1  }
0x40e: {  	s28 =	sand.u32 $0x50, s16;
	s19 =	sor.u32 s13, s12;
	s11 =	sand.u32 $0x1E780, s11;
	v1 =	vor.u32 v2, v1  }
0x40f: {  	s18 =	sand.u32 $0x1E780, s18;
	s11 =	sor.u32 s28, s11;
	[tilespmem:s19+$0x0] =	vst v1  }
0x410: {  	v1 =	vld [tilespmem:s11+$0xF]  }
0x411: {  	s16 =	sshra.s32 s2, $0x2;
	v2 =	vld [tilespmem:s11+$0xE]  }
0x412: {  	v3 =	vld.idx.msk [tilespmem:v0+s16+$0xFFFFFFE0 ss:$0x1], $0xffff;
	_ =	sdelay $0x2  }
0x413: {  	v4 =	vshll.u32 v1, $0x8;
	v1 =	vshll.u32 v1, $0x7  }
0x414: {  	v2 =	vshll.u32 v2, $0x10;
	v4 =	vand.u32 $0xFFFFF800, v4  }
0x415: {  	v1 =	vand.u32 $0x380, v1;
	v2 =	vor.u32 v2, v4  }
0x416: {  	v4 =	vshll.u32 v3, $0x3;
	v3 =	vand.u32 $0x7F, v3;
	v1 =	vor.u32 v1, v2  }
0x417: {  	v2 =	vand.u32 $0xFFFFFC00, v4;
	v1 =	vor.u32 v3, v1  }
0x418: {  	s13 =	sor.u32 $0x20, s13;
	s11 =	sor.u32 s28, s12;
	v1 =	vor.u32 v2, v1  }
0x419: {  	s10 =	sadd.s32 s13, s10;
	[tilespmem:s11+$0x0] =	vst v1  }
0x41a: {  	v1 =	vld [tilespmem:s10+$0xF]  }
0x41b: {  	v2 =	vld [tilespmem:s10+$0xE];
	_ =	sdelay $0x1  }
0x41c: {  	v3 =	vld [tilespmem:s10+$0x10];
	_ =	sdelay $0x1  }
0x41d: {  	v4 =	vshll.u32 v1, $0x8;
	v1 =	vshll.u32 v1, $0x7  }
0x41e: {  	v2 =	vshll.u32 v2, $0x10;
	v4 =	vand.u32 $0xFFFFF800, v4  }
0x41f: {  	v1 =	vand.u32 $0x380, v1;
	v2 =	vor.u32 v2, v4  }
0x420: {  	v4 =	vshll.u32 v3, $0x3;
	v3 =	vand.u32 $0x7F, v3;
	v1 =	vor.u32 v1, v2  }
0x421: {  	s10 =	sadd.s32 $0x30, s0;
	s0 =	smov.u32 s14;
	v2 =	vand.u32 $0xFFFFFC00, v4;
	v1 =	vor.u32 v3, v1  }
0x422: {  	s11 =	sor.u32 s13, s12;
	s14 =	sand.u32 $0x70, s10;
	v1 =	vor.u32 v2, v1  }
0x423: {  	s10 =	sor.u32 s14, s18;
	[tilespmem:s11+$0x0] =	vst v1  }
0x424: {  	v1 =	vld [tilespmem:s10+$0xF]  }
0x425: {  	v2 =	vld [tilespmem:s10+$0xE]  }
0x426: {  	v3 =	vld.idx.msk [tilespmem:v0+s16+$0x0 ss:$0x1], $0xffff;
	_ =	sdelay $0x2  }
0x427: {  	v4 =	vshll.u32 v1, $0x8;
	v1 =	vshll.u32 v1, $0x7  }
.Ltmp11:
0x428: {  	v2 =	vshll.u32 v2, $0x10;
	v4 =	vand.u32 $0xFFFFF800, v4;
	(pc) =	sbr.rel @p1 .LBB2_15-.Ltmp11, $4  }
0x429: {  	v1 =	vand.u32 $0x380, v1;
	v2 =	vor.u32 v2, v4  }
0x42a: {  	v4 =	vshll.u32 v3, $0x3;
	v3 =	vand.u32 $0x7F, v3;
	v1 =	vor.u32 v1, v2  }
0x42b: {  	s13 =	sand.u32 $0x40, s0;
	s10 =	sand.u32 $0x780, s0;
	v2 =	vand.u32 $0xFFFFFC00, v4;
	v1 =	vor.u32 v3, v1  }
0x42c: {  	s14 =	sor.u32 s14, s12;
	s12 =	smov.u32 s6;
	s10 =	sadd.s32 s10, s30;
	v1 =	vor.u32 v2, v1  }
0x42d: {  	s6 =	sadd.s32 s13, s10;
	[tilespmem:s14+$0x0] =	vst v1  }
0x42e: {  	v1 =	vld [tilespmem:s6+$0xF]  }
0x42f: {  	v2 =	vld [tilespmem:s6+$0xE];
	_ =	sdelay $0x1  }
0x430: {  	v3 =	vld [tilespmem:s6+$0x10];
	_ =	sdelay $0x1  }
0x431: {  	v4 =	vshll.u32 v1, $0x8  }
0x432: {  	s18 =	sadd.s32 $0x100, s2;
	v1 =	vshll.u32 v1, $0x7;
	v2 =	vshll.u32 v2, $0x10;
	v4 =	vand.u32 $0xFFFFF800, v4  }
0x433: {  	s2 =	sand.u32 $0x1E00, s18;
	v1 =	vand.u32 $0x380, v1;
	v2 =	vor.u32 v2, v4  }
0x434: {  	s11 =	sadd.s32 s0, s24;
	s2 =	sshrl.u32 s2, $0x2;
	v47 =	vshll.u32 v3, $0x3;
	v3 =	vand.u32 $0x7F, v3;
	v1 =	vor.u32 v1, v2  }
0x435: {  	s12 =	sadd.s32 $0x10, s0;
	s19 =	sadd.s32 $0x2010, s11;
	s2 =	sadd.s32 $0x10080, s2;
	v48 =	vand.u32 $0xFFFFFC00, v47;
	v1 =	vor.u32 v3, v1  }
0x436: {  	s12 =	sand.u32 $0x50, s12;
	s14 =	sand.u32 $0x1E780, s19;
	s16 =	sor.u32 s13, s2;
	v1 =	vor.u32 v48, v1  }
0x437: {  	s14 =	sor.u32 s12, s14;
	[tilespmem:s16+$0x0] =	vst v1  }
0x438: {  	v1 =	vld [tilespmem:s14+$0xF]  }
0x439: {  	v49 =	vld [tilespmem:s14+$0xE]  }
0x43a: {  	s6 =	sshra.s32 s18, $0x2  }
0x43b: {  	v50 =	vld.idx.msk [tilespmem:v0+s6+$0xFFFFFFE0 ss:$0x1], $0xffff;
	_ =	sdelay $0x1  }
0x43c: {  	v51 =	vshll.u32 v1, $0x8  }
0x43d: {  	v1 =	vshll.u32 v1, $0x7;
	v2 =	vshll.u32 v49, $0x10;
	v4 =	vand.u32 $0xFFFFF800, v51  }
0x43e: {  	v1 =	vand.u32 $0x380, v1;
	v2 =	vor.u32 v2, v4  }
0x43f: {  	v52 =	vshll.u32 v50, $0x3;
	v3 =	vand.u32 $0x7F, v50;
	v1 =	vor.u32 v1, v2  }
0x440: {  	v53 =	vand.u32 $0xFFFFFC00, v52;
	v1 =	vor.u32 v3, v1  }
0x441: {  	s24 =	sor.u32 $0x20, s13;
	s12 =	sor.u32 s12, s2;
	v1 =	vor.u32 v53, v1  }
0x442: {  	s28 =	sadd.s32 s24, s10;
	[tilespmem:s12+$0x0] =	vst v1  }
0x443: {  	v1 =	vld [tilespmem:s28+$0xF]  }
0x444: {  	v54 =	vld [tilespmem:s28+$0xE];
	_ =	sdelay $0x1  }
0x445: {  	v55 =	vld [tilespmem:s28+$0x10];
	_ =	sdelay $0x1  }
0x446: {  	v56 =	vshll.u32 v1, $0x8  }
0x447: {  	v1 =	vshll.u32 v1, $0x7;
	v2 =	vshll.u32 v54, $0x10;
	v4 =	vand.u32 $0xFFFFF800, v56  }
0x448: {  	v1 =	vand.u32 $0x380, v1;
	v2 =	vor.u32 v2, v4  }
0x449: {  	v57 =	vshll.u32 v55, $0x3;
	v3 =	vand.u32 $0x7F, v55;
	v1 =	vor.u32 v1, v2  }
0x44a: {  	s30 =	sadd.s32 $0x30, s0;
	s29 =	sadd.s32 $0x2030, s11;
	v58 =	vand.u32 $0xFFFFFC00, v57;
	v1 =	vor.u32 v3, v1  }
0x44b: {  	s0 =	sand.u32 $0x70, s30;
	s10 =	sand.u32 $0x1E780, s29;
	s31 =	sor.u32 s24, s2;
	v1 =	vor.u32 v58, v1  }
0x44c: {  	s10 =	sor.u32 s0, s10;
	[tilespmem:s31+$0x0] =	vst v1  }
0x44d: {  	v1 =	vld [tilespmem:s10+$0xF]  }
0x44e: {  	v59 =	vld [tilespmem:s10+$0xE];
	_ =	sdelay $0x1  }
0x44f: {  	v60 =	vld.idx.msk [tilespmem:v0+s6+$0x0 ss:$0x1], $0xffff;
	_ =	sdelay $0x1  }
0x450: {  	v61 =	vshll.u32 v1, $0x8  }
0x451: {  	v1 =	vshll.u32 v1, $0x7;
	v2 =	vshll.u32 v59, $0x10;
	v3 =	vand.u32 $0xFFFFF800, v61  }
.Ltmp12:
0x452: {  	v1 =	vand.u32 $0x380, v1;
	v2 =	vor.u32 v2, v3;
	(pc) =	sbr.rel .LBB2_17-.Ltmp12, $4  }
0x453: {  	v62 =	vshll.u32 v60, $0x3;
	v0 =	vand.u32 $0x7F, v60;
	v1 =	vor.u32 v1, v2  }
0x454: {  	v63 =	vand.u32 $0xFFFFFC00, v62;
	v0 =	vor.u32 v0, v1  }
0x455: {  	s0 =	sor.u32 s0, s2;
	v0 =	vor.u32 v63, v0  }
0x456: {  	[tilespmem:s0+$0x0] =	vst v0  }
.LBB2_5:
.Ltmp13:
0x457: {  	(pc) =	sbr.rel .LBB2_9-.Ltmp13, $2  }
0x458: {  	_ =	sdelay $0x2  }
0x459: {  	s6 =	simm.s32 $0x0;
	s2 =	simm.s32 $0x0  }
.LBB2_7:
.Ltmp14:
0x45a: {  	(pc) =	sbr.rel .LBB2_9-.Ltmp14, $2  }
0x45b: {  	_ =	sdelay $0x2  }
0x45c: {  	s6 =	simm.s32 $0x0  }
.LBB2_19:
0x45d: {  	_ =	sfence.sel $0x180000  }
0x45e: {  	[bflag:$0x0] =	sbarrier.arrive $0xFFFF  }
0x45f: {  	_ =	strace $0x90000047  }
0x460: {  	s0 =	stileid.u32;
	[bflag:$0x2] =	sbarrier.arrive $0xFFFF  }
0x461: {  	p0 =	sne.s32 s0, $0x0;
	s0 =	rddreg [dreg:$0x3]  }
0x462: {  	s0 =	sadd.s32 @!p0 $0x100000, s0  }
0x463: {  	[sflag:s0] =	ssyncadd.tile.s32 @!p0 $0x1;
	_ =	shalt  }
.Lfunc_end2:
_tile_overlayer_lowered:
.L_overlay_start_2:
0x464: {  	(tag) =	ssettag $0x2  }
0x465: {  	s0 =	rddreg [dreg:$0x0];
	s2 =	stileid.u32  }
0x466: {  	s1 =	rddreg [dreg:$0x1];
	p0 =	sne.s32 s2, $0x0  }
0x467: {  	s3 =	rddreg [dreg:$0x2];
	[bflag:$0x3] =	sbarrier.arrive $0xFFFF;
	s2 =	simm.s32 @!p0 $0x1C09  }
0x468: {  	[timem:s3], [sflag:s2] =	dma.local @!p0 [hbm:s0], s1  }
0x469: {  	s0 =	simm.s32 @!p0 $0x9  }
0x46a: {  	_ =	swait.ge @!p0 [sflag:s0], s1  }
0x46b: {  	s1 =	ssub.s32 @!p0 $0x0, s1;
	[sflag:s0] =	ssyncset.done @!p0 $0x0  }
0x46c: {  	[sflag:s0] =	ssyncadd.s32 @!p0 s1  }
0x46d: {  	[bflag:$0x3] =	sbarrier.arrive $0xFFFF  }
0x46e: {  	_ =	shalt  }

</sc_bundles>
